<compile_context>
chip_gen: v7x
topology: tpu7x:2x2x1
jax: 0.10.2.dev20260603
libtpu: 0.0.44.dev20260713+nightly
codegen_flags: <defaults>
</compile_context>

<pallas_src>
import dataclasses
import functools

import jax
import jax.numpy as jnp
from jax import lax
from jax.experimental import pallas as pl
from jax.experimental.pallas import tpu as pltpu
from jax.experimental.pallas import tpu_sc as plsc

N = 10000
E = 320000
D = 128
NC = 2
NS = 16
NW = NC * NS

CHUNK = 128

AGG_CHUNKS = 80
AGG_ROWS = 10240
AGG_ZROWS = AGG_ROWS // NS
AGG_OROWS = AGG_ROWS // NS

DEG_CHUNKS = 160
DEG_HROWS = 160
DEG_PROWS = 256

_vec_mesh = plsc.VectorSubcoreMesh(core_axis_name="c", subcore_axis_name="s")

_sc_params = pltpu.CompilerParams()
if "needs_layout_passes" in pltpu.CompilerParams.__dataclass_fields__:
    _sc_params = dataclasses.replace(_sc_params, needs_layout_passes=False)


@functools.partial(
    pl.kernel,
    out_type=jax.ShapeDtypeStruct((NC, DEG_PROWS, CHUNK), jnp.float32),
    mesh=_vec_mesh,
    scratch_types=[
        pltpu.VMEM((DEG_CHUNKS, CHUNK), jnp.int32),
        pltpu.VMEM((DEG_PROWS, CHUNK), jnp.float32),
        pltpu.VMEM((NS, 16, CHUNK), jnp.float32),
        pltpu.VMEM((16, CHUNK), jnp.float32),
        pltpu.VMEM_SHARED((NS, DEG_PROWS, CHUNK), jnp.float32),
    ],
    compiler_params=_sc_params,
)
def _deg_kernel(idx_hbm, out_hbm, idx_v, hist_v, comb_v, res_v, acc_sh):
    c = lax.axis_index("c")
    s = lax.axis_index("s")
    wid = s * NC + c

    zeros16 = jnp.zeros((16,), jnp.float32)
    ones16 = jnp.ones((16,), jnp.float32)

    @pl.loop(0, DEG_PROWS)
    def _(i):
        for k in range(CHUNK // 16):
            hist_v[i, pl.ds(k * 16, 16)] = zeros16

    pltpu.sync_copy(idx_hbm.at[wid], idx_v)

    @pl.loop(0, DEG_CHUNKS)
    def _(t):
        for k in range(CHUNK // 16):
            iv = idx_v[t, pl.ds(k * 16, 16)]
            hi = lax.shift_right_logical(iv, 7)
            lo = lax.bitwise_and(iv, 127)
            plsc.addupdate_scatter(hist_v, [hi, lo], ones16)

    pltpu.sync_copy(hist_v, acc_sh.at[s])
    plsc.subcore_barrier()
    for r in range(NS):
        pltpu.sync_copy(acc_sh.at[r, pl.ds(s * 16, 16)], comb_v.at[r])

    @pl.loop(0, 16)
    def _(t):
        for k in range(CHUNK // 16):
            acc = comb_v[0, t, pl.ds(k * 16, 16)]
            for r in range(1, NS):
                acc = acc + comb_v[r, t, pl.ds(k * 16, 16)]
            res_v[t, pl.ds(k * 16, 16)] = acc

    pltpu.sync_copy(res_v, out_hbm.at[c, pl.ds(s * 16, 16)])


SUPER = 16
NBUF = 2


def _agg_body(x_hbm, src_hbm, dst_hbm, out_hbm,
              src_v, dst_v, buf0, buf1, gsem, acc_sh):
    bufs = (buf0, buf1)
    c = lax.axis_index("c")
    s = lax.axis_index("s")
    wid = s * NC + c

    @pl.loop(0, CHUNK)
    def _(i):
        for k in range(D // 16):
            buf0[i, pl.ds(k * 16, 16)] = jnp.zeros((16,), jnp.float32)

    zbase = s * AGG_ZROWS
    nfull = AGG_ZROWS // CHUNK
    for k in range(nfull):
        pltpu.sync_copy(buf0, acc_sh.at[pl.ds(zbase + k * CHUNK, CHUNK)])

    plsc.subcore_barrier()

    @pl.loop(0, AGG_CHUNKS, step=SUPER)
    def _(g):
        pltpu.sync_copy(src_hbm.at[wid].at[pl.ds(g, SUPER)], src_v)
        pltpu.sync_copy(dst_hbm.at[wid].at[pl.ds(g, SUPER)], dst_v)

        @pl.loop(0, SUPER, step=NBUF)
        def _(t):
            for b in range(NBUF):
                pltpu.async_copy(x_hbm.at[src_v.at[t + b]], bufs[b], gsem)
            for b in range(NBUF):
                pltpu.make_async_copy(x_hbm.at[src_v.at[t + b]], bufs[b],
                                      gsem).wait()
            for b in range(NBUF):
                pltpu.sync_copy(bufs[b], acc_sh.at[dst_v.at[t + b]], add=True)

    plsc.subcore_barrier()
    pltpu.sync_copy(acc_sh.at[pl.ds(s * AGG_OROWS, AGG_OROWS)],
                    out_hbm.at[c, pl.ds(s * AGG_OROWS, AGG_OROWS)])


_agg_kernel = functools.partial(
    pl.kernel,
    out_type=jax.ShapeDtypeStruct((NC, AGG_ROWS, D), jnp.float32),
    mesh=_vec_mesh,
    scratch_types=[
        pltpu.VMEM((SUPER, CHUNK), jnp.int32),
        pltpu.VMEM((SUPER, CHUNK), jnp.int32),
        pltpu.VMEM((CHUNK, D), jnp.float32),
        pltpu.VMEM((CHUNK, D), jnp.float32),
        pltpu.SemaphoreType.DMA,
        pltpu.VMEM_SHARED((AGG_ROWS, D), jnp.float32),
    ],
)(_agg_body)


R = 1000


def _prep_body(x_ref, dego_ref, degi_ref, xs_ref, nin_ref, nout_ref):
    do = dego_ref[0] + dego_ref[1]
    di = degi_ref[0] + degi_ref[1]
    no = jnp.where(do > 0, lax.rsqrt(jnp.maximum(do, 1e-12)), 0.0)
    ni = jnp.where(di > 0, lax.rsqrt(jnp.maximum(di, 1e-12)), 0.0)
    xs_ref[...] = x_ref[...] * no
    nout_ref[...] = no
    nin_ref[...] = ni


_prep = pl.pallas_call(
    _prep_body,
    grid=(N // R,),
    in_specs=[
        pl.BlockSpec((R, D), lambda i: (i, 0)),
        pl.BlockSpec((NC, R, 1), lambda i: (0, i, 0)),
        pl.BlockSpec((NC, R, 1), lambda i: (0, i + N // R, 0)),
    ],
    out_specs=[
        pl.BlockSpec((R, D), lambda i: (i, 0)),
        pl.BlockSpec((R, 1), lambda i: (i, 0)),
        pl.BlockSpec((R, 1), lambda i: (i, 0)),
    ],
    out_shape=[
        jax.ShapeDtypeStruct((N, D), jnp.float32),
        jax.ShapeDtypeStruct((N, 1), jnp.float32),
        jax.ShapeDtypeStruct((N, 1), jnp.float32),
    ],
)


def _dense1_body(agg_ref, nin_ref, nout_ref, w_ref, b_ref, o_ref):
    a = (agg_ref[0] + agg_ref[1]) * nin_ref[...]
    y = jnp.dot(a, w_ref[...], preferred_element_type=jnp.float32) + b_ref[...]
    o_ref[...] = jnp.maximum(y, 0.0) * nout_ref[...]


_dense1 = pl.pallas_call(
    _dense1_body,
    grid=(N // R,),
    in_specs=[
        pl.BlockSpec((NC, R, D), lambda i: (0, i, 0)),
        pl.BlockSpec((R, 1), lambda i: (i, 0)),
        pl.BlockSpec((R, 1), lambda i: (i, 0)),
        pl.BlockSpec((D, D), lambda i: (0, 0)),
        pl.BlockSpec((1, D), lambda i: (0, 0)),
    ],
    out_specs=pl.BlockSpec((R, D), lambda i: (i, 0)),
    out_shape=jax.ShapeDtypeStruct((N, D), jnp.float32),
)


def _dense2_body(agg_ref, nin_ref, w_ref, b_ref, o_ref):
    a = (agg_ref[0] + agg_ref[1]) * nin_ref[...]
    o_ref[...] = (jnp.dot(a, w_ref[...], preferred_element_type=jnp.float32)
                  + b_ref[...])


_dense2 = pl.pallas_call(
    _dense2_body,
    grid=(N // R,),
    in_specs=[
        pl.BlockSpec((NC, R, D), lambda i: (0, i, 0)),
        pl.BlockSpec((R, 1), lambda i: (i, 0)),
        pl.BlockSpec((D, D), lambda i: (0, 0)),
        pl.BlockSpec((1, D), lambda i: (0, 0)),
    ],
    out_specs=pl.BlockSpec((R, D), lambda i: (i, 0)),
    out_shape=jax.ShapeDtypeStruct((N, D), jnp.float32),
)


def kernel(features, edge_index, W1, b1, W2, b2):
    src = edge_index[0]
    dst = edge_index[1]

    deg_total = NW * DEG_CHUNKS * CHUNK
    deg_pad = deg_total - 2 * E
    deg_idx = jnp.concatenate([
        src, dst + N,
        2 * N + jnp.arange(deg_pad, dtype=jnp.int32) % (DEG_PROWS * CHUNK - 2 * N),
    ]).reshape(NW, DEG_CHUNKS, CHUNK)

    agg_total = NW * AGG_CHUNKS * CHUNK
    src_blk = jnp.concatenate([
        src, jnp.zeros((agg_total - E,), jnp.int32),
    ]).reshape(NW, AGG_CHUNKS, CHUNK)
    dst_blk = jnp.concatenate([
        dst, N + jnp.arange(agg_total - E, dtype=jnp.int32) % (AGG_ROWS - N),
    ]).reshape(NW, AGG_CHUNKS, CHUNK)

    b1r = b1.reshape(1, D)
    b2r = b2.reshape(1, D)

    degpart = _deg_kernel(deg_idx)
    degflat = degpart.reshape(NC, DEG_PROWS * CHUNK)[:, :2 * N]
    degflat = degflat.reshape(NC, 2 * N, 1)
    xs, nin, nout = _prep(features, degflat, degflat)
    agg1 = _agg_kernel(xs, src_blk, dst_blk)
    h1 = _dense1(agg1, nin, nout, W1, b1r)
    agg2 = _agg_kernel(h1, src_blk, dst_blk)
    return _dense2(agg2, nin, W2, b2r)

# --- scband reference (transcript-rebuilt; emitter-appended) ---
"""Pipeline reference for scband-gcn-6975026889094 (READ-ONLY COPY).

The authoritative reference and input builder live on the scoring server;
editing this copy changes nothing except your own understanding.
"""

import jax, jax.numpy as jnp
import numpy as np

N_NODES = 10000
N_EDGES = 320000
D_IN = 128
D_HID = 128
D_OUT = 128


def _gcn_layer(x, src, dst, W, b):
    # DGL GraphConv with norm='both':
    # h = D_in^{-1/2} * (A @ (D_out^{-1/2} * x)) @ W + b
    E = src.shape[0]
    ones = jnp.ones((E,), dtype=x.dtype)
    deg_out = jax.ops.segment_sum(ones, src, num_segments=N_NODES)
    deg_in = jax.ops.segment_sum(ones, dst, num_segments=N_NODES)
    norm_out = jnp.where(deg_out > 0, jax.lax.rsqrt(jnp.maximum(deg_out, 1e-12)), 0.0)
    norm_in = jnp.where(deg_in > 0, jax.lax.rsqrt(jnp.maximum(deg_in, 1e-12)), 0.0)
    h = x * norm_out[:, None]
    msg = h[src]  # gather source features per edge
    agg = jax.ops.segment_sum(msg, dst, num_segments=N_NODES)  # scatter-add to dst
    agg = agg * norm_in[:, None]
    return agg @ W + b


def setup_inputs(seed: int = 0) -> dict:
    key = jax.random.key(seed)
    k1, k2, k3, k4, k5, k6 = jax.random.split(key, 6)
    features = jax.random.normal(k1, (N_NODES, D_IN), dtype=jnp.float32)
    edge_index = jax.random.randint(k2, (2, N_EDGES), 0, N_NODES, dtype=jnp.int32)
    # Glorot-style init for GraphConv weights
    W1 = jax.random.normal(k3, (D_IN, D_HID), dtype=jnp.float32) * (1.0 / np.sqrt(D_IN))
    b1 = jnp.zeros((D_HID,), dtype=jnp.float32)
    W2 = jax.random.normal(k4, (D_HID, D_OUT), dtype=jnp.float32) * (1.0 / np.sqrt(D_HID))
    b2 = jnp.zeros((D_OUT,), dtype=jnp.float32)
    return {"features": features, "edge_index": edge_index, "W1": W1, "b1": b1, "W2": W2, "b2": b2}


def reference(features, edge_index, W1, b1, W2, b2):
    src = edge_index[0]
    dst = edge_index[1]
    h = _gcn_layer(features, src, dst, W1, b1)
    h = jax.nn.relu(h)
    h = _gcn_layer(h, src, dst, W2, b2)
    return h

if __name__ == "__main__":
    import jax
    _d = setup_inputs()
    print(jax.jit(kernel)(*tuple(_d.values())))

</pallas_src>

<mosaic_0001>
#map = affine_map<(d0, d1) -> (0, 0, 0)>
module attributes {stable_mosaic.version = 14 : i64} {
  func.func @_deg_kernel(%arg0: i32, %arg1: i32, %arg2: memref<32x160x128xi32, #tpu.memory_space<hbm>>, %arg3: memref<2x256x128xf32, #tpu.memory_space<hbm>>, %arg4: memref<160x128xi32, #tpu.memory_space<vmem>>, %arg5: memref<256x128xf32, #tpu.memory_space<vmem>>, %arg6: memref<16x16x128xf32, #tpu.memory_space<vmem>>, %arg7: memref<16x128xf32, #tpu.memory_space<vmem>>, %arg8: memref<16x256x128xf32, #tpu.memory_space<vmem_shared>>) attributes {dimension_semantics = [#tpu.dimension_semantics<core_parallel>, #tpu.dimension_semantics<subcore_parallel>], iteration_bounds = array<i64: 2, 16>, scalar_prefetch = 0 : i64, scratch_operands = 5 : i64, tpu.core_type = #tpu.core_type<sc_vector_subcore>, window_params = [{transform_indices = #map}, {transform_indices = #map}]} {
    %mul3A = arith.constant 2 : i32
    %mul3A_0 = arith.muli %arg1, %mul3A : i32
    %add3A = arith.addi %mul3A_0, %arg0 : i32
    %broadcast_in_dim3A = arith.constant 0.000000e+00 : f32
    %broadcast_in_dim3A_1 = vector.broadcast %broadcast_in_dim3A : f32 to vector<16xf32>
    %broadcast_in_dim3A_2 = arith.constant 1.000000e+00 : f32
    %broadcast_in_dim3A_3 = vector.broadcast %broadcast_in_dim3A_2 : f32 to vector<16xf32>
    %scan3A = arith.constant 0 : i32
    %scan3A_4 = arith.constant 256 : i32
    %scan3A_5 = arith.addi %scan3A, %scan3A_4 : i32
    %scan3A_6 = arith.constant 1 : i32
    scf.for %scan3A_83 = %scan3A to %scan3A_5 step %scan3A_6  : i32 {
      %mul3A_84 = arith.constant 1 : i32
      %mul3A_85 = arith.muli %scan3A_83, %mul3A_84 : i32
      %add3A_86 = arith.constant 0 : i32
      %add3A_87 = arith.addi %add3A_86, %mul3A_85 : i32
      %swap3A = arith.index_cast %add3A_87 : i32 to index
      %swap3A_88 = arith.constant 0 : index
      %swap3A_89 = tpu.vector_load %arg5[%swap3A, %swap3A_88] {strides = array<i32>} : memref<256x128xf32, #tpu.memory_space<vmem>>, vector<16xf32>,
      tpu.vector_store %arg5[%swap3A, %swap3A_88], %broadcast_in_dim3A_1 {strides = array<i32>} : memref<256x128xf32, #tpu.memory_space<vmem>>, vector<16xf32>,
      %swap3A_90 = arith.index_cast %add3A_87 : i32 to index
      %swap3A_91 = arith.constant 16 : index
      %swap3A_92 = tpu.vector_load %arg5[%swap3A_90, %swap3A_91] {strides = array<i32>} : memref<256x128xf32, #tpu.memory_space<vmem>>, vector<16xf32>,
      tpu.vector_store %arg5[%swap3A_90, %swap3A_91], %broadcast_in_dim3A_1 {strides = array<i32>} : memref<256x128xf32, #tpu.memory_space<vmem>>, vector<16xf32>,
      %swap3A_93 = arith.index_cast %add3A_87 : i32 to index
      %swap3A_94 = arith.constant 32 : index
      %swap3A_95 = tpu.vector_load %arg5[%swap3A_93, %swap3A_94] {strides = array<i32>} : memref<256x128xf32, #tpu.memory_space<vmem>>, vector<16xf32>,
      tpu.vector_store %arg5[%swap3A_93, %swap3A_94], %broadcast_in_dim3A_1 {strides = array<i32>} : memref<256x128xf32, #tpu.memory_space<vmem>>, vector<16xf32>,
      %swap3A_96 = arith.index_cast %add3A_87 : i32 to index
      %swap3A_97 = arith.constant 48 : index
      %swap3A_98 = tpu.vector_load %arg5[%swap3A_96, %swap3A_97] {strides = array<i32>} : memref<256x128xf32, #tpu.memory_space<vmem>>, vector<16xf32>,
      tpu.vector_store %arg5[%swap3A_96, %swap3A_97], %broadcast_in_dim3A_1 {strides = array<i32>} : memref<256x128xf32, #tpu.memory_space<vmem>>, vector<16xf32>,
      %swap3A_99 = arith.index_cast %add3A_87 : i32 to index
      %swap3A_100 = arith.constant 64 : index
      %swap3A_101 = tpu.vector_load %arg5[%swap3A_99, %swap3A_100] {strides = array<i32>} : memref<256x128xf32, #tpu.memory_space<vmem>>, vector<16xf32>,
      tpu.vector_store %arg5[%swap3A_99, %swap3A_100], %broadcast_in_dim3A_1 {strides = array<i32>} : memref<256x128xf32, #tpu.memory_space<vmem>>, vector<16xf32>,
      %swap3A_102 = arith.index_cast %add3A_87 : i32 to index
      %swap3A_103 = arith.constant 80 : index
      %swap3A_104 = tpu.vector_load %arg5[%swap3A_102, %swap3A_103] {strides = array<i32>} : memref<256x128xf32, #tpu.memory_space<vmem>>, vector<16xf32>,
      tpu.vector_store %arg5[%swap3A_102, %swap3A_103], %broadcast_in_dim3A_1 {strides = array<i32>} : memref<256x128xf32, #tpu.memory_space<vmem>>, vector<16xf32>,
      %swap3A_105 = arith.index_cast %add3A_87 : i32 to index
      %swap3A_106 = arith.constant 96 : index
      %swap3A_107 = tpu.vector_load %arg5[%swap3A_105, %swap3A_106] {strides = array<i32>} : memref<256x128xf32, #tpu.memory_space<vmem>>, vector<16xf32>,
      tpu.vector_store %arg5[%swap3A_105, %swap3A_106], %broadcast_in_dim3A_1 {strides = array<i32>} : memref<256x128xf32, #tpu.memory_space<vmem>>, vector<16xf32>,
      %swap3A_108 = arith.index_cast %add3A_87 : i32 to index
      %swap3A_109 = arith.constant 112 : index
      %swap3A_110 = tpu.vector_load %arg5[%swap3A_108, %swap3A_109] {strides = array<i32>} : memref<256x128xf32, #tpu.memory_space<vmem>>, vector<16xf32>,
      tpu.vector_store %arg5[%swap3A_108, %swap3A_109], %broadcast_in_dim3A_1 {strides = array<i32>} : memref<256x128xf32, #tpu.memory_space<vmem>>, vector<16xf32>,
    }
    %scan3A_7 = arith.constant 256 : i32
    "tpu.region"() ({
      %run_scoped3A_83 = tpu.sem_alloc : memref<!tpu.dma_semaphore, #tpu.memory_space<semaphore_mem>>
      %dma_start3A = arith.constant 0 : i32
      %dma_start3A_84 = arith.constant 0 : i32
      %dma_start3A_85 = tpu.memref_slice %arg2[%add3A, %dma_start3A, %dma_start3A_84] : memref<32x160x128xi32, #tpu.memory_space<hbm>> -> memref<1x160x128xi32, #tpu.memory_space<hbm>>
      %dma_start3A_86 = tpu.memref_squeeze %dma_start3A_85 : memref<1x160x128xi32, #tpu.memory_space<hbm>> -> memref<160x128xi32, #tpu.memory_space<hbm>>
      %dma_start3A_87 = arith.constant 0 : i32
      %dma_start3A_88 = arith.constant 0 : i32
      %dma_start3A_89 = tpu.memref_slice %arg2[%add3A, %dma_start3A_87, %dma_start3A_88] : memref<32x160x128xi32, #tpu.memory_space<hbm>> -> memref<1x160x128xi32, #tpu.memory_space<hbm>>
      %dma_start3A_90 = tpu.memref_squeeze %dma_start3A_89 : memref<1x160x128xi32, #tpu.memory_space<hbm>> -> memref<160x128xi32, #tpu.memory_space<hbm>>
      tpu.enqueue_dma source(%dma_start3A_90 : memref<160x128xi32, #tpu.memory_space<hbm>>) target(%arg4 : memref<160x128xi32, #tpu.memory_space<vmem>>) target_semaphore(%run_scoped3A_83 : memref<!tpu.dma_semaphore, #tpu.memory_space<semaphore_mem>>)
      %dma_wait3A = arith.constant 0 : i32
      %dma_wait3A_91 = arith.constant 0 : i32
      %dma_wait3A_92 = tpu.memref_slice %arg2[%add3A, %dma_wait3A, %dma_wait3A_91] : memref<32x160x128xi32, #tpu.memory_space<hbm>> -> memref<1x160x128xi32, #tpu.memory_space<hbm>>
      %dma_wait3A_93 = tpu.memref_squeeze %dma_wait3A_92 : memref<1x160x128xi32, #tpu.memory_space<hbm>> -> memref<160x128xi32, #tpu.memory_space<hbm>>
      %dma_wait3A_94 = arith.constant 0 : i32
      %dma_wait3A_95 = arith.constant 0 : i32
      %dma_wait3A_96 = tpu.memref_slice %arg2[%add3A, %dma_wait3A_94, %dma_wait3A_95] : memref<32x160x128xi32, #tpu.memory_space<hbm>> -> memref<1x160x128xi32, #tpu.memory_space<hbm>>
      %dma_wait3A_97 = tpu.memref_squeeze %dma_wait3A_96 : memref<1x160x128xi32, #tpu.memory_space<hbm>> -> memref<160x128xi32, #tpu.memory_space<hbm>>
      tpu.wait_dma2 semaphore(%run_scoped3A_83 : memref<!tpu.dma_semaphore, #tpu.memory_space<semaphore_mem>>) src(%dma_wait3A_97 : memref<160x128xi32, #tpu.memory_space<hbm>>) dst(%arg4 : memref<160x128xi32, #tpu.memory_space<vmem>>)
      tpu.yield
    }) : () -> ()
    %scan3A_8 = arith.constant 0 : i32
    %scan3A_9 = arith.constant 160 : i32
    %scan3A_10 = arith.addi %scan3A_8, %scan3A_9 : i32
    %scan3A_11 = arith.constant 1 : i32
    scf.for %scan3A_83 = %scan3A_8 to %scan3A_10 step %scan3A_11  : i32 {
      %mul3A_84 = arith.constant 1 : i32
      %mul3A_85 = arith.muli %scan3A_83, %mul3A_84 : i32
      %add3A_86 = arith.constant 0 : i32
      %add3A_87 = arith.addi %add3A_86, %mul3A_85 : i32
      %get3A = arith.index_cast %add3A_87 : i32 to index
      %get3A_88 = arith.constant 0 : index
      %get3A_89 = tpu.vector_load %arg4[%get3A, %get3A_88] {strides = array<i32>} : memref<160x128xi32, #tpu.memory_space<vmem>>, vector<16xi32>,
      %shift_right_logical3A = arith.constant 7 : i32
      %shift_right_logical3A_90 = vector.broadcast %shift_right_logical3A : i32 to vector<16xi32>
      %shift_right_logical3A_91 = arith.shrui %get3A_89, %shift_right_logical3A_90 : vector<16xi32>
      %and3A = arith.constant 127 : i32
      %and3A_92 = vector.broadcast %and3A : i32 to vector<16xi32>
      %and3A_93 = arith.andi %get3A_89, %and3A_92 : vector<16xi32>
      tpu.vector_store_idx %arg5[%shift_right_logical3A_91, %and3A_93], %broadcast_in_dim3A_3 {add = true} : memref<256x128xf32, #tpu.memory_space<vmem>>[vector<16xi32>, vector<16xi32>], vector<16xf32>,
      %get3A_94 = arith.index_cast %add3A_87 : i32 to index
      %get3A_95 = arith.constant 16 : index
      %get3A_96 = tpu.vector_load %arg4[%get3A_94, %get3A_95] {strides = array<i32>} : memref<160x128xi32, #tpu.memory_space<vmem>>, vector<16xi32>,
      %shift_right_logical3A_97 = arith.constant 7 : i32
      %shift_right_logical3A_98 = vector.broadcast %shift_right_logical3A_97 : i32 to vector<16xi32>
      %shift_right_logical3A_99 = arith.shrui %get3A_96, %shift_right_logical3A_98 : vector<16xi32>
      %and3A_100 = arith.constant 127 : i32
      %and3A_101 = vector.broadcast %and3A_100 : i32 to vector<16xi32>
      %and3A_102 = arith.andi %get3A_96, %and3A_101 : vector<16xi32>
      tpu.vector_store_idx %arg5[%shift_right_logical3A_99, %and3A_102], %broadcast_in_dim3A_3 {add = true} : memref<256x128xf32, #tpu.memory_space<vmem>>[vector<16xi32>, vector<16xi32>], vector<16xf32>,
      %get3A_103 = arith.index_cast %add3A_87 : i32 to index
      %get3A_104 = arith.constant 32 : index
      %get3A_105 = tpu.vector_load %arg4[%get3A_103, %get3A_104] {strides = array<i32>} : memref<160x128xi32, #tpu.memory_space<vmem>>, vector<16xi32>,
      %shift_right_logical3A_106 = arith.constant 7 : i32
      %shift_right_logical3A_107 = vector.broadcast %shift_right_logical3A_106 : i32 to vector<16xi32>
      %shift_right_logical3A_108 = arith.shrui %get3A_105, %shift_right_logical3A_107 : vector<16xi32>
      %and3A_109 = arith.constant 127 : i32
      %and3A_110 = vector.broadcast %and3A_109 : i32 to vector<16xi32>
      %and3A_111 = arith.andi %get3A_105, %and3A_110 : vector<16xi32>
      tpu.vector_store_idx %arg5[%shift_right_logical3A_108, %and3A_111], %broadcast_in_dim3A_3 {add = true} : memref<256x128xf32, #tpu.memory_space<vmem>>[vector<16xi32>, vector<16xi32>], vector<16xf32>,
      %get3A_112 = arith.index_cast %add3A_87 : i32 to index
      %get3A_113 = arith.constant 48 : index
      %get3A_114 = tpu.vector_load %arg4[%get3A_112, %get3A_113] {strides = array<i32>} : memref<160x128xi32, #tpu.memory_space<vmem>>, vector<16xi32>,
      %shift_right_logical3A_115 = arith.constant 7 : i32
      %shift_right_logical3A_116 = vector.broadcast %shift_right_logical3A_115 : i32 to vector<16xi32>
      %shift_right_logical3A_117 = arith.shrui %get3A_114, %shift_right_logical3A_116 : vector<16xi32>
      %and3A_118 = arith.constant 127 : i32
      %and3A_119 = vector.broadcast %and3A_118 : i32 to vector<16xi32>
      %and3A_120 = arith.andi %get3A_114, %and3A_119 : vector<16xi32>
      tpu.vector_store_idx %arg5[%shift_right_logical3A_117, %and3A_120], %broadcast_in_dim3A_3 {add = true} : memref<256x128xf32, #tpu.memory_space<vmem>>[vector<16xi32>, vector<16xi32>], vector<16xf32>,
      %get3A_121 = arith.index_cast %add3A_87 : i32 to index
      %get3A_122 = arith.constant 64 : index
      %get3A_123 = tpu.vector_load %arg4[%get3A_121, %get3A_122] {strides = array<i32>} : memref<160x128xi32, #tpu.memory_space<vmem>>, vector<16xi32>,
      %shift_right_logical3A_124 = arith.constant 7 : i32
      %shift_right_logical3A_125 = vector.broadcast %shift_right_logical3A_124 : i32 to vector<16xi32>
      %shift_right_logical3A_126 = arith.shrui %get3A_123, %shift_right_logical3A_125 : vector<16xi32>
      %and3A_127 = arith.constant 127 : i32
      %and3A_128 = vector.broadcast %and3A_127 : i32 to vector<16xi32>
      %and3A_129 = arith.andi %get3A_123, %and3A_128 : vector<16xi32>
      tpu.vector_store_idx %arg5[%shift_right_logical3A_126, %and3A_129], %broadcast_in_dim3A_3 {add = true} : memref<256x128xf32, #tpu.memory_space<vmem>>[vector<16xi32>, vector<16xi32>], vector<16xf32>,
      %get3A_130 = arith.index_cast %add3A_87 : i32 to index
      %get3A_131 = arith.constant 80 : index
      %get3A_132 = tpu.vector_load %arg4[%get3A_130, %get3A_131] {strides = array<i32>} : memref<160x128xi32, #tpu.memory_space<vmem>>, vector<16xi32>,
      %shift_right_logical3A_133 = arith.constant 7 : i32
      %shift_right_logical3A_134 = vector.broadcast %shift_right_logical3A_133 : i32 to vector<16xi32>
      %shift_right_logical3A_135 = arith.shrui %get3A_132, %shift_right_logical3A_134 : vector<16xi32>
      %and3A_136 = arith.constant 127 : i32
      %and3A_137 = vector.broadcast %and3A_136 : i32 to vector<16xi32>
      %and3A_138 = arith.andi %get3A_132, %and3A_137 : vector<16xi32>
      tpu.vector_store_idx %arg5[%shift_right_logical3A_135, %and3A_138], %broadcast_in_dim3A_3 {add = true} : memref<256x128xf32, #tpu.memory_space<vmem>>[vector<16xi32>, vector<16xi32>], vector<16xf32>,
      %get3A_139 = arith.index_cast %add3A_87 : i32 to index
      %get3A_140 = arith.constant 96 : index
      %get3A_141 = tpu.vector_load %arg4[%get3A_139, %get3A_140] {strides = array<i32>} : memref<160x128xi32, #tpu.memory_space<vmem>>, vector<16xi32>,
      %shift_right_logical3A_142 = arith.constant 7 : i32
      %shift_right_logical3A_143 = vector.broadcast %shift_right_logical3A_142 : i32 to vector<16xi32>
      %shift_right_logical3A_144 = arith.shrui %get3A_141, %shift_right_logical3A_143 : vector<16xi32>
      %and3A_145 = arith.constant 127 : i32
      %and3A_146 = vector.broadcast %and3A_145 : i32 to vector<16xi32>
      %and3A_147 = arith.andi %get3A_141, %and3A_146 : vector<16xi32>
      tpu.vector_store_idx %arg5[%shift_right_logical3A_144, %and3A_147], %broadcast_in_dim3A_3 {add = true} : memref<256x128xf32, #tpu.memory_space<vmem>>[vector<16xi32>, vector<16xi32>], vector<16xf32>,
      %get3A_148 = arith.index_cast %add3A_87 : i32 to index
      %get3A_149 = arith.constant 112 : index
      %get3A_150 = tpu.vector_load %arg4[%get3A_148, %get3A_149] {strides = array<i32>} : memref<160x128xi32, #tpu.memory_space<vmem>>, vector<16xi32>,
      %shift_right_logical3A_151 = arith.constant 7 : i32
      %shift_right_logical3A_152 = vector.broadcast %shift_right_logical3A_151 : i32 to vector<16xi32>
      %shift_right_logical3A_153 = arith.shrui %get3A_150, %shift_right_logical3A_152 : vector<16xi32>
      %and3A_154 = arith.constant 127 : i32
      %and3A_155 = vector.broadcast %and3A_154 : i32 to vector<16xi32>
      %and3A_156 = arith.andi %get3A_150, %and3A_155 : vector<16xi32>
      tpu.vector_store_idx %arg5[%shift_right_logical3A_153, %and3A_156], %broadcast_in_dim3A_3 {add = true} : memref<256x128xf32, #tpu.memory_space<vmem>>[vector<16xi32>, vector<16xi32>], vector<16xf32>,
    }
    %scan3A_12 = arith.constant 160 : i32
    "tpu.region"() ({
      %run_scoped3A_83 = tpu.sem_alloc : memref<!tpu.dma_semaphore, #tpu.memory_space<semaphore_mem>>
      %dma_start3A = arith.constant 0 : i32
      %dma_start3A_84 = arith.constant 0 : i32
      %dma_start3A_85 = tpu.memref_slice %arg8[%arg1, %dma_start3A, %dma_start3A_84] : memref<16x256x128xf32, #tpu.memory_space<vmem_shared>> -> memref<1x256x128xf32, #tpu.memory_space<vmem_shared>>
      %dma_start3A_86 = tpu.memref_squeeze %dma_start3A_85 : memref<1x256x128xf32, #tpu.memory_space<vmem_shared>> -> memref<256x128xf32, #tpu.memory_space<vmem_shared>>
      %dma_start3A_87 = arith.constant 0 : i32
      %dma_start3A_88 = arith.constant 0 : i32
      %dma_start3A_89 = tpu.memref_slice %arg8[%arg1, %dma_start3A_87, %dma_start3A_88] : memref<16x256x128xf32, #tpu.memory_space<vmem_shared>> -> memref<1x256x128xf32, #tpu.memory_space<vmem_shared>>
      %dma_start3A_90 = tpu.memref_squeeze %dma_start3A_89 : memref<1x256x128xf32, #tpu.memory_space<vmem_shared>> -> memref<256x128xf32, #tpu.memory_space<vmem_shared>>
      tpu.enqueue_dma source(%arg5 : memref<256x128xf32, #tpu.memory_space<vmem>>) target(%dma_start3A_90 : memref<256x128xf32, #tpu.memory_space<vmem_shared>>) target_semaphore(%run_scoped3A_83 : memref<!tpu.dma_semaphore, #tpu.memory_space<semaphore_mem>>)
      %dma_wait3A = arith.constant 0 : i32
      %dma_wait3A_91 = arith.constant 0 : i32
      %dma_wait3A_92 = tpu.memref_slice %arg8[%arg1, %dma_wait3A, %dma_wait3A_91] : memref<16x256x128xf32, #tpu.memory_space<vmem_shared>> -> memref<1x256x128xf32, #tpu.memory_space<vmem_shared>>
      %dma_wait3A_93 = tpu.memref_squeeze %dma_wait3A_92 : memref<1x256x128xf32, #tpu.memory_space<vmem_shared>> -> memref<256x128xf32, #tpu.memory_space<vmem_shared>>
      %dma_wait3A_94 = arith.constant 0 : i32
      %dma_wait3A_95 = arith.constant 0 : i32
      %dma_wait3A_96 = tpu.memref_slice %arg8[%arg1, %dma_wait3A_94, %dma_wait3A_95] : memref<16x256x128xf32, #tpu.memory_space<vmem_shared>> -> memref<1x256x128xf32, #tpu.memory_space<vmem_shared>>
      %dma_wait3A_97 = tpu.memref_squeeze %dma_wait3A_96 : memref<1x256x128xf32, #tpu.memory_space<vmem_shared>> -> memref<256x128xf32, #tpu.memory_space<vmem_shared>>
      tpu.wait_dma2 semaphore(%run_scoped3A_83 : memref<!tpu.dma_semaphore, #tpu.memory_space<semaphore_mem>>) src(%arg5 : memref<256x128xf32, #tpu.memory_space<vmem>>) dst(%dma_wait3A_97 : memref<256x128xf32, #tpu.memory_space<vmem_shared>>)
      tpu.yield
    }) : () -> ()
    %barrier3A = arith.constant 0 : index
    tpu.barrier barrier_id(%barrier3A)
    %mul3A_13 = arith.constant 16 : i32
    %mul3A_14 = arith.muli %arg1, %mul3A_13 : i32
    %run_scoped3A = arith.constant 0 : i32
    %run_scoped3A_15 = arith.constant 0 : i32
    "tpu.region"() ({
      %run_scoped3A_83 = tpu.sem_alloc : memref<!tpu.dma_semaphore, #tpu.memory_space<semaphore_mem>>
      %dma_start3A = arith.constant 0 : i32
      %dma_start3A_84 = arith.constant 0 : i32
      %dma_start3A_85 = tpu.memref_slice %arg6[%run_scoped3A_15, %dma_start3A, %dma_start3A_84] : memref<16x16x128xf32, #tpu.memory_space<vmem>> -> memref<1x16x128xf32, #tpu.memory_space<vmem>>
      %dma_start3A_86 = tpu.memref_squeeze %dma_start3A_85 : memref<1x16x128xf32, #tpu.memory_space<vmem>> -> memref<16x128xf32, #tpu.memory_space<vmem>>
      %dma_start3A_87 = arith.constant 0 : i32
      %dma_start3A_88 = tpu.memref_slice %arg8[%run_scoped3A, %mul3A_14, %dma_start3A_87] : memref<16x256x128xf32, #tpu.memory_space<vmem_shared>> -> memref<1x16x128xf32, #tpu.memory_space<vmem_shared>>
      %dma_start3A_89 = tpu.memref_squeeze %dma_start3A_88 : memref<1x16x128xf32, #tpu.memory_space<vmem_shared>> -> memref<16x128xf32, #tpu.memory_space<vmem_shared>>
      %dma_start3A_90 = arith.constant 0 : i32
      %dma_start3A_91 = arith.constant 0 : i32
      %dma_start3A_92 = tpu.memref_slice %arg6[%run_scoped3A_15, %dma_start3A_90, %dma_start3A_91] : memref<16x16x128xf32, #tpu.memory_space<vmem>> -> memref<1x16x128xf32, #tpu.memory_space<vmem>>
      %dma_start3A_93 = tpu.memref_squeeze %dma_start3A_92 : memref<1x16x128xf32, #tpu.memory_space<vmem>> -> memref<16x128xf32, #tpu.memory_space<vmem>>
      %dma_start3A_94 = arith.constant 0 : i32
      %dma_start3A_95 = tpu.memref_slice %arg8[%run_scoped3A, %mul3A_14, %dma_start3A_94] : memref<16x256x128xf32, #tpu.memory_space<vmem_shared>> -> memref<1x16x128xf32, #tpu.memory_space<vmem_shared>>
      %dma_start3A_96 = tpu.memref_squeeze %dma_start3A_95 : memref<1x16x128xf32, #tpu.memory_space<vmem_shared>> -> memref<16x128xf32, #tpu.memory_space<vmem_shared>>
      tpu.enqueue_dma source(%dma_start3A_96 : memref<16x128xf32, #tpu.memory_space<vmem_shared>>) target(%dma_start3A_93 : memref<16x128xf32, #tpu.memory_space<vmem>>) target_semaphore(%run_scoped3A_83 : memref<!tpu.dma_semaphore, #tpu.memory_space<semaphore_mem>>)
      %dma_wait3A = arith.constant 0 : i32
      %dma_wait3A_97 = arith.constant 0 : i32
      %dma_wait3A_98 = tpu.memref_slice %arg6[%run_scoped3A_15, %dma_wait3A, %dma_wait3A_97] : memref<16x16x128xf32, #tpu.memory_space<vmem>> -> memref<1x16x128xf32, #tpu.memory_space<vmem>>
      %dma_wait3A_99 = tpu.memref_squeeze %dma_wait3A_98 : memref<1x16x128xf32, #tpu.memory_space<vmem>> -> memref<16x128xf32, #tpu.memory_space<vmem>>
      %dma_wait3A_100 = arith.constant 0 : i32
      %dma_wait3A_101 = tpu.memref_slice %arg8[%run_scoped3A, %mul3A_14, %dma_wait3A_100] : memref<16x256x128xf32, #tpu.memory_space<vmem_shared>> -> memref<1x16x128xf32, #tpu.memory_space<vmem_shared>>
      %dma_wait3A_102 = tpu.memref_squeeze %dma_wait3A_101 : memref<1x16x128xf32, #tpu.memory_space<vmem_shared>> -> memref<16x128xf32, #tpu.memory_space<vmem_shared>>
      %dma_wait3A_103 = arith.constant 0 : i32
      %dma_wait3A_104 = arith.constant 0 : i32
      %dma_wait3A_105 = tpu.memref_slice %arg6[%run_scoped3A_15, %dma_wait3A_103, %dma_wait3A_104] : memref<16x16x128xf32, #tpu.memory_space<vmem>> -> memref<1x16x128xf32, #tpu.memory_space<vmem>>
      %dma_wait3A_106 = tpu.memref_squeeze %dma_wait3A_105 : memref<1x16x128xf32, #tpu.memory_space<vmem>> -> memref<16x128xf32, #tpu.memory_space<vmem>>
      %dma_wait3A_107 = arith.constant 0 : i32
      %dma_wait3A_108 = tpu.memref_slice %arg8[%run_scoped3A, %mul3A_14, %dma_wait3A_107] : memref<16x256x128xf32, #tpu.memory_space<vmem_shared>> -> memref<1x16x128xf32, #tpu.memory_space<vmem_shared>>
      %dma_wait3A_109 = tpu.memref_squeeze %dma_wait3A_108 : memref<1x16x128xf32, #tpu.memory_space<vmem_shared>> -> memref<16x128xf32, #tpu.memory_space<vmem_shared>>
      tpu.wait_dma2 semaphore(%run_scoped3A_83 : memref<!tpu.dma_semaphore, #tpu.memory_space<semaphore_mem>>) src(%dma_wait3A_109 : memref<16x128xf32, #tpu.memory_space<vmem_shared>>) dst(%dma_wait3A_106 : memref<16x128xf32, #tpu.memory_space<vmem>>)
      tpu.yield
    }) : () -> ()
    %mul3A_16 = arith.constant 16 : i32
    %mul3A_17 = arith.muli %arg1, %mul3A_16 : i32
    %run_scoped3A_18 = arith.constant 1 : i32
    %run_scoped3A_19 = arith.constant 1 : i32
    "tpu.region"() ({
      %run_scoped3A_83 = tpu.sem_alloc : memref<!tpu.dma_semaphore, #tpu.memory_space<semaphore_mem>>
      %dma_start3A = arith.constant 0 : i32
      %dma_start3A_84 = arith.constant 0 : i32
      %dma_start3A_85 = tpu.memref_slice %arg6[%run_scoped3A_19, %dma_start3A, %dma_start3A_84] : memref<16x16x128xf32, #tpu.memory_space<vmem>> -> memref<1x16x128xf32, #tpu.memory_space<vmem>>
      %dma_start3A_86 = tpu.memref_squeeze %dma_start3A_85 : memref<1x16x128xf32, #tpu.memory_space<vmem>> -> memref<16x128xf32, #tpu.memory_space<vmem>>
      %dma_start3A_87 = arith.constant 0 : i32
      %dma_start3A_88 = tpu.memref_slice %arg8[%run_scoped3A_18, %mul3A_17, %dma_start3A_87] : memref<16x256x128xf32, #tpu.memory_space<vmem_shared>> -> memref<1x16x128xf32, #tpu.memory_space<vmem_shared>>
      %dma_start3A_89 = tpu.memref_squeeze %dma_start3A_88 : memref<1x16x128xf32, #tpu.memory_space<vmem_shared>> -> memref<16x128xf32, #tpu.memory_space<vmem_shared>>
      %dma_start3A_90 = arith.constant 0 : i32
      %dma_start3A_91 = arith.constant 0 : i32
      %dma_start3A_92 = tpu.memref_slice %arg6[%run_scoped3A_19, %dma_start3A_90, %dma_start3A_91] : memref<16x16x128xf32, #tpu.memory_space<vmem>> -> memref<1x16x128xf32, #tpu.memory_space<vmem>>
      %dma_start3A_93 = tpu.memref_squeeze %dma_start3A_92 : memref<1x16x128xf32, #tpu.memory_space<vmem>> -> memref<16x128xf32, #tpu.memory_space<vmem>>
      %dma_start3A_94 = arith.constant 0 : i32
      %dma_start3A_95 = tpu.memref_slice %arg8[%run_scoped3A_18, %mul3A_17, %dma_start3A_94] : memref<16x256x128xf32, #tpu.memory_space<vmem_shared>> -> memref<1x16x128xf32, #tpu.memory_space<vmem_shared>>
      %dma_start3A_96 = tpu.memref_squeeze %dma_start3A_95 : memref<1x16x128xf32, #tpu.memory_space<vmem_shared>> -> memref<16x128xf32, #tpu.memory_space<vmem_shared>>
      tpu.enqueue_dma source(%dma_start3A_96 : memref<16x128xf32, #tpu.memory_space<vmem_shared>>) target(%dma_start3A_93 : memref<16x128xf32, #tpu.memory_space<vmem>>) target_semaphore(%run_scoped3A_83 : memref<!tpu.dma_semaphore, #tpu.memory_space<semaphore_mem>>)
      %dma_wait3A = arith.constant 0 : i32
      %dma_wait3A_97 = arith.constant 0 : i32
      %dma_wait3A_98 = tpu.memref_slice %arg6[%run_scoped3A_19, %dma_wait3A, %dma_wait3A_97] : memref<16x16x128xf32, #tpu.memory_space<vmem>> -> memref<1x16x128xf32, #tpu.memory_space<vmem>>
      %dma_wait3A_99 = tpu.memref_squeeze %dma_wait3A_98 : memref<1x16x128xf32, #tpu.memory_space<vmem>> -> memref<16x128xf32, #tpu.memory_space<vmem>>
      %dma_wait3A_100 = arith.constant 0 : i32
      %dma_wait3A_101 = tpu.memref_slice %arg8[%run_scoped3A_18, %mul3A_17, %dma_wait3A_100] : memref<16x256x128xf32, #tpu.memory_space<vmem_shared>> -> memref<1x16x128xf32, #tpu.memory_space<vmem_shared>>
      %dma_wait3A_102 = tpu.memref_squeeze %dma_wait3A_101 : memref<1x16x128xf32, #tpu.memory_space<vmem_shared>> -> memref<16x128xf32, #tpu.memory_space<vmem_shared>>
      %dma_wait3A_103 = arith.constant 0 : i32
      %dma_wait3A_104 = arith.constant 0 : i32
      %dma_wait3A_105 = tpu.memref_slice %arg6[%run_scoped3A_19, %dma_wait3A_103, %dma_wait3A_104] : memref<16x16x128xf32, #tpu.memory_space<vmem>> -> memref<1x16x128xf32, #tpu.memory_space<vmem>>
      %dma_wait3A_106 = tpu.memref_squeeze %dma_wait3A_105 : memref<1x16x128xf32, #tpu.memory_space<vmem>> -> memref<16x128xf32, #tpu.memory_space<vmem>>
      %dma_wait3A_107 = arith.constant 0 : i32
      %dma_wait3A_108 = tpu.memref_slice %arg8[%run_scoped3A_18, %mul3A_17, %dma_wait3A_107] : memref<16x256x128xf32, #tpu.memory_space<vmem_shared>> -> memref<1x16x128xf32, #tpu.memory_space<vmem_shared>>
      %dma_wait3A_109 = tpu.memref_squeeze %dma_wait3A_108 : memref<1x16x128xf32, #tpu.memory_space<vmem_shared>> -> memref<16x128xf32, #tpu.memory_space<vmem_shared>>
      tpu.wait_dma2 semaphore(%run_scoped3A_83 : memref<!tpu.dma_semaphore, #tpu.memory_space<semaphore_mem>>) src(%dma_wait3A_109 : memref<16x128xf32, #tpu.memory_space<vmem_shared>>) dst(%dma_wait3A_106 : memref<16x128xf32, #tpu.memory_space<vmem>>)
      tpu.yield
    }) : () -> ()
    %mul3A_20 = arith.constant 16 : i32
    %mul3A_21 = arith.muli %arg1, %mul3A_20 : i32
    %run_scoped3A_22 = arith.constant 2 : i32
    %run_scoped3A_23 = arith.constant 2 : i32
    "tpu.region"() ({
      %run_scoped3A_83 = tpu.sem_alloc : memref<!tpu.dma_semaphore, #tpu.memory_space<semaphore_mem>>
      %dma_start3A = arith.constant 0 : i32
      %dma_start3A_84 = arith.constant 0 : i32
      %dma_start3A_85 = tpu.memref_slice %arg6[%run_scoped3A_23, %dma_start3A, %dma_start3A_84] : memref<16x16x128xf32, #tpu.memory_space<vmem>> -> memref<1x16x128xf32, #tpu.memory_space<vmem>>
      %dma_start3A_86 = tpu.memref_squeeze %dma_start3A_85 : memref<1x16x128xf32, #tpu.memory_space<vmem>> -> memref<16x128xf32, #tpu.memory_space<vmem>>
      %dma_start3A_87 = arith.constant 0 : i32
      %dma_start3A_88 = tpu.memref_slice %arg8[%run_scoped3A_22, %mul3A_21, %dma_start3A_87] : memref<16x256x128xf32, #tpu.memory_space<vmem_shared>> -> memref<1x16x128xf32, #tpu.memory_space<vmem_shared>>
      %dma_start3A_89 = tpu.memref_squeeze %dma_start3A_88 : memref<1x16x128xf32, #tpu.memory_space<vmem_shared>> -> memref<16x128xf32, #tpu.memory_space<vmem_shared>>
      %dma_start3A_90 = arith.constant 0 : i32
      %dma_start3A_91 = arith.constant 0 : i32
      %dma_start3A_92 = tpu.memref_slice %arg6[%run_scoped3A_23, %dma_start3A_90, %dma_start3A_91] : memref<16x16x128xf32, #tpu.memory_space<vmem>> -> memref<1x16x128xf32, #tpu.memory_space<vmem>>
      %dma_start3A_93 = tpu.memref_squeeze %dma_start3A_92 : memref<1x16x128xf32, #tpu.memory_space<vmem>> -> memref<16x128xf32, #tpu.memory_space<vmem>>
      %dma_start3A_94 = arith.constant 0 : i32
      %dma_start3A_95 = tpu.memref_slice %arg8[%run_scoped3A_22, %mul3A_21, %dma_start3A_94] : memref<16x256x128xf32, #tpu.memory_space<vmem_shared>> -> memref<1x16x128xf32, #tpu.memory_space<vmem_shared>>
      %dma_start3A_96 = tpu.memref_squeeze %dma_start3A_95 : memref<1x16x128xf32, #tpu.memory_space<vmem_shared>> -> memref<16x128xf32, #tpu.memory_space<vmem_shared>>
      tpu.enqueue_dma source(%dma_start3A_96 : memref<16x128xf32, #tpu.memory_space<vmem_shared>>) target(%dma_start3A_93 : memref<16x128xf32, #tpu.memory_space<vmem>>) target_semaphore(%run_scoped3A_83 : memref<!tpu.dma_semaphore, #tpu.memory_space<semaphore_mem>>)
      %dma_wait3A = arith.constant 0 : i32
      %dma_wait3A_97 = arith.constant 0 : i32
      %dma_wait3A_98 = tpu.memref_slice %arg6[%run_scoped3A_23, %dma_wait3A, %dma_wait3A_97] : memref<16x16x128xf32, #tpu.memory_space<vmem>> -> memref<1x16x128xf32, #tpu.memory_space<vmem>>
      %dma_wait3A_99 = tpu.memref_squeeze %dma_wait3A_98 : memref<1x16x128xf32, #tpu.memory_space<vmem>> -> memref<16x128xf32, #tpu.memory_space<vmem>>
      %dma_wait3A_100 = arith.constant 0 : i32
      %dma_wait3A_101 = tpu.memref_slice %arg8[%run_scoped3A_22, %mul3A_21, %dma_wait3A_100] : memref<16x256x128xf32, #tpu.memory_space<vmem_shared>> -> memref<1x16x128xf32, #tpu.memory_space<vmem_shared>>
      %dma_wait3A_102 = tpu.memref_squeeze %dma_wait3A_101 : memref<1x16x128xf32, #tpu.memory_space<vmem_shared>> -> memref<16x128xf32, #tpu.memory_space<vmem_shared>>
      %dma_wait3A_103 = arith.constant 0 : i32
      %dma_wait3A_104 = arith.constant 0 : i32
      %dma_wait3A_105 = tpu.memref_slice %arg6[%run_scoped3A_23, %dma_wait3A_103, %dma_wait3A_104] : memref<16x16x128xf32, #tpu.memory_space<vmem>> -> memref<1x16x128xf32, #tpu.memory_space<vmem>>
      %dma_wait3A_106 = tpu.memref_squeeze %dma_wait3A_105 : memref<1x16x128xf32, #tpu.memory_space<vmem>> -> memref<16x128xf32, #tpu.memory_space<vmem>>
      %dma_wait3A_107 = arith.constant 0 : i32
      %dma_wait3A_108 = tpu.memref_slice %arg8[%run_scoped3A_22, %mul3A_21, %dma_wait3A_107] : memref<16x256x128xf32, #tpu.memory_space<vmem_shared>> -> memref<1x16x128xf32, #tpu.memory_space<vmem_shared>>
      %dma_wait3A_109 = tpu.memref_squeeze %dma_wait3A_108 : memref<1x16x128xf32, #tpu.memory_space<vmem_shared>> -> memref<16x128xf32, #tpu.memory_space<vmem_shared>>
      tpu.wait_dma2 semaphore(%run_scoped3A_83 : memref<!tpu.dma_semaphore, #tpu.memory_space<semaphore_mem>>) src(%dma_wait3A_109 : memref<16x128xf32, #tpu.memory_space<vmem_shared>>) dst(%dma_wait3A_106 : memref<16x128xf32, #tpu.memory_space<vmem>>)
      tpu.yield
    }) : () -> ()
    %mul3A_24 = arith.constant 16 : i32
    %mul3A_25 = arith.muli %arg1, %mul3A_24 : i32
    %run_scoped3A_26 = arith.constant 3 : i32
    %run_scoped3A_27 = arith.constant 3 : i32
    "tpu.region"() ({
      %run_scoped3A_83 = tpu.sem_alloc : memref<!tpu.dma_semaphore, #tpu.memory_space<semaphore_mem>>
      %dma_start3A = arith.constant 0 : i32
      %dma_start3A_84 = arith.constant 0 : i32
      %dma_start3A_85 = tpu.memref_slice %arg6[%run_scoped3A_27, %dma_start3A, %dma_start3A_84] : memref<16x16x128xf32, #tpu.memory_space<vmem>> -> memref<1x16x128xf32, #tpu.memory_space<vmem>>
      %dma_start3A_86 = tpu.memref_squeeze %dma_start3A_85 : memref<1x16x128xf32, #tpu.memory_space<vmem>> -> memref<16x128xf32, #tpu.memory_space<vmem>>
      %dma_start3A_87 = arith.constant 0 : i32
      %dma_start3A_88 = tpu.memref_slice %arg8[%run_scoped3A_26, %mul3A_25, %dma_start3A_87] : memref<16x256x128xf32, #tpu.memory_space<vmem_shared>> -> memref<1x16x128xf32, #tpu.memory_space<vmem_shared>>
      %dma_start3A_89 = tpu.memref_squeeze %dma_start3A_88 : memref<1x16x128xf32, #tpu.memory_space<vmem_shared>> -> memref<16x128xf32, #tpu.memory_space<vmem_shared>>
      %dma_start3A_90 = arith.constant 0 : i32
      %dma_start3A_91 = arith.constant 0 : i32
      %dma_start3A_92 = tpu.memref_slice %arg6[%run_scoped3A_27, %dma_start3A_90, %dma_start3A_91] : memref<16x16x128xf32, #tpu.memory_space<vmem>> -> memref<1x16x128xf32, #tpu.memory_space<vmem>>
      %dma_start3A_93 = tpu.memref_squeeze %dma_start3A_92 : memref<1x16x128xf32, #tpu.memory_space<vmem>> -> memref<16x128xf32, #tpu.memory_space<vmem>>
      %dma_start3A_94 = arith.constant 0 : i32
      %dma_start3A_95 = tpu.memref_slice %arg8[%run_scoped3A_26, %mul3A_25, %dma_start3A_94] : memref<16x256x128xf32, #tpu.memory_space<vmem_shared>> -> memref<1x16x128xf32, #tpu.memory_space<vmem_shared>>
      %dma_start3A_96 = tpu.memref_squeeze %dma_start3A_95 : memref<1x16x128xf32, #tpu.memory_space<vmem_shared>> -> memref<16x128xf32, #tpu.memory_space<vmem_shared>>
      tpu.enqueue_dma source(%dma_start3A_96 : memref<16x128xf32, #tpu.memory_space<vmem_shared>>) target(%dma_start3A_93 : memref<16x128xf32, #tpu.memory_space<vmem>>) target_semaphore(%run_scoped3A_83 : memref<!tpu.dma_semaphore, #tpu.memory_space<semaphore_mem>>)
      %dma_wait3A = arith.constant 0 : i32
      %dma_wait3A_97 = arith.constant 0 : i32
      %dma_wait3A_98 = tpu.memref_slice %arg6[%run_scoped3A_27, %dma_wait3A, %dma_wait3A_97] : memref<16x16x128xf32, #tpu.memory_space<vmem>> -> memref<1x16x128xf32, #tpu.memory_space<vmem>>
      %dma_wait3A_99 = tpu.memref_squeeze %dma_wait3A_98 : memref<1x16x128xf32, #tpu.memory_space<vmem>> -> memref<16x128xf32, #tpu.memory_space<vmem>>
      %dma_wait3A_100 = arith.constant 0 : i32
      %dma_wait3A_101 = tpu.memref_slice %arg8[%run_scoped3A_26, %mul3A_25, %dma_wait3A_100] : memref<16x256x128xf32, #tpu.memory_space<vmem_shared>> -> memref<1x16x128xf32, #tpu.memory_space<vmem_shared>>
      %dma_wait3A_102 = tpu.memref_squeeze %dma_wait3A_101 : memref<1x16x128xf32, #tpu.memory_space<vmem_shared>> -> memref<16x128xf32, #tpu.memory_space<vmem_shared>>
      %dma_wait3A_103 = arith.constant 0 : i32
      %dma_wait3A_104 = arith.constant 0 : i32
      %dma_wait3A_105 = tpu.memref_slice %arg6[%run_scoped3A_27, %dma_wait3A_103, %dma_wait3A_104] : memref<16x16x128xf32, #tpu.memory_space<vmem>> -> memref<1x16x128xf32, #tpu.memory_space<vmem>>
      %dma_wait3A_106 = tpu.memref_squeeze %dma_wait3A_105 : memref<1x16x128xf32, #tpu.memory_space<vmem>> -> memref<16x128xf32, #tpu.memory_space<vmem>>
      %dma_wait3A_107 = arith.constant 0 : i32
      %dma_wait3A_108 = tpu.memref_slice %arg8[%run_scoped3A_26, %mul3A_25, %dma_wait3A_107] : memref<16x256x128xf32, #tpu.memory_space<vmem_shared>> -> memref<1x16x128xf32, #tpu.memory_space<vmem_shared>>
      %dma_wait3A_109 = tpu.memref_squeeze %dma_wait3A_108 : memref<1x16x128xf32, #tpu.memory_space<vmem_shared>> -> memref<16x128xf32, #tpu.memory_space<vmem_shared>>
      tpu.wait_dma2 semaphore(%run_scoped3A_83 : memref<!tpu.dma_semaphore, #tpu.memory_space<semaphore_mem>>) src(%dma_wait3A_109 : memref<16x128xf32, #tpu.memory_space<vmem_shared>>) dst(%dma_wait3A_106 : memref<16x128xf32, #tpu.memory_space<vmem>>)
      tpu.yield
    }) : () -> ()
    %mul3A_28 = arith.constant 16 : i32
    %mul3A_29 = arith.muli %arg1, %mul3A_28 : i32
    %run_scoped3A_30 = arith.constant 4 : i32
    %run_scoped3A_31 = arith.constant 4 : i32
    "tpu.region"() ({
      %run_scoped3A_83 = tpu.sem_alloc : memref<!tpu.dma_semaphore, #tpu.memory_space<semaphore_mem>>
      %dma_start3A = arith.constant 0 : i32
      %dma_start3A_84 = arith.constant 0 : i32
      %dma_start3A_85 = tpu.memref_slice %arg6[%run_scoped3A_31, %dma_start3A, %dma_start3A_84] : memref<16x16x128xf32, #tpu.memory_space<vmem>> -> memref<1x16x128xf32, #tpu.memory_space<vmem>>
      %dma_start3A_86 = tpu.memref_squeeze %dma_start3A_85 : memref<1x16x128xf32, #tpu.memory_space<vmem>> -> memref<16x128xf32, #tpu.memory_space<vmem>>
      %dma_start3A_87 = arith.constant 0 : i32
      %dma_start3A_88 = tpu.memref_slice %arg8[%run_scoped3A_30, %mul3A_29, %dma_start3A_87] : memref<16x256x128xf32, #tpu.memory_space<vmem_shared>> -> memref<1x16x128xf32, #tpu.memory_space<vmem_shared>>
      %dma_start3A_89 = tpu.memref_squeeze %dma_start3A_88 : memref<1x16x128xf32, #tpu.memory_space<vmem_shared>> -> memref<16x128xf32, #tpu.memory_space<vmem_shared>>
      %dma_start3A_90 = arith.constant 0 : i32
      %dma_start3A_91 = arith.constant 0 : i32
      %dma_start3A_92 = tpu.memref_slice %arg6[%run_scoped3A_31, %dma_start3A_90, %dma_start3A_91] : memref<16x16x128xf32, #tpu.memory_space<vmem>> -> memref<1x16x128xf32, #tpu.memory_space<vmem>>
      %dma_start3A_93 = tpu.memref_squeeze %dma_start3A_92 : memref<1x16x128xf32, #tpu.memory_space<vmem>> -> memref<16x128xf32, #tpu.memory_space<vmem>>
      %dma_start3A_94 = arith.constant 0 : i32
      %dma_start3A_95 = tpu.memref_slice %arg8[%run_scoped3A_30, %mul3A_29, %dma_start3A_94] : memref<16x256x128xf32, #tpu.memory_space<vmem_shared>> -> memref<1x16x128xf32, #tpu.memory_space<vmem_shared>>
      %dma_start3A_96 = tpu.memref_squeeze %dma_start3A_95 : memref<1x16x128xf32, #tpu.memory_space<vmem_shared>> -> memref<16x128xf32, #tpu.memory_space<vmem_shared>>
      tpu.enqueue_dma source(%dma_start3A_96 : memref<16x128xf32, #tpu.memory_space<vmem_shared>>) target(%dma_start3A_93 : memref<16x128xf32, #tpu.memory_space<vmem>>) target_semaphore(%run_scoped3A_83 : memref<!tpu.dma_semaphore, #tpu.memory_space<semaphore_mem>>)
      %dma_wait3A = arith.constant 0 : i32
      %dma_wait3A_97 = arith.constant 0 : i32
      %dma_wait3A_98 = tpu.memref_slice %arg6[%run_scoped3A_31, %dma_wait3A, %dma_wait3A_97] : memref<16x16x128xf32, #tpu.memory_space<vmem>> -> memref<1x16x128xf32, #tpu.memory_space<vmem>>
      %dma_wait3A_99 = tpu.memref_squeeze %dma_wait3A_98 : memref<1x16x128xf32, #tpu.memory_space<vmem>> -> memref<16x128xf32, #tpu.memory_space<vmem>>
      %dma_wait3A_100 = arith.constant 0 : i32
      %dma_wait3A_101 = tpu.memref_slice %arg8[%run_scoped3A_30, %mul3A_29, %dma_wait3A_100] : memref<16x256x128xf32, #tpu.memory_space<vmem_shared>> -> memref<1x16x128xf32, #tpu.memory_space<vmem_shared>>
      %dma_wait3A_102 = tpu.memref_squeeze %dma_wait3A_101 : memref<1x16x128xf32, #tpu.memory_space<vmem_shared>> -> memref<16x128xf32, #tpu.memory_space<vmem_shared>>
      %dma_wait3A_103 = arith.constant 0 : i32
      %dma_wait3A_104 = arith.constant 0 : i32
      %dma_wait3A_105 = tpu.memref_slice %arg6[%run_scoped3A_31, %dma_wait3A_103, %dma_wait3A_104] : memref<16x16x128xf32, #tpu.memory_space<vmem>> -> memref<1x16x128xf32, #tpu.memory_space<vmem>>
      %dma_wait3A_106 = tpu.memref_squeeze %dma_wait3A_105 : memref<1x16x128xf32, #tpu.memory_space<vmem>> -> memref<16x128xf32, #tpu.memory_space<vmem>>
      %dma_wait3A_107 = arith.constant 0 : i32
      %dma_wait3A_108 = tpu.memref_slice %arg8[%run_scoped3A_30, %mul3A_29, %dma_wait3A_107] : memref<16x256x128xf32, #tpu.memory_space<vmem_shared>> -> memref<1x16x128xf32, #tpu.memory_space<vmem_shared>>
      %dma_wait3A_109 = tpu.memref_squeeze %dma_wait3A_108 : memref<1x16x128xf32, #tpu.memory_space<vmem_shared>> -> memref<16x128xf32, #tpu.memory_space<vmem_shared>>
      tpu.wait_dma2 semaphore(%run_scoped3A_83 : memref<!tpu.dma_semaphore, #tpu.memory_space<semaphore_mem>>) src(%dma_wait3A_109 : memref<16x128xf32, #tpu.memory_space<vmem_shared>>) dst(%dma_wait3A_106 : memref<16x128xf32, #tpu.memory_space<vmem>>)
      tpu.yield
    }) : () -> ()
    %mul3A_32 = arith.constant 16 : i32
    %mul3A_33 = arith.muli %arg1, %mul3A_32 : i32
    %run_scoped3A_34 = arith.constant 5 : i32
    %run_scoped3A_35 = arith.constant 5 : i32
    "tpu.region"() ({
      %run_scoped3A_83 = tpu.sem_alloc : memref<!tpu.dma_semaphore, #tpu.memory_space<semaphore_mem>>
      %dma_start3A = arith.constant 0 : i32
      %dma_start3A_84 = arith.constant 0 : i32
      %dma_start3A_85 = tpu.memref_slice %arg6[%run_scoped3A_35, %dma_start3A, %dma_start3A_84] : memref<16x16x128xf32, #tpu.memory_space<vmem>> -> memref<1x16x128xf32, #tpu.memory_space<vmem>>
      %dma_start3A_86 = tpu.memref_squeeze %dma_start3A_85 : memref<1x16x128xf32, #tpu.memory_space<vmem>> -> memref<16x128xf32, #tpu.memory_space<vmem>>
      %dma_start3A_87 = arith.constant 0 : i32
      %dma_start3A_88 = tpu.memref_slice %arg8[%run_scoped3A_34, %mul3A_33, %dma_start3A_87] : memref<16x256x128xf32, #tpu.memory_space<vmem_shared>> -> memref<1x16x128xf32, #tpu.memory_space<vmem_shared>>
      %dma_start3A_89 = tpu.memref_squeeze %dma_start3A_88 : memref<1x16x128xf32, #tpu.memory_space<vmem_shared>> -> memref<16x128xf32, #tpu.memory_space<vmem_shared>>
      %dma_start3A_90 = arith.constant 0 : i32
      %dma_start3A_91 = arith.constant 0 : i32
      %dma_start3A_92 = tpu.memref_slice %arg6[%run_scoped3A_35, %dma_start3A_90, %dma_start3A_91] : memref<16x16x128xf32, #tpu.memory_space<vmem>> -> memref<1x16x128xf32, #tpu.memory_space<vmem>>
      %dma_start3A_93 = tpu.memref_squeeze %dma_start3A_92 : memref<1x16x128xf32, #tpu.memory_space<vmem>> -> memref<16x128xf32, #tpu.memory_space<vmem>>
      %dma_start3A_94 = arith.constant 0 : i32
      %dma_start3A_95 = tpu.memref_slice %arg8[%run_scoped3A_34, %mul3A_33, %dma_start3A_94] : memref<16x256x128xf32, #tpu.memory_space<vmem_shared>> -> memref<1x16x128xf32, #tpu.memory_space<vmem_shared>>
      %dma_start3A_96 = tpu.memref_squeeze %dma_start3A_95 : memref<1x16x128xf32, #tpu.memory_space<vmem_shared>> -> memref<16x128xf32, #tpu.memory_space<vmem_shared>>
      tpu.enqueue_dma source(%dma_start3A_96 : memref<16x128xf32, #tpu.memory_space<vmem_shared>>) target(%dma_start3A_93 : memref<16x128xf32, #tpu.memory_space<vmem>>) target_semaphore(%run_scoped3A_83 : memref<!tpu.dma_semaphore, #tpu.memory_space<semaphore_mem>>)
      %dma_wait3A = arith.constant 0 : i32
      %dma_wait3A_97 = arith.constant 0 : i32
      %dma_wait3A_98 = tpu.memref_slice %arg6[%run_scoped3A_35, %dma_wait3A, %dma_wait3A_97] : memref<16x16x128xf32, #tpu.memory_space<vmem>> -> memref<1x16x128xf32, #tpu.memory_space<vmem>>
      %dma_wait3A_99 = tpu.memref_squeeze %dma_wait3A_98 : memref<1x16x128xf32, #tpu.memory_space<vmem>> -> memref<16x128xf32, #tpu.memory_space<vmem>>
      %dma_wait3A_100 = arith.constant 0 : i32
      %dma_wait3A_101 = tpu.memref_slice %arg8[%run_scoped3A_34, %mul3A_33, %dma_wait3A_100] : memref<16x256x128xf32, #tpu.memory_space<vmem_shared>> -> memref<1x16x128xf32, #tpu.memory_space<vmem_shared>>
      %dma_wait3A_102 = tpu.memref_squeeze %dma_wait3A_101 : memref<1x16x128xf32, #tpu.memory_space<vmem_shared>> -> memref<16x128xf32, #tpu.memory_space<vmem_shared>>
      %dma_wait3A_103 = arith.constant 0 : i32
      %dma_wait3A_104 = arith.constant 0 : i32
      %dma_wait3A_105 = tpu.memref_slice %arg6[%run_scoped3A_35, %dma_wait3A_103, %dma_wait3A_104] : memref<16x16x128xf32, #tpu.memory_space<vmem>> -> memref<1x16x128xf32, #tpu.memory_space<vmem>>
      %dma_wait3A_106 = tpu.memref_squeeze %dma_wait3A_105 : memref<1x16x128xf32, #tpu.memory_space<vmem>> -> memref<16x128xf32, #tpu.memory_space<vmem>>
      %dma_wait3A_107 = arith.constant 0 : i32
      %dma_wait3A_108 = tpu.memref_slice %arg8[%run_scoped3A_34, %mul3A_33, %dma_wait3A_107] : memref<16x256x128xf32, #tpu.memory_space<vmem_shared>> -> memref<1x16x128xf32, #tpu.memory_space<vmem_shared>>
      %dma_wait3A_109 = tpu.memref_squeeze %dma_wait3A_108 : memref<1x16x128xf32, #tpu.memory_space<vmem_shared>> -> memref<16x128xf32, #tpu.memory_space<vmem_shared>>
      tpu.wait_dma2 semaphore(%run_scoped3A_83 : memref<!tpu.dma_semaphore, #tpu.memory_space<semaphore_mem>>) src(%dma_wait3A_109 : memref<16x128xf32, #tpu.memory_space<vmem_shared>>) dst(%dma_wait3A_106 : memref<16x128xf32, #tpu.memory_space<vmem>>)
      tpu.yield
    }) : () -> ()
    %mul3A_36 = arith.constant 16 : i32
    %mul3A_37 = arith.muli %arg1, %mul3A_36 : i32
    %run_scoped3A_38 = arith.constant 6 : i32
    %run_scoped3A_39 = arith.constant 6 : i32
    "tpu.region"() ({
      %run_scoped3A_83 = tpu.sem_alloc : memref<!tpu.dma_semaphore, #tpu.memory_space<semaphore_mem>>
      %dma_start3A = arith.constant 0 : i32
      %dma_start3A_84 = arith.constant 0 : i32
      %dma_start3A_85 = tpu.memref_slice %arg6[%run_scoped3A_39, %dma_start3A, %dma_start3A_84] : memref<16x16x128xf32, #tpu.memory_space<vmem>> -> memref<1x16x128xf32, #tpu.memory_space<vmem>>
      %dma_start3A_86 = tpu.memref_squeeze %dma_start3A_85 : memref<1x16x128xf32, #tpu.memory_space<vmem>> -> memref<16x128xf32, #tpu.memory_space<vmem>>
      %dma_start3A_87 = arith.constant 0 : i32
      %dma_start3A_88 = tpu.memref_slice %arg8[%run_scoped3A_38, %mul3A_37, %dma_start3A_87] : memref<16x256x128xf32, #tpu.memory_space<vmem_shared>> -> memref<1x16x128xf32, #tpu.memory_space<vmem_shared>>
      %dma_start3A_89 = tpu.memref_squeeze %dma_start3A_88 : memref<1x16x128xf32, #tpu.memory_space<vmem_shared>> -> memref<16x128xf32, #tpu.memory_space<vmem_shared>>
      %dma_start3A_90 = arith.constant 0 : i32
      %dma_start3A_91 = arith.constant 0 : i32
      %dma_start3A_92 = tpu.memref_slice %arg6[%run_scoped3A_39, %dma_start3A_90, %dma_start3A_91] : memref<16x16x128xf32, #tpu.memory_space<vmem>> -> memref<1x16x128xf32, #tpu.memory_space<vmem>>
      %dma_start3A_93 = tpu.memref_squeeze %dma_start3A_92 : memref<1x16x128xf32, #tpu.memory_space<vmem>> -> memref<16x128xf32, #tpu.memory_space<vmem>>
      %dma_start3A_94 = arith.constant 0 : i32
      %dma_start3A_95 = tpu.memref_slice %arg8[%run_scoped3A_38, %mul3A_37, %dma_start3A_94] : memref<16x256x128xf32, #tpu.memory_space<vmem_shared>> -> memref<1x16x128xf32, #tpu.memory_space<vmem_shared>>
      %dma_start3A_96 = tpu.memref_squeeze %dma_start3A_95 : memref<1x16x128xf32, #tpu.memory_space<vmem_shared>> -> memref<16x128xf32, #tpu.memory_space<vmem_shared>>
      tpu.enqueue_dma source(%dma_start3A_96 : memref<16x128xf32, #tpu.memory_space<vmem_shared>>) target(%dma_start3A_93 : memref<16x128xf32, #tpu.memory_space<vmem>>) target_semaphore(%run_scoped3A_83 : memref<!tpu.dma_semaphore, #tpu.memory_space<semaphore_mem>>)
      %dma_wait3A = arith.constant 0 : i32
      %dma_wait3A_97 = arith.constant 0 : i32
      %dma_wait3A_98 = tpu.memref_slice %arg6[%run_scoped3A_39, %dma_wait3A, %dma_wait3A_97] : memref<16x16x128xf32, #tpu.memory_space<vmem>> -> memref<1x16x128xf32, #tpu.memory_space<vmem>>
      %dma_wait3A_99 = tpu.memref_squeeze %dma_wait3A_98 : memref<1x16x128xf32, #tpu.memory_space<vmem>> -> memref<16x128xf32, #tpu.memory_space<vmem>>
      %dma_wait3A_100 = arith.constant 0 : i32
      %dma_wait3A_101 = tpu.memref_slice %arg8[%run_scoped3A_38, %mul3A_37, %dma_wait3A_100] : memref<16x256x128xf32, #tpu.memory_space<vmem_shared>> -> memref<1x16x128xf32, #tpu.memory_space<vmem_shared>>
      %dma_wait3A_102 = tpu.memref_squeeze %dma_wait3A_101 : memref<1x16x128xf32, #tpu.memory_space<vmem_shared>> -> memref<16x128xf32, #tpu.memory_space<vmem_shared>>
      %dma_wait3A_103 = arith.constant 0 : i32
      %dma_wait3A_104 = arith.constant 0 : i32
      %dma_wait3A_105 = tpu.memref_slice %arg6[%run_scoped3A_39, %dma_wait3A_103, %dma_wait3A_104] : memref<16x16x128xf32, #tpu.memory_space<vmem>> -> memref<1x16x128xf32, #tpu.memory_space<vmem>>
      %dma_wait3A_106 = tpu.memref_squeeze %dma_wait3A_105 : memref<1x16x128xf32, #tpu.memory_space<vmem>> -> memref<16x128xf32, #tpu.memory_space<vmem>>
      %dma_wait3A_107 = arith.constant 0 : i32
      %dma_wait3A_108 = tpu.memref_slice %arg8[%run_scoped3A_38, %mul3A_37, %dma_wait3A_107] : memref<16x256x128xf32, #tpu.memory_space<vmem_shared>> -> memref<1x16x128xf32, #tpu.memory_space<vmem_shared>>
      %dma_wait3A_109 = tpu.memref_squeeze %dma_wait3A_108 : memref<1x16x128xf32, #tpu.memory_space<vmem_shared>> -> memref<16x128xf32, #tpu.memory_space<vmem_shared>>
      tpu.wait_dma2 semaphore(%run_scoped3A_83 : memref<!tpu.dma_semaphore, #tpu.memory_space<semaphore_mem>>) src(%dma_wait3A_109 : memref<16x128xf32, #tpu.memory_space<vmem_shared>>) dst(%dma_wait3A_106 : memref<16x128xf32, #tpu.memory_space<vmem>>)
      tpu.yield
    }) : () -> ()
    %mul3A_40 = arith.constant 16 : i32
    %mul3A_41 = arith.muli %arg1, %mul3A_40 : i32
    %run_scoped3A_42 = arith.constant 7 : i32
    %run_scoped3A_43 = arith.constant 7 : i32
    "tpu.region"() ({
      %run_scoped3A_83 = tpu.sem_alloc : memref<!tpu.dma_semaphore, #tpu.memory_space<semaphore_mem>>
      %dma_start3A = arith.constant 0 : i32
      %dma_start3A_84 = arith.constant 0 : i32
      %dma_start3A_85 = tpu.memref_slice %arg6[%run_scoped3A_43, %dma_start3A, %dma_start3A_84] : memref<16x16x128xf32, #tpu.memory_space<vmem>> -> memref<1x16x128xf32, #tpu.memory_space<vmem>>
      %dma_start3A_86 = tpu.memref_squeeze %dma_start3A_85 : memref<1x16x128xf32, #tpu.memory_space<vmem>> -> memref<16x128xf32, #tpu.memory_space<vmem>>
      %dma_start3A_87 = arith.constant 0 : i32
      %dma_start3A_88 = tpu.memref_slice %arg8[%run_scoped3A_42, %mul3A_41, %dma_start3A_87] : memref<16x256x128xf32, #tpu.memory_space<vmem_shared>> -> memref<1x16x128xf32, #tpu.memory_space<vmem_shared>>
      %dma_start3A_89 = tpu.memref_squeeze %dma_start3A_88 : memref<1x16x128xf32, #tpu.memory_space<vmem_shared>> -> memref<16x128xf32, #tpu.memory_space<vmem_shared>>
      %dma_start3A_90 = arith.constant 0 : i32
      %dma_start3A_91 = arith.constant 0 : i32
      %dma_start3A_92 = tpu.memref_slice %arg6[%run_scoped3A_43, %dma_start3A_90, %dma_start3A_91] : memref<16x16x128xf32, #tpu.memory_space<vmem>> -> memref<1x16x128xf32, #tpu.memory_space<vmem>>
      %dma_start3A_93 = tpu.memref_squeeze %dma_start3A_92 : memref<1x16x128xf32, #tpu.memory_space<vmem>> -> memref<16x128xf32, #tpu.memory_space<vmem>>
      %dma_start3A_94 = arith.constant 0 : i32
      %dma_start3A_95 = tpu.memref_slice %arg8[%run_scoped3A_42, %mul3A_41, %dma_start3A_94] : memref<16x256x128xf32, #tpu.memory_space<vmem_shared>> -> memref<1x16x128xf32, #tpu.memory_space<vmem_shared>>
      %dma_start3A_96 = tpu.memref_squeeze %dma_start3A_95 : memref<1x16x128xf32, #tpu.memory_space<vmem_shared>> -> memref<16x128xf32, #tpu.memory_space<vmem_shared>>
      tpu.enqueue_dma source(%dma_start3A_96 : memref<16x128xf32, #tpu.memory_space<vmem_shared>>) target(%dma_start3A_93 : memref<16x128xf32, #tpu.memory_space<vmem>>) target_semaphore(%run_scoped3A_83 : memref<!tpu.dma_semaphore, #tpu.memory_space<semaphore_mem>>)
      %dma_wait3A = arith.constant 0 : i32
      %dma_wait3A_97 = arith.constant 0 : i32
      %dma_wait3A_98 = tpu.memref_slice %arg6[%run_scoped3A_43, %dma_wait3A, %dma_wait3A_97] : memref<16x16x128xf32, #tpu.memory_space<vmem>> -> memref<1x16x128xf32, #tpu.memory_space<vmem>>
      %dma_wait3A_99 = tpu.memref_squeeze %dma_wait3A_98 : memref<1x16x128xf32, #tpu.memory_space<vmem>> -> memref<16x128xf32, #tpu.memory_space<vmem>>
      %dma_wait3A_100 = arith.constant 0 : i32
      %dma_wait3A_101 = tpu.memref_slice %arg8[%run_scoped3A_42, %mul3A_41, %dma_wait3A_100] : memref<16x256x128xf32, #tpu.memory_space<vmem_shared>> -> memref<1x16x128xf32, #tpu.memory_space<vmem_shared>>
      %dma_wait3A_102 = tpu.memref_squeeze %dma_wait3A_101 : memref<1x16x128xf32, #tpu.memory_space<vmem_shared>> -> memref<16x128xf32, #tpu.memory_space<vmem_shared>>
      %dma_wait3A_103 = arith.constant 0 : i32
      %dma_wait3A_104 = arith.constant 0 : i32
      %dma_wait3A_105 = tpu.memref_slice %arg6[%run_scoped3A_43, %dma_wait3A_103, %dma_wait3A_104] : memref<16x16x128xf32, #tpu.memory_space<vmem>> -> memref<1x16x128xf32, #tpu.memory_space<vmem>>
      %dma_wait3A_106 = tpu.memref_squeeze %dma_wait3A_105 : memref<1x16x128xf32, #tpu.memory_space<vmem>> -> memref<16x128xf32, #tpu.memory_space<vmem>>
      %dma_wait3A_107 = arith.constant 0 : i32
      %dma_wait3A_108 = tpu.memref_slice %arg8[%run_scoped3A_42, %mul3A_41, %dma_wait3A_107] : memref<16x256x128xf32, #tpu.memory_space<vmem_shared>> -> memref<1x16x128xf32, #tpu.memory_space<vmem_shared>>
      %dma_wait3A_109 = tpu.memref_squeeze %dma_wait3A_108 : memref<1x16x128xf32, #tpu.memory_space<vmem_shared>> -> memref<16x128xf32, #tpu.memory_space<vmem_shared>>
      tpu.wait_dma2 semaphore(%run_scoped3A_83 : memref<!tpu.dma_semaphore, #tpu.memory_space<semaphore_mem>>) src(%dma_wait3A_109 : memref<16x128xf32, #tpu.memory_space<vmem_shared>>) dst(%dma_wait3A_106 : memref<16x128xf32, #tpu.memory_space<vmem>>)
      tpu.yield
    }) : () -> ()
    %mul3A_44 = arith.constant 16 : i32
    %mul3A_45 = arith.muli %arg1, %mul3A_44 : i32
    %run_scoped3A_46 = arith.constant 8 : i32
    %run_scoped3A_47 = arith.constant 8 : i32
    "tpu.region"() ({
      %run_scoped3A_83 = tpu.sem_alloc : memref<!tpu.dma_semaphore, #tpu.memory_space<semaphore_mem>>
      %dma_start3A = arith.constant 0 : i32
      %dma_start3A_84 = arith.constant 0 : i32
      %dma_start3A_85 = tpu.memref_slice %arg6[%run_scoped3A_47, %dma_start3A, %dma_start3A_84] : memref<16x16x128xf32, #tpu.memory_space<vmem>> -> memref<1x16x128xf32, #tpu.memory_space<vmem>>
      %dma_start3A_86 = tpu.memref_squeeze %dma_start3A_85 : memref<1x16x128xf32, #tpu.memory_space<vmem>> -> memref<16x128xf32, #tpu.memory_space<vmem>>
      %dma_start3A_87 = arith.constant 0 : i32
      %dma_start3A_88 = tpu.memref_slice %arg8[%run_scoped3A_46, %mul3A_45, %dma_start3A_87] : memref<16x256x128xf32, #tpu.memory_space<vmem_shared>> -> memref<1x16x128xf32, #tpu.memory_space<vmem_shared>>
      %dma_start3A_89 = tpu.memref_squeeze %dma_start3A_88 : memref<1x16x128xf32, #tpu.memory_space<vmem_shared>> -> memref<16x128xf32, #tpu.memory_space<vmem_shared>>
      %dma_start3A_90 = arith.constant 0 : i32
      %dma_start3A_91 = arith.constant 0 : i32
      %dma_start3A_92 = tpu.memref_slice %arg6[%run_scoped3A_47, %dma_start3A_90, %dma_start3A_91] : memref<16x16x128xf32, #tpu.memory_space<vmem>> -> memref<1x16x128xf32, #tpu.memory_space<vmem>>
      %dma_start3A_93 = tpu.memref_squeeze %dma_start3A_92 : memref<1x16x128xf32, #tpu.memory_space<vmem>> -> memref<16x128xf32, #tpu.memory_space<vmem>>
      %dma_start3A_94 = arith.constant 0 : i32
      %dma_start3A_95 = tpu.memref_slice %arg8[%run_scoped3A_46, %mul3A_45, %dma_start3A_94] : memref<16x256x128xf32, #tpu.memory_space<vmem_shared>> -> memref<1x16x128xf32, #tpu.memory_space<vmem_shared>>
      %dma_start3A_96 = tpu.memref_squeeze %dma_start3A_95 : memref<1x16x128xf32, #tpu.memory_space<vmem_shared>> -> memref<16x128xf32, #tpu.memory_space<vmem_shared>>
      tpu.enqueue_dma source(%dma_start3A_96 : memref<16x128xf32, #tpu.memory_space<vmem_shared>>) target(%dma_start3A_93 : memref<16x128xf32, #tpu.memory_space<vmem>>) target_semaphore(%run_scoped3A_83 : memref<!tpu.dma_semaphore, #tpu.memory_space<semaphore_mem>>)
      %dma_wait3A = arith.constant 0 : i32
      %dma_wait3A_97 = arith.constant 0 : i32
      %dma_wait3A_98 = tpu.memref_slice %arg6[%run_scoped3A_47, %dma_wait3A, %dma_wait3A_97] : memref<16x16x128xf32, #tpu.memory_space<vmem>> -> memref<1x16x128xf32, #tpu.memory_space<vmem>>
      %dma_wait3A_99 = tpu.memref_squeeze %dma_wait3A_98 : memref<1x16x128xf32, #tpu.memory_space<vmem>> -> memref<16x128xf32, #tpu.memory_space<vmem>>
      %dma_wait3A_100 = arith.constant 0 : i32
      %dma_wait3A_101 = tpu.memref_slice %arg8[%run_scoped3A_46, %mul3A_45, %dma_wait3A_100] : memref<16x256x128xf32, #tpu.memory_space<vmem_shared>> -> memref<1x16x128xf32, #tpu.memory_space<vmem_shared>>
      %dma_wait3A_102 = tpu.memref_squeeze %dma_wait3A_101 : memref<1x16x128xf32, #tpu.memory_space<vmem_shared>> -> memref<16x128xf32, #tpu.memory_space<vmem_shared>>
      %dma_wait3A_103 = arith.constant 0 : i32
      %dma_wait3A_104 = arith.constant 0 : i32
      %dma_wait3A_105 = tpu.memref_slice %arg6[%run_scoped3A_47, %dma_wait3A_103, %dma_wait3A_104] : memref<16x16x128xf32, #tpu.memory_space<vmem>> -> memref<1x16x128xf32, #tpu.memory_space<vmem>>
      %dma_wait3A_106 = tpu.memref_squeeze %dma_wait3A_105 : memref<1x16x128xf32, #tpu.memory_space<vmem>> -> memref<16x128xf32, #tpu.memory_space<vmem>>
      %dma_wait3A_107 = arith.constant 0 : i32
      %dma_wait3A_108 = tpu.memref_slice %arg8[%run_scoped3A_46, %mul3A_45, %dma_wait3A_107] : memref<16x256x128xf32, #tpu.memory_space<vmem_shared>> -> memref<1x16x128xf32, #tpu.memory_space<vmem_shared>>
      %dma_wait3A_109 = tpu.memref_squeeze %dma_wait3A_108 : memref<1x16x128xf32, #tpu.memory_space<vmem_shared>> -> memref<16x128xf32, #tpu.memory_space<vmem_shared>>
      tpu.wait_dma2 semaphore(%run_scoped3A_83 : memref<!tpu.dma_semaphore, #tpu.memory_space<semaphore_mem>>) src(%dma_wait3A_109 : memref<16x128xf32, #tpu.memory_space<vmem_shared>>) dst(%dma_wait3A_106 : memref<16x128xf32, #tpu.memory_space<vmem>>)
      tpu.yield
    }) : () -> ()
    %mul3A_48 = arith.constant 16 : i32
    %mul3A_49 = arith.muli %arg1, %mul3A_48 : i32
    %run_scoped3A_50 = arith.constant 9 : i32
    %run_scoped3A_51 = arith.constant 9 : i32
    "tpu.region"() ({
      %run_scoped3A_83 = tpu.sem_alloc : memref<!tpu.dma_semaphore, #tpu.memory_space<semaphore_mem>>
      %dma_start3A = arith.constant 0 : i32
      %dma_start3A_84 = arith.constant 0 : i32
      %dma_start3A_85 = tpu.memref_slice %arg6[%run_scoped3A_51, %dma_start3A, %dma_start3A_84] : memref<16x16x128xf32, #tpu.memory_space<vmem>> -> memref<1x16x128xf32, #tpu.memory_space<vmem>>
      %dma_start3A_86 = tpu.memref_squeeze %dma_start3A_85 : memref<1x16x128xf32, #tpu.memory_space<vmem>> -> memref<16x128xf32, #tpu.memory_space<vmem>>
      %dma_start3A_87 = arith.constant 0 : i32
      %dma_start3A_88 = tpu.memref_slice %arg8[%run_scoped3A_50, %mul3A_49, %dma_start3A_87] : memref<16x256x128xf32, #tpu.memory_space<vmem_shared>> -> memref<1x16x128xf32, #tpu.memory_space<vmem_shared>>
      %dma_start3A_89 = tpu.memref_squeeze %dma_start3A_88 : memref<1x16x128xf32, #tpu.memory_space<vmem_shared>> -> memref<16x128xf32, #tpu.memory_space<vmem_shared>>
      %dma_start3A_90 = arith.constant 0 : i32
      %dma_start3A_91 = arith.constant 0 : i32
      %dma_start3A_92 = tpu.memref_slice %arg6[%run_scoped3A_51, %dma_start3A_90, %dma_start3A_91] : memref<16x16x128xf32, #tpu.memory_space<vmem>> -> memref<1x16x128xf32, #tpu.memory_space<vmem>>
      %dma_start3A_93 = tpu.memref_squeeze %dma_start3A_92 : memref<1x16x128xf32, #tpu.memory_space<vmem>> -> memref<16x128xf32, #tpu.memory_space<vmem>>
      %dma_start3A_94 = arith.constant 0 : i32
      %dma_start3A_95 = tpu.memref_slice %arg8[%run_scoped3A_50, %mul3A_49, %dma_start3A_94] : memref<16x256x128xf32, #tpu.memory_space<vmem_shared>> -> memref<1x16x128xf32, #tpu.memory_space<vmem_shared>>
      %dma_start3A_96 = tpu.memref_squeeze %dma_start3A_95 : memref<1x16x128xf32, #tpu.memory_space<vmem_shared>> -> memref<16x128xf32, #tpu.memory_space<vmem_shared>>
      tpu.enqueue_dma source(%dma_start3A_96 : memref<16x128xf32, #tpu.memory_space<vmem_shared>>) target(%dma_start3A_93 : memref<16x128xf32, #tpu.memory_space<vmem>>) target_semaphore(%run_scoped3A_83 : memref<!tpu.dma_semaphore, #tpu.memory_space<semaphore_mem>>)
      %dma_wait3A = arith.constant 0 : i32
      %dma_wait3A_97 = arith.constant 0 : i32
      %dma_wait3A_98 = tpu.memref_slice %arg6[%run_scoped3A_51, %dma_wait3A, %dma_wait3A_97] : memref<16x16x128xf32, #tpu.memory_space<vmem>> -> memref<1x16x128xf32, #tpu.memory_space<vmem>>
      %dma_wait3A_99 = tpu.memref_squeeze %dma_wait3A_98 : memref<1x16x128xf32, #tpu.memory_space<vmem>> -> memref<16x128xf32, #tpu.memory_space<vmem>>
      %dma_wait3A_100 = arith.constant 0 : i32
      %dma_wait3A_101 = tpu.memref_slice %arg8[%run_scoped3A_50, %mul3A_49, %dma_wait3A_100] : memref<16x256x128xf32, #tpu.memory_space<vmem_shared>> -> memref<1x16x128xf32, #tpu.memory_space<vmem_shared>>
      %dma_wait3A_102 = tpu.memref_squeeze %dma_wait3A_101 : memref<1x16x128xf32, #tpu.memory_space<vmem_shared>> -> memref<16x128xf32, #tpu.memory_space<vmem_shared>>
      %dma_wait3A_103 = arith.constant 0 : i32
      %dma_wait3A_104 = arith.constant 0 : i32
      %dma_wait3A_105 = tpu.memref_slice %arg6[%run_scoped3A_51, %dma_wait3A_103, %dma_wait3A_104] : memref<16x16x128xf32, #tpu.memory_space<vmem>> -> memref<1x16x128xf32, #tpu.memory_space<vmem>>
      %dma_wait3A_106 = tpu.memref_squeeze %dma_wait3A_105 : memref<1x16x128xf32, #tpu.memory_space<vmem>> -> memref<16x128xf32, #tpu.memory_space<vmem>>
      %dma_wait3A_107 = arith.constant 0 : i32
      %dma_wait3A_108 = tpu.memref_slice %arg8[%run_scoped3A_50, %mul3A_49, %dma_wait3A_107] : memref<16x256x128xf32, #tpu.memory_space<vmem_shared>> -> memref<1x16x128xf32, #tpu.memory_space<vmem_shared>>
      %dma_wait3A_109 = tpu.memref_squeeze %dma_wait3A_108 : memref<1x16x128xf32, #tpu.memory_space<vmem_shared>> -> memref<16x128xf32, #tpu.memory_space<vmem_shared>>
      tpu.wait_dma2 semaphore(%run_scoped3A_83 : memref<!tpu.dma_semaphore, #tpu.memory_space<semaphore_mem>>) src(%dma_wait3A_109 : memref<16x128xf32, #tpu.memory_space<vmem_shared>>) dst(%dma_wait3A_106 : memref<16x128xf32, #tpu.memory_space<vmem>>)
      tpu.yield
    }) : () -> ()
    %mul3A_52 = arith.constant 16 : i32
    %mul3A_53 = arith.muli %arg1, %mul3A_52 : i32
    %run_scoped3A_54 = arith.constant 10 : i32
    %run_scoped3A_55 = arith.constant 10 : i32
    "tpu.region"() ({
      %run_scoped3A_83 = tpu.sem_alloc : memref<!tpu.dma_semaphore, #tpu.memory_space<semaphore_mem>>
      %dma_start3A = arith.constant 0 : i32
      %dma_start3A_84 = arith.constant 0 : i32
      %dma_start3A_85 = tpu.memref_slice %arg6[%run_scoped3A_55, %dma_start3A, %dma_start3A_84] : memref<16x16x128xf32, #tpu.memory_space<vmem>> -> memref<1x16x128xf32, #tpu.memory_space<vmem>>
      %dma_start3A_86 = tpu.memref_squeeze %dma_start3A_85 : memref<1x16x128xf32, #tpu.memory_space<vmem>> -> memref<16x128xf32, #tpu.memory_space<vmem>>
      %dma_start3A_87 = arith.constant 0 : i32
      %dma_start3A_88 = tpu.memref_slice %arg8[%run_scoped3A_54, %mul3A_53, %dma_start3A_87] : memref<16x256x128xf32, #tpu.memory_space<vmem_shared>> -> memref<1x16x128xf32, #tpu.memory_space<vmem_shared>>
      %dma_start3A_89 = tpu.memref_squeeze %dma_start3A_88 : memref<1x16x128xf32, #tpu.memory_space<vmem_shared>> -> memref<16x128xf32, #tpu.memory_space<vmem_shared>>
      %dma_start3A_90 = arith.constant 0 : i32
      %dma_start3A_91 = arith.constant 0 : i32
      %dma_start3A_92 = tpu.memref_slice %arg6[%run_scoped3A_55, %dma_start3A_90, %dma_start3A_91] : memref<16x16x128xf32, #tpu.memory_space<vmem>> -> memref<1x16x128xf32, #tpu.memory_space<vmem>>
      %dma_start3A_93 = tpu.memref_squeeze %dma_start3A_92 : memref<1x16x128xf32, #tpu.memory_space<vmem>> -> memref<16x128xf32, #tpu.memory_space<vmem>>
      %dma_start3A_94 = arith.constant 0 : i32
      %dma_start3A_95 = tpu.memref_slice %arg8[%run_scoped3A_54, %mul3A_53, %dma_start3A_94] : memref<16x256x128xf32, #tpu.memory_space<vmem_shared>> -> memref<1x16x128xf32, #tpu.memory_space<vmem_shared>>
      %dma_start3A_96 = tpu.memref_squeeze %dma_start3A_95 : memref<1x16x128xf32, #tpu.memory_space<vmem_shared>> -> memref<16x128xf32, #tpu.memory_space<vmem_shared>>
      tpu.enqueue_dma source(%dma_start3A_96 : memref<16x128xf32, #tpu.memory_space<vmem_shared>>) target(%dma_start3A_93 : memref<16x128xf32, #tpu.memory_space<vmem>>) target_semaphore(%run_scoped3A_83 : memref<!tpu.dma_semaphore, #tpu.memory_space<semaphore_mem>>)
      %dma_wait3A = arith.constant 0 : i32
      %dma_wait3A_97 = arith.constant 0 : i32
      %dma_wait3A_98 = tpu.memref_slice %arg6[%run_scoped3A_55, %dma_wait3A, %dma_wait3A_97] : memref<16x16x128xf32, #tpu.memory_space<vmem>> -> memref<1x16x128xf32, #tpu.memory_space<vmem>>
      %dma_wait3A_99 = tpu.memref_squeeze %dma_wait3A_98 : memref<1x16x128xf32, #tpu.memory_space<vmem>> -> memref<16x128xf32, #tpu.memory_space<vmem>>
      %dma_wait3A_100 = arith.constant 0 : i32
      %dma_wait3A_101 = tpu.memref_slice %arg8[%run_scoped3A_54, %mul3A_53, %dma_wait3A_100] : memref<16x256x128xf32, #tpu.memory_space<vmem_shared>> -> memref<1x16x128xf32, #tpu.memory_space<vmem_shared>>
      %dma_wait3A_102 = tpu.memref_squeeze %dma_wait3A_101 : memref<1x16x128xf32, #tpu.memory_space<vmem_shared>> -> memref<16x128xf32, #tpu.memory_space<vmem_shared>>
      %dma_wait3A_103 = arith.constant 0 : i32
      %dma_wait3A_104 = arith.constant 0 : i32
      %dma_wait3A_105 = tpu.memref_slice %arg6[%run_scoped3A_55, %dma_wait3A_103, %dma_wait3A_104] : memref<16x16x128xf32, #tpu.memory_space<vmem>> -> memref<1x16x128xf32, #tpu.memory_space<vmem>>
      %dma_wait3A_106 = tpu.memref_squeeze %dma_wait3A_105 : memref<1x16x128xf32, #tpu.memory_space<vmem>> -> memref<16x128xf32, #tpu.memory_space<vmem>>
      %dma_wait3A_107 = arith.constant 0 : i32
      %dma_wait3A_108 = tpu.memref_slice %arg8[%run_scoped3A_54, %mul3A_53, %dma_wait3A_107] : memref<16x256x128xf32, #tpu.memory_space<vmem_shared>> -> memref<1x16x128xf32, #tpu.memory_space<vmem_shared>>
      %dma_wait3A_109 = tpu.memref_squeeze %dma_wait3A_108 : memref<1x16x128xf32, #tpu.memory_space<vmem_shared>> -> memref<16x128xf32, #tpu.memory_space<vmem_shared>>
      tpu.wait_dma2 semaphore(%run_scoped3A_83 : memref<!tpu.dma_semaphore, #tpu.memory_space<semaphore_mem>>) src(%dma_wait3A_109 : memref<16x128xf32, #tpu.memory_space<vmem_shared>>) dst(%dma_wait3A_106 : memref<16x128xf32, #tpu.memory_space<vmem>>)
      tpu.yield
    }) : () -> ()
    %mul3A_56 = arith.constant 16 : i32
    %mul3A_57 = arith.muli %arg1, %mul3A_56 : i32
    %run_scoped3A_58 = arith.constant 11 : i32
    %run_scoped3A_59 = arith.constant 11 : i32
    "tpu.region"() ({
      %run_scoped3A_83 = tpu.sem_alloc : memref<!tpu.dma_semaphore, #tpu.memory_space<semaphore_mem>>
      %dma_start3A = arith.constant 0 : i32
      %dma_start3A_84 = arith.constant 0 : i32
      %dma_start3A_85 = tpu.memref_slice %arg6[%run_scoped3A_59, %dma_start3A, %dma_start3A_84] : memref<16x16x128xf32, #tpu.memory_space<vmem>> -> memref<1x16x128xf32, #tpu.memory_space<vmem>>
      %dma_start3A_86 = tpu.memref_squeeze %dma_start3A_85 : memref<1x16x128xf32, #tpu.memory_space<vmem>> -> memref<16x128xf32, #tpu.memory_space<vmem>>
      %dma_start3A_87 = arith.constant 0 : i32
      %dma_start3A_88 = tpu.memref_slice %arg8[%run_scoped3A_58, %mul3A_57, %dma_start3A_87] : memref<16x256x128xf32, #tpu.memory_space<vmem_shared>> -> memref<1x16x128xf32, #tpu.memory_space<vmem_shared>>
      %dma_start3A_89 = tpu.memref_squeeze %dma_start3A_88 : memref<1x16x128xf32, #tpu.memory_space<vmem_shared>> -> memref<16x128xf32, #tpu.memory_space<vmem_shared>>
      %dma_start3A_90 = arith.constant 0 : i32
      %dma_start3A_91 = arith.constant 0 : i32
      %dma_start3A_92 = tpu.memref_slice %arg6[%run_scoped3A_59, %dma_start3A_90, %dma_start3A_91] : memref<16x16x128xf32, #tpu.memory_space<vmem>> -> memref<1x16x128xf32, #tpu.memory_space<vmem>>
      %dma_start3A_93 = tpu.memref_squeeze %dma_start3A_92 : memref<1x16x128xf32, #tpu.memory_space<vmem>> -> memref<16x128xf32, #tpu.memory_space<vmem>>
      %dma_start3A_94 = arith.constant 0 : i32
      %dma_start3A_95 = tpu.memref_slice %arg8[%run_scoped3A_58, %mul3A_57, %dma_start3A_94] : memref<16x256x128xf32, #tpu.memory_space<vmem_shared>> -> memref<1x16x128xf32, #tpu.memory_space<vmem_shared>>
      %dma_start3A_96 = tpu.memref_squeeze %dma_start3A_95 : memref<1x16x128xf32, #tpu.memory_space<vmem_shared>> -> memref<16x128xf32, #tpu.memory_space<vmem_shared>>
      tpu.enqueue_dma source(%dma_start3A_96 : memref<16x128xf32, #tpu.memory_space<vmem_shared>>) target(%dma_start3A_93 : memref<16x128xf32, #tpu.memory_space<vmem>>) target_semaphore(%run_scoped3A_83 : memref<!tpu.dma_semaphore, #tpu.memory_space<semaphore_mem>>)
      %dma_wait3A = arith.constant 0 : i32
      %dma_wait3A_97 = arith.constant 0 : i32
      %dma_wait3A_98 = tpu.memref_slice %arg6[%run_scoped3A_59, %dma_wait3A, %dma_wait3A_97] : memref<16x16x128xf32, #tpu.memory_space<vmem>> -> memref<1x16x128xf32, #tpu.memory_space<vmem>>
      %dma_wait3A_99 = tpu.memref_squeeze %dma_wait3A_98 : memref<1x16x128xf32, #tpu.memory_space<vmem>> -> memref<16x128xf32, #tpu.memory_space<vmem>>
      %dma_wait3A_100 = arith.constant 0 : i32
      %dma_wait3A_101 = tpu.memref_slice %arg8[%run_scoped3A_58, %mul3A_57, %dma_wait3A_100] : memref<16x256x128xf32, #tpu.memory_space<vmem_shared>> -> memref<1x16x128xf32, #tpu.memory_space<vmem_shared>>
      %dma_wait3A_102 = tpu.memref_squeeze %dma_wait3A_101 : memref<1x16x128xf32, #tpu.memory_space<vmem_shared>> -> memref<16x128xf32, #tpu.memory_space<vmem_shared>>
      %dma_wait3A_103 = arith.constant 0 : i32
      %dma_wait3A_104 = arith.constant 0 : i32
      %dma_wait3A_105 = tpu.memref_slice %arg6[%run_scoped3A_59, %dma_wait3A_103, %dma_wait3A_104] : memref<16x16x128xf32, #tpu.memory_space<vmem>> -> memref<1x16x128xf32, #tpu.memory_space<vmem>>
      %dma_wait3A_106 = tpu.memref_squeeze %dma_wait3A_105 : memref<1x16x128xf32, #tpu.memory_space<vmem>> -> memref<16x128xf32, #tpu.memory_space<vmem>>
      %dma_wait3A_107 = arith.constant 0 : i32
      %dma_wait3A_108 = tpu.memref_slice %arg8[%run_scoped3A_58, %mul3A_57, %dma_wait3A_107] : memref<16x256x128xf32, #tpu.memory_space<vmem_shared>> -> memref<1x16x128xf32, #tpu.memory_space<vmem_shared>>
      %dma_wait3A_109 = tpu.memref_squeeze %dma_wait3A_108 : memref<1x16x128xf32, #tpu.memory_space<vmem_shared>> -> memref<16x128xf32, #tpu.memory_space<vmem_shared>>
      tpu.wait_dma2 semaphore(%run_scoped3A_83 : memref<!tpu.dma_semaphore, #tpu.memory_space<semaphore_mem>>) src(%dma_wait3A_109 : memref<16x128xf32, #tpu.memory_space<vmem_shared>>) dst(%dma_wait3A_106 : memref<16x128xf32, #tpu.memory_space<vmem>>)
      tpu.yield
    }) : () -> ()
    %mul3A_60 = arith.constant 16 : i32
    %mul3A_61 = arith.muli %arg1, %mul3A_60 : i32
    %run_scoped3A_62 = arith.constant 12 : i32
    %run_scoped3A_63 = arith.constant 12 : i32
    "tpu.region"() ({
      %run_scoped3A_83 = tpu.sem_alloc : memref<!tpu.dma_semaphore, #tpu.memory_space<semaphore_mem>>
      %dma_start3A = arith.constant 0 : i32
      %dma_start3A_84 = arith.constant 0 : i32
      %dma_start3A_85 = tpu.memref_slice %arg6[%run_scoped3A_63, %dma_start3A, %dma_start3A_84] : memref<16x16x128xf32, #tpu.memory_space<vmem>> -> memref<1x16x128xf32, #tpu.memory_space<vmem>>
      %dma_start3A_86 = tpu.memref_squeeze %dma_start3A_85 : memref<1x16x128xf32, #tpu.memory_space<vmem>> -> memref<16x128xf32, #tpu.memory_space<vmem>>
      %dma_start3A_87 = arith.constant 0 : i32
      %dma_start3A_88 = tpu.memref_slice %arg8[%run_scoped3A_62, %mul3A_61, %dma_start3A_87] : memref<16x256x128xf32, #tpu.memory_space<vmem_shared>> -> memref<1x16x128xf32, #tpu.memory_space<vmem_shared>>
      %dma_start3A_89 = tpu.memref_squeeze %dma_start3A_88 : memref<1x16x128xf32, #tpu.memory_space<vmem_shared>> -> memref<16x128xf32, #tpu.memory_space<vmem_shared>>
      %dma_start3A_90 = arith.constant 0 : i32
      %dma_start3A_91 = arith.constant 0 : i32
      %dma_start3A_92 = tpu.memref_slice %arg6[%run_scoped3A_63, %dma_start3A_90, %dma_start3A_91] : memref<16x16x128xf32, #tpu.memory_space<vmem>> -> memref<1x16x128xf32, #tpu.memory_space<vmem>>
      %dma_start3A_93 = tpu.memref_squeeze %dma_start3A_92 : memref<1x16x128xf32, #tpu.memory_space<vmem>> -> memref<16x128xf32, #tpu.memory_space<vmem>>
      %dma_start3A_94 = arith.constant 0 : i32
      %dma_start3A_95 = tpu.memref_slice %arg8[%run_scoped3A_62, %mul3A_61, %dma_start3A_94] : memref<16x256x128xf32, #tpu.memory_space<vmem_shared>> -> memref<1x16x128xf32, #tpu.memory_space<vmem_shared>>
      %dma_start3A_96 = tpu.memref_squeeze %dma_start3A_95 : memref<1x16x128xf32, #tpu.memory_space<vmem_shared>> -> memref<16x128xf32, #tpu.memory_space<vmem_shared>>
      tpu.enqueue_dma source(%dma_start3A_96 : memref<16x128xf32, #tpu.memory_space<vmem_shared>>) target(%dma_start3A_93 : memref<16x128xf32, #tpu.memory_space<vmem>>) target_semaphore(%run_scoped3A_83 : memref<!tpu.dma_semaphore, #tpu.memory_space<semaphore_mem>>)
      %dma_wait3A = arith.constant 0 : i32
      %dma_wait3A_97 = arith.constant 0 : i32
      %dma_wait3A_98 = tpu.memref_slice %arg6[%run_scoped3A_63, %dma_wait3A, %dma_wait3A_97] : memref<16x16x128xf32, #tpu.memory_space<vmem>> -> memref<1x16x128xf32, #tpu.memory_space<vmem>>
      %dma_wait3A_99 = tpu.memref_squeeze %dma_wait3A_98 : memref<1x16x128xf32, #tpu.memory_space<vmem>> -> memref<16x128xf32, #tpu.memory_space<vmem>>
      %dma_wait3A_100 = arith.constant 0 : i32
      %dma_wait3A_101 = tpu.memref_slice %arg8[%run_scoped3A_62, %mul3A_61, %dma_wait3A_100] : memref<16x256x128xf32, #tpu.memory_space<vmem_shared>> -> memref<1x16x128xf32, #tpu.memory_space<vmem_shared>>
      %dma_wait3A_102 = tpu.memref_squeeze %dma_wait3A_101 : memref<1x16x128xf32, #tpu.memory_space<vmem_shared>> -> memref<16x128xf32, #tpu.memory_space<vmem_shared>>
      %dma_wait3A_103 = arith.constant 0 : i32
      %dma_wait3A_104 = arith.constant 0 : i32
      %dma_wait3A_105 = tpu.memref_slice %arg6[%run_scoped3A_63, %dma_wait3A_103, %dma_wait3A_104] : memref<16x16x128xf32, #tpu.memory_space<vmem>> -> memref<1x16x128xf32, #tpu.memory_space<vmem>>
      %dma_wait3A_106 = tpu.memref_squeeze %dma_wait3A_105 : memref<1x16x128xf32, #tpu.memory_space<vmem>> -> memref<16x128xf32, #tpu.memory_space<vmem>>
      %dma_wait3A_107 = arith.constant 0 : i32
      %dma_wait3A_108 = tpu.memref_slice %arg8[%run_scoped3A_62, %mul3A_61, %dma_wait3A_107] : memref<16x256x128xf32, #tpu.memory_space<vmem_shared>> -> memref<1x16x128xf32, #tpu.memory_space<vmem_shared>>
      %dma_wait3A_109 = tpu.memref_squeeze %dma_wait3A_108 : memref<1x16x128xf32, #tpu.memory_space<vmem_shared>> -> memref<16x128xf32, #tpu.memory_space<vmem_shared>>
      tpu.wait_dma2 semaphore(%run_scoped3A_83 : memref<!tpu.dma_semaphore, #tpu.memory_space<semaphore_mem>>) src(%dma_wait3A_109 : memref<16x128xf32, #tpu.memory_space<vmem_shared>>) dst(%dma_wait3A_106 : memref<16x128xf32, #tpu.memory_space<vmem>>)
      tpu.yield
    }) : () -> ()
    %mul3A_64 = arith.constant 16 : i32
    %mul3A_65 = arith.muli %arg1, %mul3A_64 : i32
    %run_scoped3A_66 = arith.constant 13 : i32
    %run_scoped3A_67 = arith.constant 13 : i32
    "tpu.region"() ({
      %run_scoped3A_83 = tpu.sem_alloc : memref<!tpu.dma_semaphore, #tpu.memory_space<semaphore_mem>>
      %dma_start3A = arith.constant 0 : i32
      %dma_start3A_84 = arith.constant 0 : i32
      %dma_start3A_85 = tpu.memref_slice %arg6[%run_scoped3A_67, %dma_start3A, %dma_start3A_84] : memref<16x16x128xf32, #tpu.memory_space<vmem>> -> memref<1x16x128xf32, #tpu.memory_space<vmem>>
      %dma_start3A_86 = tpu.memref_squeeze %dma_start3A_85 : memref<1x16x128xf32, #tpu.memory_space<vmem>> -> memref<16x128xf32, #tpu.memory_space<vmem>>
      %dma_start3A_87 = arith.constant 0 : i32
      %dma_start3A_88 = tpu.memref_slice %arg8[%run_scoped3A_66, %mul3A_65, %dma_start3A_87] : memref<16x256x128xf32, #tpu.memory_space<vmem_shared>> -> memref<1x16x128xf32, #tpu.memory_space<vmem_shared>>
      %dma_start3A_89 = tpu.memref_squeeze %dma_start3A_88 : memref<1x16x128xf32, #tpu.memory_space<vmem_shared>> -> memref<16x128xf32, #tpu.memory_space<vmem_shared>>
      %dma_start3A_90 = arith.constant 0 : i32
      %dma_start3A_91 = arith.constant 0 : i32
      %dma_start3A_92 = tpu.memref_slice %arg6[%run_scoped3A_67, %dma_start3A_90, %dma_start3A_91] : memref<16x16x128xf32, #tpu.memory_space<vmem>> -> memref<1x16x128xf32, #tpu.memory_space<vmem>>
      %dma_start3A_93 = tpu.memref_squeeze %dma_start3A_92 : memref<1x16x128xf32, #tpu.memory_space<vmem>> -> memref<16x128xf32, #tpu.memory_space<vmem>>
      %dma_start3A_94 = arith.constant 0 : i32
      %dma_start3A_95 = tpu.memref_slice %arg8[%run_scoped3A_66, %mul3A_65, %dma_start3A_94] : memref<16x256x128xf32, #tpu.memory_space<vmem_shared>> -> memref<1x16x128xf32, #tpu.memory_space<vmem_shared>>
      %dma_start3A_96 = tpu.memref_squeeze %dma_start3A_95 : memref<1x16x128xf32, #tpu.memory_space<vmem_shared>> -> memref<16x128xf32, #tpu.memory_space<vmem_shared>>
      tpu.enqueue_dma source(%dma_start3A_96 : memref<16x128xf32, #tpu.memory_space<vmem_shared>>) target(%dma_start3A_93 : memref<16x128xf32, #tpu.memory_space<vmem>>) target_semaphore(%run_scoped3A_83 : memref<!tpu.dma_semaphore, #tpu.memory_space<semaphore_mem>>)
      %dma_wait3A = arith.constant 0 : i32
      %dma_wait3A_97 = arith.constant 0 : i32
      %dma_wait3A_98 = tpu.memref_slice %arg6[%run_scoped3A_67, %dma_wait3A, %dma_wait3A_97] : memref<16x16x128xf32, #tpu.memory_space<vmem>> -> memref<1x16x128xf32, #tpu.memory_space<vmem>>
      %dma_wait3A_99 = tpu.memref_squeeze %dma_wait3A_98 : memref<1x16x128xf32, #tpu.memory_space<vmem>> -> memref<16x128xf32, #tpu.memory_space<vmem>>
      %dma_wait3A_100 = arith.constant 0 : i32
      %dma_wait3A_101 = tpu.memref_slice %arg8[%run_scoped3A_66, %mul3A_65, %dma_wait3A_100] : memref<16x256x128xf32, #tpu.memory_space<vmem_shared>> -> memref<1x16x128xf32, #tpu.memory_space<vmem_shared>>
      %dma_wait3A_102 = tpu.memref_squeeze %dma_wait3A_101 : memref<1x16x128xf32, #tpu.memory_space<vmem_shared>> -> memref<16x128xf32, #tpu.memory_space<vmem_shared>>
      %dma_wait3A_103 = arith.constant 0 : i32
      %dma_wait3A_104 = arith.constant 0 : i32
      %dma_wait3A_105 = tpu.memref_slice %arg6[%run_scoped3A_67, %dma_wait3A_103, %dma_wait3A_104] : memref<16x16x128xf32, #tpu.memory_space<vmem>> -> memref<1x16x128xf32, #tpu.memory_space<vmem>>
      %dma_wait3A_106 = tpu.memref_squeeze %dma_wait3A_105 : memref<1x16x128xf32, #tpu.memory_space<vmem>> -> memref<16x128xf32, #tpu.memory_space<vmem>>
      %dma_wait3A_107 = arith.constant 0 : i32
      %dma_wait3A_108 = tpu.memref_slice %arg8[%run_scoped3A_66, %mul3A_65, %dma_wait3A_107] : memref<16x256x128xf32, #tpu.memory_space<vmem_shared>> -> memref<1x16x128xf32, #tpu.memory_space<vmem_shared>>
      %dma_wait3A_109 = tpu.memref_squeeze %dma_wait3A_108 : memref<1x16x128xf32, #tpu.memory_space<vmem_shared>> -> memref<16x128xf32, #tpu.memory_space<vmem_shared>>
      tpu.wait_dma2 semaphore(%run_scoped3A_83 : memref<!tpu.dma_semaphore, #tpu.memory_space<semaphore_mem>>) src(%dma_wait3A_109 : memref<16x128xf32, #tpu.memory_space<vmem_shared>>) dst(%dma_wait3A_106 : memref<16x128xf32, #tpu.memory_space<vmem>>)
      tpu.yield
    }) : () -> ()
    %mul3A_68 = arith.constant 16 : i32
    %mul3A_69 = arith.muli %arg1, %mul3A_68 : i32
    %run_scoped3A_70 = arith.constant 14 : i32
    %run_scoped3A_71 = arith.constant 14 : i32
    "tpu.region"() ({
      %run_scoped3A_83 = tpu.sem_alloc : memref<!tpu.dma_semaphore, #tpu.memory_space<semaphore_mem>>
      %dma_start3A = arith.constant 0 : i32
      %dma_start3A_84 = arith.constant 0 : i32
      %dma_start3A_85 = tpu.memref_slice %arg6[%run_scoped3A_71, %dma_start3A, %dma_start3A_84] : memref<16x16x128xf32, #tpu.memory_space<vmem>> -> memref<1x16x128xf32, #tpu.memory_space<vmem>>
      %dma_start3A_86 = tpu.memref_squeeze %dma_start3A_85 : memref<1x16x128xf32, #tpu.memory_space<vmem>> -> memref<16x128xf32, #tpu.memory_space<vmem>>
      %dma_start3A_87 = arith.constant 0 : i32
      %dma_start3A_88 = tpu.memref_slice %arg8[%run_scoped3A_70, %mul3A_69, %dma_start3A_87] : memref<16x256x128xf32, #tpu.memory_space<vmem_shared>> -> memref<1x16x128xf32, #tpu.memory_space<vmem_shared>>
      %dma_start3A_89 = tpu.memref_squeeze %dma_start3A_88 : memref<1x16x128xf32, #tpu.memory_space<vmem_shared>> -> memref<16x128xf32, #tpu.memory_space<vmem_shared>>
      %dma_start3A_90 = arith.constant 0 : i32
      %dma_start3A_91 = arith.constant 0 : i32
      %dma_start3A_92 = tpu.memref_slice %arg6[%run_scoped3A_71, %dma_start3A_90, %dma_start3A_91] : memref<16x16x128xf32, #tpu.memory_space<vmem>> -> memref<1x16x128xf32, #tpu.memory_space<vmem>>
      %dma_start3A_93 = tpu.memref_squeeze %dma_start3A_92 : memref<1x16x128xf32, #tpu.memory_space<vmem>> -> memref<16x128xf32, #tpu.memory_space<vmem>>
      %dma_start3A_94 = arith.constant 0 : i32
      %dma_start3A_95 = tpu.memref_slice %arg8[%run_scoped3A_70, %mul3A_69, %dma_start3A_94] : memref<16x256x128xf32, #tpu.memory_space<vmem_shared>> -> memref<1x16x128xf32, #tpu.memory_space<vmem_shared>>
      %dma_start3A_96 = tpu.memref_squeeze %dma_start3A_95 : memref<1x16x128xf32, #tpu.memory_space<vmem_shared>> -> memref<16x128xf32, #tpu.memory_space<vmem_shared>>
      tpu.enqueue_dma source(%dma_start3A_96 : memref<16x128xf32, #tpu.memory_space<vmem_shared>>) target(%dma_start3A_93 : memref<16x128xf32, #tpu.memory_space<vmem>>) target_semaphore(%run_scoped3A_83 : memref<!tpu.dma_semaphore, #tpu.memory_space<semaphore_mem>>)
      %dma_wait3A = arith.constant 0 : i32
      %dma_wait3A_97 = arith.constant 0 : i32
      %dma_wait3A_98 = tpu.memref_slice %arg6[%run_scoped3A_71, %dma_wait3A, %dma_wait3A_97] : memref<16x16x128xf32, #tpu.memory_space<vmem>> -> memref<1x16x128xf32, #tpu.memory_space<vmem>>
      %dma_wait3A_99 = tpu.memref_squeeze %dma_wait3A_98 : memref<1x16x128xf32, #tpu.memory_space<vmem>> -> memref<16x128xf32, #tpu.memory_space<vmem>>
      %dma_wait3A_100 = arith.constant 0 : i32
      %dma_wait3A_101 = tpu.memref_slice %arg8[%run_scoped3A_70, %mul3A_69, %dma_wait3A_100] : memref<16x256x128xf32, #tpu.memory_space<vmem_shared>> -> memref<1x16x128xf32, #tpu.memory_space<vmem_shared>>
      %dma_wait3A_102 = tpu.memref_squeeze %dma_wait3A_101 : memref<1x16x128xf32, #tpu.memory_space<vmem_shared>> -> memref<16x128xf32, #tpu.memory_space<vmem_shared>>
      %dma_wait3A_103 = arith.constant 0 : i32
      %dma_wait3A_104 = arith.constant 0 : i32
      %dma_wait3A_105 = tpu.memref_slice %arg6[%run_scoped3A_71, %dma_wait3A_103, %dma_wait3A_104] : memref<16x16x128xf32, #tpu.memory_space<vmem>> -> memref<1x16x128xf32, #tpu.memory_space<vmem>>
      %dma_wait3A_106 = tpu.memref_squeeze %dma_wait3A_105 : memref<1x16x128xf32, #tpu.memory_space<vmem>> -> memref<16x128xf32, #tpu.memory_space<vmem>>
      %dma_wait3A_107 = arith.constant 0 : i32
      %dma_wait3A_108 = tpu.memref_slice %arg8[%run_scoped3A_70, %mul3A_69, %dma_wait3A_107] : memref<16x256x128xf32, #tpu.memory_space<vmem_shared>> -> memref<1x16x128xf32, #tpu.memory_space<vmem_shared>>
      %dma_wait3A_109 = tpu.memref_squeeze %dma_wait3A_108 : memref<1x16x128xf32, #tpu.memory_space<vmem_shared>> -> memref<16x128xf32, #tpu.memory_space<vmem_shared>>
      tpu.wait_dma2 semaphore(%run_scoped3A_83 : memref<!tpu.dma_semaphore, #tpu.memory_space<semaphore_mem>>) src(%dma_wait3A_109 : memref<16x128xf32, #tpu.memory_space<vmem_shared>>) dst(%dma_wait3A_106 : memref<16x128xf32, #tpu.memory_space<vmem>>)
      tpu.yield
    }) : () -> ()
    %mul3A_72 = arith.constant 16 : i32
    %mul3A_73 = arith.muli %arg1, %mul3A_72 : i32
    %run_scoped3A_74 = arith.constant 15 : i32
    %run_scoped3A_75 = arith.constant 15 : i32
    "tpu.region"() ({
      %run_scoped3A_83 = tpu.sem_alloc : memref<!tpu.dma_semaphore, #tpu.memory_space<semaphore_mem>>
      %dma_start3A = arith.constant 0 : i32
      %dma_start3A_84 = arith.constant 0 : i32
      %dma_start3A_85 = tpu.memref_slice %arg6[%run_scoped3A_75, %dma_start3A, %dma_start3A_84] : memref<16x16x128xf32, #tpu.memory_space<vmem>> -> memref<1x16x128xf32, #tpu.memory_space<vmem>>
      %dma_start3A_86 = tpu.memref_squeeze %dma_start3A_85 : memref<1x16x128xf32, #tpu.memory_space<vmem>> -> memref<16x128xf32, #tpu.memory_space<vmem>>
      %dma_start3A_87 = arith.constant 0 : i32
      %dma_start3A_88 = tpu.memref_slice %arg8[%run_scoped3A_74, %mul3A_73, %dma_start3A_87] : memref<16x256x128xf32, #tpu.memory_space<vmem_shared>> -> memref<1x16x128xf32, #tpu.memory_space<vmem_shared>>
      %dma_start3A_89 = tpu.memref_squeeze %dma_start3A_88 : memref<1x16x128xf32, #tpu.memory_space<vmem_shared>> -> memref<16x128xf32, #tpu.memory_space<vmem_shared>>
      %dma_start3A_90 = arith.constant 0 : i32
      %dma_start3A_91 = arith.constant 0 : i32
      %dma_start3A_92 = tpu.memref_slice %arg6[%run_scoped3A_75, %dma_start3A_90, %dma_start3A_91] : memref<16x16x128xf32, #tpu.memory_space<vmem>> -> memref<1x16x128xf32, #tpu.memory_space<vmem>>
      %dma_start3A_93 = tpu.memref_squeeze %dma_start3A_92 : memref<1x16x128xf32, #tpu.memory_space<vmem>> -> memref<16x128xf32, #tpu.memory_space<vmem>>
      %dma_start3A_94 = arith.constant 0 : i32
      %dma_start3A_95 = tpu.memref_slice %arg8[%run_scoped3A_74, %mul3A_73, %dma_start3A_94] : memref<16x256x128xf32, #tpu.memory_space<vmem_shared>> -> memref<1x16x128xf32, #tpu.memory_space<vmem_shared>>
      %dma_start3A_96 = tpu.memref_squeeze %dma_start3A_95 : memref<1x16x128xf32, #tpu.memory_space<vmem_shared>> -> memref<16x128xf32, #tpu.memory_space<vmem_shared>>
      tpu.enqueue_dma source(%dma_start3A_96 : memref<16x128xf32, #tpu.memory_space<vmem_shared>>) target(%dma_start3A_93 : memref<16x128xf32, #tpu.memory_space<vmem>>) target_semaphore(%run_scoped3A_83 : memref<!tpu.dma_semaphore, #tpu.memory_space<semaphore_mem>>)
      %dma_wait3A = arith.constant 0 : i32
      %dma_wait3A_97 = arith.constant 0 : i32
      %dma_wait3A_98 = tpu.memref_slice %arg6[%run_scoped3A_75, %dma_wait3A, %dma_wait3A_97] : memref<16x16x128xf32, #tpu.memory_space<vmem>> -> memref<1x16x128xf32, #tpu.memory_space<vmem>>
      %dma_wait3A_99 = tpu.memref_squeeze %dma_wait3A_98 : memref<1x16x128xf32, #tpu.memory_space<vmem>> -> memref<16x128xf32, #tpu.memory_space<vmem>>
      %dma_wait3A_100 = arith.constant 0 : i32
      %dma_wait3A_101 = tpu.memref_slice %arg8[%run_scoped3A_74, %mul3A_73, %dma_wait3A_100] : memref<16x256x128xf32, #tpu.memory_space<vmem_shared>> -> memref<1x16x128xf32, #tpu.memory_space<vmem_shared>>
      %dma_wait3A_102 = tpu.memref_squeeze %dma_wait3A_101 : memref<1x16x128xf32, #tpu.memory_space<vmem_shared>> -> memref<16x128xf32, #tpu.memory_space<vmem_shared>>
      %dma_wait3A_103 = arith.constant 0 : i32
      %dma_wait3A_104 = arith.constant 0 : i32
      %dma_wait3A_105 = tpu.memref_slice %arg6[%run_scoped3A_75, %dma_wait3A_103, %dma_wait3A_104] : memref<16x16x128xf32, #tpu.memory_space<vmem>> -> memref<1x16x128xf32, #tpu.memory_space<vmem>>
      %dma_wait3A_106 = tpu.memref_squeeze %dma_wait3A_105 : memref<1x16x128xf32, #tpu.memory_space<vmem>> -> memref<16x128xf32, #tpu.memory_space<vmem>>
      %dma_wait3A_107 = arith.constant 0 : i32
      %dma_wait3A_108 = tpu.memref_slice %arg8[%run_scoped3A_74, %mul3A_73, %dma_wait3A_107] : memref<16x256x128xf32, #tpu.memory_space<vmem_shared>> -> memref<1x16x128xf32, #tpu.memory_space<vmem_shared>>
      %dma_wait3A_109 = tpu.memref_squeeze %dma_wait3A_108 : memref<1x16x128xf32, #tpu.memory_space<vmem_shared>> -> memref<16x128xf32, #tpu.memory_space<vmem_shared>>
      tpu.wait_dma2 semaphore(%run_scoped3A_83 : memref<!tpu.dma_semaphore, #tpu.memory_space<semaphore_mem>>) src(%dma_wait3A_109 : memref<16x128xf32, #tpu.memory_space<vmem_shared>>) dst(%dma_wait3A_106 : memref<16x128xf32, #tpu.memory_space<vmem>>)
      tpu.yield
    }) : () -> ()
    %scan3A_76 = arith.constant 0 : i32
    %scan3A_77 = arith.constant 16 : i32
    %scan3A_78 = arith.addi %scan3A_76, %scan3A_77 : i32
    %scan3A_79 = arith.constant 1 : i32
    scf.for %scan3A_83 = %scan3A_76 to %scan3A_78 step %scan3A_79  : i32 {
      %mul3A_84 = arith.constant 1 : i32
      %mul3A_85 = arith.muli %scan3A_83, %mul3A_84 : i32
      %add3A_86 = arith.constant 0 : i32
      %add3A_87 = arith.addi %add3A_86, %mul3A_85 : i32
      %get3A = arith.constant 0 : i32
      %get3A_88 = arith.index_cast %get3A : i32 to index
      %get3A_89 = arith.index_cast %add3A_87 : i32 to index
      %get3A_90 = arith.constant 0 : index
      %get3A_91 = tpu.vector_load %arg6[%get3A_88, %get3A_89, %get3A_90] {strides = array<i32>} : memref<16x16x128xf32, #tpu.memory_space<vmem>>, vector<16xf32>,
      %get3A_92 = arith.constant 1 : i32
      %get3A_93 = arith.index_cast %get3A_92 : i32 to index
      %get3A_94 = arith.index_cast %add3A_87 : i32 to index
      %get3A_95 = arith.constant 0 : index
      %get3A_96 = tpu.vector_load %arg6[%get3A_93, %get3A_94, %get3A_95] {strides = array<i32>} : memref<16x16x128xf32, #tpu.memory_space<vmem>>, vector<16xf32>,
      %add3A_97 = arith.addf %get3A_91, %get3A_96 : vector<16xf32>
      %get3A_98 = arith.constant 2 : i32
      %get3A_99 = arith.index_cast %get3A_98 : i32 to index
      %get3A_100 = arith.index_cast %add3A_87 : i32 to index
      %get3A_101 = arith.constant 0 : index
      %get3A_102 = tpu.vector_load %arg6[%get3A_99, %get3A_100, %get3A_101] {strides = array<i32>} : memref<16x16x128xf32, #tpu.memory_space<vmem>>, vector<16xf32>,
      %add3A_103 = arith.addf %add3A_97, %get3A_102 : vector<16xf32>
      %get3A_104 = arith.constant 3 : i32
      %get3A_105 = arith.index_cast %get3A_104 : i32 to index
      %get3A_106 = arith.index_cast %add3A_87 : i32 to index
      %get3A_107 = arith.constant 0 : index
      %get3A_108 = tpu.vector_load %arg6[%get3A_105, %get3A_106, %get3A_107] {strides = array<i32>} : memref<16x16x128xf32, #tpu.memory_space<vmem>>, vector<16xf32>,
      %add3A_109 = arith.addf %add3A_103, %get3A_108 : vector<16xf32>
      %get3A_110 = arith.constant 4 : i32
      %get3A_111 = arith.index_cast %get3A_110 : i32 to index
      %get3A_112 = arith.index_cast %add3A_87 : i32 to index
      %get3A_113 = arith.constant 0 : index
      %get3A_114 = tpu.vector_load %arg6[%get3A_111, %get3A_112, %get3A_113] {strides = array<i32>} : memref<16x16x128xf32, #tpu.memory_space<vmem>>, vector<16xf32>,
      %add3A_115 = arith.addf %add3A_109, %get3A_114 : vector<16xf32>
      %get3A_116 = arith.constant 5 : i32
      %get3A_117 = arith.index_cast %get3A_116 : i32 to index
      %get3A_118 = arith.index_cast %add3A_87 : i32 to index
      %get3A_119 = arith.constant 0 : index
      %get3A_120 = tpu.vector_load %arg6[%get3A_117, %get3A_118, %get3A_119] {strides = array<i32>} : memref<16x16x128xf32, #tpu.memory_space<vmem>>, vector<16xf32>,
      %add3A_121 = arith.addf %add3A_115, %get3A_120 : vector<16xf32>
      %get3A_122 = arith.constant 6 : i32
      %get3A_123 = arith.index_cast %get3A_122 : i32 to index
      %get3A_124 = arith.index_cast %add3A_87 : i32 to index
      %get3A_125 = arith.constant 0 : index
      %get3A_126 = tpu.vector_load %arg6[%get3A_123, %get3A_124, %get3A_125] {strides = array<i32>} : memref<16x16x128xf32, #tpu.memory_space<vmem>>, vector<16xf32>,
      %add3A_127 = arith.addf %add3A_121, %get3A_126 : vector<16xf32>
      %get3A_128 = arith.constant 7 : i32
      %get3A_129 = arith.index_cast %get3A_128 : i32 to index
      %get3A_130 = arith.index_cast %add3A_87 : i32 to index
      %get3A_131 = arith.constant 0 : index
      %get3A_132 = tpu.vector_load %arg6[%get3A_129, %get3A_130, %get3A_131] {strides = array<i32>} : memref<16x16x128xf32, #tpu.memory_space<vmem>>, vector<16xf32>,
      %add3A_133 = arith.addf %add3A_127, %get3A_132 : vector<16xf32>
      %get3A_134 = arith.constant 8 : i32
      %get3A_135 = arith.index_cast %get3A_134 : i32 to index
      %get3A_136 = arith.index_cast %add3A_87 : i32 to index
      %get3A_137 = arith.constant 0 : index
      %get3A_138 = tpu.vector_load %arg6[%get3A_135, %get3A_136, %get3A_137] {strides = array<i32>} : memref<16x16x128xf32, #tpu.memory_space<vmem>>, vector<16xf32>,
      %add3A_139 = arith.addf %add3A_133, %get3A_138 : vector<16xf32>
      %get3A_140 = arith.constant 9 : i32
      %get3A_141 = arith.index_cast %get3A_140 : i32 to index
      %get3A_142 = arith.index_cast %add3A_87 : i32 to index
      %get3A_143 = arith.constant 0 : index
      %get3A_144 = tpu.vector_load %arg6[%get3A_141, %get3A_142, %get3A_143] {strides = array<i32>} : memref<16x16x128xf32, #tpu.memory_space<vmem>>, vector<16xf32>,
      %add3A_145 = arith.addf %add3A_139, %get3A_144 : vector<16xf32>
      %get3A_146 = arith.constant 10 : i32
      %get3A_147 = arith.index_cast %get3A_146 : i32 to index
      %get3A_148 = arith.index_cast %add3A_87 : i32 to index
      %get3A_149 = arith.constant 0 : index
      %get3A_150 = tpu.vector_load %arg6[%get3A_147, %get3A_148, %get3A_149] {strides = array<i32>} : memref<16x16x128xf32, #tpu.memory_space<vmem>>, vector<16xf32>,
      %add3A_151 = arith.addf %add3A_145, %get3A_150 : vector<16xf32>
      %get3A_152 = arith.constant 11 : i32
      %get3A_153 = arith.index_cast %get3A_152 : i32 to index
      %get3A_154 = arith.index_cast %add3A_87 : i32 to index
      %get3A_155 = arith.constant 0 : index
      %get3A_156 = tpu.vector_load %arg6[%get3A_153, %get3A_154, %get3A_155] {strides = array<i32>} : memref<16x16x128xf32, #tpu.memory_space<vmem>>, vector<16xf32>,
      %add3A_157 = arith.addf %add3A_151, %get3A_156 : vector<16xf32>
      %get3A_158 = arith.constant 12 : i32
      %get3A_159 = arith.index_cast %get3A_158 : i32 to index
      %get3A_160 = arith.index_cast %add3A_87 : i32 to index
      %get3A_161 = arith.constant 0 : index
      %get3A_162 = tpu.vector_load %arg6[%get3A_159, %get3A_160, %get3A_161] {strides = array<i32>} : memref<16x16x128xf32, #tpu.memory_space<vmem>>, vector<16xf32>,
      %add3A_163 = arith.addf %add3A_157, %get3A_162 : vector<16xf32>
      %get3A_164 = arith.constant 13 : i32
      %get3A_165 = arith.index_cast %get3A_164 : i32 to index
      %get3A_166 = arith.index_cast %add3A_87 : i32 to index
      %get3A_167 = arith.constant 0 : index
      %get3A_168 = tpu.vector_load %arg6[%get3A_165, %get3A_166, %get3A_167] {strides = array<i32>} : memref<16x16x128xf32, #tpu.memory_space<vmem>>, vector<16xf32>,
      %add3A_169 = arith.addf %add3A_163, %get3A_168 : vector<16xf32>
      %get3A_170 = arith.constant 14 : i32
      %get3A_171 = arith.index_cast %get3A_170 : i32 to index
      %get3A_172 = arith.index_cast %add3A_87 : i32 to index
      %get3A_173 = arith.constant 0 : index
      %get3A_174 = tpu.vector_load %arg6[%get3A_171, %get3A_172, %get3A_173] {strides = array<i32>} : memref<16x16x128xf32, #tpu.memory_space<vmem>>, vector<16xf32>,
      %add3A_175 = arith.addf %add3A_169, %get3A_174 : vector<16xf32>
      %get3A_176 = arith.constant 15 : i32
      %get3A_177 = arith.index_cast %get3A_176 : i32 to index
      %get3A_178 = arith.index_cast %add3A_87 : i32 to index
      %get3A_179 = arith.constant 0 : index
      %get3A_180 = tpu.vector_load %arg6[%get3A_177, %get3A_178, %get3A_179] {strides = array<i32>} : memref<16x16x128xf32, #tpu.memory_space<vmem>>, vector<16xf32>,
      %add3A_181 = arith.addf %add3A_175, %get3A_180 : vector<16xf32>
      %swap3A = arith.index_cast %add3A_87 : i32 to index
      %swap3A_182 = arith.constant 0 : index
      %swap3A_183 = tpu.vector_load %arg7[%swap3A, %swap3A_182] {strides = array<i32>} : memref<16x128xf32, #tpu.memory_space<vmem>>, vector<16xf32>,
      tpu.vector_store %arg7[%swap3A, %swap3A_182], %add3A_181 {strides = array<i32>} : memref<16x128xf32, #tpu.memory_space<vmem>>, vector<16xf32>,
      %get3A_184 = arith.constant 0 : i32
      %get3A_185 = arith.index_cast %get3A_184 : i32 to index
      %get3A_186 = arith.index_cast %add3A_87 : i32 to index
      %get3A_187 = arith.constant 16 : index
      %get3A_188 = tpu.vector_load %arg6[%get3A_185, %get3A_186, %get3A_187] {strides = array<i32>} : memref<16x16x128xf32, #tpu.memory_space<vmem>>, vector<16xf32>,
      %get3A_189 = arith.constant 1 : i32
      %get3A_190 = arith.index_cast %get3A_189 : i32 to index
      %get3A_191 = arith.index_cast %add3A_87 : i32 to index
      %get3A_192 = arith.constant 16 : index
      %get3A_193 = tpu.vector_load %arg6[%get3A_190, %get3A_191, %get3A_192] {strides = array<i32>} : memref<16x16x128xf32, #tpu.memory_space<vmem>>, vector<16xf32>,
      %add3A_194 = arith.addf %get3A_188, %get3A_193 : vector<16xf32>
      %get3A_195 = arith.constant 2 : i32
      %get3A_196 = arith.index_cast %get3A_195 : i32 to index
      %get3A_197 = arith.index_cast %add3A_87 : i32 to index
      %get3A_198 = arith.constant 16 : index
      %get3A_199 = tpu.vector_load %arg6[%get3A_196, %get3A_197, %get3A_198] {strides = array<i32>} : memref<16x16x128xf32, #tpu.memory_space<vmem>>, vector<16xf32>,
      %add3A_200 = arith.addf %add3A_194, %get3A_199 : vector<16xf32>
      %get3A_201 = arith.constant 3 : i32
      %get3A_202 = arith.index_cast %get3A_201 : i32 to index
      %get3A_203 = arith.index_cast %add3A_87 : i32 to index
      %get3A_204 = arith.constant 16 : index
      %get3A_205 = tpu.vector_load %arg6[%get3A_202, %get3A_203, %get3A_204] {strides = array<i32>} : memref<16x16x128xf32, #tpu.memory_space<vmem>>, vector<16xf32>,
      %add3A_206 = arith.addf %add3A_200, %get3A_205 : vector<16xf32>
      %get3A_207 = arith.constant 4 : i32
      %get3A_208 = arith.index_cast %get3A_207 : i32 to index
      %get3A_209 = arith.index_cast %add3A_87 : i32 to index
      %get3A_210 = arith.constant 16 : index
      %get3A_211 = tpu.vector_load %arg6[%get3A_208, %get3A_209, %get3A_210] {strides = array<i32>} : memref<16x16x128xf32, #tpu.memory_space<vmem>>, vector<16xf32>,
      %add3A_212 = arith.addf %add3A_206, %get3A_211 : vector<16xf32>
      %get3A_213 = arith.constant 5 : i32
      %get3A_214 = arith.index_cast %get3A_213 : i32 to index
      %get3A_215 = arith.index_cast %add3A_87 : i32 to index
      %get3A_216 = arith.constant 16 : index
      %get3A_217 = tpu.vector_load %arg6[%get3A_214, %get3A_215, %get3A_216] {strides = array<i32>} : memref<16x16x128xf32, #tpu.memory_space<vmem>>, vector<16xf32>,
      %add3A_218 = arith.addf %add3A_212, %get3A_217 : vector<16xf32>
      %get3A_219 = arith.constant 6 : i32
      %get3A_220 = arith.index_cast %get3A_219 : i32 to index
      %get3A_221 = arith.index_cast %add3A_87 : i32 to index
      %get3A_222 = arith.constant 16 : index
      %get3A_223 = tpu.vector_load %arg6[%get3A_220, %get3A_221, %get3A_222] {strides = array<i32>} : memref<16x16x128xf32, #tpu.memory_space<vmem>>, vector<16xf32>,
      %add3A_224 = arith.addf %add3A_218, %get3A_223 : vector<16xf32>
      %get3A_225 = arith.constant 7 : i32
      %get3A_226 = arith.index_cast %get3A_225 : i32 to index
      %get3A_227 = arith.index_cast %add3A_87 : i32 to index
      %get3A_228 = arith.constant 16 : index
      %get3A_229 = tpu.vector_load %arg6[%get3A_226, %get3A_227, %get3A_228] {strides = array<i32>} : memref<16x16x128xf32, #tpu.memory_space<vmem>>, vector<16xf32>,
      %add3A_230 = arith.addf %add3A_224, %get3A_229 : vector<16xf32>
      %get3A_231 = arith.constant 8 : i32
      %get3A_232 = arith.index_cast %get3A_231 : i32 to index
      %get3A_233 = arith.index_cast %add3A_87 : i32 to index
      %get3A_234 = arith.constant 16 : index
      %get3A_235 = tpu.vector_load %arg6[%get3A_232, %get3A_233, %get3A_234] {strides = array<i32>} : memref<16x16x128xf32, #tpu.memory_space<vmem>>, vector<16xf32>,
      %add3A_236 = arith.addf %add3A_230, %get3A_235 : vector<16xf32>
      %get3A_237 = arith.constant 9 : i32
      %get3A_238 = arith.index_cast %get3A_237 : i32 to index
      %get3A_239 = arith.index_cast %add3A_87 : i32 to index
      %get3A_240 = arith.constant 16 : index
      %get3A_241 = tpu.vector_load %arg6[%get3A_238, %get3A_239, %get3A_240] {strides = array<i32>} : memref<16x16x128xf32, #tpu.memory_space<vmem>>, vector<16xf32>,
      %add3A_242 = arith.addf %add3A_236, %get3A_241 : vector<16xf32>
      %get3A_243 = arith.constant 10 : i32
      %get3A_244 = arith.index_cast %get3A_243 : i32 to index
      %get3A_245 = arith.index_cast %add3A_87 : i32 to index
      %get3A_246 = arith.constant 16 : index
      %get3A_247 = tpu.vector_load %arg6[%get3A_244, %get3A_245, %get3A_246] {strides = array<i32>} : memref<16x16x128xf32, #tpu.memory_space<vmem>>, vector<16xf32>,
      %add3A_248 = arith.addf %add3A_242, %get3A_247 : vector<16xf32>
      %get3A_249 = arith.constant 11 : i32
      %get3A_250 = arith.index_cast %get3A_249 : i32 to index
      %get3A_251 = arith.index_cast %add3A_87 : i32 to index
      %get3A_252 = arith.constant 16 : index
      %get3A_253 = tpu.vector_load %arg6[%get3A_250, %get3A_251, %get3A_252] {strides = array<i32>} : memref<16x16x128xf32, #tpu.memory_space<vmem>>, vector<16xf32>,
      %add3A_254 = arith.addf %add3A_248, %get3A_253 : vector<16xf32>
      %get3A_255 = arith.constant 12 : i32
      %get3A_256 = arith.index_cast %get3A_255 : i32 to index
      %get3A_257 = arith.index_cast %add3A_87 : i32 to index
      %get3A_258 = arith.constant 16 : index
      %get3A_259 = tpu.vector_load %arg6[%get3A_256, %get3A_257, %get3A_258] {strides = array<i32>} : memref<16x16x128xf32, #tpu.memory_space<vmem>>, vector<16xf32>,
      %add3A_260 = arith.addf %add3A_254, %get3A_259 : vector<16xf32>
      %get3A_261 = arith.constant 13 : i32
      %get3A_262 = arith.index_cast %get3A_261 : i32 to index
      %get3A_263 = arith.index_cast %add3A_87 : i32 to index
      %get3A_264 = arith.constant 16 : index
      %get3A_265 = tpu.vector_load %arg6[%get3A_262, %get3A_263, %get3A_264] {strides = array<i32>} : memref<16x16x128xf32, #tpu.memory_space<vmem>>, vector<16xf32>,
      %add3A_266 = arith.addf %add3A_260, %get3A_265 : vector<16xf32>
      %get3A_267 = arith.constant 14 : i32
      %get3A_268 = arith.index_cast %get3A_267 : i32 to index
      %get3A_269 = arith.index_cast %add3A_87 : i32 to index
      %get3A_270 = arith.constant 16 : index
      %get3A_271 = tpu.vector_load %arg6[%get3A_268, %get3A_269, %get3A_270] {strides = array<i32>} : memref<16x16x128xf32, #tpu.memory_space<vmem>>, vector<16xf32>,
      %add3A_272 = arith.addf %add3A_266, %get3A_271 : vector<16xf32>
      %get3A_273 = arith.constant 15 : i32
      %get3A_274 = arith.index_cast %get3A_273 : i32 to index
      %get3A_275 = arith.index_cast %add3A_87 : i32 to index
      %get3A_276 = arith.constant 16 : index
      %get3A_277 = tpu.vector_load %arg6[%get3A_274, %get3A_275, %get3A_276] {strides = array<i32>} : memref<16x16x128xf32, #tpu.memory_space<vmem>>, vector<16xf32>,
      %add3A_278 = arith.addf %add3A_272, %get3A_277 : vector<16xf32>
      %swap3A_279 = arith.index_cast %add3A_87 : i32 to index
      %swap3A_280 = arith.constant 16 : index
      %swap3A_281 = tpu.vector_load %arg7[%swap3A_279, %swap3A_280] {strides = array<i32>} : memref<16x128xf32, #tpu.memory_space<vmem>>, vector<16xf32>,
      tpu.vector_store %arg7[%swap3A_279, %swap3A_280], %add3A_278 {strides = array<i32>} : memref<16x128xf32, #tpu.memory_space<vmem>>, vector<16xf32>,
      %get3A_282 = arith.constant 0 : i32
      %get3A_283 = arith.index_cast %get3A_282 : i32 to index
      %get3A_284 = arith.index_cast %add3A_87 : i32 to index
      %get3A_285 = arith.constant 32 : index
      %get3A_286 = tpu.vector_load %arg6[%get3A_283, %get3A_284, %get3A_285] {strides = array<i32>} : memref<16x16x128xf32, #tpu.memory_space<vmem>>, vector<16xf32>,
      %get3A_287 = arith.constant 1 : i32
      %get3A_288 = arith.index_cast %get3A_287 : i32 to index
      %get3A_289 = arith.index_cast %add3A_87 : i32 to index
      %get3A_290 = arith.constant 32 : index
      %get3A_291 = tpu.vector_load %arg6[%get3A_288, %get3A_289, %get3A_290] {strides = array<i32>} : memref<16x16x128xf32, #tpu.memory_space<vmem>>, vector<16xf32>,
      %add3A_292 = arith.addf %get3A_286, %get3A_291 : vector<16xf32>
      %get3A_293 = arith.constant 2 : i32
      %get3A_294 = arith.index_cast %get3A_293 : i32 to index
      %get3A_295 = arith.index_cast %add3A_87 : i32 to index
      %get3A_296 = arith.constant 32 : index
      %get3A_297 = tpu.vector_load %arg6[%get3A_294, %get3A_295, %get3A_296] {strides = array<i32>} : memref<16x16x128xf32, #tpu.memory_space<vmem>>, vector<16xf32>,
      %add3A_298 = arith.addf %add3A_292, %get3A_297 : vector<16xf32>
      %get3A_299 = arith.constant 3 : i32
      %get3A_300 = arith.index_cast %get3A_299 : i32 to index
      %get3A_301 = arith.index_cast %add3A_87 : i32 to index
      %get3A_302 = arith.constant 32 : index
      %get3A_303 = tpu.vector_load %arg6[%get3A_300, %get3A_301, %get3A_302] {strides = array<i32>} : memref<16x16x128xf32, #tpu.memory_space<vmem>>, vector<16xf32>,
      %add3A_304 = arith.addf %add3A_298, %get3A_303 : vector<16xf32>
      %get3A_305 = arith.constant 4 : i32
      %get3A_306 = arith.index_cast %get3A_305 : i32 to index
      %get3A_307 = arith.index_cast %add3A_87 : i32 to index
      %get3A_308 = arith.constant 32 : index
      %get3A_309 = tpu.vector_load %arg6[%get3A_306, %get3A_307, %get3A_308] {strides = array<i32>} : memref<16x16x128xf32, #tpu.memory_space<vmem>>, vector<16xf32>,
      %add3A_310 = arith.addf %add3A_304, %get3A_309 : vector<16xf32>
      %get3A_311 = arith.constant 5 : i32
      %get3A_312 = arith.index_cast %get3A_311 : i32 to index
      %get3A_313 = arith.index_cast %add3A_87 : i32 to index
      %get3A_314 = arith.constant 32 : index
      %get3A_315 = tpu.vector_load %arg6[%get3A_312, %get3A_313, %get3A_314] {strides = array<i32>} : memref<16x16x128xf32, #tpu.memory_space<vmem>>, vector<16xf32>,
      %add3A_316 = arith.addf %add3A_310, %get3A_315 : vector<16xf32>
      %get3A_317 = arith.constant 6 : i32
      %get3A_318 = arith.index_cast %get3A_317 : i32 to index
      %get3A_319 = arith.index_cast %add3A_87 : i32 to index
      %get3A_320 = arith.constant 32 : index
      %get3A_321 = tpu.vector_load %arg6[%get3A_318, %get3A_319, %get3A_320] {strides = array<i32>} : memref<16x16x128xf32, #tpu.memory_space<vmem>>, vector<16xf32>,
      %add3A_322 = arith.addf %add3A_316, %get3A_321 : vector<16xf32>
      %get3A_323 = arith.constant 7 : i32
      %get3A_324 = arith.index_cast %get3A_323 : i32 to index
      %get3A_325 = arith.index_cast %add3A_87 : i32 to index
      %get3A_326 = arith.constant 32 : index
      %get3A_327 = tpu.vector_load %arg6[%get3A_324, %get3A_325, %get3A_326] {strides = array<i32>} : memref<16x16x128xf32, #tpu.memory_space<vmem>>, vector<16xf32>,
      %add3A_328 = arith.addf %add3A_322, %get3A_327 : vector<16xf32>
      %get3A_329 = arith.constant 8 : i32
      %get3A_330 = arith.index_cast %get3A_329 : i32 to index
      %get3A_331 = arith.index_cast %add3A_87 : i32 to index
      %get3A_332 = arith.constant 32 : index
      %get3A_333 = tpu.vector_load %arg6[%get3A_330, %get3A_331, %get3A_332] {strides = array<i32>} : memref<16x16x128xf32, #tpu.memory_space<vmem>>, vector<16xf32>,
      %add3A_334 = arith.addf %add3A_328, %get3A_333 : vector<16xf32>
      %get3A_335 = arith.constant 9 : i32
      %get3A_336 = arith.index_cast %get3A_335 : i32 to index
      %get3A_337 = arith.index_cast %add3A_87 : i32 to index
      %get3A_338 = arith.constant 32 : index
      %get3A_339 = tpu.vector_load %arg6[%get3A_336, %get3A_337, %get3A_338] {strides = array<i32>} : memref<16x16x128xf32, #tpu.memory_space<vmem>>, vector<16xf32>,
      %add3A_340 = arith.addf %add3A_334, %get3A_339 : vector<16xf32>
      %get3A_341 = arith.constant 10 : i32
      %get3A_342 = arith.index_cast %get3A_341 : i32 to index
      %get3A_343 = arith.index_cast %add3A_87 : i32 to index
      %get3A_344 = arith.constant 32 : index
      %get3A_345 = tpu.vector_load %arg6[%get3A_342, %get3A_343, %get3A_344] {strides = array<i32>} : memref<16x16x128xf32, #tpu.memory_space<vmem>>, vector<16xf32>,
      %add3A_346 = arith.addf %add3A_340, %get3A_345 : vector<16xf32>
      %get3A_347 = arith.constant 11 : i32
      %get3A_348 = arith.index_cast %get3A_347 : i32 to index
      %get3A_349 = arith.index_cast %add3A_87 : i32 to index
      %get3A_350 = arith.constant 32 : index
      %get3A_351 = tpu.vector_load %arg6[%get3A_348, %get3A_349, %get3A_350] {strides = array<i32>} : memref<16x16x128xf32, #tpu.memory_space<vmem>>, vector<16xf32>,
      %add3A_352 = arith.addf %add3A_346, %get3A_351 : vector<16xf32>
      %get3A_353 = arith.constant 12 : i32
      %get3A_354 = arith.index_cast %get3A_353 : i32 to index
      %get3A_355 = arith.index_cast %add3A_87 : i32 to index
      %get3A_356 = arith.constant 32 : index
      %get3A_357 = tpu.vector_load %arg6[%get3A_354, %get3A_355, %get3A_356] {strides = array<i32>} : memref<16x16x128xf32, #tpu.memory_space<vmem>>, vector<16xf32>,
      %add3A_358 = arith.addf %add3A_352, %get3A_357 : vector<16xf32>
      %get3A_359 = arith.constant 13 : i32
      %get3A_360 = arith.index_cast %get3A_359 : i32 to index
      %get3A_361 = arith.index_cast %add3A_87 : i32 to index
      %get3A_362 = arith.constant 32 : index
      %get3A_363 = tpu.vector_load %arg6[%get3A_360, %get3A_361, %get3A_362] {strides = array<i32>} : memref<16x16x128xf32, #tpu.memory_space<vmem>>, vector<16xf32>,
      %add3A_364 = arith.addf %add3A_358, %get3A_363 : vector<16xf32>
      %get3A_365 = arith.constant 14 : i32
      %get3A_366 = arith.index_cast %get3A_365 : i32 to index
      %get3A_367 = arith.index_cast %add3A_87 : i32 to index
      %get3A_368 = arith.constant 32 : index
      %get3A_369 = tpu.vector_load %arg6[%get3A_366, %get3A_367, %get3A_368] {strides = array<i32>} : memref<16x16x128xf32, #tpu.memory_space<vmem>>, vector<16xf32>,
      %add3A_370 = arith.addf %add3A_364, %get3A_369 : vector<16xf32>
      %get3A_371 = arith.constant 15 : i32
      %get3A_372 = arith.index_cast %get3A_371 : i32 to index
      %get3A_373 = arith.index_cast %add3A_87 : i32 to index
      %get3A_374 = arith.constant 32 : index
      %get3A_375 = tpu.vector_load %arg6[%get3A_372, %get3A_373, %get3A_374] {strides = array<i32>} : memref<16x16x128xf32, #tpu.memory_space<vmem>>, vector<16xf32>,
      %add3A_376 = arith.addf %add3A_370, %get3A_375 : vector<16xf32>
      %swap3A_377 = arith.index_cast %add3A_87 : i32 to index
      %swap3A_378 = arith.constant 32 : index
      %swap3A_379 = tpu.vector_load %arg7[%swap3A_377, %swap3A_378] {strides = array<i32>} : memref<16x128xf32, #tpu.memory_space<vmem>>, vector<16xf32>,
      tpu.vector_store %arg7[%swap3A_377, %swap3A_378], %add3A_376 {strides = array<i32>} : memref<16x128xf32, #tpu.memory_space<vmem>>, vector<16xf32>,
      %get3A_380 = arith.constant 0 : i32
      %get3A_381 = arith.index_cast %get3A_380 : i32 to index
      %get3A_382 = arith.index_cast %add3A_87 : i32 to index
      %get3A_383 = arith.constant 48 : index
      %get3A_384 = tpu.vector_load %arg6[%get3A_381, %get3A_382, %get3A_383] {strides = array<i32>} : memref<16x16x128xf32, #tpu.memory_space<vmem>>, vector<16xf32>,
      %get3A_385 = arith.constant 1 : i32
      %get3A_386 = arith.index_cast %get3A_385 : i32 to index
      %get3A_387 = arith.index_cast %add3A_87 : i32 to index
      %get3A_388 = arith.constant 48 : index
      %get3A_389 = tpu.vector_load %arg6[%get3A_386, %get3A_387, %get3A_388] {strides = array<i32>} : memref<16x16x128xf32, #tpu.memory_space<vmem>>, vector<16xf32>,
      %add3A_390 = arith.addf %get3A_384, %get3A_389 : vector<16xf32>
      %get3A_391 = arith.constant 2 : i32
      %get3A_392 = arith.index_cast %get3A_391 : i32 to index
      %get3A_393 = arith.index_cast %add3A_87 : i32 to index
      %get3A_394 = arith.constant 48 : index
      %get3A_395 = tpu.vector_load %arg6[%get3A_392, %get3A_393, %get3A_394] {strides = array<i32>} : memref<16x16x128xf32, #tpu.memory_space<vmem>>, vector<16xf32>,
      %add3A_396 = arith.addf %add3A_390, %get3A_395 : vector<16xf32>
      %get3A_397 = arith.constant 3 : i32
      %get3A_398 = arith.index_cast %get3A_397 : i32 to index
      %get3A_399 = arith.index_cast %add3A_87 : i32 to index
      %get3A_400 = arith.constant 48 : index
      %get3A_401 = tpu.vector_load %arg6[%get3A_398, %get3A_399, %get3A_400] {strides = array<i32>} : memref<16x16x128xf32, #tpu.memory_space<vmem>>, vector<16xf32>,
      %add3A_402 = arith.addf %add3A_396, %get3A_401 : vector<16xf32>
      %get3A_403 = arith.constant 4 : i32
      %get3A_404 = arith.index_cast %get3A_403 : i32 to index
      %get3A_405 = arith.index_cast %add3A_87 : i32 to index
      %get3A_406 = arith.constant 48 : index
      %get3A_407 = tpu.vector_load %arg6[%get3A_404, %get3A_405, %get3A_406] {strides = array<i32>} : memref<16x16x128xf32, #tpu.memory_space<vmem>>, vector<16xf32>,
      %add3A_408 = arith.addf %add3A_402, %get3A_407 : vector<16xf32>
      %get3A_409 = arith.constant 5 : i32
      %get3A_410 = arith.index_cast %get3A_409 : i32 to index
      %get3A_411 = arith.index_cast %add3A_87 : i32 to index
      %get3A_412 = arith.constant 48 : index
      %get3A_413 = tpu.vector_load %arg6[%get3A_410, %get3A_411, %get3A_412] {strides = array<i32>} : memref<16x16x128xf32, #tpu.memory_space<vmem>>, vector<16xf32>,
      %add3A_414 = arith.addf %add3A_408, %get3A_413 : vector<16xf32>
      %get3A_415 = arith.constant 6 : i32
      %get3A_416 = arith.index_cast %get3A_415 : i32 to index
      %get3A_417 = arith.index_cast %add3A_87 : i32 to index
      %get3A_418 = arith.constant 48 : index
      %get3A_419 = tpu.vector_load %arg6[%get3A_416, %get3A_417, %get3A_418] {strides = array<i32>} : memref<16x16x128xf32, #tpu.memory_space<vmem>>, vector<16xf32>,
      %add3A_420 = arith.addf %add3A_414, %get3A_419 : vector<16xf32>
      %get3A_421 = arith.constant 7 : i32
      %get3A_422 = arith.index_cast %get3A_421 : i32 to index
      %get3A_423 = arith.index_cast %add3A_87 : i32 to index
      %get3A_424 = arith.constant 48 : index
      %get3A_425 = tpu.vector_load %arg6[%get3A_422, %get3A_423, %get3A_424] {strides = array<i32>} : memref<16x16x128xf32, #tpu.memory_space<vmem>>, vector<16xf32>,
      %add3A_426 = arith.addf %add3A_420, %get3A_425 : vector<16xf32>
      %get3A_427 = arith.constant 8 : i32
      %get3A_428 = arith.index_cast %get3A_427 : i32 to index
      %get3A_429 = arith.index_cast %add3A_87 : i32 to index
      %get3A_430 = arith.constant 48 : index
      %get3A_431 = tpu.vector_load %arg6[%get3A_428, %get3A_429, %get3A_430] {strides = array<i32>} : memref<16x16x128xf32, #tpu.memory_space<vmem>>, vector<16xf32>,
      %add3A_432 = arith.addf %add3A_426, %get3A_431 : vector<16xf32>
      %get3A_433 = arith.constant 9 : i32
      %get3A_434 = arith.index_cast %get3A_433 : i32 to index
      %get3A_435 = arith.index_cast %add3A_87 : i32 to index
      %get3A_436 = arith.constant 48 : index
      %get3A_437 = tpu.vector_load %arg6[%get3A_434, %get3A_435, %get3A_436] {strides = array<i32>} : memref<16x16x128xf32, #tpu.memory_space<vmem>>, vector<16xf32>,
      %add3A_438 = arith.addf %add3A_432, %get3A_437 : vector<16xf32>
      %get3A_439 = arith.constant 10 : i32
      %get3A_440 = arith.index_cast %get3A_439 : i32 to index
      %get3A_441 = arith.index_cast %add3A_87 : i32 to index
      %get3A_442 = arith.constant 48 : index
      %get3A_443 = tpu.vector_load %arg6[%get3A_440, %get3A_441, %get3A_442] {strides = array<i32>} : memref<16x16x128xf32, #tpu.memory_space<vmem>>, vector<16xf32>,
      %add3A_444 = arith.addf %add3A_438, %get3A_443 : vector<16xf32>
      %get3A_445 = arith.constant 11 : i32
      %get3A_446 = arith.index_cast %get3A_445 : i32 to index
      %get3A_447 = arith.index_cast %add3A_87 : i32 to index
      %get3A_448 = arith.constant 48 : index
      %get3A_449 = tpu.vector_load %arg6[%get3A_446, %get3A_447, %get3A_448] {strides = array<i32>} : memref<16x16x128xf32, #tpu.memory_space<vmem>>, vector<16xf32>,
      %add3A_450 = arith.addf %add3A_444, %get3A_449 : vector<16xf32>
      %get3A_451 = arith.constant 12 : i32
      %get3A_452 = arith.index_cast %get3A_451 : i32 to index
      %get3A_453 = arith.index_cast %add3A_87 : i32 to index
      %get3A_454 = arith.constant 48 : index
      %get3A_455 = tpu.vector_load %arg6[%get3A_452, %get3A_453, %get3A_454] {strides = array<i32>} : memref<16x16x128xf32, #tpu.memory_space<vmem>>, vector<16xf32>,
      %add3A_456 = arith.addf %add3A_450, %get3A_455 : vector<16xf32>
      %get3A_457 = arith.constant 13 : i32
      %get3A_458 = arith.index_cast %get3A_457 : i32 to index
      %get3A_459 = arith.index_cast %add3A_87 : i32 to index
      %get3A_460 = arith.constant 48 : index
      %get3A_461 = tpu.vector_load %arg6[%get3A_458, %get3A_459, %get3A_460] {strides = array<i32>} : memref<16x16x128xf32, #tpu.memory_space<vmem>>, vector<16xf32>,
      %add3A_462 = arith.addf %add3A_456, %get3A_461 : vector<16xf32>
      %get3A_463 = arith.constant 14 : i32
      %get3A_464 = arith.index_cast %get3A_463 : i32 to index
      %get3A_465 = arith.index_cast %add3A_87 : i32 to index
      %get3A_466 = arith.constant 48 : index
      %get3A_467 = tpu.vector_load %arg6[%get3A_464, %get3A_465, %get3A_466] {strides = array<i32>} : memref<16x16x128xf32, #tpu.memory_space<vmem>>, vector<16xf32>,
      %add3A_468 = arith.addf %add3A_462, %get3A_467 : vector<16xf32>
      %get3A_469 = arith.constant 15 : i32
      %get3A_470 = arith.index_cast %get3A_469 : i32 to index
      %get3A_471 = arith.index_cast %add3A_87 : i32 to index
      %get3A_472 = arith.constant 48 : index
      %get3A_473 = tpu.vector_load %arg6[%get3A_470, %get3A_471, %get3A_472] {strides = array<i32>} : memref<16x16x128xf32, #tpu.memory_space<vmem>>, vector<16xf32>,
      %add3A_474 = arith.addf %add3A_468, %get3A_473 : vector<16xf32>
      %swap3A_475 = arith.index_cast %add3A_87 : i32 to index
      %swap3A_476 = arith.constant 48 : index
      %swap3A_477 = tpu.vector_load %arg7[%swap3A_475, %swap3A_476] {strides = array<i32>} : memref<16x128xf32, #tpu.memory_space<vmem>>, vector<16xf32>,
      tpu.vector_store %arg7[%swap3A_475, %swap3A_476], %add3A_474 {strides = array<i32>} : memref<16x128xf32, #tpu.memory_space<vmem>>, vector<16xf32>,
      %get3A_478 = arith.constant 0 : i32
      %get3A_479 = arith.index_cast %get3A_478 : i32 to index
      %get3A_480 = arith.index_cast %add3A_87 : i32 to index
      %get3A_481 = arith.constant 64 : index
      %get3A_482 = tpu.vector_load %arg6[%get3A_479, %get3A_480, %get3A_481] {strides = array<i32>} : memref<16x16x128xf32, #tpu.memory_space<vmem>>, vector<16xf32>,
      %get3A_483 = arith.constant 1 : i32
      %get3A_484 = arith.index_cast %get3A_483 : i32 to index
      %get3A_485 = arith.index_cast %add3A_87 : i32 to index
      %get3A_486 = arith.constant 64 : index
      %get3A_487 = tpu.vector_load %arg6[%get3A_484, %get3A_485, %get3A_486] {strides = array<i32>} : memref<16x16x128xf32, #tpu.memory_space<vmem>>, vector<16xf32>,
      %add3A_488 = arith.addf %get3A_482, %get3A_487 : vector<16xf32>
      %get3A_489 = arith.constant 2 : i32
      %get3A_490 = arith.index_cast %get3A_489 : i32 to index
      %get3A_491 = arith.index_cast %add3A_87 : i32 to index
      %get3A_492 = arith.constant 64 : index
      %get3A_493 = tpu.vector_load %arg6[%get3A_490, %get3A_491, %get3A_492] {strides = array<i32>} : memref<16x16x128xf32, #tpu.memory_space<vmem>>, vector<16xf32>,
      %add3A_494 = arith.addf %add3A_488, %get3A_493 : vector<16xf32>
      %get3A_495 = arith.constant 3 : i32
      %get3A_496 = arith.index_cast %get3A_495 : i32 to index
      %get3A_497 = arith.index_cast %add3A_87 : i32 to index
      %get3A_498 = arith.constant 64 : index
      %get3A_499 = tpu.vector_load %arg6[%get3A_496, %get3A_497, %get3A_498] {strides = array<i32>} : memref<16x16x128xf32, #tpu.memory_space<vmem>>, vector<16xf32>,
      %add3A_500 = arith.addf %add3A_494, %get3A_499 : vector<16xf32>
      %get3A_501 = arith.constant 4 : i32
      %get3A_502 = arith.index_cast %get3A_501 : i32 to index
      %get3A_503 = arith.index_cast %add3A_87 : i32 to index
      %get3A_504 = arith.constant 64 : index
      %get3A_505 = tpu.vector_load %arg6[%get3A_502, %get3A_503, %get3A_504] {strides = array<i32>} : memref<16x16x128xf32, #tpu.memory_space<vmem>>, vector<16xf32>,
      %add3A_506 = arith.addf %add3A_500, %get3A_505 : vector<16xf32>
      %get3A_507 = arith.constant 5 : i32
      %get3A_508 = arith.index_cast %get3A_507 : i32 to index
      %get3A_509 = arith.index_cast %add3A_87 : i32 to index
      %get3A_510 = arith.constant 64 : index
      %get3A_511 = tpu.vector_load %arg6[%get3A_508, %get3A_509, %get3A_510] {strides = array<i32>} : memref<16x16x128xf32, #tpu.memory_space<vmem>>, vector<16xf32>,
      %add3A_512 = arith.addf %add3A_506, %get3A_511 : vector<16xf32>
      %get3A_513 = arith.constant 6 : i32
      %get3A_514 = arith.index_cast %get3A_513 : i32 to index
      %get3A_515 = arith.index_cast %add3A_87 : i32 to index
      %get3A_516 = arith.constant 64 : index
      %get3A_517 = tpu.vector_load %arg6[%get3A_514, %get3A_515, %get3A_516] {strides = array<i32>} : memref<16x16x128xf32, #tpu.memory_space<vmem>>, vector<16xf32>,
      %add3A_518 = arith.addf %add3A_512, %get3A_517 : vector<16xf32>
      %get3A_519 = arith.constant 7 : i32
      %get3A_520 = arith.index_cast %get3A_519 : i32 to index
      %get3A_521 = arith.index_cast %add3A_87 : i32 to index
      %get3A_522 = arith.constant 64 : index
      %get3A_523 = tpu.vector_load %arg6[%get3A_520, %get3A_521, %get3A_522] {strides = array<i32>} : memref<16x16x128xf32, #tpu.memory_space<vmem>>, vector<16xf32>,
      %add3A_524 = arith.addf %add3A_518, %get3A_523 : vector<16xf32>
      %get3A_525 = arith.constant 8 : i32
      %get3A_526 = arith.index_cast %get3A_525 : i32 to index
      %get3A_527 = arith.index_cast %add3A_87 : i32 to index
      %get3A_528 = arith.constant 64 : index
      %get3A_529 = tpu.vector_load %arg6[%get3A_526, %get3A_527, %get3A_528] {strides = array<i32>} : memref<16x16x128xf32, #tpu.memory_space<vmem>>, vector<16xf32>,
      %add3A_530 = arith.addf %add3A_524, %get3A_529 : vector<16xf32>
      %get3A_531 = arith.constant 9 : i32
      %get3A_532 = arith.index_cast %get3A_531 : i32 to index
      %get3A_533 = arith.index_cast %add3A_87 : i32 to index
      %get3A_534 = arith.constant 64 : index
      %get3A_535 = tpu.vector_load %arg6[%get3A_532, %get3A_533, %get3A_534] {strides = array<i32>} : memref<16x16x128xf32, #tpu.memory_space<vmem>>, vector<16xf32>,
      %add3A_536 = arith.addf %add3A_530, %get3A_535 : vector<16xf32>
      %get3A_537 = arith.constant 10 : i32
      %get3A_538 = arith.index_cast %get3A_537 : i32 to index
      %get3A_539 = arith.index_cast %add3A_87 : i32 to index
      %get3A_540 = arith.constant 64 : index
      %get3A_541 = tpu.vector_load %arg6[%get3A_538, %get3A_539, %get3A_540] {strides = array<i32>} : memref<16x16x128xf32, #tpu.memory_space<vmem>>, vector<16xf32>,
      %add3A_542 = arith.addf %add3A_536, %get3A_541 : vector<16xf32>
      %get3A_543 = arith.constant 11 : i32
      %get3A_544 = arith.index_cast %get3A_543 : i32 to index
      %get3A_545 = arith.index_cast %add3A_87 : i32 to index
      %get3A_546 = arith.constant 64 : index
      %get3A_547 = tpu.vector_load %arg6[%get3A_544, %get3A_545, %get3A_546] {strides = array<i32>} : memref<16x16x128xf32, #tpu.memory_space<vmem>>, vector<16xf32>,
      %add3A_548 = arith.addf %add3A_542, %get3A_547 : vector<16xf32>
      %get3A_549 = arith.constant 12 : i32
      %get3A_550 = arith.index_cast %get3A_549 : i32 to index
      %get3A_551 = arith.index_cast %add3A_87 : i32 to index
      %get3A_552 = arith.constant 64 : index
      %get3A_553 = tpu.vector_load %arg6[%get3A_550, %get3A_551, %get3A_552] {strides = array<i32>} : memref<16x16x128xf32, #tpu.memory_space<vmem>>, vector<16xf32>,
      %add3A_554 = arith.addf %add3A_548, %get3A_553 : vector<16xf32>
      %get3A_555 = arith.constant 13 : i32
      %get3A_556 = arith.index_cast %get3A_555 : i32 to index
      %get3A_557 = arith.index_cast %add3A_87 : i32 to index
      %get3A_558 = arith.constant 64 : index
      %get3A_559 = tpu.vector_load %arg6[%get3A_556, %get3A_557, %get3A_558] {strides = array<i32>} : memref<16x16x128xf32, #tpu.memory_space<vmem>>, vector<16xf32>,
      %add3A_560 = arith.addf %add3A_554, %get3A_559 : vector<16xf32>
      %get3A_561 = arith.constant 14 : i32
      %get3A_562 = arith.index_cast %get3A_561 : i32 to index
      %get3A_563 = arith.index_cast %add3A_87 : i32 to index
      %get3A_564 = arith.constant 64 : index
      %get3A_565 = tpu.vector_load %arg6[%get3A_562, %get3A_563, %get3A_564] {strides = array<i32>} : memref<16x16x128xf32, #tpu.memory_space<vmem>>, vector<16xf32>,
      %add3A_566 = arith.addf %add3A_560, %get3A_565 : vector<16xf32>
      %get3A_567 = arith.constant 15 : i32
      %get3A_568 = arith.index_cast %get3A_567 : i32 to index
      %get3A_569 = arith.index_cast %add3A_87 : i32 to index
      %get3A_570 = arith.constant 64 : index
      %get3A_571 = tpu.vector_load %arg6[%get3A_568, %get3A_569, %get3A_570] {strides = array<i32>} : memref<16x16x128xf32, #tpu.memory_space<vmem>>, vector<16xf32>,
      %add3A_572 = arith.addf %add3A_566, %get3A_571 : vector<16xf32>
      %swap3A_573 = arith.index_cast %add3A_87 : i32 to index
      %swap3A_574 = arith.constant 64 : index
      %swap3A_575 = tpu.vector_load %arg7[%swap3A_573, %swap3A_574] {strides = array<i32>} : memref<16x128xf32, #tpu.memory_space<vmem>>, vector<16xf32>,
      tpu.vector_store %arg7[%swap3A_573, %swap3A_574], %add3A_572 {strides = array<i32>} : memref<16x128xf32, #tpu.memory_space<vmem>>, vector<16xf32>,
      %get3A_576 = arith.constant 0 : i32
      %get3A_577 = arith.index_cast %get3A_576 : i32 to index
      %get3A_578 = arith.index_cast %add3A_87 : i32 to index
      %get3A_579 = arith.constant 80 : index
      %get3A_580 = tpu.vector_load %arg6[%get3A_577, %get3A_578, %get3A_579] {strides = array<i32>} : memref<16x16x128xf32, #tpu.memory_space<vmem>>, vector<16xf32>,
      %get3A_581 = arith.constant 1 : i32
      %get3A_582 = arith.index_cast %get3A_581 : i32 to index
      %get3A_583 = arith.index_cast %add3A_87 : i32 to index
      %get3A_584 = arith.constant 80 : index
      %get3A_585 = tpu.vector_load %arg6[%get3A_582, %get3A_583, %get3A_584] {strides = array<i32>} : memref<16x16x128xf32, #tpu.memory_space<vmem>>, vector<16xf32>,
      %add3A_586 = arith.addf %get3A_580, %get3A_585 : vector<16xf32>
      %get3A_587 = arith.constant 2 : i32
      %get3A_588 = arith.index_cast %get3A_587 : i32 to index
      %get3A_589 = arith.index_cast %add3A_87 : i32 to index
      %get3A_590 = arith.constant 80 : index
      %get3A_591 = tpu.vector_load %arg6[%get3A_588, %get3A_589, %get3A_590] {strides = array<i32>} : memref<16x16x128xf32, #tpu.memory_space<vmem>>, vector<16xf32>,
      %add3A_592 = arith.addf %add3A_586, %get3A_591 : vector<16xf32>
      %get3A_593 = arith.constant 3 : i32
      %get3A_594 = arith.index_cast %get3A_593 : i32 to index
      %get3A_595 = arith.index_cast %add3A_87 : i32 to index
      %get3A_596 = arith.constant 80 : index
      %get3A_597 = tpu.vector_load %arg6[%get3A_594, %get3A_595, %get3A_596] {strides = array<i32>} : memref<16x16x128xf32, #tpu.memory_space<vmem>>, vector<16xf32>,
      %add3A_598 = arith.addf %add3A_592, %get3A_597 : vector<16xf32>
      %get3A_599 = arith.constant 4 : i32
      %get3A_600 = arith.index_cast %get3A_599 : i32 to index
      %get3A_601 = arith.index_cast %add3A_87 : i32 to index
      %get3A_602 = arith.constant 80 : index
      %get3A_603 = tpu.vector_load %arg6[%get3A_600, %get3A_601, %get3A_602] {strides = array<i32>} : memref<16x16x128xf32, #tpu.memory_space<vmem>>, vector<16xf32>,
      %add3A_604 = arith.addf %add3A_598, %get3A_603 : vector<16xf32>
      %get3A_605 = arith.constant 5 : i32
      %get3A_606 = arith.index_cast %get3A_605 : i32 to index
      %get3A_607 = arith.index_cast %add3A_87 : i32 to index
      %get3A_608 = arith.constant 80 : index
      %get3A_609 = tpu.vector_load %arg6[%get3A_606, %get3A_607, %get3A_608] {strides = array<i32>} : memref<16x16x128xf32, #tpu.memory_space<vmem>>, vector<16xf32>,
      %add3A_610 = arith.addf %add3A_604, %get3A_609 : vector<16xf32>
      %get3A_611 = arith.constant 6 : i32
      %get3A_612 = arith.index_cast %get3A_611 : i32 to index
      %get3A_613 = arith.index_cast %add3A_87 : i32 to index
      %get3A_614 = arith.constant 80 : index
      %get3A_615 = tpu.vector_load %arg6[%get3A_612, %get3A_613, %get3A_614] {strides = array<i32>} : memref<16x16x128xf32, #tpu.memory_space<vmem>>, vector<16xf32>,
      %add3A_616 = arith.addf %add3A_610, %get3A_615 : vector<16xf32>
      %get3A_617 = arith.constant 7 : i32
      %get3A_618 = arith.index_cast %get3A_617 : i32 to index
      %get3A_619 = arith.index_cast %add3A_87 : i32 to index
      %get3A_620 = arith.constant 80 : index
      %get3A_621 = tpu.vector_load %arg6[%get3A_618, %get3A_619, %get3A_620] {strides = array<i32>} : memref<16x16x128xf32, #tpu.memory_space<vmem>>, vector<16xf32>,
      %add3A_622 = arith.addf %add3A_616, %get3A_621 : vector<16xf32>
      %get3A_623 = arith.constant 8 : i32
      %get3A_624 = arith.index_cast %get3A_623 : i32 to index
      %get3A_625 = arith.index_cast %add3A_87 : i32 to index
      %get3A_626 = arith.constant 80 : index
      %get3A_627 = tpu.vector_load %arg6[%get3A_624, %get3A_625, %get3A_626] {strides = array<i32>} : memref<16x16x128xf32, #tpu.memory_space<vmem>>, vector<16xf32>,
      %add3A_628 = arith.addf %add3A_622, %get3A_627 : vector<16xf32>
      %get3A_629 = arith.constant 9 : i32
      %get3A_630 = arith.index_cast %get3A_629 : i32 to index
      %get3A_631 = arith.index_cast %add3A_87 : i32 to index
      %get3A_632 = arith.constant 80 : index
      %get3A_633 = tpu.vector_load %arg6[%get3A_630, %get3A_631, %get3A_632] {strides = array<i32>} : memref<16x16x128xf32, #tpu.memory_space<vmem>>, vector<16xf32>,
      %add3A_634 = arith.addf %add3A_628, %get3A_633 : vector<16xf32>
      %get3A_635 = arith.constant 10 : i32
      %get3A_636 = arith.index_cast %get3A_635 : i32 to index
      %get3A_637 = arith.index_cast %add3A_87 : i32 to index
      %get3A_638 = arith.constant 80 : index
      %get3A_639 = tpu.vector_load %arg6[%get3A_636, %get3A_637, %get3A_638] {strides = array<i32>} : memref<16x16x128xf32, #tpu.memory_space<vmem>>, vector<16xf32>,
      %add3A_640 = arith.addf %add3A_634, %get3A_639 : vector<16xf32>
      %get3A_641 = arith.constant 11 : i32
      %get3A_642 = arith.index_cast %get3A_641 : i32 to index
      %get3A_643 = arith.index_cast %add3A_87 : i32 to index
      %get3A_644 = arith.constant 80 : index
      %get3A_645 = tpu.vector_load %arg6[%get3A_642, %get3A_643, %get3A_644] {strides = array<i32>} : memref<16x16x128xf32, #tpu.memory_space<vmem>>, vector<16xf32>,
      %add3A_646 = arith.addf %add3A_640, %get3A_645 : vector<16xf32>
      %get3A_647 = arith.constant 12 : i32
      %get3A_648 = arith.index_cast %get3A_647 : i32 to index
      %get3A_649 = arith.index_cast %add3A_87 : i32 to index
      %get3A_650 = arith.constant 80 : index
      %get3A_651 = tpu.vector_load %arg6[%get3A_648, %get3A_649, %get3A_650] {strides = array<i32>} : memref<16x16x128xf32, #tpu.memory_space<vmem>>, vector<16xf32>,
      %add3A_652 = arith.addf %add3A_646, %get3A_651 : vector<16xf32>
      %get3A_653 = arith.constant 13 : i32
      %get3A_654 = arith.index_cast %get3A_653 : i32 to index
      %get3A_655 = arith.index_cast %add3A_87 : i32 to index
      %get3A_656 = arith.constant 80 : index
      %get3A_657 = tpu.vector_load %arg6[%get3A_654, %get3A_655, %get3A_656] {strides = array<i32>} : memref<16x16x128xf32, #tpu.memory_space<vmem>>, vector<16xf32>,
      %add3A_658 = arith.addf %add3A_652, %get3A_657 : vector<16xf32>
      %get3A_659 = arith.constant 14 : i32
      %get3A_660 = arith.index_cast %get3A_659 : i32 to index
      %get3A_661 = arith.index_cast %add3A_87 : i32 to index
      %get3A_662 = arith.constant 80 : index
      %get3A_663 = tpu.vector_load %arg6[%get3A_660, %get3A_661, %get3A_662] {strides = array<i32>} : memref<16x16x128xf32, #tpu.memory_space<vmem>>, vector<16xf32>,
      %add3A_664 = arith.addf %add3A_658, %get3A_663 : vector<16xf32>
      %get3A_665 = arith.constant 15 : i32
      %get3A_666 = arith.index_cast %get3A_665 : i32 to index
      %get3A_667 = arith.index_cast %add3A_87 : i32 to index
      %get3A_668 = arith.constant 80 : index
      %get3A_669 = tpu.vector_load %arg6[%get3A_666, %get3A_667, %get3A_668] {strides = array<i32>} : memref<16x16x128xf32, #tpu.memory_space<vmem>>, vector<16xf32>,
      %add3A_670 = arith.addf %add3A_664, %get3A_669 : vector<16xf32>
      %swap3A_671 = arith.index_cast %add3A_87 : i32 to index
      %swap3A_672 = arith.constant 80 : index
      %swap3A_673 = tpu.vector_load %arg7[%swap3A_671, %swap3A_672] {strides = array<i32>} : memref<16x128xf32, #tpu.memory_space<vmem>>, vector<16xf32>,
      tpu.vector_store %arg7[%swap3A_671, %swap3A_672], %add3A_670 {strides = array<i32>} : memref<16x128xf32, #tpu.memory_space<vmem>>, vector<16xf32>,
      %get3A_674 = arith.constant 0 : i32
      %get3A_675 = arith.index_cast %get3A_674 : i32 to index
      %get3A_676 = arith.index_cast %add3A_87 : i32 to index
      %get3A_677 = arith.constant 96 : index
      %get3A_678 = tpu.vector_load %arg6[%get3A_675, %get3A_676, %get3A_677] {strides = array<i32>} : memref<16x16x128xf32, #tpu.memory_space<vmem>>, vector<16xf32>,
      %get3A_679 = arith.constant 1 : i32
      %get3A_680 = arith.index_cast %get3A_679 : i32 to index
      %get3A_681 = arith.index_cast %add3A_87 : i32 to index
      %get3A_682 = arith.constant 96 : index
      %get3A_683 = tpu.vector_load %arg6[%get3A_680, %get3A_681, %get3A_682] {strides = array<i32>} : memref<16x16x128xf32, #tpu.memory_space<vmem>>, vector<16xf32>,
      %add3A_684 = arith.addf %get3A_678, %get3A_683 : vector<16xf32>
      %get3A_685 = arith.constant 2 : i32
      %get3A_686 = arith.index_cast %get3A_685 : i32 to index
      %get3A_687 = arith.index_cast %add3A_87 : i32 to index
      %get3A_688 = arith.constant 96 : index
      %get3A_689 = tpu.vector_load %arg6[%get3A_686, %get3A_687, %get3A_688] {strides = array<i32>} : memref<16x16x128xf32, #tpu.memory_space<vmem>>, vector<16xf32>,
      %add3A_690 = arith.addf %add3A_684, %get3A_689 : vector<16xf32>
      %get3A_691 = arith.constant 3 : i32
      %get3A_692 = arith.index_cast %get3A_691 : i32 to index
      %get3A_693 = arith.index_cast %add3A_87 : i32 to index
      %get3A_694 = arith.constant 96 : index
      %get3A_695 = tpu.vector_load %arg6[%get3A_692, %get3A_693, %get3A_694] {strides = array<i32>} : memref<16x16x128xf32, #tpu.memory_space<vmem>>, vector<16xf32>,
      %add3A_696 = arith.addf %add3A_690, %get3A_695 : vector<16xf32>
      %get3A_697 = arith.constant 4 : i32
      %get3A_698 = arith.index_cast %get3A_697 : i32 to index
      %get3A_699 = arith.index_cast %add3A_87 : i32 to index
      %get3A_700 = arith.constant 96 : index
      %get3A_701 = tpu.vector_load %arg6[%get3A_698, %get3A_699, %get3A_700] {strides = array<i32>} : memref<16x16x128xf32, #tpu.memory_space<vmem>>, vector<16xf32>,
      %add3A_702 = arith.addf %add3A_696, %get3A_701 : vector<16xf32>
      %get3A_703 = arith.constant 5 : i32
      %get3A_704 = arith.index_cast %get3A_703 : i32 to index
      %get3A_705 = arith.index_cast %add3A_87 : i32 to index
      %get3A_706 = arith.constant 96 : index
      %get3A_707 = tpu.vector_load %arg6[%get3A_704, %get3A_705, %get3A_706] {strides = array<i32>} : memref<16x16x128xf32, #tpu.memory_space<vmem>>, vector<16xf32>,
      %add3A_708 = arith.addf %add3A_702, %get3A_707 : vector<16xf32>
      %get3A_709 = arith.constant 6 : i32
      %get3A_710 = arith.index_cast %get3A_709 : i32 to index
      %get3A_711 = arith.index_cast %add3A_87 : i32 to index
      %get3A_712 = arith.constant 96 : index
      %get3A_713 = tpu.vector_load %arg6[%get3A_710, %get3A_711, %get3A_712] {strides = array<i32>} : memref<16x16x128xf32, #tpu.memory_space<vmem>>, vector<16xf32>,
      %add3A_714 = arith.addf %add3A_708, %get3A_713 : vector<16xf32>
      %get3A_715 = arith.constant 7 : i32
      %get3A_716 = arith.index_cast %get3A_715 : i32 to index
      %get3A_717 = arith.index_cast %add3A_87 : i32 to index
      %get3A_718 = arith.constant 96 : index
      %get3A_719 = tpu.vector_load %arg6[%get3A_716, %get3A_717, %get3A_718] {strides = array<i32>} : memref<16x16x128xf32, #tpu.memory_space<vmem>>, vector<16xf32>,
      %add3A_720 = arith.addf %add3A_714, %get3A_719 : vector<16xf32>
      %get3A_721 = arith.constant 8 : i32
      %get3A_722 = arith.index_cast %get3A_721 : i32 to index
      %get3A_723 = arith.index_cast %add3A_87 : i32 to index
      %get3A_724 = arith.constant 96 : index
      %get3A_725 = tpu.vector_load %arg6[%get3A_722, %get3A_723, %get3A_724] {strides = array<i32>} : memref<16x16x128xf32, #tpu.memory_space<vmem>>, vector<16xf32>,
      %add3A_726 = arith.addf %add3A_720, %get3A_725 : vector<16xf32>
      %get3A_727 = arith.constant 9 : i32
      %get3A_728 = arith.index_cast %get3A_727 : i32 to index
      %get3A_729 = arith.index_cast %add3A_87 : i32 to index
      %get3A_730 = arith.constant 96 : index
      %get3A_731 = tpu.vector_load %arg6[%get3A_728, %get3A_729, %get3A_730] {strides = array<i32>} : memref<16x16x128xf32, #tpu.memory_space<vmem>>, vector<16xf32>,
      %add3A_732 = arith.addf %add3A_726, %get3A_731 : vector<16xf32>
      %get3A_733 = arith.constant 10 : i32
      %get3A_734 = arith.index_cast %get3A_733 : i32 to index
      %get3A_735 = arith.index_cast %add3A_87 : i32 to index
      %get3A_736 = arith.constant 96 : index
      %get3A_737 = tpu.vector_load %arg6[%get3A_734, %get3A_735, %get3A_736] {strides = array<i32>} : memref<16x16x128xf32, #tpu.memory_space<vmem>>, vector<16xf32>,
      %add3A_738 = arith.addf %add3A_732, %get3A_737 : vector<16xf32>
      %get3A_739 = arith.constant 11 : i32
      %get3A_740 = arith.index_cast %get3A_739 : i32 to index
      %get3A_741 = arith.index_cast %add3A_87 : i32 to index
      %get3A_742 = arith.constant 96 : index
      %get3A_743 = tpu.vector_load %arg6[%get3A_740, %get3A_741, %get3A_742] {strides = array<i32>} : memref<16x16x128xf32, #tpu.memory_space<vmem>>, vector<16xf32>,
      %add3A_744 = arith.addf %add3A_738, %get3A_743 : vector<16xf32>
      %get3A_745 = arith.constant 12 : i32
      %get3A_746 = arith.index_cast %get3A_745 : i32 to index
      %get3A_747 = arith.index_cast %add3A_87 : i32 to index
      %get3A_748 = arith.constant 96 : index
      %get3A_749 = tpu.vector_load %arg6[%get3A_746, %get3A_747, %get3A_748] {strides = array<i32>} : memref<16x16x128xf32, #tpu.memory_space<vmem>>, vector<16xf32>,
      %add3A_750 = arith.addf %add3A_744, %get3A_749 : vector<16xf32>
      %get3A_751 = arith.constant 13 : i32
      %get3A_752 = arith.index_cast %get3A_751 : i32 to index
      %get3A_753 = arith.index_cast %add3A_87 : i32 to index
      %get3A_754 = arith.constant 96 : index
      %get3A_755 = tpu.vector_load %arg6[%get3A_752, %get3A_753, %get3A_754] {strides = array<i32>} : memref<16x16x128xf32, #tpu.memory_space<vmem>>, vector<16xf32>,
      %add3A_756 = arith.addf %add3A_750, %get3A_755 : vector<16xf32>
      %get3A_757 = arith.constant 14 : i32
      %get3A_758 = arith.index_cast %get3A_757 : i32 to index
      %get3A_759 = arith.index_cast %add3A_87 : i32 to index
      %get3A_760 = arith.constant 96 : index
      %get3A_761 = tpu.vector_load %arg6[%get3A_758, %get3A_759, %get3A_760] {strides = array<i32>} : memref<16x16x128xf32, #tpu.memory_space<vmem>>, vector<16xf32>,
      %add3A_762 = arith.addf %add3A_756, %get3A_761 : vector<16xf32>
      %get3A_763 = arith.constant 15 : i32
      %get3A_764 = arith.index_cast %get3A_763 : i32 to index
      %get3A_765 = arith.index_cast %add3A_87 : i32 to index
      %get3A_766 = arith.constant 96 : index
      %get3A_767 = tpu.vector_load %arg6[%get3A_764, %get3A_765, %get3A_766] {strides = array<i32>} : memref<16x16x128xf32, #tpu.memory_space<vmem>>, vector<16xf32>,
      %add3A_768 = arith.addf %add3A_762, %get3A_767 : vector<16xf32>
      %swap3A_769 = arith.index_cast %add3A_87 : i32 to index
      %swap3A_770 = arith.constant 96 : index
      %swap3A_771 = tpu.vector_load %arg7[%swap3A_769, %swap3A_770] {strides = array<i32>} : memref<16x128xf32, #tpu.memory_space<vmem>>, vector<16xf32>,
      tpu.vector_store %arg7[%swap3A_769, %swap3A_770], %add3A_768 {strides = array<i32>} : memref<16x128xf32, #tpu.memory_space<vmem>>, vector<16xf32>,
      %get3A_772 = arith.constant 0 : i32
      %get3A_773 = arith.index_cast %get3A_772 : i32 to index
      %get3A_774 = arith.index_cast %add3A_87 : i32 to index
      %get3A_775 = arith.constant 112 : index
      %get3A_776 = tpu.vector_load %arg6[%get3A_773, %get3A_774, %get3A_775] {strides = array<i32>} : memref<16x16x128xf32, #tpu.memory_space<vmem>>, vector<16xf32>,
      %get3A_777 = arith.constant 1 : i32
      %get3A_778 = arith.index_cast %get3A_777 : i32 to index
      %get3A_779 = arith.index_cast %add3A_87 : i32 to index
      %get3A_780 = arith.constant 112 : index
      %get3A_781 = tpu.vector_load %arg6[%get3A_778, %get3A_779, %get3A_780] {strides = array<i32>} : memref<16x16x128xf32, #tpu.memory_space<vmem>>, vector<16xf32>,
      %add3A_782 = arith.addf %get3A_776, %get3A_781 : vector<16xf32>
      %get3A_783 = arith.constant 2 : i32
      %get3A_784 = arith.index_cast %get3A_783 : i32 to index
      %get3A_785 = arith.index_cast %add3A_87 : i32 to index
      %get3A_786 = arith.constant 112 : index
      %get3A_787 = tpu.vector_load %arg6[%get3A_784, %get3A_785, %get3A_786] {strides = array<i32>} : memref<16x16x128xf32, #tpu.memory_space<vmem>>, vector<16xf32>,
      %add3A_788 = arith.addf %add3A_782, %get3A_787 : vector<16xf32>
      %get3A_789 = arith.constant 3 : i32
      %get3A_790 = arith.index_cast %get3A_789 : i32 to index
      %get3A_791 = arith.index_cast %add3A_87 : i32 to index
      %get3A_792 = arith.constant 112 : index
      %get3A_793 = tpu.vector_load %arg6[%get3A_790, %get3A_791, %get3A_792] {strides = array<i32>} : memref<16x16x128xf32, #tpu.memory_space<vmem>>, vector<16xf32>,
      %add3A_794 = arith.addf %add3A_788, %get3A_793 : vector<16xf32>
      %get3A_795 = arith.constant 4 : i32
      %get3A_796 = arith.index_cast %get3A_795 : i32 to index
      %get3A_797 = arith.index_cast %add3A_87 : i32 to index
      %get3A_798 = arith.constant 112 : index
      %get3A_799 = tpu.vector_load %arg6[%get3A_796, %get3A_797, %get3A_798] {strides = array<i32>} : memref<16x16x128xf32, #tpu.memory_space<vmem>>, vector<16xf32>,
      %add3A_800 = arith.addf %add3A_794, %get3A_799 : vector<16xf32>
      %get3A_801 = arith.constant 5 : i32
      %get3A_802 = arith.index_cast %get3A_801 : i32 to index
      %get3A_803 = arith.index_cast %add3A_87 : i32 to index
      %get3A_804 = arith.constant 112 : index
      %get3A_805 = tpu.vector_load %arg6[%get3A_802, %get3A_803, %get3A_804] {strides = array<i32>} : memref<16x16x128xf32, #tpu.memory_space<vmem>>, vector<16xf32>,
      %add3A_806 = arith.addf %add3A_800, %get3A_805 : vector<16xf32>
      %get3A_807 = arith.constant 6 : i32
      %get3A_808 = arith.index_cast %get3A_807 : i32 to index
      %get3A_809 = arith.index_cast %add3A_87 : i32 to index
      %get3A_810 = arith.constant 112 : index
      %get3A_811 = tpu.vector_load %arg6[%get3A_808, %get3A_809, %get3A_810] {strides = array<i32>} : memref<16x16x128xf32, #tpu.memory_space<vmem>>, vector<16xf32>,
      %add3A_812 = arith.addf %add3A_806, %get3A_811 : vector<16xf32>
      %get3A_813 = arith.constant 7 : i32
      %get3A_814 = arith.index_cast %get3A_813 : i32 to index
      %get3A_815 = arith.index_cast %add3A_87 : i32 to index
      %get3A_816 = arith.constant 112 : index
      %get3A_817 = tpu.vector_load %arg6[%get3A_814, %get3A_815, %get3A_816] {strides = array<i32>} : memref<16x16x128xf32, #tpu.memory_space<vmem>>, vector<16xf32>,
      %add3A_818 = arith.addf %add3A_812, %get3A_817 : vector<16xf32>
      %get3A_819 = arith.constant 8 : i32
      %get3A_820 = arith.index_cast %get3A_819 : i32 to index
      %get3A_821 = arith.index_cast %add3A_87 : i32 to index
      %get3A_822 = arith.constant 112 : index
      %get3A_823 = tpu.vector_load %arg6[%get3A_820, %get3A_821, %get3A_822] {strides = array<i32>} : memref<16x16x128xf32, #tpu.memory_space<vmem>>, vector<16xf32>,
      %add3A_824 = arith.addf %add3A_818, %get3A_823 : vector<16xf32>
      %get3A_825 = arith.constant 9 : i32
      %get3A_826 = arith.index_cast %get3A_825 : i32 to index
      %get3A_827 = arith.index_cast %add3A_87 : i32 to index
      %get3A_828 = arith.constant 112 : index
      %get3A_829 = tpu.vector_load %arg6[%get3A_826, %get3A_827, %get3A_828] {strides = array<i32>} : memref<16x16x128xf32, #tpu.memory_space<vmem>>, vector<16xf32>,
      %add3A_830 = arith.addf %add3A_824, %get3A_829 : vector<16xf32>
      %get3A_831 = arith.constant 10 : i32
      %get3A_832 = arith.index_cast %get3A_831 : i32 to index
      %get3A_833 = arith.index_cast %add3A_87 : i32 to index
      %get3A_834 = arith.constant 112 : index
      %get3A_835 = tpu.vector_load %arg6[%get3A_832, %get3A_833, %get3A_834] {strides = array<i32>} : memref<16x16x128xf32, #tpu.memory_space<vmem>>, vector<16xf32>,
      %add3A_836 = arith.addf %add3A_830, %get3A_835 : vector<16xf32>
      %get3A_837 = arith.constant 11 : i32
      %get3A_838 = arith.index_cast %get3A_837 : i32 to index
      %get3A_839 = arith.index_cast %add3A_87 : i32 to index
      %get3A_840 = arith.constant 112 : index
      %get3A_841 = tpu.vector_load %arg6[%get3A_838, %get3A_839, %get3A_840] {strides = array<i32>} : memref<16x16x128xf32, #tpu.memory_space<vmem>>, vector<16xf32>,
      %add3A_842 = arith.addf %add3A_836, %get3A_841 : vector<16xf32>
      %get3A_843 = arith.constant 12 : i32
      %get3A_844 = arith.index_cast %get3A_843 : i32 to index
      %get3A_845 = arith.index_cast %add3A_87 : i32 to index
      %get3A_846 = arith.constant 112 : index
      %get3A_847 = tpu.vector_load %arg6[%get3A_844, %get3A_845, %get3A_846] {strides = array<i32>} : memref<16x16x128xf32, #tpu.memory_space<vmem>>, vector<16xf32>,
      %add3A_848 = arith.addf %add3A_842, %get3A_847 : vector<16xf32>
      %get3A_849 = arith.constant 13 : i32
      %get3A_850 = arith.index_cast %get3A_849 : i32 to index
      %get3A_851 = arith.index_cast %add3A_87 : i32 to index
      %get3A_852 = arith.constant 112 : index
      %get3A_853 = tpu.vector_load %arg6[%get3A_850, %get3A_851, %get3A_852] {strides = array<i32>} : memref<16x16x128xf32, #tpu.memory_space<vmem>>, vector<16xf32>,
      %add3A_854 = arith.addf %add3A_848, %get3A_853 : vector<16xf32>
      %get3A_855 = arith.constant 14 : i32
      %get3A_856 = arith.index_cast %get3A_855 : i32 to index
      %get3A_857 = arith.index_cast %add3A_87 : i32 to index
      %get3A_858 = arith.constant 112 : index
      %get3A_859 = tpu.vector_load %arg6[%get3A_856, %get3A_857, %get3A_858] {strides = array<i32>} : memref<16x16x128xf32, #tpu.memory_space<vmem>>, vector<16xf32>,
      %add3A_860 = arith.addf %add3A_854, %get3A_859 : vector<16xf32>
      %get3A_861 = arith.constant 15 : i32
      %get3A_862 = arith.index_cast %get3A_861 : i32 to index
      %get3A_863 = arith.index_cast %add3A_87 : i32 to index
      %get3A_864 = arith.constant 112 : index
      %get3A_865 = tpu.vector_load %arg6[%get3A_862, %get3A_863, %get3A_864] {strides = array<i32>} : memref<16x16x128xf32, #tpu.memory_space<vmem>>, vector<16xf32>,
      %add3A_866 = arith.addf %add3A_860, %get3A_865 : vector<16xf32>
      %swap3A_867 = arith.index_cast %add3A_87 : i32 to index
      %swap3A_868 = arith.constant 112 : index
      %swap3A_869 = tpu.vector_load %arg7[%swap3A_867, %swap3A_868] {strides = array<i32>} : memref<16x128xf32, #tpu.memory_space<vmem>>, vector<16xf32>,
      tpu.vector_store %arg7[%swap3A_867, %swap3A_868], %add3A_866 {strides = array<i32>} : memref<16x128xf32, #tpu.memory_space<vmem>>, vector<16xf32>,
    }
    %scan3A_80 = arith.constant 16 : i32
    %mul3A_81 = arith.constant 16 : i32
    %mul3A_82 = arith.muli %arg1, %mul3A_81 : i32
    "tpu.region"() ({
      %run_scoped3A_83 = tpu.sem_alloc : memref<!tpu.dma_semaphore, #tpu.memory_space<semaphore_mem>>
      %dma_start3A = arith.constant 0 : i32
      %dma_start3A_84 = tpu.memref_slice %arg3[%arg0, %mul3A_82, %dma_start3A] : memref<2x256x128xf32, #tpu.memory_space<hbm>> -> memref<1x16x128xf32, #tpu.memory_space<hbm>>
      %dma_start3A_85 = tpu.memref_squeeze %dma_start3A_84 : memref<1x16x128xf32, #tpu.memory_space<hbm>> -> memref<16x128xf32, #tpu.memory_space<hbm>>
      %dma_start3A_86 = arith.constant 0 : i32
      %dma_start3A_87 = tpu.memref_slice %arg3[%arg0, %mul3A_82, %dma_start3A_86] : memref<2x256x128xf32, #tpu.memory_space<hbm>> -> memref<1x16x128xf32, #tpu.memory_space<hbm>>
      %dma_start3A_88 = tpu.memref_squeeze %dma_start3A_87 : memref<1x16x128xf32, #tpu.memory_space<hbm>> -> memref<16x128xf32, #tpu.memory_space<hbm>>
      tpu.enqueue_dma source(%arg7 : memref<16x128xf32, #tpu.memory_space<vmem>>) target(%dma_start3A_88 : memref<16x128xf32, #tpu.memory_space<hbm>>) target_semaphore(%run_scoped3A_83 : memref<!tpu.dma_semaphore, #tpu.memory_space<semaphore_mem>>)
      %dma_wait3A = arith.constant 0 : i32
      %dma_wait3A_89 = tpu.memref_slice %arg3[%arg0, %mul3A_82, %dma_wait3A] : memref<2x256x128xf32, #tpu.memory_space<hbm>> -> memref<1x16x128xf32, #tpu.memory_space<hbm>>
      %dma_wait3A_90 = tpu.memref_squeeze %dma_wait3A_89 : memref<1x16x128xf32, #tpu.memory_space<hbm>> -> memref<16x128xf32, #tpu.memory_space<hbm>>
      %dma_wait3A_91 = arith.constant 0 : i32
      %dma_wait3A_92 = tpu.memref_slice %arg3[%arg0, %mul3A_82, %dma_wait3A_91] : memref<2x256x128xf32, #tpu.memory_space<hbm>> -> memref<1x16x128xf32, #tpu.memory_space<hbm>>
      %dma_wait3A_93 = tpu.memref_squeeze %dma_wait3A_92 : memref<1x16x128xf32, #tpu.memory_space<hbm>> -> memref<16x128xf32, #tpu.memory_space<hbm>>
      tpu.wait_dma2 semaphore(%run_scoped3A_83 : memref<!tpu.dma_semaphore, #tpu.memory_space<semaphore_mem>>) src(%arg7 : memref<16x128xf32, #tpu.memory_space<vmem>>) dst(%dma_wait3A_93 : memref<16x128xf32, #tpu.memory_space<hbm>>)
      tpu.yield
    }) : () -> ()
    return
  }
}

#map = affine_map<(d0, d1) -> (0, 0)>
#map1 = affine_map<(d0, d1) -> (0, 0, 0)>
module attributes {stable_mosaic.version = 14 : i64} {
  func.func @_agg_body(%arg0: i32, %arg1: i32, %arg2: memref<10000x128xf32, #tpu.memory_space<hbm>>, %arg3: memref<32x80x128xi32, #tpu.memory_space<hbm>>, %arg4: memref<32x80x128xi32, #tpu.memory_space<hbm>>, %arg5: memref<2x10240x128xf32, #tpu.memory_space<hbm>>, %arg6: memref<16x128xi32, #tpu.memory_space<vmem>>, %arg7: memref<16x128xi32, #tpu.memory_space<vmem>>, %arg8: memref<128x128xf32, #tpu.memory_space<vmem>>, %arg9: memref<128x128xf32, #tpu.memory_space<vmem>>, %arg10: memref<!tpu.dma_semaphore, #tpu.memory_space<semaphore_mem>>, %arg11: memref<10240x128xf32, #tpu.memory_space<vmem_shared>>) attributes {dimension_semantics = [#tpu.dimension_semantics<core_parallel>, #tpu.dimension_semantics<subcore_parallel>], iteration_bounds = array<i64: 2, 16>, scalar_prefetch = 0 : i64, scratch_operands = 6 : i64, tpu.core_type = #tpu.core_type<sc_vector_subcore>, window_params = [{transform_indices = #map}, {transform_indices = #map1}, {transform_indices = #map1}, {transform_indices = #map1}]} {
    %mul3A = arith.constant 2 : i32
    %mul3A_0 = arith.muli %arg1, %mul3A : i32
    %add3A = arith.addi %mul3A_0, %arg0 : i32
    %scan3A = arith.constant 0 : i32
    %scan3A_1 = arith.constant 128 : i32
    %scan3A_2 = arith.addi %scan3A, %scan3A_1 : i32
    %scan3A_3 = arith.constant 1 : i32
    scf.for %scan3A_27 = %scan3A to %scan3A_2 step %scan3A_3  : i32 {
      %mul3A_28 = arith.constant 1 : i32
      %mul3A_29 = arith.muli %scan3A_27, %mul3A_28 : i32
      %add3A_30 = arith.constant 0 : i32
      %add3A_31 = arith.addi %add3A_30, %mul3A_29 : i32
      %broadcast_in_dim3A = arith.constant 0.000000e+00 : f32
      %broadcast_in_dim3A_32 = vector.broadcast %broadcast_in_dim3A : f32 to vector<16xf32>
      %swap3A = arith.index_cast %add3A_31 : i32 to index
      %swap3A_33 = arith.constant 0 : index
      %swap3A_34 = tpu.vector_load %arg8[%swap3A, %swap3A_33] {strides = array<i32>} : memref<128x128xf32, #tpu.memory_space<vmem>>, vector<1x16xf32>,
      %swap3A_35 = vector.shape_cast %swap3A_34 : vector<1x16xf32> to vector<16xf32>
      %swap3A_36 = vector.shape_cast %broadcast_in_dim3A_32 : vector<16xf32> to vector<1x16xf32>
      tpu.vector_store %arg8[%swap3A, %swap3A_33], %swap3A_36 {strides = array<i32>} : memref<128x128xf32, #tpu.memory_space<vmem>>, vector<1x16xf32>,
      %broadcast_in_dim3A_37 = arith.constant 0.000000e+00 : f32
      %broadcast_in_dim3A_38 = vector.broadcast %broadcast_in_dim3A_37 : f32 to vector<16xf32>
      %swap3A_39 = arith.index_cast %add3A_31 : i32 to index
      %swap3A_40 = arith.constant 16 : index
      %swap3A_41 = tpu.vector_load %arg8[%swap3A_39, %swap3A_40] {strides = array<i32>} : memref<128x128xf32, #tpu.memory_space<vmem>>, vector<1x16xf32>,
      %swap3A_42 = vector.shape_cast %swap3A_41 : vector<1x16xf32> to vector<16xf32>
      %swap3A_43 = vector.shape_cast %broadcast_in_dim3A_38 : vector<16xf32> to vector<1x16xf32>
      tpu.vector_store %arg8[%swap3A_39, %swap3A_40], %swap3A_43 {strides = array<i32>} : memref<128x128xf32, #tpu.memory_space<vmem>>, vector<1x16xf32>,
      %broadcast_in_dim3A_44 = arith.constant 0.000000e+00 : f32
      %broadcast_in_dim3A_45 = vector.broadcast %broadcast_in_dim3A_44 : f32 to vector<16xf32>
      %swap3A_46 = arith.index_cast %add3A_31 : i32 to index
      %swap3A_47 = arith.constant 32 : index
      %swap3A_48 = tpu.vector_load %arg8[%swap3A_46, %swap3A_47] {strides = array<i32>} : memref<128x128xf32, #tpu.memory_space<vmem>>, vector<1x16xf32>,
      %swap3A_49 = vector.shape_cast %swap3A_48 : vector<1x16xf32> to vector<16xf32>
      %swap3A_50 = vector.shape_cast %broadcast_in_dim3A_45 : vector<16xf32> to vector<1x16xf32>
      tpu.vector_store %arg8[%swap3A_46, %swap3A_47], %swap3A_50 {strides = array<i32>} : memref<128x128xf32, #tpu.memory_space<vmem>>, vector<1x16xf32>,
      %broadcast_in_dim3A_51 = arith.constant 0.000000e+00 : f32
      %broadcast_in_dim3A_52 = vector.broadcast %broadcast_in_dim3A_51 : f32 to vector<16xf32>
      %swap3A_53 = arith.index_cast %add3A_31 : i32 to index
      %swap3A_54 = arith.constant 48 : index
      %swap3A_55 = tpu.vector_load %arg8[%swap3A_53, %swap3A_54] {strides = array<i32>} : memref<128x128xf32, #tpu.memory_space<vmem>>, vector<1x16xf32>,
      %swap3A_56 = vector.shape_cast %swap3A_55 : vector<1x16xf32> to vector<16xf32>
      %swap3A_57 = vector.shape_cast %broadcast_in_dim3A_52 : vector<16xf32> to vector<1x16xf32>
      tpu.vector_store %arg8[%swap3A_53, %swap3A_54], %swap3A_57 {strides = array<i32>} : memref<128x128xf32, #tpu.memory_space<vmem>>, vector<1x16xf32>,
      %broadcast_in_dim3A_58 = arith.constant 0.000000e+00 : f32
      %broadcast_in_dim3A_59 = vector.broadcast %broadcast_in_dim3A_58 : f32 to vector<16xf32>
      %swap3A_60 = arith.index_cast %add3A_31 : i32 to index
      %swap3A_61 = arith.constant 64 : index
      %swap3A_62 = tpu.vector_load %arg8[%swap3A_60, %swap3A_61] {strides = array<i32>} : memref<128x128xf32, #tpu.memory_space<vmem>>, vector<1x16xf32>,
      %swap3A_63 = vector.shape_cast %swap3A_62 : vector<1x16xf32> to vector<16xf32>
      %swap3A_64 = vector.shape_cast %broadcast_in_dim3A_59 : vector<16xf32> to vector<1x16xf32>
      tpu.vector_store %arg8[%swap3A_60, %swap3A_61], %swap3A_64 {strides = array<i32>} : memref<128x128xf32, #tpu.memory_space<vmem>>, vector<1x16xf32>,
      %broadcast_in_dim3A_65 = arith.constant 0.000000e+00 : f32
      %broadcast_in_dim3A_66 = vector.broadcast %broadcast_in_dim3A_65 : f32 to vector<16xf32>
      %swap3A_67 = arith.index_cast %add3A_31 : i32 to index
      %swap3A_68 = arith.constant 80 : index
      %swap3A_69 = tpu.vector_load %arg8[%swap3A_67, %swap3A_68] {strides = array<i32>} : memref<128x128xf32, #tpu.memory_space<vmem>>, vector<1x16xf32>,
      %swap3A_70 = vector.shape_cast %swap3A_69 : vector<1x16xf32> to vector<16xf32>
      %swap3A_71 = vector.shape_cast %broadcast_in_dim3A_66 : vector<16xf32> to vector<1x16xf32>
      tpu.vector_store %arg8[%swap3A_67, %swap3A_68], %swap3A_71 {strides = array<i32>} : memref<128x128xf32, #tpu.memory_space<vmem>>, vector<1x16xf32>,
      %broadcast_in_dim3A_72 = arith.constant 0.000000e+00 : f32
      %broadcast_in_dim3A_73 = vector.broadcast %broadcast_in_dim3A_72 : f32 to vector<16xf32>
      %swap3A_74 = arith.index_cast %add3A_31 : i32 to index
      %swap3A_75 = arith.constant 96 : index
      %swap3A_76 = tpu.vector_load %arg8[%swap3A_74, %swap3A_75] {strides = array<i32>} : memref<128x128xf32, #tpu.memory_space<vmem>>, vector<1x16xf32>,
      %swap3A_77 = vector.shape_cast %swap3A_76 : vector<1x16xf32> to vector<16xf32>
      %swap3A_78 = vector.shape_cast %broadcast_in_dim3A_73 : vector<16xf32> to vector<1x16xf32>
      tpu.vector_store %arg8[%swap3A_74, %swap3A_75], %swap3A_78 {strides = array<i32>} : memref<128x128xf32, #tpu.memory_space<vmem>>, vector<1x16xf32>,
      %broadcast_in_dim3A_79 = arith.constant 0.000000e+00 : f32
      %broadcast_in_dim3A_80 = vector.broadcast %broadcast_in_dim3A_79 : f32 to vector<16xf32>
      %swap3A_81 = arith.index_cast %add3A_31 : i32 to index
      %swap3A_82 = arith.constant 112 : index
      %swap3A_83 = tpu.vector_load %arg8[%swap3A_81, %swap3A_82] {strides = array<i32>} : memref<128x128xf32, #tpu.memory_space<vmem>>, vector<1x16xf32>,
      %swap3A_84 = vector.shape_cast %swap3A_83 : vector<1x16xf32> to vector<16xf32>
      %swap3A_85 = vector.shape_cast %broadcast_in_dim3A_80 : vector<16xf32> to vector<1x16xf32>
      tpu.vector_store %arg8[%swap3A_81, %swap3A_82], %swap3A_85 {strides = array<i32>} : memref<128x128xf32, #tpu.memory_space<vmem>>, vector<1x16xf32>,
    }
    %scan3A_4 = arith.constant 128 : i32
    %mul3A_5 = arith.constant 640 : i32
    %mul3A_6 = arith.muli %arg1, %mul3A_5 : i32
    %add3A_7 = arith.constant 0 : i32
    %add3A_8 = arith.addi %mul3A_6, %add3A_7 : i32
    "tpu.region"() ({
      %run_scoped3A = tpu.sem_alloc : memref<!tpu.dma_semaphore, #tpu.memory_space<semaphore_mem>>
      %dma_start3A = arith.constant 0 : i32
      %dma_start3A_27 = tpu.memref_slice %arg11[%add3A_8, %dma_start3A] : memref<10240x128xf32, #tpu.memory_space<vmem_shared>> -> memref<128x128xf32, #tpu.memory_space<vmem_shared>>
      %dma_start3A_28 = arith.constant 0 : i32
      %dma_start3A_29 = tpu.memref_slice %arg11[%add3A_8, %dma_start3A_28] : memref<10240x128xf32, #tpu.memory_space<vmem_shared>> -> memref<128x128xf32, #tpu.memory_space<vmem_shared>>
      tpu.enqueue_dma source(%arg8 : memref<128x128xf32, #tpu.memory_space<vmem>>) target(%dma_start3A_29 : memref<128x128xf32, #tpu.memory_space<vmem_shared>>) target_semaphore(%run_scoped3A : memref<!tpu.dma_semaphore, #tpu.memory_space<semaphore_mem>>)
      %dma_wait3A = arith.constant 0 : i32
      %dma_wait3A_30 = tpu.memref_slice %arg11[%add3A_8, %dma_wait3A] : memref<10240x128xf32, #tpu.memory_space<vmem_shared>> -> memref<128x128xf32, #tpu.memory_space<vmem_shared>>
      %dma_wait3A_31 = arith.constant 0 : i32
      %dma_wait3A_32 = tpu.memref_slice %arg11[%add3A_8, %dma_wait3A_31] : memref<10240x128xf32, #tpu.memory_space<vmem_shared>> -> memref<128x128xf32, #tpu.memory_space<vmem_shared>>
      tpu.wait_dma2 semaphore(%run_scoped3A : memref<!tpu.dma_semaphore, #tpu.memory_space<semaphore_mem>>) src(%arg8 : memref<128x128xf32, #tpu.memory_space<vmem>>) dst(%dma_wait3A_32 : memref<128x128xf32, #tpu.memory_space<vmem_shared>>)
      tpu.yield
    }) : () -> ()
    %add3A_9 = arith.constant 128 : i32
    %add3A_10 = arith.addi %mul3A_6, %add3A_9 : i32
    "tpu.region"() ({
      %run_scoped3A = tpu.sem_alloc : memref<!tpu.dma_semaphore, #tpu.memory_space<semaphore_mem>>
      %dma_start3A = arith.constant 0 : i32
      %dma_start3A_27 = tpu.memref_slice %arg11[%add3A_10, %dma_start3A] : memref<10240x128xf32, #tpu.memory_space<vmem_shared>> -> memref<128x128xf32, #tpu.memory_space<vmem_shared>>
      %dma_start3A_28 = arith.constant 0 : i32
      %dma_start3A_29 = tpu.memref_slice %arg11[%add3A_10, %dma_start3A_28] : memref<10240x128xf32, #tpu.memory_space<vmem_shared>> -> memref<128x128xf32, #tpu.memory_space<vmem_shared>>
      tpu.enqueue_dma source(%arg8 : memref<128x128xf32, #tpu.memory_space<vmem>>) target(%dma_start3A_29 : memref<128x128xf32, #tpu.memory_space<vmem_shared>>) target_semaphore(%run_scoped3A : memref<!tpu.dma_semaphore, #tpu.memory_space<semaphore_mem>>)
      %dma_wait3A = arith.constant 0 : i32
      %dma_wait3A_30 = tpu.memref_slice %arg11[%add3A_10, %dma_wait3A] : memref<10240x128xf32, #tpu.memory_space<vmem_shared>> -> memref<128x128xf32, #tpu.memory_space<vmem_shared>>
      %dma_wait3A_31 = arith.constant 0 : i32
      %dma_wait3A_32 = tpu.memref_slice %arg11[%add3A_10, %dma_wait3A_31] : memref<10240x128xf32, #tpu.memory_space<vmem_shared>> -> memref<128x128xf32, #tpu.memory_space<vmem_shared>>
      tpu.wait_dma2 semaphore(%run_scoped3A : memref<!tpu.dma_semaphore, #tpu.memory_space<semaphore_mem>>) src(%arg8 : memref<128x128xf32, #tpu.memory_space<vmem>>) dst(%dma_wait3A_32 : memref<128x128xf32, #tpu.memory_space<vmem_shared>>)
      tpu.yield
    }) : () -> ()
    %add3A_11 = arith.constant 256 : i32
    %add3A_12 = arith.addi %mul3A_6, %add3A_11 : i32
    "tpu.region"() ({
      %run_scoped3A = tpu.sem_alloc : memref<!tpu.dma_semaphore, #tpu.memory_space<semaphore_mem>>
      %dma_start3A = arith.constant 0 : i32
      %dma_start3A_27 = tpu.memref_slice %arg11[%add3A_12, %dma_start3A] : memref<10240x128xf32, #tpu.memory_space<vmem_shared>> -> memref<128x128xf32, #tpu.memory_space<vmem_shared>>
      %dma_start3A_28 = arith.constant 0 : i32
      %dma_start3A_29 = tpu.memref_slice %arg11[%add3A_12, %dma_start3A_28] : memref<10240x128xf32, #tpu.memory_space<vmem_shared>> -> memref<128x128xf32, #tpu.memory_space<vmem_shared>>
      tpu.enqueue_dma source(%arg8 : memref<128x128xf32, #tpu.memory_space<vmem>>) target(%dma_start3A_29 : memref<128x128xf32, #tpu.memory_space<vmem_shared>>) target_semaphore(%run_scoped3A : memref<!tpu.dma_semaphore, #tpu.memory_space<semaphore_mem>>)
      %dma_wait3A = arith.constant 0 : i32
      %dma_wait3A_30 = tpu.memref_slice %arg11[%add3A_12, %dma_wait3A] : memref<10240x128xf32, #tpu.memory_space<vmem_shared>> -> memref<128x128xf32, #tpu.memory_space<vmem_shared>>
      %dma_wait3A_31 = arith.constant 0 : i32
      %dma_wait3A_32 = tpu.memref_slice %arg11[%add3A_12, %dma_wait3A_31] : memref<10240x128xf32, #tpu.memory_space<vmem_shared>> -> memref<128x128xf32, #tpu.memory_space<vmem_shared>>
      tpu.wait_dma2 semaphore(%run_scoped3A : memref<!tpu.dma_semaphore, #tpu.memory_space<semaphore_mem>>) src(%arg8 : memref<128x128xf32, #tpu.memory_space<vmem>>) dst(%dma_wait3A_32 : memref<128x128xf32, #tpu.memory_space<vmem_shared>>)
      tpu.yield
    }) : () -> ()
    %add3A_13 = arith.constant 384 : i32
    %add3A_14 = arith.addi %mul3A_6, %add3A_13 : i32
    "tpu.region"() ({
      %run_scoped3A = tpu.sem_alloc : memref<!tpu.dma_semaphore, #tpu.memory_space<semaphore_mem>>
      %dma_start3A = arith.constant 0 : i32
      %dma_start3A_27 = tpu.memref_slice %arg11[%add3A_14, %dma_start3A] : memref<10240x128xf32, #tpu.memory_space<vmem_shared>> -> memref<128x128xf32, #tpu.memory_space<vmem_shared>>
      %dma_start3A_28 = arith.constant 0 : i32
      %dma_start3A_29 = tpu.memref_slice %arg11[%add3A_14, %dma_start3A_28] : memref<10240x128xf32, #tpu.memory_space<vmem_shared>> -> memref<128x128xf32, #tpu.memory_space<vmem_shared>>
      tpu.enqueue_dma source(%arg8 : memref<128x128xf32, #tpu.memory_space<vmem>>) target(%dma_start3A_29 : memref<128x128xf32, #tpu.memory_space<vmem_shared>>) target_semaphore(%run_scoped3A : memref<!tpu.dma_semaphore, #tpu.memory_space<semaphore_mem>>)
      %dma_wait3A = arith.constant 0 : i32
      %dma_wait3A_30 = tpu.memref_slice %arg11[%add3A_14, %dma_wait3A] : memref<10240x128xf32, #tpu.memory_space<vmem_shared>> -> memref<128x128xf32, #tpu.memory_space<vmem_shared>>
      %dma_wait3A_31 = arith.constant 0 : i32
      %dma_wait3A_32 = tpu.memref_slice %arg11[%add3A_14, %dma_wait3A_31] : memref<10240x128xf32, #tpu.memory_space<vmem_shared>> -> memref<128x128xf32, #tpu.memory_space<vmem_shared>>
      tpu.wait_dma2 semaphore(%run_scoped3A : memref<!tpu.dma_semaphore, #tpu.memory_space<semaphore_mem>>) src(%arg8 : memref<128x128xf32, #tpu.memory_space<vmem>>) dst(%dma_wait3A_32 : memref<128x128xf32, #tpu.memory_space<vmem_shared>>)
      tpu.yield
    }) : () -> ()
    %add3A_15 = arith.constant 512 : i32
    %add3A_16 = arith.addi %mul3A_6, %add3A_15 : i32
    "tpu.region"() ({
      %run_scoped3A = tpu.sem_alloc : memref<!tpu.dma_semaphore, #tpu.memory_space<semaphore_mem>>
      %dma_start3A = arith.constant 0 : i32
      %dma_start3A_27 = tpu.memref_slice %arg11[%add3A_16, %dma_start3A] : memref<10240x128xf32, #tpu.memory_space<vmem_shared>> -> memref<128x128xf32, #tpu.memory_space<vmem_shared>>
      %dma_start3A_28 = arith.constant 0 : i32
      %dma_start3A_29 = tpu.memref_slice %arg11[%add3A_16, %dma_start3A_28] : memref<10240x128xf32, #tpu.memory_space<vmem_shared>> -> memref<128x128xf32, #tpu.memory_space<vmem_shared>>
      tpu.enqueue_dma source(%arg8 : memref<128x128xf32, #tpu.memory_space<vmem>>) target(%dma_start3A_29 : memref<128x128xf32, #tpu.memory_space<vmem_shared>>) target_semaphore(%run_scoped3A : memref<!tpu.dma_semaphore, #tpu.memory_space<semaphore_mem>>)
      %dma_wait3A = arith.constant 0 : i32
      %dma_wait3A_30 = tpu.memref_slice %arg11[%add3A_16, %dma_wait3A] : memref<10240x128xf32, #tpu.memory_space<vmem_shared>> -> memref<128x128xf32, #tpu.memory_space<vmem_shared>>
      %dma_wait3A_31 = arith.constant 0 : i32
      %dma_wait3A_32 = tpu.memref_slice %arg11[%add3A_16, %dma_wait3A_31] : memref<10240x128xf32, #tpu.memory_space<vmem_shared>> -> memref<128x128xf32, #tpu.memory_space<vmem_shared>>
      tpu.wait_dma2 semaphore(%run_scoped3A : memref<!tpu.dma_semaphore, #tpu.memory_space<semaphore_mem>>) src(%arg8 : memref<128x128xf32, #tpu.memory_space<vmem>>) dst(%dma_wait3A_32 : memref<128x128xf32, #tpu.memory_space<vmem_shared>>)
      tpu.yield
    }) : () -> ()
    %barrier3A = arith.constant 0 : index
    tpu.barrier barrier_id(%barrier3A)
    %scan3A_17 = arith.constant 0 : i32
    %scan3A_18 = arith.constant 5 : i32
    %scan3A_19 = arith.addi %scan3A_17, %scan3A_18 : i32
    %scan3A_20 = arith.constant 1 : i32
    scf.for %scan3A_27 = %scan3A_17 to %scan3A_19 step %scan3A_20  : i32 {
      %mul3A_28 = arith.constant 16 : i32
      %mul3A_29 = arith.muli %scan3A_27, %mul3A_28 : i32
      %add3A_30 = arith.constant 0 : i32
      %add3A_31 = arith.addi %add3A_30, %mul3A_29 : i32
      "tpu.region"() ({
        %run_scoped3A = tpu.sem_alloc : memref<!tpu.dma_semaphore, #tpu.memory_space<semaphore_mem>>
        %dma_start3A = arith.constant 0 : i32
        %dma_start3A_37 = arith.constant 0 : i32
        %dma_start3A_38 = tpu.memref_slice %arg3[%add3A, %dma_start3A, %dma_start3A_37] : memref<32x80x128xi32, #tpu.memory_space<hbm>> -> memref<1x80x128xi32, #tpu.memory_space<hbm>>
        %dma_start3A_39 = tpu.memref_squeeze %dma_start3A_38 : memref<1x80x128xi32, #tpu.memory_space<hbm>> -> memref<80x128xi32, #tpu.memory_space<hbm>>
        %dma_start3A_40 = arith.constant 0 : i32
        %dma_start3A_41 = tpu.memref_slice %dma_start3A_39[%add3A_31, %dma_start3A_40] : memref<80x128xi32, #tpu.memory_space<hbm>> -> memref<16x128xi32, #tpu.memory_space<hbm>>
        %dma_start3A_42 = arith.constant 0 : i32
        %dma_start3A_43 = arith.constant 0 : i32
        %dma_start3A_44 = tpu.memref_slice %arg3[%add3A, %dma_start3A_42, %dma_start3A_43] : memref<32x80x128xi32, #tpu.memory_space<hbm>> -> memref<1x80x128xi32, #tpu.memory_space<hbm>>
        %dma_start3A_45 = tpu.memref_squeeze %dma_start3A_44 : memref<1x80x128xi32, #tpu.memory_space<hbm>> -> memref<80x128xi32, #tpu.memory_space<hbm>>
        %dma_start3A_46 = arith.constant 0 : i32
        %dma_start3A_47 = tpu.memref_slice %dma_start3A_45[%add3A_31, %dma_start3A_46] : memref<80x128xi32, #tpu.memory_space<hbm>> -> memref<16x128xi32, #tpu.memory_space<hbm>>
        tpu.enqueue_dma source(%dma_start3A_47 : memref<16x128xi32, #tpu.memory_space<hbm>>) target(%arg6 : memref<16x128xi32, #tpu.memory_space<vmem>>) target_semaphore(%run_scoped3A : memref<!tpu.dma_semaphore, #tpu.memory_space<semaphore_mem>>)
        %dma_wait3A = arith.constant 0 : i32
        %dma_wait3A_48 = arith.constant 0 : i32
        %dma_wait3A_49 = tpu.memref_slice %arg3[%add3A, %dma_wait3A, %dma_wait3A_48] : memref<32x80x128xi32, #tpu.memory_space<hbm>> -> memref<1x80x128xi32, #tpu.memory_space<hbm>>
        %dma_wait3A_50 = tpu.memref_squeeze %dma_wait3A_49 : memref<1x80x128xi32, #tpu.memory_space<hbm>> -> memref<80x128xi32, #tpu.memory_space<hbm>>
        %dma_wait3A_51 = arith.constant 0 : i32
        %dma_wait3A_52 = tpu.memref_slice %dma_wait3A_50[%add3A_31, %dma_wait3A_51] : memref<80x128xi32, #tpu.memory_space<hbm>> -> memref<16x128xi32, #tpu.memory_space<hbm>>
        %dma_wait3A_53 = arith.constant 0 : i32
        %dma_wait3A_54 = arith.constant 0 : i32
        %dma_wait3A_55 = tpu.memref_slice %arg3[%add3A, %dma_wait3A_53, %dma_wait3A_54] : memref<32x80x128xi32, #tpu.memory_space<hbm>> -> memref<1x80x128xi32, #tpu.memory_space<hbm>>
        %dma_wait3A_56 = tpu.memref_squeeze %dma_wait3A_55 : memref<1x80x128xi32, #tpu.memory_space<hbm>> -> memref<80x128xi32, #tpu.memory_space<hbm>>
        %dma_wait3A_57 = arith.constant 0 : i32
        %dma_wait3A_58 = tpu.memref_slice %dma_wait3A_56[%add3A_31, %dma_wait3A_57] : memref<80x128xi32, #tpu.memory_space<hbm>> -> memref<16x128xi32, #tpu.memory_space<hbm>>
        tpu.wait_dma2 semaphore(%run_scoped3A : memref<!tpu.dma_semaphore, #tpu.memory_space<semaphore_mem>>) src(%dma_wait3A_58 : memref<16x128xi32, #tpu.memory_space<hbm>>) dst(%arg6 : memref<16x128xi32, #tpu.memory_space<vmem>>)
        tpu.yield
      }) : () -> ()
      "tpu.region"() ({
        %run_scoped3A = tpu.sem_alloc : memref<!tpu.dma_semaphore, #tpu.memory_space<semaphore_mem>>
        %dma_start3A = arith.constant 0 : i32
        %dma_start3A_37 = arith.constant 0 : i32
        %dma_start3A_38 = tpu.memref_slice %arg4[%add3A, %dma_start3A, %dma_start3A_37] : memref<32x80x128xi32, #tpu.memory_space<hbm>> -> memref<1x80x128xi32, #tpu.memory_space<hbm>>
        %dma_start3A_39 = tpu.memref_squeeze %dma_start3A_38 : memref<1x80x128xi32, #tpu.memory_space<hbm>> -> memref<80x128xi32, #tpu.memory_space<hbm>>
        %dma_start3A_40 = arith.constant 0 : i32
        %dma_start3A_41 = tpu.memref_slice %dma_start3A_39[%add3A_31, %dma_start3A_40] : memref<80x128xi32, #tpu.memory_space<hbm>> -> memref<16x128xi32, #tpu.memory_space<hbm>>
        %dma_start3A_42 = arith.constant 0 : i32
        %dma_start3A_43 = arith.constant 0 : i32
        %dma_start3A_44 = tpu.memref_slice %arg4[%add3A, %dma_start3A_42, %dma_start3A_43] : memref<32x80x128xi32, #tpu.memory_space<hbm>> -> memref<1x80x128xi32, #tpu.memory_space<hbm>>
        %dma_start3A_45 = tpu.memref_squeeze %dma_start3A_44 : memref<1x80x128xi32, #tpu.memory_space<hbm>> -> memref<80x128xi32, #tpu.memory_space<hbm>>
        %dma_start3A_46 = arith.constant 0 : i32
        %dma_start3A_47 = tpu.memref_slice %dma_start3A_45[%add3A_31, %dma_start3A_46] : memref<80x128xi32, #tpu.memory_space<hbm>> -> memref<16x128xi32, #tpu.memory_space<hbm>>
        tpu.enqueue_dma source(%dma_start3A_47 : memref<16x128xi32, #tpu.memory_space<hbm>>) target(%arg7 : memref<16x128xi32, #tpu.memory_space<vmem>>) target_semaphore(%run_scoped3A : memref<!tpu.dma_semaphore, #tpu.memory_space<semaphore_mem>>)
        %dma_wait3A = arith.constant 0 : i32
        %dma_wait3A_48 = arith.constant 0 : i32
        %dma_wait3A_49 = tpu.memref_slice %arg4[%add3A, %dma_wait3A, %dma_wait3A_48] : memref<32x80x128xi32, #tpu.memory_space<hbm>> -> memref<1x80x128xi32, #tpu.memory_space<hbm>>
        %dma_wait3A_50 = tpu.memref_squeeze %dma_wait3A_49 : memref<1x80x128xi32, #tpu.memory_space<hbm>> -> memref<80x128xi32, #tpu.memory_space<hbm>>
        %dma_wait3A_51 = arith.constant 0 : i32
        %dma_wait3A_52 = tpu.memref_slice %dma_wait3A_50[%add3A_31, %dma_wait3A_51] : memref<80x128xi32, #tpu.memory_space<hbm>> -> memref<16x128xi32, #tpu.memory_space<hbm>>
        %dma_wait3A_53 = arith.constant 0 : i32
        %dma_wait3A_54 = arith.constant 0 : i32
        %dma_wait3A_55 = tpu.memref_slice %arg4[%add3A, %dma_wait3A_53, %dma_wait3A_54] : memref<32x80x128xi32, #tpu.memory_space<hbm>> -> memref<1x80x128xi32, #tpu.memory_space<hbm>>
        %dma_wait3A_56 = tpu.memref_squeeze %dma_wait3A_55 : memref<1x80x128xi32, #tpu.memory_space<hbm>> -> memref<80x128xi32, #tpu.memory_space<hbm>>
        %dma_wait3A_57 = arith.constant 0 : i32
        %dma_wait3A_58 = tpu.memref_slice %dma_wait3A_56[%add3A_31, %dma_wait3A_57] : memref<80x128xi32, #tpu.memory_space<hbm>> -> memref<16x128xi32, #tpu.memory_space<hbm>>
        tpu.wait_dma2 semaphore(%run_scoped3A : memref<!tpu.dma_semaphore, #tpu.memory_space<semaphore_mem>>) src(%dma_wait3A_58 : memref<16x128xi32, #tpu.memory_space<hbm>>) dst(%arg7 : memref<16x128xi32, #tpu.memory_space<vmem>>)
        tpu.yield
      }) : () -> ()
      %scan3A_32 = arith.constant 0 : i32
      %scan3A_33 = arith.constant 8 : i32
      %scan3A_34 = arith.addi %scan3A_32, %scan3A_33 : i32
      %scan3A_35 = arith.constant 1 : i32
      scf.for %scan3A_37 = %scan3A_32 to %scan3A_34 step %scan3A_35  : i32 {
        %mul3A_38 = arith.constant 2 : i32
        %mul3A_39 = arith.muli %scan3A_37, %mul3A_38 : i32
        %add3A_40 = arith.constant 0 : i32
        %add3A_41 = arith.addi %add3A_40, %mul3A_39 : i32
        %add3A_42 = arith.constant 0 : i32
        %add3A_43 = arith.addi %add3A_41, %add3A_42 : i32
        %dma_start3A = arith.constant 0 : i32
        %dma_start3A_44 = tpu.memref_slice %arg6[%add3A_43, %dma_start3A] : memref<16x128xi32, #tpu.memory_space<vmem>> -> memref<1x128xi32, #tpu.memory_space<vmem>>
        %dma_start3A_45 = tpu.memref_squeeze %dma_start3A_44 : memref<1x128xi32, #tpu.memory_space<vmem>> -> memref<128xi32, #tpu.memory_space<vmem>>
        %dma_start3A_46 = arith.constant 0 : i32
        %dma_start3A_47 = arith.constant 0 : i32
        %dma_start3A_48 = tpu.memref_slice %arg2[%dma_start3A_46, %dma_start3A_47] : memref<10000x128xf32, #tpu.memory_space<hbm>> -> memref<10000x128xf32, #tpu.memory_space<hbm>>
        tpu.enqueue_indirect_dma source(%dma_start3A_48 : memref<10000x128xf32, #tpu.memory_space<hbm>>) target(%arg8 : memref<128x128xf32, #tpu.memory_space<vmem>>) offsets(%dma_start3A_45 : memref<128xi32, #tpu.memory_space<vmem>>) semaphore(%arg10 : memref<!tpu.dma_semaphore, #tpu.memory_space<semaphore_mem>>)
        %add3A_49 = arith.constant 1 : i32
        %add3A_50 = arith.addi %add3A_41, %add3A_49 : i32
        %dma_start3A_51 = arith.constant 0 : i32
        %dma_start3A_52 = tpu.memref_slice %arg6[%add3A_50, %dma_start3A_51] : memref<16x128xi32, #tpu.memory_space<vmem>> -> memref<1x128xi32, #tpu.memory_space<vmem>>
        %dma_start3A_53 = tpu.memref_squeeze %dma_start3A_52 : memref<1x128xi32, #tpu.memory_space<vmem>> -> memref<128xi32, #tpu.memory_space<vmem>>
        %dma_start3A_54 = arith.constant 0 : i32
        %dma_start3A_55 = arith.constant 0 : i32
        %dma_start3A_56 = tpu.memref_slice %arg2[%dma_start3A_54, %dma_start3A_55] : memref<10000x128xf32, #tpu.memory_space<hbm>> -> memref<10000x128xf32, #tpu.memory_space<hbm>>
        tpu.enqueue_indirect_dma source(%dma_start3A_56 : memref<10000x128xf32, #tpu.memory_space<hbm>>) target(%arg9 : memref<128x128xf32, #tpu.memory_space<vmem>>) offsets(%dma_start3A_53 : memref<128xi32, #tpu.memory_space<vmem>>) semaphore(%arg10 : memref<!tpu.dma_semaphore, #tpu.memory_space<semaphore_mem>>)
        %add3A_57 = arith.constant 0 : i32
        %add3A_58 = arith.addi %add3A_41, %add3A_57 : i32
        %dma_wait3A = arith.constant 0 : i32
        %dma_wait3A_59 = tpu.memref_slice %arg6[%add3A_58, %dma_wait3A] : memref<16x128xi32, #tpu.memory_space<vmem>> -> memref<1x128xi32, #tpu.memory_space<vmem>>
        %dma_wait3A_60 = tpu.memref_squeeze %dma_wait3A_59 : memref<1x128xi32, #tpu.memory_space<vmem>> -> memref<128xi32, #tpu.memory_space<vmem>>
        %dma_wait3A_61 = arith.constant 0 : i32
        %dma_wait3A_62 = arith.constant 0 : i32
        %dma_wait3A_63 = tpu.memref_slice %arg2[%dma_wait3A_61, %dma_wait3A_62] : memref<10000x128xf32, #tpu.memory_space<hbm>> -> memref<10000x128xf32, #tpu.memory_space<hbm>>
        tpu.wait_indirect_dma semaphore(%arg10 : memref<!tpu.dma_semaphore, #tpu.memory_space<semaphore_mem>>) src(%dma_wait3A_63 : memref<10000x128xf32, #tpu.memory_space<hbm>>) dst(%arg8 : memref<128x128xf32, #tpu.memory_space<vmem>>)
        %add3A_64 = arith.constant 1 : i32
        %add3A_65 = arith.addi %add3A_41, %add3A_64 : i32
        %dma_wait3A_66 = arith.constant 0 : i32
        %dma_wait3A_67 = tpu.memref_slice %arg6[%add3A_65, %dma_wait3A_66] : memref<16x128xi32, #tpu.memory_space<vmem>> -> memref<1x128xi32, #tpu.memory_space<vmem>>
        %dma_wait3A_68 = tpu.memref_squeeze %dma_wait3A_67 : memref<1x128xi32, #tpu.memory_space<vmem>> -> memref<128xi32, #tpu.memory_space<vmem>>
        %dma_wait3A_69 = arith.constant 0 : i32
        %dma_wait3A_70 = arith.constant 0 : i32
        %dma_wait3A_71 = tpu.memref_slice %arg2[%dma_wait3A_69, %dma_wait3A_70] : memref<10000x128xf32, #tpu.memory_space<hbm>> -> memref<10000x128xf32, #tpu.memory_space<hbm>>
        tpu.wait_indirect_dma semaphore(%arg10 : memref<!tpu.dma_semaphore, #tpu.memory_space<semaphore_mem>>) src(%dma_wait3A_71 : memref<10000x128xf32, #tpu.memory_space<hbm>>) dst(%arg9 : memref<128x128xf32, #tpu.memory_space<vmem>>)
        %add3A_72 = arith.constant 0 : i32
        %add3A_73 = arith.addi %add3A_41, %add3A_72 : i32
        "tpu.region"() ({
          %run_scoped3A = tpu.sem_alloc : memref<!tpu.dma_semaphore, #tpu.memory_space<semaphore_mem>>
          %dma_start3A_76 = arith.constant 0 : i32
          %dma_start3A_77 = tpu.memref_slice %arg7[%add3A_73, %dma_start3A_76] : memref<16x128xi32, #tpu.memory_space<vmem>> -> memref<1x128xi32, #tpu.memory_space<vmem>>
          %dma_start3A_78 = tpu.memref_squeeze %dma_start3A_77 : memref<1x128xi32, #tpu.memory_space<vmem>> -> memref<128xi32, #tpu.memory_space<vmem>>
          %dma_start3A_79 = arith.constant 0 : i32
          %dma_start3A_80 = arith.constant 0 : i32
          %dma_start3A_81 = tpu.memref_slice %arg11[%dma_start3A_79, %dma_start3A_80] : memref<10240x128xf32, #tpu.memory_space<vmem_shared>> -> memref<10240x128xf32, #tpu.memory_space<vmem_shared>>
          tpu.enqueue_indirect_dma source(%arg8 : memref<128x128xf32, #tpu.memory_space<vmem>>) target(%dma_start3A_81 : memref<10240x128xf32, #tpu.memory_space<vmem_shared>>) offsets(%dma_start3A_78 : memref<128xi32, #tpu.memory_space<vmem>>) semaphore(%run_scoped3A : memref<!tpu.dma_semaphore, #tpu.memory_space<semaphore_mem>>) {add = true}
          %dma_wait3A_82 = arith.constant 0 : i32
          %dma_wait3A_83 = tpu.memref_slice %arg7[%add3A_73, %dma_wait3A_82] : memref<16x128xi32, #tpu.memory_space<vmem>> -> memref<1x128xi32, #tpu.memory_space<vmem>>
          %dma_wait3A_84 = tpu.memref_squeeze %dma_wait3A_83 : memref<1x128xi32, #tpu.memory_space<vmem>> -> memref<128xi32, #tpu.memory_space<vmem>>
          %dma_wait3A_85 = arith.constant 0 : i32
          %dma_wait3A_86 = arith.constant 0 : i32
          %dma_wait3A_87 = tpu.memref_slice %arg11[%dma_wait3A_85, %dma_wait3A_86] : memref<10240x128xf32, #tpu.memory_space<vmem_shared>> -> memref<10240x128xf32, #tpu.memory_space<vmem_shared>>
          tpu.wait_indirect_dma semaphore(%run_scoped3A : memref<!tpu.dma_semaphore, #tpu.memory_space<semaphore_mem>>) src(%arg8 : memref<128x128xf32, #tpu.memory_space<vmem>>) dst(%dma_wait3A_87 : memref<10240x128xf32, #tpu.memory_space<vmem_shared>>)
          tpu.yield
        }) : () -> ()
        %add3A_74 = arith.constant 1 : i32
        %add3A_75 = arith.addi %add3A_41, %add3A_74 : i32
        "tpu.region"() ({
          %run_scoped3A = tpu.sem_alloc : memref<!tpu.dma_semaphore, #tpu.memory_space<semaphore_mem>>
          %dma_start3A_76 = arith.constant 0 : i32
          %dma_start3A_77 = tpu.memref_slice %arg7[%add3A_75, %dma_start3A_76] : memref<16x128xi32, #tpu.memory_space<vmem>> -> memref<1x128xi32, #tpu.memory_space<vmem>>
          %dma_start3A_78 = tpu.memref_squeeze %dma_start3A_77 : memref<1x128xi32, #tpu.memory_space<vmem>> -> memref<128xi32, #tpu.memory_space<vmem>>
          %dma_start3A_79 = arith.constant 0 : i32
          %dma_start3A_80 = arith.constant 0 : i32
          %dma_start3A_81 = tpu.memref_slice %arg11[%dma_start3A_79, %dma_start3A_80] : memref<10240x128xf32, #tpu.memory_space<vmem_shared>> -> memref<10240x128xf32, #tpu.memory_space<vmem_shared>>
          tpu.enqueue_indirect_dma source(%arg9 : memref<128x128xf32, #tpu.memory_space<vmem>>) target(%dma_start3A_81 : memref<10240x128xf32, #tpu.memory_space<vmem_shared>>) offsets(%dma_start3A_78 : memref<128xi32, #tpu.memory_space<vmem>>) semaphore(%run_scoped3A : memref<!tpu.dma_semaphore, #tpu.memory_space<semaphore_mem>>) {add = true}
          %dma_wait3A_82 = arith.constant 0 : i32
          %dma_wait3A_83 = tpu.memref_slice %arg7[%add3A_75, %dma_wait3A_82] : memref<16x128xi32, #tpu.memory_space<vmem>> -> memref<1x128xi32, #tpu.memory_space<vmem>>
          %dma_wait3A_84 = tpu.memref_squeeze %dma_wait3A_83 : memref<1x128xi32, #tpu.memory_space<vmem>> -> memref<128xi32, #tpu.memory_space<vmem>>
          %dma_wait3A_85 = arith.constant 0 : i32
          %dma_wait3A_86 = arith.constant 0 : i32
          %dma_wait3A_87 = tpu.memref_slice %arg11[%dma_wait3A_85, %dma_wait3A_86] : memref<10240x128xf32, #tpu.memory_space<vmem_shared>> -> memref<10240x128xf32, #tpu.memory_space<vmem_shared>>
          tpu.wait_indirect_dma semaphore(%run_scoped3A : memref<!tpu.dma_semaphore, #tpu.memory_space<semaphore_mem>>) src(%arg9 : memref<128x128xf32, #tpu.memory_space<vmem>>) dst(%dma_wait3A_87 : memref<10240x128xf32, #tpu.memory_space<vmem_shared>>)
          tpu.yield
        }) : () -> ()
      }
      %scan3A_36 = arith.constant 8 : i32
    }
    %scan3A_21 = arith.constant 5 : i32
    %barrier3A_22 = arith.constant 0 : index
    tpu.barrier barrier_id(%barrier3A_22)
    %mul3A_23 = arith.constant 640 : i32
    %mul3A_24 = arith.muli %arg1, %mul3A_23 : i32
    %mul3A_25 = arith.constant 640 : i32
    %mul3A_26 = arith.muli %arg1, %mul3A_25 : i32
    "tpu.region"() ({
      %run_scoped3A = tpu.sem_alloc : memref<!tpu.dma_semaphore, #tpu.memory_space<semaphore_mem>>
      %dma_start3A = arith.constant 0 : i32
      %dma_start3A_27 = tpu.memref_slice %arg5[%arg0, %mul3A_26, %dma_start3A] : memref<2x10240x128xf32, #tpu.memory_space<hbm>> -> memref<1x640x128xf32, #tpu.memory_space<hbm>>
      %dma_start3A_28 = tpu.memref_squeeze %dma_start3A_27 : memref<1x640x128xf32, #tpu.memory_space<hbm>> -> memref<640x128xf32, #tpu.memory_space<hbm>>
      %dma_start3A_29 = arith.constant 0 : i32
      %dma_start3A_30 = tpu.memref_slice %arg11[%mul3A_24, %dma_start3A_29] : memref<10240x128xf32, #tpu.memory_space<vmem_shared>> -> memref<640x128xf32, #tpu.memory_space<vmem_shared>>
      tpu.enqueue_dma source(%dma_start3A_30 : memref<640x128xf32, #tpu.memory_space<vmem_shared>>) target(%dma_start3A_28 : memref<640x128xf32, #tpu.memory_space<hbm>>) target_semaphore(%run_scoped3A : memref<!tpu.dma_semaphore, #tpu.memory_space<semaphore_mem>>)
      %dma_wait3A = arith.constant 0 : i32
      %dma_wait3A_31 = tpu.memref_slice %arg5[%arg0, %mul3A_26, %dma_wait3A] : memref<2x10240x128xf32, #tpu.memory_space<hbm>> -> memref<1x640x128xf32, #tpu.memory_space<hbm>>
      %dma_wait3A_32 = tpu.memref_squeeze %dma_wait3A_31 : memref<1x640x128xf32, #tpu.memory_space<hbm>> -> memref<640x128xf32, #tpu.memory_space<hbm>>
      %dma_wait3A_33 = arith.constant 0 : i32
      %dma_wait3A_34 = tpu.memref_slice %arg11[%mul3A_24, %dma_wait3A_33] : memref<10240x128xf32, #tpu.memory_space<vmem_shared>> -> memref<640x128xf32, #tpu.memory_space<vmem_shared>>
      tpu.wait_dma2 semaphore(%run_scoped3A : memref<!tpu.dma_semaphore, #tpu.memory_space<semaphore_mem>>) src(%dma_wait3A_34 : memref<640x128xf32, #tpu.memory_space<vmem_shared>>) dst(%dma_wait3A_32 : memref<640x128xf32, #tpu.memory_space<hbm>>)
      tpu.yield
    }) : () -> ()
    return
  }
}

#map = affine_map<(d0, d1) -> (0, 0)>
#map1 = affine_map<(d0, d1) -> (0, 0, 0)>
module attributes {stable_mosaic.version = 14 : i64} {
  func.func @_agg_body(%arg0: i32, %arg1: i32, %arg2: memref<10000x128xf32, #tpu.memory_space<hbm>>, %arg3: memref<32x80x128xi32, #tpu.memory_space<hbm>>, %arg4: memref<32x80x128xi32, #tpu.memory_space<hbm>>, %arg5: memref<2x10240x128xf32, #tpu.memory_space<hbm>>, %arg6: memref<16x128xi32, #tpu.memory_space<vmem>>, %arg7: memref<16x128xi32, #tpu.memory_space<vmem>>, %arg8: memref<128x128xf32, #tpu.memory_space<vmem>>, %arg9: memref<128x128xf32, #tpu.memory_space<vmem>>, %arg10: memref<!tpu.dma_semaphore, #tpu.memory_space<semaphore_mem>>, %arg11: memref<10240x128xf32, #tpu.memory_space<vmem_shared>>) attributes {dimension_semantics = [#tpu.dimension_semantics<core_parallel>, #tpu.dimension_semantics<subcore_parallel>], iteration_bounds = array<i64: 2, 16>, scalar_prefetch = 0 : i64, scratch_operands = 6 : i64, tpu.core_type = #tpu.core_type<sc_vector_subcore>, window_params = [{transform_indices = #map}, {transform_indices = #map1}, {transform_indices = #map1}, {transform_indices = #map1}]} {
    %mul3A = arith.constant 2 : i32
    %mul3A_0 = arith.muli %arg1, %mul3A : i32
    %add3A = arith.addi %mul3A_0, %arg0 : i32
    %scan3A = arith.constant 0 : i32
    %scan3A_1 = arith.constant 128 : i32
    %scan3A_2 = arith.addi %scan3A, %scan3A_1 : i32
    %scan3A_3 = arith.constant 1 : i32
    scf.for %scan3A_27 = %scan3A to %scan3A_2 step %scan3A_3  : i32 {
      %mul3A_28 = arith.constant 1 : i32
      %mul3A_29 = arith.muli %scan3A_27, %mul3A_28 : i32
      %add3A_30 = arith.constant 0 : i32
      %add3A_31 = arith.addi %add3A_30, %mul3A_29 : i32
      %broadcast_in_dim3A = arith.constant 0.000000e+00 : f32
      %broadcast_in_dim3A_32 = vector.broadcast %broadcast_in_dim3A : f32 to vector<16xf32>
      %swap3A = arith.index_cast %add3A_31 : i32 to index
      %swap3A_33 = arith.constant 0 : index
      %swap3A_34 = tpu.vector_load %arg8[%swap3A, %swap3A_33] {strides = array<i32>} : memref<128x128xf32, #tpu.memory_space<vmem>>, vector<1x16xf32>,
      %swap3A_35 = vector.shape_cast %swap3A_34 : vector<1x16xf32> to vector<16xf32>
      %swap3A_36 = vector.shape_cast %broadcast_in_dim3A_32 : vector<16xf32> to vector<1x16xf32>
      tpu.vector_store %arg8[%swap3A, %swap3A_33], %swap3A_36 {strides = array<i32>} : memref<128x128xf32, #tpu.memory_space<vmem>>, vector<1x16xf32>,
      %broadcast_in_dim3A_37 = arith.constant 0.000000e+00 : f32
      %broadcast_in_dim3A_38 = vector.broadcast %broadcast_in_dim3A_37 : f32 to vector<16xf32>
      %swap3A_39 = arith.index_cast %add3A_31 : i32 to index
      %swap3A_40 = arith.constant 16 : index
      %swap3A_41 = tpu.vector_load %arg8[%swap3A_39, %swap3A_40] {strides = array<i32>} : memref<128x128xf32, #tpu.memory_space<vmem>>, vector<1x16xf32>,
      %swap3A_42 = vector.shape_cast %swap3A_41 : vector<1x16xf32> to vector<16xf32>
      %swap3A_43 = vector.shape_cast %broadcast_in_dim3A_38 : vector<16xf32> to vector<1x16xf32>
      tpu.vector_store %arg8[%swap3A_39, %swap3A_40], %swap3A_43 {strides = array<i32>} : memref<128x128xf32, #tpu.memory_space<vmem>>, vector<1x16xf32>,
      %broadcast_in_dim3A_44 = arith.constant 0.000000e+00 : f32
      %broadcast_in_dim3A_45 = vector.broadcast %broadcast_in_dim3A_44 : f32 to vector<16xf32>
      %swap3A_46 = arith.index_cast %add3A_31 : i32 to index
      %swap3A_47 = arith.constant 32 : index
      %swap3A_48 = tpu.vector_load %arg8[%swap3A_46, %swap3A_47] {strides = array<i32>} : memref<128x128xf32, #tpu.memory_space<vmem>>, vector<1x16xf32>,
      %swap3A_49 = vector.shape_cast %swap3A_48 : vector<1x16xf32> to vector<16xf32>
      %swap3A_50 = vector.shape_cast %broadcast_in_dim3A_45 : vector<16xf32> to vector<1x16xf32>
      tpu.vector_store %arg8[%swap3A_46, %swap3A_47], %swap3A_50 {strides = array<i32>} : memref<128x128xf32, #tpu.memory_space<vmem>>, vector<1x16xf32>,
      %broadcast_in_dim3A_51 = arith.constant 0.000000e+00 : f32
      %broadcast_in_dim3A_52 = vector.broadcast %broadcast_in_dim3A_51 : f32 to vector<16xf32>
      %swap3A_53 = arith.index_cast %add3A_31 : i32 to index
      %swap3A_54 = arith.constant 48 : index
      %swap3A_55 = tpu.vector_load %arg8[%swap3A_53, %swap3A_54] {strides = array<i32>} : memref<128x128xf32, #tpu.memory_space<vmem>>, vector<1x16xf32>,
      %swap3A_56 = vector.shape_cast %swap3A_55 : vector<1x16xf32> to vector<16xf32>
      %swap3A_57 = vector.shape_cast %broadcast_in_dim3A_52 : vector<16xf32> to vector<1x16xf32>
      tpu.vector_store %arg8[%swap3A_53, %swap3A_54], %swap3A_57 {strides = array<i32>} : memref<128x128xf32, #tpu.memory_space<vmem>>, vector<1x16xf32>,
      %broadcast_in_dim3A_58 = arith.constant 0.000000e+00 : f32
      %broadcast_in_dim3A_59 = vector.broadcast %broadcast_in_dim3A_58 : f32 to vector<16xf32>
      %swap3A_60 = arith.index_cast %add3A_31 : i32 to index
      %swap3A_61 = arith.constant 64 : index
      %swap3A_62 = tpu.vector_load %arg8[%swap3A_60, %swap3A_61] {strides = array<i32>} : memref<128x128xf32, #tpu.memory_space<vmem>>, vector<1x16xf32>,
      %swap3A_63 = vector.shape_cast %swap3A_62 : vector<1x16xf32> to vector<16xf32>
      %swap3A_64 = vector.shape_cast %broadcast_in_dim3A_59 : vector<16xf32> to vector<1x16xf32>
      tpu.vector_store %arg8[%swap3A_60, %swap3A_61], %swap3A_64 {strides = array<i32>} : memref<128x128xf32, #tpu.memory_space<vmem>>, vector<1x16xf32>,
      %broadcast_in_dim3A_65 = arith.constant 0.000000e+00 : f32
      %broadcast_in_dim3A_66 = vector.broadcast %broadcast_in_dim3A_65 : f32 to vector<16xf32>
      %swap3A_67 = arith.index_cast %add3A_31 : i32 to index
      %swap3A_68 = arith.constant 80 : index
      %swap3A_69 = tpu.vector_load %arg8[%swap3A_67, %swap3A_68] {strides = array<i32>} : memref<128x128xf32, #tpu.memory_space<vmem>>, vector<1x16xf32>,
      %swap3A_70 = vector.shape_cast %swap3A_69 : vector<1x16xf32> to vector<16xf32>
      %swap3A_71 = vector.shape_cast %broadcast_in_dim3A_66 : vector<16xf32> to vector<1x16xf32>
      tpu.vector_store %arg8[%swap3A_67, %swap3A_68], %swap3A_71 {strides = array<i32>} : memref<128x128xf32, #tpu.memory_space<vmem>>, vector<1x16xf32>,
      %broadcast_in_dim3A_72 = arith.constant 0.000000e+00 : f32
      %broadcast_in_dim3A_73 = vector.broadcast %broadcast_in_dim3A_72 : f32 to vector<16xf32>
      %swap3A_74 = arith.index_cast %add3A_31 : i32 to index
      %swap3A_75 = arith.constant 96 : index
      %swap3A_76 = tpu.vector_load %arg8[%swap3A_74, %swap3A_75] {strides = array<i32>} : memref<128x128xf32, #tpu.memory_space<vmem>>, vector<1x16xf32>,
      %swap3A_77 = vector.shape_cast %swap3A_76 : vector<1x16xf32> to vector<16xf32>
      %swap3A_78 = vector.shape_cast %broadcast_in_dim3A_73 : vector<16xf32> to vector<1x16xf32>
      tpu.vector_store %arg8[%swap3A_74, %swap3A_75], %swap3A_78 {strides = array<i32>} : memref<128x128xf32, #tpu.memory_space<vmem>>, vector<1x16xf32>,
      %broadcast_in_dim3A_79 = arith.constant 0.000000e+00 : f32
      %broadcast_in_dim3A_80 = vector.broadcast %broadcast_in_dim3A_79 : f32 to vector<16xf32>
      %swap3A_81 = arith.index_cast %add3A_31 : i32 to index
      %swap3A_82 = arith.constant 112 : index
      %swap3A_83 = tpu.vector_load %arg8[%swap3A_81, %swap3A_82] {strides = array<i32>} : memref<128x128xf32, #tpu.memory_space<vmem>>, vector<1x16xf32>,
      %swap3A_84 = vector.shape_cast %swap3A_83 : vector<1x16xf32> to vector<16xf32>
      %swap3A_85 = vector.shape_cast %broadcast_in_dim3A_80 : vector<16xf32> to vector<1x16xf32>
      tpu.vector_store %arg8[%swap3A_81, %swap3A_82], %swap3A_85 {strides = array<i32>} : memref<128x128xf32, #tpu.memory_space<vmem>>, vector<1x16xf32>,
    }
    %scan3A_4 = arith.constant 128 : i32
    %mul3A_5 = arith.constant 640 : i32
    %mul3A_6 = arith.muli %arg1, %mul3A_5 : i32
    %add3A_7 = arith.constant 0 : i32
    %add3A_8 = arith.addi %mul3A_6, %add3A_7 : i32
    "tpu.region"() ({
      %run_scoped3A = tpu.sem_alloc : memref<!tpu.dma_semaphore, #tpu.memory_space<semaphore_mem>>
      %dma_start3A = arith.constant 0 : i32
      %dma_start3A_27 = tpu.memref_slice %arg11[%add3A_8, %dma_start3A] : memref<10240x128xf32, #tpu.memory_space<vmem_shared>> -> memref<128x128xf32, #tpu.memory_space<vmem_shared>>
      %dma_start3A_28 = arith.constant 0 : i32
      %dma_start3A_29 = tpu.memref_slice %arg11[%add3A_8, %dma_start3A_28] : memref<10240x128xf32, #tpu.memory_space<vmem_shared>> -> memref<128x128xf32, #tpu.memory_space<vmem_shared>>
      tpu.enqueue_dma source(%arg8 : memref<128x128xf32, #tpu.memory_space<vmem>>) target(%dma_start3A_29 : memref<128x128xf32, #tpu.memory_space<vmem_shared>>) target_semaphore(%run_scoped3A : memref<!tpu.dma_semaphore, #tpu.memory_space<semaphore_mem>>)
      %dma_wait3A = arith.constant 0 : i32
      %dma_wait3A_30 = tpu.memref_slice %arg11[%add3A_8, %dma_wait3A] : memref<10240x128xf32, #tpu.memory_space<vmem_shared>> -> memref<128x128xf32, #tpu.memory_space<vmem_shared>>
      %dma_wait3A_31 = arith.constant 0 : i32
      %dma_wait3A_32 = tpu.memref_slice %arg11[%add3A_8, %dma_wait3A_31] : memref<10240x128xf32, #tpu.memory_space<vmem_shared>> -> memref<128x128xf32, #tpu.memory_space<vmem_shared>>
      tpu.wait_dma2 semaphore(%run_scoped3A : memref<!tpu.dma_semaphore, #tpu.memory_space<semaphore_mem>>) src(%arg8 : memref<128x128xf32, #tpu.memory_space<vmem>>) dst(%dma_wait3A_32 : memref<128x128xf32, #tpu.memory_space<vmem_shared>>)
      tpu.yield
    }) : () -> ()
    %add3A_9 = arith.constant 128 : i32
    %add3A_10 = arith.addi %mul3A_6, %add3A_9 : i32
    "tpu.region"() ({
      %run_scoped3A = tpu.sem_alloc : memref<!tpu.dma_semaphore, #tpu.memory_space<semaphore_mem>>
      %dma_start3A = arith.constant 0 : i32
      %dma_start3A_27 = tpu.memref_slice %arg11[%add3A_10, %dma_start3A] : memref<10240x128xf32, #tpu.memory_space<vmem_shared>> -> memref<128x128xf32, #tpu.memory_space<vmem_shared>>
      %dma_start3A_28 = arith.constant 0 : i32
      %dma_start3A_29 = tpu.memref_slice %arg11[%add3A_10, %dma_start3A_28] : memref<10240x128xf32, #tpu.memory_space<vmem_shared>> -> memref<128x128xf32, #tpu.memory_space<vmem_shared>>
      tpu.enqueue_dma source(%arg8 : memref<128x128xf32, #tpu.memory_space<vmem>>) target(%dma_start3A_29 : memref<128x128xf32, #tpu.memory_space<vmem_shared>>) target_semaphore(%run_scoped3A : memref<!tpu.dma_semaphore, #tpu.memory_space<semaphore_mem>>)
      %dma_wait3A = arith.constant 0 : i32
      %dma_wait3A_30 = tpu.memref_slice %arg11[%add3A_10, %dma_wait3A] : memref<10240x128xf32, #tpu.memory_space<vmem_shared>> -> memref<128x128xf32, #tpu.memory_space<vmem_shared>>
      %dma_wait3A_31 = arith.constant 0 : i32
      %dma_wait3A_32 = tpu.memref_slice %arg11[%add3A_10, %dma_wait3A_31] : memref<10240x128xf32, #tpu.memory_space<vmem_shared>> -> memref<128x128xf32, #tpu.memory_space<vmem_shared>>
      tpu.wait_dma2 semaphore(%run_scoped3A : memref<!tpu.dma_semaphore, #tpu.memory_space<semaphore_mem>>) src(%arg8 : memref<128x128xf32, #tpu.memory_space<vmem>>) dst(%dma_wait3A_32 : memref<128x128xf32, #tpu.memory_space<vmem_shared>>)
      tpu.yield
    }) : () -> ()
    %add3A_11 = arith.constant 256 : i32
    %add3A_12 = arith.addi %mul3A_6, %add3A_11 : i32
    "tpu.region"() ({
      %run_scoped3A = tpu.sem_alloc : memref<!tpu.dma_semaphore, #tpu.memory_space<semaphore_mem>>
      %dma_start3A = arith.constant 0 : i32
      %dma_start3A_27 = tpu.memref_slice %arg11[%add3A_12, %dma_start3A] : memref<10240x128xf32, #tpu.memory_space<vmem_shared>> -> memref<128x128xf32, #tpu.memory_space<vmem_shared>>
      %dma_start3A_28 = arith.constant 0 : i32
      %dma_start3A_29 = tpu.memref_slice %arg11[%add3A_12, %dma_start3A_28] : memref<10240x128xf32, #tpu.memory_space<vmem_shared>> -> memref<128x128xf32, #tpu.memory_space<vmem_shared>>
      tpu.enqueue_dma source(%arg8 : memref<128x128xf32, #tpu.memory_space<vmem>>) target(%dma_start3A_29 : memref<128x128xf32, #tpu.memory_space<vmem_shared>>) target_semaphore(%run_scoped3A : memref<!tpu.dma_semaphore, #tpu.memory_space<semaphore_mem>>)
      %dma_wait3A = arith.constant 0 : i32
      %dma_wait3A_30 = tpu.memref_slice %arg11[%add3A_12, %dma_wait3A] : memref<10240x128xf32, #tpu.memory_space<vmem_shared>> -> memref<128x128xf32, #tpu.memory_space<vmem_shared>>
      %dma_wait3A_31 = arith.constant 0 : i32
      %dma_wait3A_32 = tpu.memref_slice %arg11[%add3A_12, %dma_wait3A_31] : memref<10240x128xf32, #tpu.memory_space<vmem_shared>> -> memref<128x128xf32, #tpu.memory_space<vmem_shared>>
      tpu.wait_dma2 semaphore(%run_scoped3A : memref<!tpu.dma_semaphore, #tpu.memory_space<semaphore_mem>>) src(%arg8 : memref<128x128xf32, #tpu.memory_space<vmem>>) dst(%dma_wait3A_32 : memref<128x128xf32, #tpu.memory_space<vmem_shared>>)
      tpu.yield
    }) : () -> ()
    %add3A_13 = arith.constant 384 : i32
    %add3A_14 = arith.addi %mul3A_6, %add3A_13 : i32
    "tpu.region"() ({
      %run_scoped3A = tpu.sem_alloc : memref<!tpu.dma_semaphore, #tpu.memory_space<semaphore_mem>>
      %dma_start3A = arith.constant 0 : i32
      %dma_start3A_27 = tpu.memref_slice %arg11[%add3A_14, %dma_start3A] : memref<10240x128xf32, #tpu.memory_space<vmem_shared>> -> memref<128x128xf32, #tpu.memory_space<vmem_shared>>
      %dma_start3A_28 = arith.constant 0 : i32
      %dma_start3A_29 = tpu.memref_slice %arg11[%add3A_14, %dma_start3A_28] : memref<10240x128xf32, #tpu.memory_space<vmem_shared>> -> memref<128x128xf32, #tpu.memory_space<vmem_shared>>
      tpu.enqueue_dma source(%arg8 : memref<128x128xf32, #tpu.memory_space<vmem>>) target(%dma_start3A_29 : memref<128x128xf32, #tpu.memory_space<vmem_shared>>) target_semaphore(%run_scoped3A : memref<!tpu.dma_semaphore, #tpu.memory_space<semaphore_mem>>)
      %dma_wait3A = arith.constant 0 : i32
      %dma_wait3A_30 = tpu.memref_slice %arg11[%add3A_14, %dma_wait3A] : memref<10240x128xf32, #tpu.memory_space<vmem_shared>> -> memref<128x128xf32, #tpu.memory_space<vmem_shared>>
      %dma_wait3A_31 = arith.constant 0 : i32
      %dma_wait3A_32 = tpu.memref_slice %arg11[%add3A_14, %dma_wait3A_31] : memref<10240x128xf32, #tpu.memory_space<vmem_shared>> -> memref<128x128xf32, #tpu.memory_space<vmem_shared>>
      tpu.wait_dma2 semaphore(%run_scoped3A : memref<!tpu.dma_semaphore, #tpu.memory_space<semaphore_mem>>) src(%arg8 : memref<128x128xf32, #tpu.memory_space<vmem>>) dst(%dma_wait3A_32 : memref<128x128xf32, #tpu.memory_space<vmem_shared>>)
      tpu.yield
    }) : () -> ()
    %add3A_15 = arith.constant 512 : i32
    %add3A_16 = arith.addi %mul3A_6, %add3A_15 : i32
    "tpu.region"() ({
      %run_scoped3A = tpu.sem_alloc : memref<!tpu.dma_semaphore, #tpu.memory_space<semaphore_mem>>
      %dma_start3A = arith.constant 0 : i32
      %dma_start3A_27 = tpu.memref_slice %arg11[%add3A_16, %dma_start3A] : memref<10240x128xf32, #tpu.memory_space<vmem_shared>> -> memref<128x128xf32, #tpu.memory_space<vmem_shared>>
      %dma_start3A_28 = arith.constant 0 : i32
      %dma_start3A_29 = tpu.memref_slice %arg11[%add3A_16, %dma_start3A_28] : memref<10240x128xf32, #tpu.memory_space<vmem_shared>> -> memref<128x128xf32, #tpu.memory_space<vmem_shared>>
      tpu.enqueue_dma source(%arg8 : memref<128x128xf32, #tpu.memory_space<vmem>>) target(%dma_start3A_29 : memref<128x128xf32, #tpu.memory_space<vmem_shared>>) target_semaphore(%run_scoped3A : memref<!tpu.dma_semaphore, #tpu.memory_space<semaphore_mem>>)
      %dma_wait3A = arith.constant 0 : i32
      %dma_wait3A_30 = tpu.memref_slice %arg11[%add3A_16, %dma_wait3A] : memref<10240x128xf32, #tpu.memory_space<vmem_shared>> -> memref<128x128xf32, #tpu.memory_space<vmem_shared>>
      %dma_wait3A_31 = arith.constant 0 : i32
      %dma_wait3A_32 = tpu.memref_slice %arg11[%add3A_16, %dma_wait3A_31] : memref<10240x128xf32, #tpu.memory_space<vmem_shared>> -> memref<128x128xf32, #tpu.memory_space<vmem_shared>>
      tpu.wait_dma2 semaphore(%run_scoped3A : memref<!tpu.dma_semaphore, #tpu.memory_space<semaphore_mem>>) src(%arg8 : memref<128x128xf32, #tpu.memory_space<vmem>>) dst(%dma_wait3A_32 : memref<128x128xf32, #tpu.memory_space<vmem_shared>>)
      tpu.yield
    }) : () -> ()
    %barrier3A = arith.constant 0 : index
    tpu.barrier barrier_id(%barrier3A)
    %scan3A_17 = arith.constant 0 : i32
    %scan3A_18 = arith.constant 5 : i32
    %scan3A_19 = arith.addi %scan3A_17, %scan3A_18 : i32
    %scan3A_20 = arith.constant 1 : i32
    scf.for %scan3A_27 = %scan3A_17 to %scan3A_19 step %scan3A_20  : i32 {
      %mul3A_28 = arith.constant 16 : i32
      %mul3A_29 = arith.muli %scan3A_27, %mul3A_28 : i32
      %add3A_30 = arith.constant 0 : i32
      %add3A_31 = arith.addi %add3A_30, %mul3A_29 : i32
      "tpu.region"() ({
        %run_scoped3A = tpu.sem_alloc : memref<!tpu.dma_semaphore, #tpu.memory_space<semaphore_mem>>
        %dma_start3A = arith.constant 0 : i32
        %dma_start3A_37 = arith.constant 0 : i32
        %dma_start3A_38 = tpu.memref_slice %arg3[%add3A, %dma_start3A, %dma_start3A_37] : memref<32x80x128xi32, #tpu.memory_space<hbm>> -> memref<1x80x128xi32, #tpu.memory_space<hbm>>
        %dma_start3A_39 = tpu.memref_squeeze %dma_start3A_38 : memref<1x80x128xi32, #tpu.memory_space<hbm>> -> memref<80x128xi32, #tpu.memory_space<hbm>>
        %dma_start3A_40 = arith.constant 0 : i32
        %dma_start3A_41 = tpu.memref_slice %dma_start3A_39[%add3A_31, %dma_start3A_40] : memref<80x128xi32, #tpu.memory_space<hbm>> -> memref<16x128xi32, #tpu.memory_space<hbm>>
        %dma_start3A_42 = arith.constant 0 : i32
        %dma_start3A_43 = arith.constant 0 : i32
        %dma_start3A_44 = tpu.memref_slice %arg3[%add3A, %dma_start3A_42, %dma_start3A_43] : memref<32x80x128xi32, #tpu.memory_space<hbm>> -> memref<1x80x128xi32, #tpu.memory_space<hbm>>
        %dma_start3A_45 = tpu.memref_squeeze %dma_start3A_44 : memref<1x80x128xi32, #tpu.memory_space<hbm>> -> memref<80x128xi32, #tpu.memory_space<hbm>>
        %dma_start3A_46 = arith.constant 0 : i32
        %dma_start3A_47 = tpu.memref_slice %dma_start3A_45[%add3A_31, %dma_start3A_46] : memref<80x128xi32, #tpu.memory_space<hbm>> -> memref<16x128xi32, #tpu.memory_space<hbm>>
        tpu.enqueue_dma source(%dma_start3A_47 : memref<16x128xi32, #tpu.memory_space<hbm>>) target(%arg6 : memref<16x128xi32, #tpu.memory_space<vmem>>) target_semaphore(%run_scoped3A : memref<!tpu.dma_semaphore, #tpu.memory_space<semaphore_mem>>)
        %dma_wait3A = arith.constant 0 : i32
        %dma_wait3A_48 = arith.constant 0 : i32
        %dma_wait3A_49 = tpu.memref_slice %arg3[%add3A, %dma_wait3A, %dma_wait3A_48] : memref<32x80x128xi32, #tpu.memory_space<hbm>> -> memref<1x80x128xi32, #tpu.memory_space<hbm>>
        %dma_wait3A_50 = tpu.memref_squeeze %dma_wait3A_49 : memref<1x80x128xi32, #tpu.memory_space<hbm>> -> memref<80x128xi32, #tpu.memory_space<hbm>>
        %dma_wait3A_51 = arith.constant 0 : i32
        %dma_wait3A_52 = tpu.memref_slice %dma_wait3A_50[%add3A_31, %dma_wait3A_51] : memref<80x128xi32, #tpu.memory_space<hbm>> -> memref<16x128xi32, #tpu.memory_space<hbm>>
        %dma_wait3A_53 = arith.constant 0 : i32
        %dma_wait3A_54 = arith.constant 0 : i32
        %dma_wait3A_55 = tpu.memref_slice %arg3[%add3A, %dma_wait3A_53, %dma_wait3A_54] : memref<32x80x128xi32, #tpu.memory_space<hbm>> -> memref<1x80x128xi32, #tpu.memory_space<hbm>>
        %dma_wait3A_56 = tpu.memref_squeeze %dma_wait3A_55 : memref<1x80x128xi32, #tpu.memory_space<hbm>> -> memref<80x128xi32, #tpu.memory_space<hbm>>
        %dma_wait3A_57 = arith.constant 0 : i32
        %dma_wait3A_58 = tpu.memref_slice %dma_wait3A_56[%add3A_31, %dma_wait3A_57] : memref<80x128xi32, #tpu.memory_space<hbm>> -> memref<16x128xi32, #tpu.memory_space<hbm>>
        tpu.wait_dma2 semaphore(%run_scoped3A : memref<!tpu.dma_semaphore, #tpu.memory_space<semaphore_mem>>) src(%dma_wait3A_58 : memref<16x128xi32, #tpu.memory_space<hbm>>) dst(%arg6 : memref<16x128xi32, #tpu.memory_space<vmem>>)
        tpu.yield
      }) : () -> ()
      "tpu.region"() ({
        %run_scoped3A = tpu.sem_alloc : memref<!tpu.dma_semaphore, #tpu.memory_space<semaphore_mem>>
        %dma_start3A = arith.constant 0 : i32
        %dma_start3A_37 = arith.constant 0 : i32
        %dma_start3A_38 = tpu.memref_slice %arg4[%add3A, %dma_start3A, %dma_start3A_37] : memref<32x80x128xi32, #tpu.memory_space<hbm>> -> memref<1x80x128xi32, #tpu.memory_space<hbm>>
        %dma_start3A_39 = tpu.memref_squeeze %dma_start3A_38 : memref<1x80x128xi32, #tpu.memory_space<hbm>> -> memref<80x128xi32, #tpu.memory_space<hbm>>
        %dma_start3A_40 = arith.constant 0 : i32
        %dma_start3A_41 = tpu.memref_slice %dma_start3A_39[%add3A_31, %dma_start3A_40] : memref<80x128xi32, #tpu.memory_space<hbm>> -> memref<16x128xi32, #tpu.memory_space<hbm>>
        %dma_start3A_42 = arith.constant 0 : i32
        %dma_start3A_43 = arith.constant 0 : i32
        %dma_start3A_44 = tpu.memref_slice %arg4[%add3A, %dma_start3A_42, %dma_start3A_43] : memref<32x80x128xi32, #tpu.memory_space<hbm>> -> memref<1x80x128xi32, #tpu.memory_space<hbm>>
        %dma_start3A_45 = tpu.memref_squeeze %dma_start3A_44 : memref<1x80x128xi32, #tpu.memory_space<hbm>> -> memref<80x128xi32, #tpu.memory_space<hbm>>
        %dma_start3A_46 = arith.constant 0 : i32
        %dma_start3A_47 = tpu.memref_slice %dma_start3A_45[%add3A_31, %dma_start3A_46] : memref<80x128xi32, #tpu.memory_space<hbm>> -> memref<16x128xi32, #tpu.memory_space<hbm>>
        tpu.enqueue_dma source(%dma_start3A_47 : memref<16x128xi32, #tpu.memory_space<hbm>>) target(%arg7 : memref<16x128xi32, #tpu.memory_space<vmem>>) target_semaphore(%run_scoped3A : memref<!tpu.dma_semaphore, #tpu.memory_space<semaphore_mem>>)
        %dma_wait3A = arith.constant 0 : i32
        %dma_wait3A_48 = arith.constant 0 : i32
        %dma_wait3A_49 = tpu.memref_slice %arg4[%add3A, %dma_wait3A, %dma_wait3A_48] : memref<32x80x128xi32, #tpu.memory_space<hbm>> -> memref<1x80x128xi32, #tpu.memory_space<hbm>>
        %dma_wait3A_50 = tpu.memref_squeeze %dma_wait3A_49 : memref<1x80x128xi32, #tpu.memory_space<hbm>> -> memref<80x128xi32, #tpu.memory_space<hbm>>
        %dma_wait3A_51 = arith.constant 0 : i32
        %dma_wait3A_52 = tpu.memref_slice %dma_wait3A_50[%add3A_31, %dma_wait3A_51] : memref<80x128xi32, #tpu.memory_space<hbm>> -> memref<16x128xi32, #tpu.memory_space<hbm>>
        %dma_wait3A_53 = arith.constant 0 : i32
        %dma_wait3A_54 = arith.constant 0 : i32
        %dma_wait3A_55 = tpu.memref_slice %arg4[%add3A, %dma_wait3A_53, %dma_wait3A_54] : memref<32x80x128xi32, #tpu.memory_space<hbm>> -> memref<1x80x128xi32, #tpu.memory_space<hbm>>
        %dma_wait3A_56 = tpu.memref_squeeze %dma_wait3A_55 : memref<1x80x128xi32, #tpu.memory_space<hbm>> -> memref<80x128xi32, #tpu.memory_space<hbm>>
        %dma_wait3A_57 = arith.constant 0 : i32
        %dma_wait3A_58 = tpu.memref_slice %dma_wait3A_56[%add3A_31, %dma_wait3A_57] : memref<80x128xi32, #tpu.memory_space<hbm>> -> memref<16x128xi32, #tpu.memory_space<hbm>>
        tpu.wait_dma2 semaphore(%run_scoped3A : memref<!tpu.dma_semaphore, #tpu.memory_space<semaphore_mem>>) src(%dma_wait3A_58 : memref<16x128xi32, #tpu.memory_space<hbm>>) dst(%arg7 : memref<16x128xi32, #tpu.memory_space<vmem>>)
        tpu.yield
      }) : () -> ()
      %scan3A_32 = arith.constant 0 : i32
      %scan3A_33 = arith.constant 8 : i32
      %scan3A_34 = arith.addi %scan3A_32, %scan3A_33 : i32
      %scan3A_35 = arith.constant 1 : i32
      scf.for %scan3A_37 = %scan3A_32 to %scan3A_34 step %scan3A_35  : i32 {
        %mul3A_38 = arith.constant 2 : i32
        %mul3A_39 = arith.muli %scan3A_37, %mul3A_38 : i32
        %add3A_40 = arith.constant 0 : i32
        %add3A_41 = arith.addi %add3A_40, %mul3A_39 : i32
        %add3A_42 = arith.constant 0 : i32
        %add3A_43 = arith.addi %add3A_41, %add3A_42 : i32
        %dma_start3A = arith.constant 0 : i32
        %dma_start3A_44 = tpu.memref_slice %arg6[%add3A_43, %dma_start3A] : memref<16x128xi32, #tpu.memory_space<vmem>> -> memref<1x128xi32, #tpu.memory_space<vmem>>
        %dma_start3A_45 = tpu.memref_squeeze %dma_start3A_44 : memref<1x128xi32, #tpu.memory_space<vmem>> -> memref<128xi32, #tpu.memory_space<vmem>>
        %dma_start3A_46 = arith.constant 0 : i32
        %dma_start3A_47 = arith.constant 0 : i32
        %dma_start3A_48 = tpu.memref_slice %arg2[%dma_start3A_46, %dma_start3A_47] : memref<10000x128xf32, #tpu.memory_space<hbm>> -> memref<10000x128xf32, #tpu.memory_space<hbm>>
        tpu.enqueue_indirect_dma source(%dma_start3A_48 : memref<10000x128xf32, #tpu.memory_space<hbm>>) target(%arg8 : memref<128x128xf32, #tpu.memory_space<vmem>>) offsets(%dma_start3A_45 : memref<128xi32, #tpu.memory_space<vmem>>) semaphore(%arg10 : memref<!tpu.dma_semaphore, #tpu.memory_space<semaphore_mem>>)
        %add3A_49 = arith.constant 1 : i32
        %add3A_50 = arith.addi %add3A_41, %add3A_49 : i32
        %dma_start3A_51 = arith.constant 0 : i32
        %dma_start3A_52 = tpu.memref_slice %arg6[%add3A_50, %dma_start3A_51] : memref<16x128xi32, #tpu.memory_space<vmem>> -> memref<1x128xi32, #tpu.memory_space<vmem>>
        %dma_start3A_53 = tpu.memref_squeeze %dma_start3A_52 : memref<1x128xi32, #tpu.memory_space<vmem>> -> memref<128xi32, #tpu.memory_space<vmem>>
        %dma_start3A_54 = arith.constant 0 : i32
        %dma_start3A_55 = arith.constant 0 : i32
        %dma_start3A_56 = tpu.memref_slice %arg2[%dma_start3A_54, %dma_start3A_55] : memref<10000x128xf32, #tpu.memory_space<hbm>> -> memref<10000x128xf32, #tpu.memory_space<hbm>>
        tpu.enqueue_indirect_dma source(%dma_start3A_56 : memref<10000x128xf32, #tpu.memory_space<hbm>>) target(%arg9 : memref<128x128xf32, #tpu.memory_space<vmem>>) offsets(%dma_start3A_53 : memref<128xi32, #tpu.memory_space<vmem>>) semaphore(%arg10 : memref<!tpu.dma_semaphore, #tpu.memory_space<semaphore_mem>>)
        %add3A_57 = arith.constant 0 : i32
        %add3A_58 = arith.addi %add3A_41, %add3A_57 : i32
        %dma_wait3A = arith.constant 0 : i32
        %dma_wait3A_59 = tpu.memref_slice %arg6[%add3A_58, %dma_wait3A] : memref<16x128xi32, #tpu.memory_space<vmem>> -> memref<1x128xi32, #tpu.memory_space<vmem>>
        %dma_wait3A_60 = tpu.memref_squeeze %dma_wait3A_59 : memref<1x128xi32, #tpu.memory_space<vmem>> -> memref<128xi32, #tpu.memory_space<vmem>>
        %dma_wait3A_61 = arith.constant 0 : i32
        %dma_wait3A_62 = arith.constant 0 : i32
        %dma_wait3A_63 = tpu.memref_slice %arg2[%dma_wait3A_61, %dma_wait3A_62] : memref<10000x128xf32, #tpu.memory_space<hbm>> -> memref<10000x128xf32, #tpu.memory_space<hbm>>
        tpu.wait_indirect_dma semaphore(%arg10 : memref<!tpu.dma_semaphore, #tpu.memory_space<semaphore_mem>>) src(%dma_wait3A_63 : memref<10000x128xf32, #tpu.memory_space<hbm>>) dst(%arg8 : memref<128x128xf32, #tpu.memory_space<vmem>>)
        %add3A_64 = arith.constant 1 : i32
        %add3A_65 = arith.addi %add3A_41, %add3A_64 : i32
        %dma_wait3A_66 = arith.constant 0 : i32
        %dma_wait3A_67 = tpu.memref_slice %arg6[%add3A_65, %dma_wait3A_66] : memref<16x128xi32, #tpu.memory_space<vmem>> -> memref<1x128xi32, #tpu.memory_space<vmem>>
        %dma_wait3A_68 = tpu.memref_squeeze %dma_wait3A_67 : memref<1x128xi32, #tpu.memory_space<vmem>> -> memref<128xi32, #tpu.memory_space<vmem>>
        %dma_wait3A_69 = arith.constant 0 : i32
        %dma_wait3A_70 = arith.constant 0 : i32
        %dma_wait3A_71 = tpu.memref_slice %arg2[%dma_wait3A_69, %dma_wait3A_70] : memref<10000x128xf32, #tpu.memory_space<hbm>> -> memref<10000x128xf32, #tpu.memory_space<hbm>>
        tpu.wait_indirect_dma semaphore(%arg10 : memref<!tpu.dma_semaphore, #tpu.memory_space<semaphore_mem>>) src(%dma_wait3A_71 : memref<10000x128xf32, #tpu.memory_space<hbm>>) dst(%arg9 : memref<128x128xf32, #tpu.memory_space<vmem>>)
        %add3A_72 = arith.constant 0 : i32
        %add3A_73 = arith.addi %add3A_41, %add3A_72 : i32
        "tpu.region"() ({
          %run_scoped3A = tpu.sem_alloc : memref<!tpu.dma_semaphore, #tpu.memory_space<semaphore_mem>>
          %dma_start3A_76 = arith.constant 0 : i32
          %dma_start3A_77 = tpu.memref_slice %arg7[%add3A_73, %dma_start3A_76] : memref<16x128xi32, #tpu.memory_space<vmem>> -> memref<1x128xi32, #tpu.memory_space<vmem>>
          %dma_start3A_78 = tpu.memref_squeeze %dma_start3A_77 : memref<1x128xi32, #tpu.memory_space<vmem>> -> memref<128xi32, #tpu.memory_space<vmem>>
          %dma_start3A_79 = arith.constant 0 : i32
          %dma_start3A_80 = arith.constant 0 : i32
          %dma_start3A_81 = tpu.memref_slice %arg11[%dma_start3A_79, %dma_start3A_80] : memref<10240x128xf32, #tpu.memory_space<vmem_shared>> -> memref<10240x128xf32, #tpu.memory_space<vmem_shared>>
          tpu.enqueue_indirect_dma source(%arg8 : memref<128x128xf32, #tpu.memory_space<vmem>>) target(%dma_start3A_81 : memref<10240x128xf32, #tpu.memory_space<vmem_shared>>) offsets(%dma_start3A_78 : memref<128xi32, #tpu.memory_space<vmem>>) semaphore(%run_scoped3A : memref<!tpu.dma_semaphore, #tpu.memory_space<semaphore_mem>>) {add = true}
          %dma_wait3A_82 = arith.constant 0 : i32
          %dma_wait3A_83 = tpu.memref_slice %arg7[%add3A_73, %dma_wait3A_82] : memref<16x128xi32, #tpu.memory_space<vmem>> -> memref<1x128xi32, #tpu.memory_space<vmem>>
          %dma_wait3A_84 = tpu.memref_squeeze %dma_wait3A_83 : memref<1x128xi32, #tpu.memory_space<vmem>> -> memref<128xi32, #tpu.memory_space<vmem>>
          %dma_wait3A_85 = arith.constant 0 : i32
          %dma_wait3A_86 = arith.constant 0 : i32
          %dma_wait3A_87 = tpu.memref_slice %arg11[%dma_wait3A_85, %dma_wait3A_86] : memref<10240x128xf32, #tpu.memory_space<vmem_shared>> -> memref<10240x128xf32, #tpu.memory_space<vmem_shared>>
          tpu.wait_indirect_dma semaphore(%run_scoped3A : memref<!tpu.dma_semaphore, #tpu.memory_space<semaphore_mem>>) src(%arg8 : memref<128x128xf32, #tpu.memory_space<vmem>>) dst(%dma_wait3A_87 : memref<10240x128xf32, #tpu.memory_space<vmem_shared>>)
          tpu.yield
        }) : () -> ()
        %add3A_74 = arith.constant 1 : i32
        %add3A_75 = arith.addi %add3A_41, %add3A_74 : i32
        "tpu.region"() ({
          %run_scoped3A = tpu.sem_alloc : memref<!tpu.dma_semaphore, #tpu.memory_space<semaphore_mem>>
          %dma_start3A_76 = arith.constant 0 : i32
          %dma_start3A_77 = tpu.memref_slice %arg7[%add3A_75, %dma_start3A_76] : memref<16x128xi32, #tpu.memory_space<vmem>> -> memref<1x128xi32, #tpu.memory_space<vmem>>
          %dma_start3A_78 = tpu.memref_squeeze %dma_start3A_77 : memref<1x128xi32, #tpu.memory_space<vmem>> -> memref<128xi32, #tpu.memory_space<vmem>>
          %dma_start3A_79 = arith.constant 0 : i32
          %dma_start3A_80 = arith.constant 0 : i32
          %dma_start3A_81 = tpu.memref_slice %arg11[%dma_start3A_79, %dma_start3A_80] : memref<10240x128xf32, #tpu.memory_space<vmem_shared>> -> memref<10240x128xf32, #tpu.memory_space<vmem_shared>>
          tpu.enqueue_indirect_dma source(%arg9 : memref<128x128xf32, #tpu.memory_space<vmem>>) target(%dma_start3A_81 : memref<10240x128xf32, #tpu.memory_space<vmem_shared>>) offsets(%dma_start3A_78 : memref<128xi32, #tpu.memory_space<vmem>>) semaphore(%run_scoped3A : memref<!tpu.dma_semaphore, #tpu.memory_space<semaphore_mem>>) {add = true}
          %dma_wait3A_82 = arith.constant 0 : i32
          %dma_wait3A_83 = tpu.memref_slice %arg7[%add3A_75, %dma_wait3A_82] : memref<16x128xi32, #tpu.memory_space<vmem>> -> memref<1x128xi32, #tpu.memory_space<vmem>>
          %dma_wait3A_84 = tpu.memref_squeeze %dma_wait3A_83 : memref<1x128xi32, #tpu.memory_space<vmem>> -> memref<128xi32, #tpu.memory_space<vmem>>
          %dma_wait3A_85 = arith.constant 0 : i32
          %dma_wait3A_86 = arith.constant 0 : i32
          %dma_wait3A_87 = tpu.memref_slice %arg11[%dma_wait3A_85, %dma_wait3A_86] : memref<10240x128xf32, #tpu.memory_space<vmem_shared>> -> memref<10240x128xf32, #tpu.memory_space<vmem_shared>>
          tpu.wait_indirect_dma semaphore(%run_scoped3A : memref<!tpu.dma_semaphore, #tpu.memory_space<semaphore_mem>>) src(%arg9 : memref<128x128xf32, #tpu.memory_space<vmem>>) dst(%dma_wait3A_87 : memref<10240x128xf32, #tpu.memory_space<vmem_shared>>)
          tpu.yield
        }) : () -> ()
      }
      %scan3A_36 = arith.constant 8 : i32
    }
    %scan3A_21 = arith.constant 5 : i32
    %barrier3A_22 = arith.constant 0 : index
    tpu.barrier barrier_id(%barrier3A_22)
    %mul3A_23 = arith.constant 640 : i32
    %mul3A_24 = arith.muli %arg1, %mul3A_23 : i32
    %mul3A_25 = arith.constant 640 : i32
    %mul3A_26 = arith.muli %arg1, %mul3A_25 : i32
    "tpu.region"() ({
      %run_scoped3A = tpu.sem_alloc : memref<!tpu.dma_semaphore, #tpu.memory_space<semaphore_mem>>
      %dma_start3A = arith.constant 0 : i32
      %dma_start3A_27 = tpu.memref_slice %arg5[%arg0, %mul3A_26, %dma_start3A] : memref<2x10240x128xf32, #tpu.memory_space<hbm>> -> memref<1x640x128xf32, #tpu.memory_space<hbm>>
      %dma_start3A_28 = tpu.memref_squeeze %dma_start3A_27 : memref<1x640x128xf32, #tpu.memory_space<hbm>> -> memref<640x128xf32, #tpu.memory_space<hbm>>
      %dma_start3A_29 = arith.constant 0 : i32
      %dma_start3A_30 = tpu.memref_slice %arg11[%mul3A_24, %dma_start3A_29] : memref<10240x128xf32, #tpu.memory_space<vmem_shared>> -> memref<640x128xf32, #tpu.memory_space<vmem_shared>>
      tpu.enqueue_dma source(%dma_start3A_30 : memref<640x128xf32, #tpu.memory_space<vmem_shared>>) target(%dma_start3A_28 : memref<640x128xf32, #tpu.memory_space<hbm>>) target_semaphore(%run_scoped3A : memref<!tpu.dma_semaphore, #tpu.memory_space<semaphore_mem>>)
      %dma_wait3A = arith.constant 0 : i32
      %dma_wait3A_31 = tpu.memref_slice %arg5[%arg0, %mul3A_26, %dma_wait3A] : memref<2x10240x128xf32, #tpu.memory_space<hbm>> -> memref<1x640x128xf32, #tpu.memory_space<hbm>>
      %dma_wait3A_32 = tpu.memref_squeeze %dma_wait3A_31 : memref<1x640x128xf32, #tpu.memory_space<hbm>> -> memref<640x128xf32, #tpu.memory_space<hbm>>
      %dma_wait3A_33 = arith.constant 0 : i32
      %dma_wait3A_34 = tpu.memref_slice %arg11[%mul3A_24, %dma_wait3A_33] : memref<10240x128xf32, #tpu.memory_space<vmem_shared>> -> memref<640x128xf32, #tpu.memory_space<vmem_shared>>
      tpu.wait_dma2 semaphore(%run_scoped3A : memref<!tpu.dma_semaphore, #tpu.memory_space<semaphore_mem>>) src(%dma_wait3A_34 : memref<640x128xf32, #tpu.memory_space<vmem_shared>>) dst(%dma_wait3A_32 : memref<640x128xf32, #tpu.memory_space<hbm>>)
      tpu.yield
    }) : () -> ()
    return
  }
}

module attributes {stable_mosaic.version = 14 : i64} {
  func.func @_prep_body(%arg0: i32, %arg1: memref<1000x128xf32, #tpu.memory_space<vmem>>, %arg2: memref<2x1000x1xf32, #tpu.memory_space<vmem>>, %arg3: memref<2x1000x1xf32, #tpu.memory_space<vmem>>, %arg4: memref<1000x128xf32, #tpu.memory_space<vmem>>, %arg5: memref<1000x1xf32, #tpu.memory_space<vmem>>, %arg6: memref<1000x1xf32, #tpu.memory_space<vmem>>) attributes {dimension_semantics = [#tpu.dimension_semantics<arbitrary>], iteration_bounds = array<i64: 10>, scalar_prefetch = 0 : i64, scratch_operands = 0 : i64, tpu.core_type = #tpu.core_type<tc>, window_params = [{transform_indices = @transform_0, window_bounds = array<i64: 1000, 128>}, {transform_indices = @transform_1, window_bounds = array<i64: 2, 1000, 1>}, {transform_indices = @transform_2, window_bounds = array<i64: 2, 1000, 1>}, {transform_indices = @transform_3, window_bounds = array<i64: 1000, 128>}, {transform_indices = @transform_4, window_bounds = array<i64: 1000, 1>}, {transform_indices = @transform_5, window_bounds = array<i64: 1000, 1>}]} {
    %get3A = arith.constant 0 : index
    %get3A_0 = arith.constant 0 : index
    %get3A_1 = arith.constant 0 : index
    %get3A_2 = vector.load %arg2[%get3A, %get3A_0, %get3A_1] : memref<2x1000x1xf32, #tpu.memory_space<vmem>>, vector<1x1000x1xf32>
    %get3A_3 = vector.shape_cast %get3A_2 : vector<1x1000x1xf32> to vector<1000x1xf32>
    %get3A_4 = arith.constant 1 : index
    %get3A_5 = arith.constant 0 : index
    %get3A_6 = arith.constant 0 : index
    %get3A_7 = vector.load %arg2[%get3A_4, %get3A_5, %get3A_6] : memref<2x1000x1xf32, #tpu.memory_space<vmem>>, vector<1x1000x1xf32>
    %get3A_8 = vector.shape_cast %get3A_7 : vector<1x1000x1xf32> to vector<1000x1xf32>
    %add3A = arith.addf %get3A_3, %get3A_8 : vector<1000x1xf32>
    %get3A_9 = arith.constant 0 : index
    %get3A_10 = arith.constant 0 : index
    %get3A_11 = arith.constant 0 : index
    %get3A_12 = vector.load %arg3[%get3A_9, %get3A_10, %get3A_11] : memref<2x1000x1xf32, #tpu.memory_space<vmem>>, vector<1x1000x1xf32>
    %get3A_13 = vector.shape_cast %get3A_12 : vector<1x1000x1xf32> to vector<1000x1xf32>
    %get3A_14 = arith.constant 1 : index
    %get3A_15 = arith.constant 0 : index
    %get3A_16 = arith.constant 0 : index
    %get3A_17 = vector.load %arg3[%get3A_14, %get3A_15, %get3A_16] : memref<2x1000x1xf32, #tpu.memory_space<vmem>>, vector<1x1000x1xf32>
    %get3A_18 = vector.shape_cast %get3A_17 : vector<1x1000x1xf32> to vector<1000x1xf32>
    %add3A_19 = arith.addf %get3A_13, %get3A_18 : vector<1000x1xf32>
    %gt3A = arith.constant 0.000000e+00 : f32
    %gt3A_20 = vector.broadcast %gt3A : f32 to vector<1000x1xf32>
    %gt3A_21 = arith.cmpf ogt, %add3A, %gt3A_20 : vector<1000x1xf32>
    %max3A = arith.constant 9.99999996E-13 : f32
    %max3A_22 = vector.broadcast %max3A : f32 to vector<1000x1xf32>
    %max3A_23 = arith.maximumf %add3A, %max3A_22 : vector<1000x1xf32>
    %rsqrt3A = math.rsqrt %max3A_23 : vector<1000x1xf32>
    %jit3A = arith.constant 0.000000e+00 : f32
    %broadcast_in_dim3A = vector.broadcast %jit3A : f32 to vector<1000x1xf32>
    %select_n3A = arith.select %gt3A_21, %rsqrt3A, %broadcast_in_dim3A : vector<1000x1xi1>, vector<1000x1xf32>
    %gt3A_24 = arith.constant 0.000000e+00 : f32
    %gt3A_25 = vector.broadcast %gt3A_24 : f32 to vector<1000x1xf32>
    %gt3A_26 = arith.cmpf ogt, %add3A_19, %gt3A_25 : vector<1000x1xf32>
    %max3A_27 = arith.constant 9.99999996E-13 : f32
    %max3A_28 = vector.broadcast %max3A_27 : f32 to vector<1000x1xf32>
    %max3A_29 = arith.maximumf %add3A_19, %max3A_28 : vector<1000x1xf32>
    %rsqrt3A_30 = math.rsqrt %max3A_29 : vector<1000x1xf32>
    %jit3A_31 = arith.constant 0.000000e+00 : f32
    %broadcast_in_dim3A_32 = vector.broadcast %jit3A_31 : f32 to vector<1000x1xf32>
    %select_n3A_33 = arith.select %gt3A_26, %rsqrt3A_30, %broadcast_in_dim3A_32 : vector<1000x1xi1>, vector<1000x1xf32>
    %get3A_34 = arith.constant 0 : index
    %get3A_35 = arith.constant 0 : index
    %get3A_36 = vector.load %arg1[%get3A_34, %get3A_35] : memref<1000x128xf32, #tpu.memory_space<vmem>>, vector<1000x128xf32>
    %mul3A = vector.broadcast %select_n3A : vector<1000x1xf32> to vector<1000x128xf32>
    %mul3A_37 = arith.mulf %get3A_36, %mul3A : vector<1000x128xf32>
    %swap3A = arith.constant 0 : index
    %swap3A_38 = arith.constant 0 : index
    %swap3A_39 = vector.load %arg4[%swap3A, %swap3A_38] : memref<1000x128xf32, #tpu.memory_space<vmem>>, vector<1000x128xf32>
    tpu.vector_store %arg4[%swap3A, %swap3A_38], %mul3A_37 {strides = array<i32>} : memref<1000x128xf32, #tpu.memory_space<vmem>>, vector<1000x128xf32>,
    %swap3A_40 = arith.constant 0 : index
    %swap3A_41 = arith.constant 0 : index
    %swap3A_42 = vector.load %arg6[%swap3A_40, %swap3A_41] : memref<1000x1xf32, #tpu.memory_space<vmem>>, vector<1000x1xf32>
    tpu.vector_store %arg6[%swap3A_40, %swap3A_41], %select_n3A {strides = array<i32>} : memref<1000x1xf32, #tpu.memory_space<vmem>>, vector<1000x1xf32>,
    %swap3A_43 = arith.constant 0 : index
    %swap3A_44 = arith.constant 0 : index
    %swap3A_45 = vector.load %arg5[%swap3A_43, %swap3A_44] : memref<1000x1xf32, #tpu.memory_space<vmem>>, vector<1000x1xf32>
    tpu.vector_store %arg5[%swap3A_43, %swap3A_44], %select_n3A_33 {strides = array<i32>} : memref<1000x1xf32, #tpu.memory_space<vmem>>, vector<1000x1xf32>,
    return
  }
  func.func @transform_0(%arg0: i32) -> (i32, i32) {
    %c0_i32 = arith.constant 0 : i32
    %c0_i32_0 = arith.constant 0 : i32
    return %arg0, %c0_i32 : i32, i32
  }
  func.func @transform_1(%arg0: i32) -> (i32, i32, i32) {
    %c0_i32 = arith.constant 0 : i32
    %c0_i32_0 = arith.constant 0 : i32
    %c0_i32_1 = arith.constant 0 : i32
    return %c0_i32, %arg0, %c0_i32_0 : i32, i32, i32
  }
  func.func @transform_2(%arg0: i32) -> (i32, i32, i32) {
    %add3A = arith.constant 10 : i32
    %add3A_0 = arith.addi %arg0, %add3A : i32
    %c0_i32 = arith.constant 0 : i32
    %c0_i32_1 = arith.constant 0 : i32
    %c0_i32_2 = arith.constant 0 : i32
    return %c0_i32, %add3A_0, %c0_i32_1 : i32, i32, i32
  }
  func.func @transform_3(%arg0: i32) -> (i32, i32) {
    %c0_i32 = arith.constant 0 : i32
    %c0_i32_0 = arith.constant 0 : i32
    return %arg0, %c0_i32 : i32, i32
  }
  func.func @transform_4(%arg0: i32) -> (i32, i32) {
    %c0_i32 = arith.constant 0 : i32
    %c0_i32_0 = arith.constant 0 : i32
    return %arg0, %c0_i32 : i32, i32
  }
  func.func @transform_5(%arg0: i32) -> (i32, i32) {
    %c0_i32 = arith.constant 0 : i32
    %c0_i32_0 = arith.constant 0 : i32
    return %arg0, %c0_i32 : i32, i32
  }
}

module attributes {stable_mosaic.version = 14 : i64} {
  func.func @_dense1_body(%arg0: i32, %arg1: memref<2x1000x128xf32, #tpu.memory_space<vmem>>, %arg2: memref<1000x1xf32, #tpu.memory_space<vmem>>, %arg3: memref<1000x1xf32, #tpu.memory_space<vmem>>, %arg4: memref<128x128xf32, #tpu.memory_space<vmem>>, %arg5: memref<1x128xf32, #tpu.memory_space<vmem>>, %arg6: memref<1000x128xf32, #tpu.memory_space<vmem>>) attributes {dimension_semantics = [#tpu.dimension_semantics<arbitrary>], iteration_bounds = array<i64: 10>, scalar_prefetch = 0 : i64, scratch_operands = 0 : i64, tpu.core_type = #tpu.core_type<tc>, window_params = [{transform_indices = @transform_0, window_bounds = array<i64: 2, 1000, 128>}, {transform_indices = @transform_1, window_bounds = array<i64: 1000, 1>}, {transform_indices = @transform_2, window_bounds = array<i64: 1000, 1>}, {pipeline_mode = #tpu.pipeline_mode<synchronous>, transform_indices = @transform_3, window_bounds = array<i64: 128, 128>}, {pipeline_mode = #tpu.pipeline_mode<synchronous>, transform_indices = @transform_4, window_bounds = array<i64: 1, 128>}, {transform_indices = @transform_5, window_bounds = array<i64: 1000, 128>}]} {
    %get3A = arith.constant 0 : index
    %get3A_0 = arith.constant 0 : index
    %get3A_1 = arith.constant 0 : index
    %get3A_2 = vector.load %arg1[%get3A, %get3A_0, %get3A_1] : memref<2x1000x128xf32, #tpu.memory_space<vmem>>, vector<1x1000x128xf32>
    %get3A_3 = vector.shape_cast %get3A_2 : vector<1x1000x128xf32> to vector<1000x128xf32>
    %get3A_4 = arith.constant 1 : index
    %get3A_5 = arith.constant 0 : index
    %get3A_6 = arith.constant 0 : index
    %get3A_7 = vector.load %arg1[%get3A_4, %get3A_5, %get3A_6] : memref<2x1000x128xf32, #tpu.memory_space<vmem>>, vector<1x1000x128xf32>
    %get3A_8 = vector.shape_cast %get3A_7 : vector<1x1000x128xf32> to vector<1000x128xf32>
    %add3A = arith.addf %get3A_3, %get3A_8 : vector<1000x128xf32>
    %get3A_9 = arith.constant 0 : index
    %get3A_10 = arith.constant 0 : index
    %get3A_11 = vector.load %arg2[%get3A_9, %get3A_10] : memref<1000x1xf32, #tpu.memory_space<vmem>>, vector<1000x1xf32>
    %mul3A = vector.broadcast %get3A_11 : vector<1000x1xf32> to vector<1000x128xf32>
    %mul3A_12 = arith.mulf %add3A, %mul3A : vector<1000x128xf32>
    %get3A_13 = arith.constant 0 : index
    %get3A_14 = arith.constant 0 : index
    %get3A_15 = vector.load %arg4[%get3A_13, %get3A_14] : memref<128x128xf32, #tpu.memory_space<vmem>>, vector<128x128xf32>
    %dot_general3A = arith.constant dense<0.000000e+00> : vector<1000x128xf32>
    %dot_general3A_16 = tpu.matmul %mul3A_12, %get3A_15, %dot_general3A {dimension_numbers = #tpu.dot_dimension_numbers<[1], [0], [0], [1], [0, 0, 1, 1], [], []>, transpose_lhs_hint = false} : vector<1000x128xf32>, vector<128x128xf32>, vector<1000x128xf32> -> vector<1000x128xf32>
    %get3A_17 = arith.constant 0 : index
    %get3A_18 = arith.constant 0 : index
    %get3A_19 = vector.load %arg5[%get3A_17, %get3A_18] : memref<1x128xf32, #tpu.memory_space<vmem>>, vector<1x128xf32>
    %add3A_20 = vector.broadcast %get3A_19 : vector<1x128xf32> to vector<1000x128xf32>
    %add3A_21 = arith.addf %dot_general3A_16, %add3A_20 : vector<1000x128xf32>
    %max3A = arith.constant 0.000000e+00 : f32
    %max3A_22 = vector.broadcast %max3A : f32 to vector<1000x128xf32>
    %max3A_23 = arith.maximumf %add3A_21, %max3A_22 : vector<1000x128xf32>
    %get3A_24 = arith.constant 0 : index
    %get3A_25 = arith.constant 0 : index
    %get3A_26 = vector.load %arg3[%get3A_24, %get3A_25] : memref<1000x1xf32, #tpu.memory_space<vmem>>, vector<1000x1xf32>
    %mul3A_27 = vector.broadcast %get3A_26 : vector<1000x1xf32> to vector<1000x128xf32>
    %mul3A_28 = arith.mulf %max3A_23, %mul3A_27 : vector<1000x128xf32>
    %swap3A = arith.constant 0 : index
    %swap3A_29 = arith.constant 0 : index
    %swap3A_30 = vector.load %arg6[%swap3A, %swap3A_29] : memref<1000x128xf32, #tpu.memory_space<vmem>>, vector<1000x128xf32>
    tpu.vector_store %arg6[%swap3A, %swap3A_29], %mul3A_28 {strides = array<i32>} : memref<1000x128xf32, #tpu.memory_space<vmem>>, vector<1000x128xf32>,
    return
  }
  func.func @transform_0(%arg0: i32) -> (i32, i32, i32) {
    %c0_i32 = arith.constant 0 : i32
    %c0_i32_0 = arith.constant 0 : i32
    %c0_i32_1 = arith.constant 0 : i32
    return %c0_i32, %arg0, %c0_i32_0 : i32, i32, i32
  }
  func.func @transform_1(%arg0: i32) -> (i32, i32) {
    %c0_i32 = arith.constant 0 : i32
    %c0_i32_0 = arith.constant 0 : i32
    return %arg0, %c0_i32 : i32, i32
  }
  func.func @transform_2(%arg0: i32) -> (i32, i32) {
    %c0_i32 = arith.constant 0 : i32
    %c0_i32_0 = arith.constant 0 : i32
    return %arg0, %c0_i32 : i32, i32
  }
  func.func @transform_3(%arg0: i32) -> (i32, i32) {
    %c0_i32 = arith.constant 0 : i32
    %c0_i32_0 = arith.constant 0 : i32
    %c0_i32_1 = arith.constant 0 : i32
    return %c0_i32, %c0_i32_0 : i32, i32
  }
  func.func @transform_4(%arg0: i32) -> (i32, i32) {
    %c0_i32 = arith.constant 0 : i32
    %c0_i32_0 = arith.constant 0 : i32
    %c0_i32_1 = arith.constant 0 : i32
    return %c0_i32, %c0_i32_0 : i32, i32
  }
  func.func @transform_5(%arg0: i32) -> (i32, i32) {
    %c0_i32 = arith.constant 0 : i32
    %c0_i32_0 = arith.constant 0 : i32
    return %arg0, %c0_i32 : i32, i32
  }
}

module attributes {stable_mosaic.version = 14 : i64} {
  func.func @_dense2_body(%arg0: i32, %arg1: memref<2x1000x128xf32, #tpu.memory_space<vmem>>, %arg2: memref<1000x1xf32, #tpu.memory_space<vmem>>, %arg3: memref<128x128xf32, #tpu.memory_space<vmem>>, %arg4: memref<1x128xf32, #tpu.memory_space<vmem>>, %arg5: memref<1000x128xf32, #tpu.memory_space<vmem>>) attributes {dimension_semantics = [#tpu.dimension_semantics<arbitrary>], iteration_bounds = array<i64: 10>, scalar_prefetch = 0 : i64, scratch_operands = 0 : i64, tpu.core_type = #tpu.core_type<tc>, window_params = [{transform_indices = @transform_0, window_bounds = array<i64: 2, 1000, 128>}, {transform_indices = @transform_1, window_bounds = array<i64: 1000, 1>}, {pipeline_mode = #tpu.pipeline_mode<synchronous>, transform_indices = @transform_2, window_bounds = array<i64: 128, 128>}, {pipeline_mode = #tpu.pipeline_mode<synchronous>, transform_indices = @transform_3, window_bounds = array<i64: 1, 128>}, {transform_indices = @transform_4, window_bounds = array<i64: 1000, 128>}]} {
    %get3A = arith.constant 0 : index
    %get3A_0 = arith.constant 0 : index
    %get3A_1 = arith.constant 0 : index
    %get3A_2 = vector.load %arg1[%get3A, %get3A_0, %get3A_1] : memref<2x1000x128xf32, #tpu.memory_space<vmem>>, vector<1x1000x128xf32>
    %get3A_3 = vector.shape_cast %get3A_2 : vector<1x1000x128xf32> to vector<1000x128xf32>
    %get3A_4 = arith.constant 1 : index
    %get3A_5 = arith.constant 0 : index
    %get3A_6 = arith.constant 0 : index
    %get3A_7 = vector.load %arg1[%get3A_4, %get3A_5, %get3A_6] : memref<2x1000x128xf32, #tpu.memory_space<vmem>>, vector<1x1000x128xf32>
    %get3A_8 = vector.shape_cast %get3A_7 : vector<1x1000x128xf32> to vector<1000x128xf32>
    %add3A = arith.addf %get3A_3, %get3A_8 : vector<1000x128xf32>
    %get3A_9 = arith.constant 0 : index
    %get3A_10 = arith.constant 0 : index
    %get3A_11 = vector.load %arg2[%get3A_9, %get3A_10] : memref<1000x1xf32, #tpu.memory_space<vmem>>, vector<1000x1xf32>
    %mul3A = vector.broadcast %get3A_11 : vector<1000x1xf32> to vector<1000x128xf32>
    %mul3A_12 = arith.mulf %add3A, %mul3A : vector<1000x128xf32>
    %get3A_13 = arith.constant 0 : index
    %get3A_14 = arith.constant 0 : index
    %get3A_15 = vector.load %arg3[%get3A_13, %get3A_14] : memref<128x128xf32, #tpu.memory_space<vmem>>, vector<128x128xf32>
    %dot_general3A = arith.constant dense<0.000000e+00> : vector<1000x128xf32>
    %dot_general3A_16 = tpu.matmul %mul3A_12, %get3A_15, %dot_general3A {dimension_numbers = #tpu.dot_dimension_numbers<[1], [0], [0], [1], [0, 0, 1, 1], [], []>, transpose_lhs_hint = false} : vector<1000x128xf32>, vector<128x128xf32>, vector<1000x128xf32> -> vector<1000x128xf32>
    %get3A_17 = arith.constant 0 : index
    %get3A_18 = arith.constant 0 : index
    %get3A_19 = vector.load %arg4[%get3A_17, %get3A_18] : memref<1x128xf32, #tpu.memory_space<vmem>>, vector<1x128xf32>
    %add3A_20 = vector.broadcast %get3A_19 : vector<1x128xf32> to vector<1000x128xf32>
    %add3A_21 = arith.addf %dot_general3A_16, %add3A_20 : vector<1000x128xf32>
    %swap3A = arith.constant 0 : index
    %swap3A_22 = arith.constant 0 : index
    %swap3A_23 = vector.load %arg5[%swap3A, %swap3A_22] : memref<1000x128xf32, #tpu.memory_space<vmem>>, vector<1000x128xf32>
    tpu.vector_store %arg5[%swap3A, %swap3A_22], %add3A_21 {strides = array<i32>} : memref<1000x128xf32, #tpu.memory_space<vmem>>, vector<1000x128xf32>,
    return
  }
  func.func @transform_0(%arg0: i32) -> (i32, i32, i32) {
    %c0_i32 = arith.constant 0 : i32
    %c0_i32_0 = arith.constant 0 : i32
    %c0_i32_1 = arith.constant 0 : i32
    return %c0_i32, %arg0, %c0_i32_0 : i32, i32, i32
  }
  func.func @transform_1(%arg0: i32) -> (i32, i32) {
    %c0_i32 = arith.constant 0 : i32
    %c0_i32_0 = arith.constant 0 : i32
    return %arg0, %c0_i32 : i32, i32
  }
  func.func @transform_2(%arg0: i32) -> (i32, i32) {
    %c0_i32 = arith.constant 0 : i32
    %c0_i32_0 = arith.constant 0 : i32
    %c0_i32_1 = arith.constant 0 : i32
    return %c0_i32, %c0_i32_0 : i32, i32
  }
  func.func @transform_3(%arg0: i32) -> (i32, i32) {
    %c0_i32 = arith.constant 0 : i32
    %c0_i32_0 = arith.constant 0 : i32
    %c0_i32_1 = arith.constant 0 : i32
    return %c0_i32, %c0_i32_0 : i32, i32
  }
  func.func @transform_4(%arg0: i32) -> (i32, i32) {
    %c0_i32 = arith.constant 0 : i32
    %c0_i32_0 = arith.constant 0 : i32
    return %arg0, %c0_i32 : i32, i32
  }
}

</mosaic_0001>

<sc_bundles>
// kernel: kernel.11.cloned.1.call-start
scs
__scs_entry_jumppad:
0x0: {  	(pc) =	sbr.rel $0x88, $3  }
0x1: {  	(tag) =	ssettag $0x0;
	lr =	simm.s32 $0x1  }
0x2: {  	[smem:$0x3F9B] =	sst lr;
	_ =	strace $0xD0000000  }
0x3: {  	_ = 	snop  }
0x4: {  	_ = 	snop  }
0x5: {  	_ = 	snop  }
0x6: {  	_ = 	snop  }
0x7: {  	_ = 	snop  }
__scs_overlays_trampoline_lowered:
0x8: {  	[smem:$0x3FAA] =	sst s0  }
0x9: {  	[smem:$0x3FAB] =	sst s1  }
0xa: {  	[smem:$0x3FAC] =	sst s2  }
0xb: {  	[smem:$0x3FAD] =	sst s3  }
0xc: {  	[smem:$0x3FAE] =	sst s4  }
0xd: {  	[smem:$0x3FAF] =	sst s5  }
0xe: {  	[smem:$0x3FB0] =	sst s6  }
0xf: {  	[smem:$0x3FB1] =	sst s7  }
0x10: {  	[smem:$0x3FB2] =	sst s8  }
0x11: {  	[smem:$0x3FB3] =	sst s9;
	s0 =	simm.s32 @!p0 $0x0  }
0x12: {  	s1 =	sld [smem:$0x3F99];
	s0 =	simm.s32 @p0 $0x1  }
0x13: {  	[smem:$0x3FB4] =	sst s0;
	s0 =	simm.s32 @!p1 $0x0  }
0x14: {  	s2 =	sld [smem:$0x3F98];
	s0 =	simm.s32 @p1 $0x1  }
0x15: {  	[smem:$0x3FB5] =	sst s0;
	s0 =	simm.s32 @!p2 $0x0  }
0x16: {  	s3 =	sld [smem:$0x3FDB];
	s0 =	simm.s32 @p2 $0x1  }
0x17: {  	s4 =	simm.s32 $0x1BF5;
	[smem:$0x3FB7] =	sst s0  }
0x18: {  	s0 =	sld [smem:$0x3F9A];
	_ =	swait.ge [sflag:s4], $0x0  }
0x19: {  	s7 =	sld [smem:$0x3F9B]  }
0x1a: {  	s8 =	sadd.s32 $0xFFFFE003, lr  }
0x1b: {  	s9 =	sadd.s32 $0xFFFFFEF7, lr;
	s5 =	simm.s32 $0xFFFFFFFF;
	p2 =	slt.u32 s8, $0xFFFFF086  }
0x1c: {  	p1 =	slt.u32 s9, $0xF7A;
	s5 =	simm.s32 @!p2 $0x0  }
0x1d: {  	s5 =	simm.s32 @p1 $0x1;
	p0 =	seq.s32 s7, s2  }
0x1e: {  	s7 =	smul.u32 @!p0 $0xF7A, s2;
	p2 =	seq.s32 @!p0 s5, $0x0  }
0x1f: {  	s9 =	smul.u32 $0xF7A, s1;
	s8 =	simm.s32 @!p0 $0x1BF5;
	p2 =	por !p2, p0  }
0x20: {  	[sflag:s8] =	ssyncset.s32 @!p0 $0xFFFFF086;
	s6 =	sadd.s32 @!p0 s3, s7;
	s7 =	simm.s32 @!p0 $0x108  }
0x21: {  	s3 =	sadd.s32 s3, s9;
	s6 =	sadd.s32 @!p0 $0x88, s6;
	s7 =	simm.s32 @p2 $0x1082  }
0x22: {  	[simem:s7], [sflag:s8] =	dma.local @!p0 [hbm:s6], $0xF7A  }
0x23: {  	s9 =	sor.u32 $0xD0000000, s2;
	s6 =	simm.s32 $0x108;
	_ =	swait.ge @!p0 [sflag:s8], $0x0  }
0x24: {  	s3 =	sadd.s32 $0x88, s3;
	s6 =	simm.s32 @!p1 $0x1082;
	[sflag:s4] =	ssyncset.s32 $0xFFFFF086  }
0x25: {  	[simem:s6], [sflag:s4] =	dma.local [hbm:s3], $0xF7A  }
0x26: {  	[smem:$0x3F9B] =	sst s1;
	(tag) =	ssettag s2;
	_ =	strace s9  }
0x27: {  	s1 =	sld [smem:$0x3FAB]  }
0x28: {  	s2 =	sld [smem:$0x3FAC]  }
0x29: {  	s4 =	sld [smem:$0x3FAE]  }
0x2a: {  	p0 =	seq.s32 s5, $0x0;
	s5 =	sld [smem:$0x3FAF]  }
0x2b: {  	s6 =	sld [smem:$0x3FB0]  }
0x2c: {  	s7 =	sld [smem:$0x3FB1]  }
0x2d: {  	s3 =	simm.s32 $0x108;
	s8 =	sld [smem:$0x3FB2]  }
0x2e: {  	s3 =	simm.s32 @!p0 $0x1082;
	s9 =	sld [smem:$0x3FB3]  }
0x2f: {  	lr =	sadd.s32 s0, s3;
	s0 =	sld [smem:$0x3FAA]  }
0x30: {  	s3 =	sld [smem:$0x3FAD]  }
0x31: {  	[smem:$0x3FB6] =	sst s10  }
0x32: {  	s10 =	sld [smem:$0x3FB4];
	_ =	sdelay $0x3  }
0x33: {  	p0 =	seq.s32 s10, $0x1;
	s10 =	sld [smem:$0x3FB6];
	_ =	sdelay $0x3  }
0x34: {  	[smem:$0x3FB6] =	sst s10  }
0x35: {  	s10 =	sld [smem:$0x3FB5];
	_ =	sdelay $0x3  }
0x36: {  	p1 =	seq.s32 s10, $0x1;
	s10 =	sld [smem:$0x3FB6];
	_ =	sdelay $0x3  }
0x37: {  	[smem:$0x3FB6] =	sst s10  }
0x38: {  	s10 =	sld [smem:$0x3FB7]  }
0x39: {  	_ = 	snop;
	(pc) =	sbr.ind lr, $3  }
0x3a: {  	_ = 	snop  }
0x3b: {  	_ = 	snop  }
0x3c: {  	p2 =	seq.s32 s10, $0x1;
	s10 =	sld [smem:$0x3FB6]  }
0x3d: {  	_ =	shalt  }
0x3e: {  	_ =	shalt  }
0x3f: {  	_ =	shalt  }
0x40: {  	_ =	shalt  }
0x41: {  	_ =	shalt  }
0x42: {  	_ =	shalt  }
0x43: {  	_ =	shalt  }
0x44: {  	_ =	shalt  }
0x45: {  	_ =	shalt  }
0x46: {  	_ =	shalt  }
0x47: {  	_ =	shalt  }
0x48: {  	_ =	shalt  }
0x49: {  	_ =	shalt  }
0x4a: {  	_ =	shalt  }
0x4b: {  	_ =	shalt  }
0x4c: {  	_ =	shalt  }
0x4d: {  	_ =	shalt  }
0x4e: {  	_ =	shalt  }
0x4f: {  	_ =	shalt  }
0x50: {  	_ =	shalt  }
0x51: {  	_ =	shalt  }
0x52: {  	_ =	shalt  }
0x53: {  	_ =	shalt  }
0x54: {  	_ =	shalt  }
0x55: {  	_ =	shalt  }
0x56: {  	_ =	shalt  }
0x57: {  	_ =	shalt  }
0x58: {  	_ =	shalt  }
0x59: {  	_ =	shalt  }
0x5a: {  	_ =	shalt  }
0x5b: {  	_ =	shalt  }
0x5c: {  	_ =	shalt  }
0x5d: {  	_ =	shalt  }
0x5e: {  	_ =	shalt  }
0x5f: {  	_ =	shalt  }
0x60: {  	_ =	shalt  }
0x61: {  	_ =	shalt  }
0x62: {  	_ =	shalt  }
0x63: {  	_ =	shalt  }
0x64: {  	_ =	shalt  }
0x65: {  	_ =	shalt  }
0x66: {  	_ =	shalt  }
0x67: {  	_ =	shalt  }
0x68: {  	_ =	shalt  }
0x69: {  	_ =	shalt  }
0x6a: {  	_ =	shalt  }
0x6b: {  	_ =	shalt  }
0x6c: {  	_ =	shalt  }
0x6d: {  	_ =	shalt  }
0x6e: {  	_ =	shalt  }
0x6f: {  	_ =	shalt  }
0x70: {  	_ =	shalt  }
0x71: {  	_ =	shalt  }
0x72: {  	_ =	shalt  }
0x73: {  	_ =	shalt  }
0x74: {  	_ =	shalt  }
0x75: {  	_ =	shalt  }
0x76: {  	_ =	shalt  }
0x77: {  	_ =	shalt  }
0x78: {  	_ =	shalt  }
0x79: {  	_ =	shalt  }
0x7a: {  	_ =	shalt  }
0x7b: {  	_ =	shalt  }
0x7c: {  	_ =	shalt  }
0x7d: {  	_ =	shalt  }
0x7e: {  	_ =	shalt  }
0x7f: {  	_ =	shalt  }
0x80: {  	_ =	shalt  }
0x81: {  	_ =	shalt  }
0x82: {  	_ =	shalt  }
0x83: {  	_ =	shalt  }
0x84: {  	_ =	shalt  }
0x85: {  	_ =	shalt  }
0x86: {  	_ =	shalt  }
0x87: {  	_ =	shalt  }
.Lfunc_end0:
.L_simem_size_0:
called_computation.1_lowered:
.L_overlay_start_0:
0x88: {  	s2 =	sld [smem:$0x3FD9]  }
0x89: {  	s3 =	sld [smem:$0x3FFE];
	_ =	sdelay $0x1  }
0x8a: {  	s1 =	srdreg.scid  }
0x8b: {  	s0 =	sand.u32 $0x1, s1  }
0x8c: {  	s17 =	sshll.u32 s0, $0xA;
	s2 =	sadd.s32 s3, s2  }
0x8d: {  	s2 =	sadd.s32 s2, s17  }
0x8e: {  	[smem:$0x3FC2] =	sst s2  }
0x8f: {  	_ = 	snop  }
0x90: {  	s2 =	sld [smem:$0x3FD0];
	(tm) =	ssettm $0x1  }
0x91: {  	s18 =	sld [smem:$0x3FFB];
	_ =	sdelay $0x3  }
0x92: {  	_ =	strace s18  }
0x93: {  	s3 =	sld [smem:$0x3FFC];
	_ =	sdelay $0x3  }
0x94: {  	_ =	strace s3  }
0x95: {  	s3 =	sld [smem:$0x3FFD];
	_ =	sdelay $0x3  }
0x96: {  	_ =	strace s3  }
0x97: {  	_ =	strace $0x8FFFFFFF  }
0x98: {  	s19 =	sld [smem:$0x3FDB];
	_ =	sdelay $0x1  }
0x99: {  	s4 =	simm.s32 $_scs_section_size  }
0x9a: {  	s5 =	simm.s32 $_size__tile_overlayer_lowered;
	s6 =	simm.s32 $_tile_overlayer_lowered  }
0x9b: {  	s22 =	simm.s32 $0x1BFF;
	s21 =	sshll.u32 s6, $0x1;
	s3 =	sadd.s32 s4, s19  }
0x9c: {  	s7 =	simm.s32 $0x0;
	s20 =	sshll.u32 s5, $0x1;
	s5 =	sadd.s32 s21, s3  }
0x9d: {  	[timem:s7], [sflag:s22] =	dma.local [hbm:s5], s20  }
0x9e: {  	_ =	swait.ge [sflag:s22], s20  }
0x9f: {  	s4 =	ssub.s32 $0x0, s20;
	[sflag:s22] =	ssyncset.done $0x0  }
0xa0: {  	[sflag:s22] =	ssyncadd.s32 s4;
	_ =	sdelay $0x1  }
0xa1: {  	s23 =	simm.s32 $0x1B8B  }
0xa2: {  	_ =	swait.ge [sflag:s23], $0x1  }
0xa3: {  	[sflag:s23] =	ssyncset.done $0x0  }
0xa4: {  	s25 =	simm.s32 $0x1B8E;
	s24 =	sld [smem:$0x3FFE];
	[sflag:s23] =	ssyncadd.s32 $0xFFFFFFFF  }
0xa5: {  	s26 =	simm.s32 $execute0_lowered;
	[smem:$0x3FD2] =	sst s25  }
0xa6: {  	s5 =	sshll.u32 s26, $0x1;
	_ =	strace $0x80000049;
	[dreg:$0x1] =	wrdreg $0xFFFFFFFF  }
0xa7: {  	s28 =	simm.s32 $_size_execute0_lowered;
	s3 =	sadd.s32 s3, s5;
	[dreg:$0x0] =	wrdreg $0x0  }
0xa8: {  	s5 =	sshll.u32 s28, $0x1;
	[dreg:$0x2] =	wrdreg s3  }
0xa9: {  	[dreg:$0x3] =	wrdreg s5  }
0xaa: {  	[dreg:$0x4] =	wrdreg $0xC0  }
0xab: {  	_ =	task [dreg:s7], $0x5FFFF  }
0xac: {  	[dreg:$0x1] =	wrdreg $0xFFFFFFFF  }
0xad: {  	[dreg:$0x0] =	wrdreg $0x60  }
0xae: {  	[dreg:$0x2] =	wrdreg s2  }
0xaf: {  	[dreg:$0x3] =	wrdreg s24  }
0xb0: {  	[dreg:$0x4] =	wrdreg $0x90000  }
0xb1: {  	[dreg:$0x5] =	wrdreg $0x9  }
0xb2: {  	_ =	task.clear_ibuf [dreg:s7], $0x6FFFF;
	_ =	strace $0x90000049  }
0xb3: {  	s29 =	simm.s32 $0x9;
	_ =	strace $0x8000004B  }
0xb4: {  	_ =	swait.ge [sflag:s29], $0x1  }
0xb5: {  	[sflag:s29] =	ssyncadd.s32 $0xFFFFFFFF  }
0xb6: {  	_ =	strace $0x9000004B  }
0xb7: {  	_ =	sfence  }
0xb8: {  	s30 =	sld [smem:$0x0];
	_ =	sdelay $0x2  }
0xb9: {  	s31 =	sshll.u32 s1, $0xD;
	s1 =	sshrl.u32 s1, $0x2  }
0xba: {  	s3 =	sand.u32 $0x4000, s31;
	s1 =	sadd.s32 s1, s30  }
0xbb: {  	s0 =	sor.u32 s3, s0;
	s1 =	sshll.u32 s1, $0x11  }
0xbc: {  	s0 =	sor.u32 s1, s0  }
0xbd: {  	s0 =	sadd.s32 $0x8F2B, s0  }
0xbe: {  	[sflag:s0] =	ssyncadd.remote.s32 $0x1  }
0xbf: {  	_ =	sfence.sel $0xFFFF  }
0xc0: {  	[dreg:$0x0] =	wrdreg $0xFFFFFFFF;
	(pc) =	sbr.abs _section_cstart, $3  }
0xc1: {  	[dreg:$0x1] =	wrdreg $0xFFFFFFFF  }
0xc2: {  	_ =	task.clear_ibuf [dreg:s7], $0x2FFFF;
	_ =	strace $0x9FFFFFFF  }
0xc3: {  	(tm) =	ssettm $0x7FFFFFFF  }
tec
execute0_lowered:
.L_overlay_start_1:
0x0: {  	(tag) =	ssettag $0x1  }
0x1: {  	s1 =	rddreg [dreg:$0x0]  }
0x2: {  	s0 =	rddreg [dreg:$0x1]  }
0x3: {  	s3 =	rddreg [dreg:$0x2];
	s2 =	srdreg.scid  }
0x4: {  	s8 =	stileid.u32;
	s4 =	simm.s32 $0x0;
	s13 =	simm.s32 $0x880  }
0x5: {  	s15 =	simm.s32 $0x100;
	s17 =	simm.s32 $0x180;
	s19 =	simm.s32 $0x900  }
0x6: {  	s20 =	simm.s32 $0x980;
	s21 =	simm.s32 $0x200;
	[smem:$0x7FF] =	sst s4  }
0x7: {  	s22 =	simm.s32 $0x280;
	_ =	strace $0x8000004A;
	[dreg:$0x6] =	wrdreg s13  }
0x8: {  	s23 =	simm.s32 $0xA00;
	s24 =	simm.s32 $0xA80;
	[dreg:$0x7] =	wrdreg s15  }
0x9: {  	s28 =	simm.s32 $0xD80;
	s29 =	simm.s32 $0x600;
	[dreg:$0x8] =	wrdreg s17  }
0xa: {  	s30 =	simm.s32 $0x680;
	s31 =	simm.s32 $0xE00;
	[dreg:$0x9] =	wrdreg s19  }
0xb: {  	s2 =	sand.u32 $0x1, s2;
	s7 =	smul.u32 $0x14000, s8;
	[dreg:$0xa] =	wrdreg s20  }
0xc: {  	s6 =	sshll.u32 s8, $0x1;
	s25 =	smul.u32 $0x50000, s8;
	[dreg:$0xb] =	wrdreg s21  }
0xd: {  	s5 =	smul.u32 $0x140000, s2;
	s6 =	sor.u32 s2, s6;
	[dreg:$0xc] =	wrdreg s22  }
0xe: {  	s2 =	ssub.s32 $0x2, s2;
	s13 =	simm.s32 $0x2;
	[dreg:$0xd] =	wrdreg s23  }
0xf: {  	s15 =	simm.s32 $0x80;
	[dreg:$0xe] =	wrdreg s24;
	s17 =	simm.s32 $0x1  }
0x10: {  	s19 =	simm.s32 $0xB80;
	s20 =	simm.s32 $0x400;
	s21 =	simm.s32 $0x480  }
0x11: {  	s22 =	simm.s32 $0xC00;
	s23 =	simm.s32 $0xC80;
	s24 =	simm.s32 $0x500  }
0x12: {  	s6 =	smul.u32 $0x500, s6;
	s26 =	sshrl.u32 s2, $0x1;
	s8 =	sshrl.u32 s25, $0x2  }
0x13: {  	s25 =	simm.s32 $0x300;
	s5 =	sadd.s32 s7, s5;
	s2 =	ssub.s32 s2, s26  }
0x14: {  	s10 =	sadd.s32 s8, s3;
	[dreg:$0xf] =	wrdreg s25;
	s26 =	simm.s32 $0x380  }
0x15: {  	s25 =	simm.s32 $0x580;
	s7 =	simm.s32 $0xF00;
	[dreg:$0x11] =	wrdreg s10  }
0x16: {  	s8 =	simm.s32 $0xF80;
	s12 =	sadd.s32 $0x4000, s10;
	[dreg:$0x10] =	wrdreg s26  }
0x17: {  	s5 =	sshrl.u32 s5, $0x3;
	s14 =	sadd.s32 $0x8000, s10;
	[dreg:$0x12] =	wrdreg s12  }
0x18: {  	s6 =	sadd.s32 s6, s0;
	s16 =	sadd.s32 $0xC000, s10;
	[dreg:$0x13] =	wrdreg s14  }
0x19: {  	s18 =	sadd.s32 $0x10000, s10;
	s2 =	smax.u32 s2, $0x1;
	[dreg:$0x14] =	wrdreg s16  }
0x1a: {  	s26 =	simm.s32 $0xD00;
	s0 =	sadd.s32 s5, s0;
	[dreg:$0x15] =	wrdreg s18  }
0x1b: {  	s9 =	sadd.s32 $0x3C00, s6;
	s11 =	sadd.s32 $0xDC00, s6;
	[dreg:$0x17] =	wrdreg s2  }
0x1c: {  	s12 =	simm.s32 $0x1000;
	s14 =	simm.s32 $0x800;
	s16 =	simm.s32 $0x5000  }
0x1d: {  	s18 =	simm.s32 $0xB00;
	s2 =	simm.s32 $0x700;
	[dreg:$0x4] =	wrdreg s9  }
0x1e: {  	s6 =	simm.s32 $0x780;
	[dreg:$0x5] =	wrdreg s11;
	s0 =	sadd.s32 $0x17C00, s0  }
0x1f: {  	v0 =	vimm.f32 $0.0e+00;
	s9 =	simm.s32 $0x0;
	[dreg:$0x16] =	wrdreg s0;
	s0 =	simm.s32 $0xE80  }
.LBB2_1:
0x20: {  	s10 =	simm.s32 $0x0;
	s11 =	simm.s32 $0x200  }
.LBB2_2:
0x21: {  	p0 =	sne.s32 s11, $0xFE00;
	[tilespmem:s10+$0x1070] =	vst v0  }
0x22: {  	[tilespmem:s10+$0x1000] =	vst v0  }
0x23: {  	[tilespmem:s10+$0x1010] =	vst v0  }
.Ltmp0:
0x24: {  	[tilespmem:s10+$0x1020] =	vst v0;
	(pc) =	sbr.rel @p0 .LBB2_2-.Ltmp0, $4  }
0x25: {  	[tilespmem:s10+$0x1030] =	vst v0  }
0x26: {  	[tilespmem:s10+$0x1040] =	vst v0  }
0x27: {  	[tilespmem:s10+$0x1050] =	vst v0  }
0x28: {  	[tilespmem:s10+$0x1060] =	vst v0;
	s10 =	sshra.s32 s11, $0x2;
	s11 =	sadd.s32 $0x200, s11  }
0x29: {  	[tilespmem:s10+$0x1070] =	vst v0  }
0x2a: {  	[tilespmem:s10+$0x1000] =	vst v0  }
0x2b: {  	[tilespmem:s10+$0x1010] =	vst v0  }
0x2c: {  	[tilespmem:s10+$0x1020] =	vst v0  }
0x2d: {  	[tilespmem:s10+$0x1030] =	vst v0  }
0x2e: {  	[tilespmem:s10+$0x1040] =	vst v0  }
0x2f: {  	[dreg:$0x18] =	wrdreg s9;
	[tilespmem:s10+$0x1050] =	vst v0  }
0x30: {  	[tilespmem:s10+$0x1060] =	vst v0;
	s5 =	rddreg [dreg:$0x11]  }
0x31: {  	[spmem:s5] =	stream.linear.scatter [tilespmem:s12], [sflag:$0x2], $0x4000, $0x38;
	[tilespmem:$0x1D000] =	vst v63  }
0x32: {  	_ =	swait.ge [sflag:s13], $0x4000  }
0x33: {  	[sflag:s13] =	ssyncset.done $0x0  }
0x34: {  	s9 =	rddreg [dreg:$0x12];
	[sflag:s13] =	ssyncadd.s32 $0xFFFFC000  }
0x35: {  	[spmem:s9] =	stream.linear.scatter [tilespmem:s12], [sflag:$0x2], $0x4000, $0x38;
	[tilespmem:$0x1D000] =	vst v63  }
0x36: {  	_ =	swait.ge [sflag:s13], $0x4000  }
0x37: {  	[sflag:s13] =	ssyncset.done $0x0  }
0x38: {  	s10 =	rddreg [dreg:$0x13];
	[sflag:s13] =	ssyncadd.s32 $0xFFFFC000  }
0x39: {  	[spmem:s10] =	stream.linear.scatter [tilespmem:s12], [sflag:$0x2], $0x4000, $0x38;
	[tilespmem:$0x1D000] =	vst v63  }
0x3a: {  	_ =	swait.ge [sflag:s13], $0x4000  }
0x3b: {  	[sflag:s13] =	ssyncset.done $0x0  }
0x3c: {  	s11 =	rddreg [dreg:$0x14];
	[sflag:s13] =	ssyncadd.s32 $0xFFFFC000  }
0x3d: {  	[spmem:s11] =	stream.linear.scatter [tilespmem:s12], [sflag:$0x2], $0x4000, $0x38;
	[tilespmem:$0x1D000] =	vst v63  }
0x3e: {  	_ =	swait.ge [sflag:s13], $0x4000  }
0x3f: {  	[sflag:s13] =	ssyncset.done $0x0  }
0x40: {  	s9 =	rddreg [dreg:$0x15];
	[sflag:s13] =	ssyncadd.s32 $0xFFFFC000  }
0x41: {  	[spmem:s9] =	stream.linear.scatter [tilespmem:s12], [sflag:$0x2], $0x4000, $0x38;
	[tilespmem:$0x1D000] =	vst v63  }
0x42: {  	_ =	swait.ge [sflag:s13], $0x4000  }
0x43: {  	[sflag:s13] =	ssyncset.done $0x0  }
0x44: {  	[sflag:s13] =	ssyncadd.s32 $0xFFFFC000  }
0x45: {  	[bflag:$0x0] =	sbarrier.arrive $0xFFFF  }
0x46: {  	s10 =	rddreg [dreg:$0x4]  }
0x47: {  	s5 =	sadd.s32 $0x0, s10  }
0x48: {  	[tilespmem:s4], [sflag:$0x2] =	stream.linear.gather [hbm4b:s5+s4], $0x800, $0x38;
	[tilespmem:$0x1D000] =	vst v63  }
0x49: {  	_ =	swait.ge [sflag:s13], $0x800  }
0x4a: {  	s11 =	rddreg [dreg:$0x5];
	[sflag:s13] =	ssyncset.done $0x0  }
0x4b: {  	[sflag:s13] =	ssyncadd.s32 $0xFFFFF800;
	s5 =	sadd.s32 $0x0, s11  }
0x4c: {  	[tilespmem:s14], [sflag:$0x2] =	stream.linear.gather [hbm4b:s5+s4], $0x800, $0x38;
	[tilespmem:$0x1D000] =	vst v63  }
0x4d: {  	_ =	swait.ge [sflag:s13], $0x800  }
0x4e: {  	[sflag:s13] =	ssyncset.done $0x0  }
0x4f: {  	[sflag:s13] =	ssyncadd.s32 $0xFFFFF800  }
0x50: {  	[tilespmem:s12], [sflag:$0x1] =	stream.indirect.gather [hbm4b:s1+s15], $0x80, s4, s15, $0xb8;
	[tilespmem:$0x1D000] =	vst v63  }
0x51: {  	_ = 	snop  }
0x52: {  	[tilespmem:s16], [sflag:$0x1] =	stream.indirect.gather [hbm4b:s1+s15], $0x80, s15, s15, $0xb8;
	[tilespmem:$0x1D000] =	vst v63  }
0x53: {  	_ =	swait.ge [sflag:s17], $0x4000  }
0x54: {  	[sflag:s17] =	ssyncset.done $0x0  }
0x55: {  	[sflag:s17] =	ssyncadd.s32 $0xFFFFC000  }
0x56: {  	_ =	swait.ge [sflag:s17], $0x4000  }
0x57: {  	[sflag:s17] =	ssyncset.done $0x0  }
0x58: {  	[sflag:s17] =	ssyncadd.s32 $0xFFFFC000  }
0x59: {  	[spmem:s3] =	stream.indirect.scatter.add.f32 [tilespmem:s12], [sflag:$0x2], $0x80, s14, s15, $0xb8;
	[tilespmem:$0x1D000] =	vst v63  }
0x5a: {  	_ =	swait.ge [sflag:s13], $0x4000  }
0x5b: {  	[sflag:s13] =	ssyncset.done $0x0  }
0x5c: {  	s9 =	rddreg [dreg:$0x6];
	[sflag:s13] =	ssyncadd.s32 $0xFFFFC000  }
0x5d: {  	[spmem:s3] =	stream.indirect.scatter.add.f32 [tilespmem:s16], [sflag:$0x2], $0x80, s9, s15, $0xb8;
	[tilespmem:$0x1D000] =	vst v63  }
0x5e: {  	_ =	swait.ge [sflag:s13], $0x4000  }
0x5f: {  	[sflag:s13] =	ssyncset.done $0x0  }
0x60: {  	s10 =	rddreg [dreg:$0x7];
	[sflag:s13] =	ssyncadd.s32 $0xFFFFC000  }
0x61: {  	[tilespmem:s12], [sflag:$0x1] =	stream.indirect.gather [hbm4b:s1+s15], $0x80, s10, s15, $0xb8;
	[tilespmem:$0x1D000] =	vst v63  }
0x62: {  	s11 =	rddreg [dreg:$0x8]  }
0x63: {  	[tilespmem:s16], [sflag:$0x1] =	stream.indirect.gather [hbm4b:s1+s15], $0x80, s11, s15, $0xb8;
	[tilespmem:$0x1D000] =	vst v63  }
0x64: {  	_ =	swait.ge [sflag:s17], $0x4000  }
0x65: {  	[sflag:s17] =	ssyncset.done $0x0  }
0x66: {  	[sflag:s17] =	ssyncadd.s32 $0xFFFFC000  }
0x67: {  	_ =	swait.ge [sflag:s17], $0x4000  }
0x68: {  	[sflag:s17] =	ssyncset.done $0x0  }
0x69: {  	s9 =	rddreg [dreg:$0x9];
	[sflag:s17] =	ssyncadd.s32 $0xFFFFC000  }
0x6a: {  	[spmem:s3] =	stream.indirect.scatter.add.f32 [tilespmem:s12], [sflag:$0x2], $0x80, s9, s15, $0xb8;
	[tilespmem:$0x1D000] =	vst v63  }
0x6b: {  	_ =	swait.ge [sflag:s13], $0x4000  }
0x6c: {  	[sflag:s13] =	ssyncset.done $0x0  }
0x6d: {  	s10 =	rddreg [dreg:$0xa];
	[sflag:s13] =	ssyncadd.s32 $0xFFFFC000  }
0x6e: {  	[spmem:s3] =	stream.indirect.scatter.add.f32 [tilespmem:s16], [sflag:$0x2], $0x80, s10, s15, $0xb8;
	[tilespmem:$0x1D000] =	vst v63  }
0x6f: {  	_ =	swait.ge [sflag:s13], $0x4000  }
0x70: {  	[sflag:s13] =	ssyncset.done $0x0  }
0x71: {  	s11 =	rddreg [dreg:$0xb];
	[sflag:s13] =	ssyncadd.s32 $0xFFFFC000  }
0x72: {  	[tilespmem:s12], [sflag:$0x1] =	stream.indirect.gather [hbm4b:s1+s15], $0x80, s11, s15, $0xb8;
	[tilespmem:$0x1D000] =	vst v63  }
0x73: {  	s9 =	rddreg [dreg:$0xc]  }
0x74: {  	[tilespmem:s16], [sflag:$0x1] =	stream.indirect.gather [hbm4b:s1+s15], $0x80, s9, s15, $0xb8;
	[tilespmem:$0x1D000] =	vst v63  }
0x75: {  	_ =	swait.ge [sflag:s17], $0x4000  }
0x76: {  	[sflag:s17] =	ssyncset.done $0x0  }
0x77: {  	[sflag:s17] =	ssyncadd.s32 $0xFFFFC000  }
0x78: {  	_ =	swait.ge [sflag:s17], $0x4000  }
0x79: {  	[sflag:s17] =	ssyncset.done $0x0  }
0x7a: {  	s11 =	rddreg [dreg:$0xd];
	[sflag:s17] =	ssyncadd.s32 $0xFFFFC000  }
0x7b: {  	[spmem:s3] =	stream.indirect.scatter.add.f32 [tilespmem:s12], [sflag:$0x2], $0x80, s11, s15, $0xb8;
	[tilespmem:$0x1D000] =	vst v63  }
0x7c: {  	_ =	swait.ge [sflag:s13], $0x4000  }
0x7d: {  	[sflag:s13] =	ssyncset.done $0x0  }
0x7e: {  	s9 =	rddreg [dreg:$0xe];
	[sflag:s13] =	ssyncadd.s32 $0xFFFFC000  }
0x7f: {  	[spmem:s3] =	stream.indirect.scatter.add.f32 [tilespmem:s16], [sflag:$0x2], $0x80, s9, s15, $0xb8;
	[tilespmem:$0x1D000] =	vst v63  }
0x80: {  	_ =	swait.ge [sflag:s13], $0x4000  }
0x81: {  	[sflag:s13] =	ssyncset.done $0x0  }
0x82: {  	s10 =	rddreg [dreg:$0xf];
	[sflag:s13] =	ssyncadd.s32 $0xFFFFC000  }
0x83: {  	[tilespmem:s12], [sflag:$0x1] =	stream.indirect.gather [hbm4b:s1+s15], $0x80, s10, s15, $0xb8;
	[tilespmem:$0x1D000] =	vst v63  }
0x84: {  	s11 =	rddreg [dreg:$0x10]  }
0x85: {  	[tilespmem:s16], [sflag:$0x1] =	stream.indirect.gather [hbm4b:s1+s15], $0x80, s11, s15, $0xb8;
	[tilespmem:$0x1D000] =	vst v63  }
0x86: {  	_ =	swait.ge [sflag:s17], $0x4000  }
0x87: {  	[sflag:s17] =	ssyncset.done $0x0  }
0x88: {  	[sflag:s17] =	ssyncadd.s32 $0xFFFFC000  }
0x89: {  	_ =	swait.ge [sflag:s17], $0x4000  }
0x8a: {  	[sflag:s17] =	ssyncset.done $0x0  }
0x8b: {  	[sflag:s17] =	ssyncadd.s32 $0xFFFFC000  }
0x8c: {  	[spmem:s3] =	stream.indirect.scatter.add.f32 [tilespmem:s12], [sflag:$0x2], $0x80, s18, s15, $0xb8;
	[tilespmem:$0x1D000] =	vst v63  }
0x8d: {  	_ =	swait.ge [sflag:s13], $0x4000  }
0x8e: {  	[sflag:s13] =	ssyncset.done $0x0  }
0x8f: {  	[sflag:s13] =	ssyncadd.s32 $0xFFFFC000  }
0x90: {  	[spmem:s3] =	stream.indirect.scatter.add.f32 [tilespmem:s16], [sflag:$0x2], $0x80, s19, s15, $0xb8;
	[tilespmem:$0x1D000] =	vst v63  }
0x91: {  	_ =	swait.ge [sflag:s13], $0x4000  }
0x92: {  	[sflag:s13] =	ssyncset.done $0x0  }
0x93: {  	[sflag:s13] =	ssyncadd.s32 $0xFFFFC000  }
0x94: {  	[tilespmem:s12], [sflag:$0x1] =	stream.indirect.gather [hbm4b:s1+s15], $0x80, s20, s15, $0xb8;
	[tilespmem:$0x1D000] =	vst v63  }
0x95: {  	_ = 	snop  }
0x96: {  	[tilespmem:s16], [sflag:$0x1] =	stream.indirect.gather [hbm4b:s1+s15], $0x80, s21, s15, $0xb8;
	[tilespmem:$0x1D000] =	vst v63  }
0x97: {  	_ =	swait.ge [sflag:s17], $0x4000  }
0x98: {  	[sflag:s17] =	ssyncset.done $0x0  }
0x99: {  	[sflag:s17] =	ssyncadd.s32 $0xFFFFC000  }
0x9a: {  	_ =	swait.ge [sflag:s17], $0x4000  }
0x9b: {  	[sflag:s17] =	ssyncset.done $0x0  }
0x9c: {  	[sflag:s17] =	ssyncadd.s32 $0xFFFFC000  }
0x9d: {  	[spmem:s3] =	stream.indirect.scatter.add.f32 [tilespmem:s12], [sflag:$0x2], $0x80, s22, s15, $0xb8;
	[tilespmem:$0x1D000] =	vst v63  }
0x9e: {  	_ =	swait.ge [sflag:s13], $0x4000  }
0x9f: {  	[sflag:s13] =	ssyncset.done $0x0  }
0xa0: {  	[sflag:s13] =	ssyncadd.s32 $0xFFFFC000  }
0xa1: {  	[spmem:s3] =	stream.indirect.scatter.add.f32 [tilespmem:s16], [sflag:$0x2], $0x80, s23, s15, $0xb8;
	[tilespmem:$0x1D000] =	vst v63  }
0xa2: {  	_ =	swait.ge [sflag:s13], $0x4000  }
0xa3: {  	[sflag:s13] =	ssyncset.done $0x0  }
0xa4: {  	[sflag:s13] =	ssyncadd.s32 $0xFFFFC000  }
0xa5: {  	[tilespmem:s12], [sflag:$0x1] =	stream.indirect.gather [hbm4b:s1+s15], $0x80, s24, s15, $0xb8;
	[tilespmem:$0x1D000] =	vst v63  }
0xa6: {  	_ = 	snop  }
0xa7: {  	[tilespmem:s16], [sflag:$0x1] =	stream.indirect.gather [hbm4b:s1+s15], $0x80, s25, s15, $0xb8;
	[tilespmem:$0x1D000] =	vst v63  }
0xa8: {  	_ =	swait.ge [sflag:s17], $0x4000  }
0xa9: {  	[sflag:s17] =	ssyncset.done $0x0  }
0xaa: {  	[sflag:s17] =	ssyncadd.s32 $0xFFFFC000  }
0xab: {  	_ =	swait.ge [sflag:s17], $0x4000  }
0xac: {  	[sflag:s17] =	ssyncset.done $0x0  }
0xad: {  	[sflag:s17] =	ssyncadd.s32 $0xFFFFC000  }
0xae: {  	[spmem:s3] =	stream.indirect.scatter.add.f32 [tilespmem:s12], [sflag:$0x2], $0x80, s26, s15, $0xb8;
	[tilespmem:$0x1D000] =	vst v63  }
0xaf: {  	_ =	swait.ge [sflag:s13], $0x4000  }
0xb0: {  	[sflag:s13] =	ssyncset.done $0x0  }
0xb1: {  	[sflag:s13] =	ssyncadd.s32 $0xFFFFC000  }
0xb2: {  	[spmem:s3] =	stream.indirect.scatter.add.f32 [tilespmem:s16], [sflag:$0x2], $0x80, s28, s15, $0xb8;
	[tilespmem:$0x1D000] =	vst v63  }
0xb3: {  	_ =	swait.ge [sflag:s13], $0x4000  }
0xb4: {  	[sflag:s13] =	ssyncset.done $0x0  }
0xb5: {  	[sflag:s13] =	ssyncadd.s32 $0xFFFFC000  }
0xb6: {  	[tilespmem:s12], [sflag:$0x1] =	stream.indirect.gather [hbm4b:s1+s15], $0x80, s29, s15, $0xb8;
	[tilespmem:$0x1D000] =	vst v63  }
0xb7: {  	_ = 	snop  }
0xb8: {  	[tilespmem:s16], [sflag:$0x1] =	stream.indirect.gather [hbm4b:s1+s15], $0x80, s30, s15, $0xb8;
	[tilespmem:$0x1D000] =	vst v63  }
0xb9: {  	_ =	swait.ge [sflag:s17], $0x4000  }
0xba: {  	[sflag:s17] =	ssyncset.done $0x0  }
0xbb: {  	[sflag:s17] =	ssyncadd.s32 $0xFFFFC000  }
0xbc: {  	_ =	swait.ge [sflag:s17], $0x4000  }
0xbd: {  	[sflag:s17] =	ssyncset.done $0x0  }
0xbe: {  	[sflag:s17] =	ssyncadd.s32 $0xFFFFC000  }
0xbf: {  	[spmem:s3] =	stream.indirect.scatter.add.f32 [tilespmem:s12], [sflag:$0x2], $0x80, s31, s15, $0xb8;
	[tilespmem:$0x1D000] =	vst v63  }
0xc0: {  	_ =	swait.ge [sflag:s13], $0x4000  }
0xc1: {  	[sflag:s13] =	ssyncset.done $0x0  }
0xc2: {  	[sflag:s13] =	ssyncadd.s32 $0xFFFFC000  }
0xc3: {  	[spmem:s3] =	stream.indirect.scatter.add.f32 [tilespmem:s16], [sflag:$0x2], $0x80, s0, s15, $0xb8;
	[tilespmem:$0x1D000] =	vst v63  }
0xc4: {  	_ =	swait.ge [sflag:s13], $0x4000  }
0xc5: {  	[sflag:s13] =	ssyncset.done $0x0  }
0xc6: {  	[sflag:s13] =	ssyncadd.s32 $0xFFFFC000  }
0xc7: {  	[tilespmem:s12], [sflag:$0x1] =	stream.indirect.gather [hbm4b:s1+s15], $0x80, s2, s15, $0xb8;
	[tilespmem:$0x1D000] =	vst v63  }
0xc8: {  	_ = 	snop  }
0xc9: {  	[tilespmem:s16], [sflag:$0x1] =	stream.indirect.gather [hbm4b:s1+s15], $0x80, s6, s15, $0xb8;
	[tilespmem:$0x1D000] =	vst v63  }
0xca: {  	_ =	swait.ge [sflag:s17], $0x4000  }
0xcb: {  	[sflag:s17] =	ssyncset.done $0x0  }
0xcc: {  	[sflag:s17] =	ssyncadd.s32 $0xFFFFC000  }
0xcd: {  	_ =	swait.ge [sflag:s17], $0x4000  }
0xce: {  	[sflag:s17] =	ssyncset.done $0x0  }
0xcf: {  	[sflag:s17] =	ssyncadd.s32 $0xFFFFC000  }
0xd0: {  	[spmem:s3] =	stream.indirect.scatter.add.f32 [tilespmem:s12], [sflag:$0x2], $0x80, s7, s15, $0xb8;
	[tilespmem:$0x1D000] =	vst v63  }
0xd1: {  	_ =	swait.ge [sflag:s13], $0x4000  }
0xd2: {  	[sflag:s13] =	ssyncset.done $0x0  }
0xd3: {  	[sflag:s13] =	ssyncadd.s32 $0xFFFFC000  }
0xd4: {  	[spmem:s3] =	stream.indirect.scatter.add.f32 [tilespmem:s16], [sflag:$0x2], $0x80, s8, s15, $0xb8;
	[tilespmem:$0x1D000] =	vst v63  }
0xd5: {  	s10 =	simm.s32 $0x100;
	_ =	swait.ge [sflag:s13], $0x4000  }
0xd6: {  	s11 =	simm.s32 $0x200;
	s5 =	rddreg [dreg:$0x4];
	[sflag:s13] =	ssyncset.done $0x0  }
.LBB2_4:
0xd7: {  	[sflag:s13] =	ssyncadd.s32 $0xFFFFC000;
	s5 =	sadd.s32 s10, s5  }
0xd8: {  	[tilespmem:s4], [sflag:$0x2] =	stream.linear.gather [hbm4b:s5+s4], $0x800, $0x38;
	[tilespmem:$0x1D000] =	vst v63  }
0xd9: {  	_ =	swait.ge [sflag:s13], $0x800  }
0xda: {  	s5 =	rddreg [dreg:$0x5];
	[sflag:s13] =	ssyncset.done $0x0  }
0xdb: {  	[sflag:s13] =	ssyncadd.s32 $0xFFFFF800;
	s5 =	sadd.s32 s10, s5  }
0xdc: {  	[tilespmem:s14], [sflag:$0x2] =	stream.linear.gather [hbm4b:s5+s4], $0x800, $0x38;
	[tilespmem:$0x1D000] =	vst v63  }
0xdd: {  	_ =	swait.ge [sflag:s13], $0x800  }
0xde: {  	[sflag:s13] =	ssyncset.done $0x0  }
0xdf: {  	[sflag:s13] =	ssyncadd.s32 $0xFFFFF800  }
0xe0: {  	[tilespmem:s12], [sflag:$0x1] =	stream.indirect.gather [hbm4b:s1+s15], $0x80, s4, s15, $0xb8;
	[tilespmem:$0x1D000] =	vst v63  }
0xe1: {  	_ = 	snop  }
0xe2: {  	[tilespmem:s16], [sflag:$0x1] =	stream.indirect.gather [hbm4b:s1+s15], $0x80, s15, s15, $0xb8;
	[tilespmem:$0x1D000] =	vst v63  }
0xe3: {  	_ =	swait.ge [sflag:s17], $0x4000  }
0xe4: {  	[sflag:s17] =	ssyncset.done $0x0  }
0xe5: {  	[sflag:s17] =	ssyncadd.s32 $0xFFFFC000  }
0xe6: {  	_ =	swait.ge [sflag:s17], $0x4000  }
0xe7: {  	[sflag:s17] =	ssyncset.done $0x0  }
0xe8: {  	[sflag:s17] =	ssyncadd.s32 $0xFFFFC000  }
0xe9: {  	[spmem:s3] =	stream.indirect.scatter.add.f32 [tilespmem:s12], [sflag:$0x2], $0x80, s14, s15, $0xb8;
	[tilespmem:$0x1D000] =	vst v63  }
0xea: {  	_ =	swait.ge [sflag:s13], $0x4000  }
0xeb: {  	s9 =	smov.u32 s11;
	[sflag:s13] =	ssyncset.done $0x0  }
0xec: {  	s10 =	smov.u32 s9;
	s9 =	rddreg [dreg:$0x6];
	[sflag:s13] =	ssyncadd.s32 $0xFFFFC000  }
0xed: {  	[spmem:s3] =	stream.indirect.scatter.add.f32 [tilespmem:s16], [sflag:$0x2], $0x80, s9, s15, $0xb8;
	[tilespmem:$0x1D000] =	vst v63  }
0xee: {  	_ =	swait.ge [sflag:s13], $0x4000  }
0xef: {  	[sflag:s13] =	ssyncset.done $0x0  }
0xf0: {  	s5 =	rddreg [dreg:$0x7];
	[sflag:s13] =	ssyncadd.s32 $0xFFFFC000  }
0xf1: {  	[tilespmem:s12], [sflag:$0x1] =	stream.indirect.gather [hbm4b:s1+s15], $0x80, s5, s15, $0xb8;
	[tilespmem:$0x1D000] =	vst v63  }
0xf2: {  	s9 =	rddreg [dreg:$0x8]  }
0xf3: {  	[tilespmem:s16], [sflag:$0x1] =	stream.indirect.gather [hbm4b:s1+s15], $0x80, s9, s15, $0xb8;
	[tilespmem:$0x1D000] =	vst v63  }
0xf4: {  	_ =	swait.ge [sflag:s17], $0x4000  }
0xf5: {  	[sflag:s17] =	ssyncset.done $0x0  }
0xf6: {  	[sflag:s17] =	ssyncadd.s32 $0xFFFFC000  }
0xf7: {  	_ =	swait.ge [sflag:s17], $0x4000  }
0xf8: {  	[sflag:s17] =	ssyncset.done $0x0  }
0xf9: {  	s9 =	rddreg [dreg:$0x9];
	[sflag:s17] =	ssyncadd.s32 $0xFFFFC000  }
0xfa: {  	[spmem:s3] =	stream.indirect.scatter.add.f32 [tilespmem:s12], [sflag:$0x2], $0x80, s9, s15, $0xb8;
	[tilespmem:$0x1D000] =	vst v63  }
0xfb: {  	_ =	swait.ge [sflag:s13], $0x4000  }
0xfc: {  	[sflag:s13] =	ssyncset.done $0x0  }
0xfd: {  	s9 =	rddreg [dreg:$0xa];
	[sflag:s13] =	ssyncadd.s32 $0xFFFFC000  }
0xfe: {  	[spmem:s3] =	stream.indirect.scatter.add.f32 [tilespmem:s16], [sflag:$0x2], $0x80, s9, s15, $0xb8;
	[tilespmem:$0x1D000] =	vst v63  }
0xff: {  	_ =	swait.ge [sflag:s13], $0x4000  }
0x100: {  	[sflag:s13] =	ssyncset.done $0x0  }
0x101: {  	s5 =	rddreg [dreg:$0xb];
	[sflag:s13] =	ssyncadd.s32 $0xFFFFC000  }
0x102: {  	[tilespmem:s12], [sflag:$0x1] =	stream.indirect.gather [hbm4b:s1+s15], $0x80, s5, s15, $0xb8;
	[tilespmem:$0x1D000] =	vst v63  }
0x103: {  	s9 =	rddreg [dreg:$0xc]  }
0x104: {  	[tilespmem:s16], [sflag:$0x1] =	stream.indirect.gather [hbm4b:s1+s15], $0x80, s9, s15, $0xb8;
	[tilespmem:$0x1D000] =	vst v63  }
0x105: {  	_ =	swait.ge [sflag:s17], $0x4000  }
0x106: {  	[sflag:s17] =	ssyncset.done $0x0  }
0x107: {  	[sflag:s17] =	ssyncadd.s32 $0xFFFFC000  }
0x108: {  	_ =	swait.ge [sflag:s17], $0x4000  }
0x109: {  	[sflag:s17] =	ssyncset.done $0x0  }
0x10a: {  	s9 =	rddreg [dreg:$0xd];
	[sflag:s17] =	ssyncadd.s32 $0xFFFFC000  }
0x10b: {  	[spmem:s3] =	stream.indirect.scatter.add.f32 [tilespmem:s12], [sflag:$0x2], $0x80, s9, s15, $0xb8;
	[tilespmem:$0x1D000] =	vst v63  }
0x10c: {  	_ =	swait.ge [sflag:s13], $0x4000  }
0x10d: {  	[sflag:s13] =	ssyncset.done $0x0  }
0x10e: {  	s9 =	rddreg [dreg:$0xe];
	[sflag:s13] =	ssyncadd.s32 $0xFFFFC000  }
0x10f: {  	[spmem:s3] =	stream.indirect.scatter.add.f32 [tilespmem:s16], [sflag:$0x2], $0x80, s9, s15, $0xb8;
	[tilespmem:$0x1D000] =	vst v63  }
0x110: {  	_ =	swait.ge [sflag:s13], $0x4000  }
0x111: {  	[sflag:s13] =	ssyncset.done $0x0  }
0x112: {  	s5 =	rddreg [dreg:$0xf];
	[sflag:s13] =	ssyncadd.s32 $0xFFFFC000  }
0x113: {  	[tilespmem:s12], [sflag:$0x1] =	stream.indirect.gather [hbm4b:s1+s15], $0x80, s5, s15, $0xb8;
	[tilespmem:$0x1D000] =	vst v63  }
0x114: {  	s9 =	rddreg [dreg:$0x10]  }
0x115: {  	[tilespmem:s16], [sflag:$0x1] =	stream.indirect.gather [hbm4b:s1+s15], $0x80, s9, s15, $0xb8;
	[tilespmem:$0x1D000] =	vst v63  }
0x116: {  	_ =	swait.ge [sflag:s17], $0x4000  }
0x117: {  	[sflag:s17] =	ssyncset.done $0x0  }
0x118: {  	[sflag:s17] =	ssyncadd.s32 $0xFFFFC000  }
0x119: {  	_ =	swait.ge [sflag:s17], $0x4000  }
0x11a: {  	[sflag:s17] =	ssyncset.done $0x0  }
0x11b: {  	[sflag:s17] =	ssyncadd.s32 $0xFFFFC000  }
0x11c: {  	[spmem:s3] =	stream.indirect.scatter.add.f32 [tilespmem:s12], [sflag:$0x2], $0x80, s18, s15, $0xb8;
	[tilespmem:$0x1D000] =	vst v63  }
0x11d: {  	_ =	swait.ge [sflag:s13], $0x4000  }
0x11e: {  	[sflag:s13] =	ssyncset.done $0x0  }
0x11f: {  	[sflag:s13] =	ssyncadd.s32 $0xFFFFC000  }
0x120: {  	[spmem:s3] =	stream.indirect.scatter.add.f32 [tilespmem:s16], [sflag:$0x2], $0x80, s19, s15, $0xb8;
	[tilespmem:$0x1D000] =	vst v63  }
0x121: {  	_ =	swait.ge [sflag:s13], $0x4000  }
0x122: {  	[sflag:s13] =	ssyncset.done $0x0  }
0x123: {  	[sflag:s13] =	ssyncadd.s32 $0xFFFFC000  }
0x124: {  	[tilespmem:s12], [sflag:$0x1] =	stream.indirect.gather [hbm4b:s1+s15], $0x80, s20, s15, $0xb8;
	[tilespmem:$0x1D000] =	vst v63  }
0x125: {  	_ = 	snop  }
0x126: {  	[tilespmem:s16], [sflag:$0x1] =	stream.indirect.gather [hbm4b:s1+s15], $0x80, s21, s15, $0xb8;
	[tilespmem:$0x1D000] =	vst v63  }
0x127: {  	_ =	swait.ge [sflag:s17], $0x4000  }
0x128: {  	[sflag:s17] =	ssyncset.done $0x0  }
0x129: {  	[sflag:s17] =	ssyncadd.s32 $0xFFFFC000  }
0x12a: {  	_ =	swait.ge [sflag:s17], $0x4000  }
0x12b: {  	[sflag:s17] =	ssyncset.done $0x0  }
0x12c: {  	[sflag:s17] =	ssyncadd.s32 $0xFFFFC000  }
0x12d: {  	[spmem:s3] =	stream.indirect.scatter.add.f32 [tilespmem:s12], [sflag:$0x2], $0x80, s22, s15, $0xb8;
	[tilespmem:$0x1D000] =	vst v63  }
0x12e: {  	_ =	swait.ge [sflag:s13], $0x4000  }
0x12f: {  	[sflag:s13] =	ssyncset.done $0x0  }
0x130: {  	[sflag:s13] =	ssyncadd.s32 $0xFFFFC000  }
0x131: {  	[spmem:s3] =	stream.indirect.scatter.add.f32 [tilespmem:s16], [sflag:$0x2], $0x80, s23, s15, $0xb8;
	[tilespmem:$0x1D000] =	vst v63  }
0x132: {  	_ =	swait.ge [sflag:s13], $0x4000  }
0x133: {  	[sflag:s13] =	ssyncset.done $0x0  }
0x134: {  	[sflag:s13] =	ssyncadd.s32 $0xFFFFC000  }
0x135: {  	[tilespmem:s12], [sflag:$0x1] =	stream.indirect.gather [hbm4b:s1+s15], $0x80, s24, s15, $0xb8;
	[tilespmem:$0x1D000] =	vst v63  }
0x136: {  	_ = 	snop  }
0x137: {  	[tilespmem:s16], [sflag:$0x1] =	stream.indirect.gather [hbm4b:s1+s15], $0x80, s25, s15, $0xb8;
	[tilespmem:$0x1D000] =	vst v63  }
0x138: {  	_ =	swait.ge [sflag:s17], $0x4000  }
0x139: {  	[sflag:s17] =	ssyncset.done $0x0  }
0x13a: {  	[sflag:s17] =	ssyncadd.s32 $0xFFFFC000  }
0x13b: {  	_ =	swait.ge [sflag:s17], $0x4000  }
0x13c: {  	[sflag:s17] =	ssyncset.done $0x0  }
0x13d: {  	[sflag:s17] =	ssyncadd.s32 $0xFFFFC000  }
0x13e: {  	[spmem:s3] =	stream.indirect.scatter.add.f32 [tilespmem:s12], [sflag:$0x2], $0x80, s26, s15, $0xb8;
	[tilespmem:$0x1D000] =	vst v63  }
0x13f: {  	_ =	swait.ge [sflag:s13], $0x4000  }
0x140: {  	[sflag:s13] =	ssyncset.done $0x0  }
0x141: {  	[sflag:s13] =	ssyncadd.s32 $0xFFFFC000  }
0x142: {  	[spmem:s3] =	stream.indirect.scatter.add.f32 [tilespmem:s16], [sflag:$0x2], $0x80, s28, s15, $0xb8;
	[tilespmem:$0x1D000] =	vst v63  }
0x143: {  	_ =	swait.ge [sflag:s13], $0x4000  }
0x144: {  	[sflag:s13] =	ssyncset.done $0x0  }
0x145: {  	[sflag:s13] =	ssyncadd.s32 $0xFFFFC000  }
0x146: {  	[tilespmem:s12], [sflag:$0x1] =	stream.indirect.gather [hbm4b:s1+s15], $0x80, s29, s15, $0xb8;
	[tilespmem:$0x1D000] =	vst v63  }
0x147: {  	_ = 	snop  }
0x148: {  	[tilespmem:s16], [sflag:$0x1] =	stream.indirect.gather [hbm4b:s1+s15], $0x80, s30, s15, $0xb8;
	[tilespmem:$0x1D000] =	vst v63  }
0x149: {  	_ =	swait.ge [sflag:s17], $0x4000  }
0x14a: {  	[sflag:s17] =	ssyncset.done $0x0  }
0x14b: {  	[sflag:s17] =	ssyncadd.s32 $0xFFFFC000  }
0x14c: {  	_ =	swait.ge [sflag:s17], $0x4000  }
0x14d: {  	[sflag:s17] =	ssyncset.done $0x0  }
0x14e: {  	[sflag:s17] =	ssyncadd.s32 $0xFFFFC000  }
0x14f: {  	[spmem:s3] =	stream.indirect.scatter.add.f32 [tilespmem:s12], [sflag:$0x2], $0x80, s31, s15, $0xb8;
	[tilespmem:$0x1D000] =	vst v63  }
0x150: {  	_ =	swait.ge [sflag:s13], $0x4000  }
0x151: {  	[sflag:s13] =	ssyncset.done $0x0  }
0x152: {  	[sflag:s13] =	ssyncadd.s32 $0xFFFFC000  }
0x153: {  	[spmem:s3] =	stream.indirect.scatter.add.f32 [tilespmem:s16], [sflag:$0x2], $0x80, s0, s15, $0xb8;
	[tilespmem:$0x1D000] =	vst v63  }
0x154: {  	_ =	swait.ge [sflag:s13], $0x4000  }
0x155: {  	[sflag:s13] =	ssyncset.done $0x0  }
0x156: {  	[sflag:s13] =	ssyncadd.s32 $0xFFFFC000  }
0x157: {  	[tilespmem:s12], [sflag:$0x1] =	stream.indirect.gather [hbm4b:s1+s15], $0x80, s2, s15, $0xb8;
	[tilespmem:$0x1D000] =	vst v63  }
0x158: {  	_ = 	snop  }
0x159: {  	[tilespmem:s16], [sflag:$0x1] =	stream.indirect.gather [hbm4b:s1+s15], $0x80, s6, s15, $0xb8;
	[tilespmem:$0x1D000] =	vst v63  }
0x15a: {  	_ =	swait.ge [sflag:s17], $0x4000  }
0x15b: {  	[sflag:s17] =	ssyncset.done $0x0  }
0x15c: {  	[sflag:s17] =	ssyncadd.s32 $0xFFFFC000  }
0x15d: {  	_ =	swait.ge [sflag:s17], $0x4000  }
0x15e: {  	[sflag:s17] =	ssyncset.done $0x0  }
0x15f: {  	[sflag:s17] =	ssyncadd.s32 $0xFFFFC000  }
0x160: {  	[spmem:s3] =	stream.indirect.scatter.add.f32 [tilespmem:s12], [sflag:$0x2], $0x80, s7, s15, $0xb8;
	[tilespmem:$0x1D000] =	vst v63  }
0x161: {  	p0 =	sne.s32 s11, $0x400;
	_ =	swait.ge [sflag:s13], $0x4000  }
.Ltmp1:
0x162: {  	[sflag:s13] =	ssyncset.done $0x0;
	(pc) =	sbr.rel @p0 .LBB2_4-.Ltmp1, $4  }
0x163: {  	[sflag:s13] =	ssyncadd.s32 $0xFFFFC000  }
0x164: {  	[spmem:s3] =	stream.indirect.scatter.add.f32 [tilespmem:s16], [sflag:$0x2], $0x80, s8, s15, $0xb8;
	[tilespmem:$0x1D000] =	vst v63  }
0x165: {  	_ =	swait.ge [sflag:s13], $0x4000  }
0x166: {  	s11 =	sadd.s32 $0x100, s11;
	s5 =	rddreg [dreg:$0x4];
	[sflag:s13] =	ssyncset.done $0x0  }
0x167: {  	[sflag:s13] =	ssyncadd.s32 $0xFFFFC000;
	s5 =	sadd.s32 s10, s5  }
0x168: {  	[tilespmem:s4], [sflag:$0x2] =	stream.linear.gather [hbm4b:s5+s4], $0x800, $0x38;
	[tilespmem:$0x1D000] =	vst v63  }
0x169: {  	_ =	swait.ge [sflag:s13], $0x800  }
0x16a: {  	s9 =	rddreg [dreg:$0x5];
	[sflag:s13] =	ssyncset.done $0x0  }
0x16b: {  	[sflag:s13] =	ssyncadd.s32 $0xFFFFF800;
	s5 =	sadd.s32 s10, s9  }
0x16c: {  	[tilespmem:s14], [sflag:$0x2] =	stream.linear.gather [hbm4b:s5+s4], $0x800, $0x38;
	[tilespmem:$0x1D000] =	vst v63  }
0x16d: {  	_ =	swait.ge [sflag:s13], $0x800  }
0x16e: {  	[sflag:s13] =	ssyncset.done $0x0  }
0x16f: {  	[sflag:s13] =	ssyncadd.s32 $0xFFFFF800  }
0x170: {  	[tilespmem:s12], [sflag:$0x1] =	stream.indirect.gather [hbm4b:s1+s15], $0x80, s4, s15, $0xb8;
	[tilespmem:$0x1D000] =	vst v63  }
0x171: {  	_ = 	snop  }
0x172: {  	[tilespmem:s16], [sflag:$0x1] =	stream.indirect.gather [hbm4b:s1+s15], $0x80, s15, s15, $0xb8;
	[tilespmem:$0x1D000] =	vst v63  }
0x173: {  	_ =	swait.ge [sflag:s17], $0x4000  }
0x174: {  	[sflag:s17] =	ssyncset.done $0x0  }
0x175: {  	[sflag:s17] =	ssyncadd.s32 $0xFFFFC000  }
0x176: {  	_ =	swait.ge [sflag:s17], $0x4000  }
0x177: {  	[sflag:s17] =	ssyncset.done $0x0  }
0x178: {  	[sflag:s17] =	ssyncadd.s32 $0xFFFFC000  }
0x179: {  	[spmem:s3] =	stream.indirect.scatter.add.f32 [tilespmem:s12], [sflag:$0x2], $0x80, s14, s15, $0xb8;
	[tilespmem:$0x1D000] =	vst v63  }
0x17a: {  	_ =	swait.ge [sflag:s13], $0x4000  }
0x17b: {  	[sflag:s13] =	ssyncset.done $0x0  }
0x17c: {  	s10 =	rddreg [dreg:$0x6];
	[sflag:s13] =	ssyncadd.s32 $0xFFFFC000  }
0x17d: {  	[spmem:s3] =	stream.indirect.scatter.add.f32 [tilespmem:s16], [sflag:$0x2], $0x80, s10, s15, $0xb8;
	[tilespmem:$0x1D000] =	vst v63  }
0x17e: {  	_ =	swait.ge [sflag:s13], $0x4000  }
0x17f: {  	[sflag:s13] =	ssyncset.done $0x0  }
0x180: {  	s11 =	rddreg [dreg:$0x7];
	[sflag:s13] =	ssyncadd.s32 $0xFFFFC000  }
0x181: {  	[tilespmem:s12], [sflag:$0x1] =	stream.indirect.gather [hbm4b:s1+s15], $0x80, s11, s15, $0xb8;
	[tilespmem:$0x1D000] =	vst v63  }
0x182: {  	s9 =	rddreg [dreg:$0x8]  }
0x183: {  	[tilespmem:s16], [sflag:$0x1] =	stream.indirect.gather [hbm4b:s1+s15], $0x80, s9, s15, $0xb8;
	[tilespmem:$0x1D000] =	vst v63  }
0x184: {  	_ =	swait.ge [sflag:s17], $0x4000  }
0x185: {  	[sflag:s17] =	ssyncset.done $0x0  }
0x186: {  	[sflag:s17] =	ssyncadd.s32 $0xFFFFC000  }
0x187: {  	_ =	swait.ge [sflag:s17], $0x4000  }
0x188: {  	[sflag:s17] =	ssyncset.done $0x0  }
0x189: {  	s10 =	rddreg [dreg:$0x9];
	[sflag:s17] =	ssyncadd.s32 $0xFFFFC000  }
0x18a: {  	[spmem:s3] =	stream.indirect.scatter.add.f32 [tilespmem:s12], [sflag:$0x2], $0x80, s10, s15, $0xb8;
	[tilespmem:$0x1D000] =	vst v63  }
0x18b: {  	_ =	swait.ge [sflag:s13], $0x4000  }
0x18c: {  	[sflag:s13] =	ssyncset.done $0x0  }
0x18d: {  	s11 =	rddreg [dreg:$0xa];
	[sflag:s13] =	ssyncadd.s32 $0xFFFFC000  }
0x18e: {  	[spmem:s3] =	stream.indirect.scatter.add.f32 [tilespmem:s16], [sflag:$0x2], $0x80, s11, s15, $0xb8;
	[tilespmem:$0x1D000] =	vst v63  }
0x18f: {  	_ =	swait.ge [sflag:s13], $0x4000  }
0x190: {  	[sflag:s13] =	ssyncset.done $0x0  }
0x191: {  	s9 =	rddreg [dreg:$0xb];
	[sflag:s13] =	ssyncadd.s32 $0xFFFFC000  }
0x192: {  	[tilespmem:s12], [sflag:$0x1] =	stream.indirect.gather [hbm4b:s1+s15], $0x80, s9, s15, $0xb8;
	[tilespmem:$0x1D000] =	vst v63  }
0x193: {  	s10 =	rddreg [dreg:$0xc]  }
0x194: {  	[tilespmem:s16], [sflag:$0x1] =	stream.indirect.gather [hbm4b:s1+s15], $0x80, s10, s15, $0xb8;
	[tilespmem:$0x1D000] =	vst v63  }
0x195: {  	_ =	swait.ge [sflag:s17], $0x4000  }
0x196: {  	[sflag:s17] =	ssyncset.done $0x0  }
0x197: {  	[sflag:s17] =	ssyncadd.s32 $0xFFFFC000  }
0x198: {  	_ =	swait.ge [sflag:s17], $0x4000  }
0x199: {  	[sflag:s17] =	ssyncset.done $0x0  }
0x19a: {  	s11 =	rddreg [dreg:$0xd];
	[sflag:s17] =	ssyncadd.s32 $0xFFFFC000  }
0x19b: {  	[spmem:s3] =	stream.indirect.scatter.add.f32 [tilespmem:s12], [sflag:$0x2], $0x80, s11, s15, $0xb8;
	[tilespmem:$0x1D000] =	vst v63  }
0x19c: {  	_ =	swait.ge [sflag:s13], $0x4000  }
0x19d: {  	[sflag:s13] =	ssyncset.done $0x0  }
0x19e: {  	s9 =	rddreg [dreg:$0xe];
	[sflag:s13] =	ssyncadd.s32 $0xFFFFC000  }
0x19f: {  	[spmem:s3] =	stream.indirect.scatter.add.f32 [tilespmem:s16], [sflag:$0x2], $0x80, s9, s15, $0xb8;
	[tilespmem:$0x1D000] =	vst v63  }
0x1a0: {  	_ =	swait.ge [sflag:s13], $0x4000  }
0x1a1: {  	[sflag:s13] =	ssyncset.done $0x0  }
0x1a2: {  	s10 =	rddreg [dreg:$0xf];
	[sflag:s13] =	ssyncadd.s32 $0xFFFFC000  }
0x1a3: {  	[tilespmem:s12], [sflag:$0x1] =	stream.indirect.gather [hbm4b:s1+s15], $0x80, s10, s15, $0xb8;
	[tilespmem:$0x1D000] =	vst v63  }
0x1a4: {  	s11 =	rddreg [dreg:$0x10]  }
0x1a5: {  	[tilespmem:s16], [sflag:$0x1] =	stream.indirect.gather [hbm4b:s1+s15], $0x80, s11, s15, $0xb8;
	[tilespmem:$0x1D000] =	vst v63  }
0x1a6: {  	_ =	swait.ge [sflag:s17], $0x4000  }
0x1a7: {  	[sflag:s17] =	ssyncset.done $0x0  }
0x1a8: {  	[sflag:s17] =	ssyncadd.s32 $0xFFFFC000  }
0x1a9: {  	_ =	swait.ge [sflag:s17], $0x4000  }
0x1aa: {  	[sflag:s17] =	ssyncset.done $0x0  }
0x1ab: {  	[sflag:s17] =	ssyncadd.s32 $0xFFFFC000  }
0x1ac: {  	[spmem:s3] =	stream.indirect.scatter.add.f32 [tilespmem:s12], [sflag:$0x2], $0x80, s18, s15, $0xb8;
	[tilespmem:$0x1D000] =	vst v63  }
0x1ad: {  	_ =	swait.ge [sflag:s13], $0x4000  }
0x1ae: {  	[sflag:s13] =	ssyncset.done $0x0  }
0x1af: {  	[sflag:s13] =	ssyncadd.s32 $0xFFFFC000  }
0x1b0: {  	[spmem:s3] =	stream.indirect.scatter.add.f32 [tilespmem:s16], [sflag:$0x2], $0x80, s19, s15, $0xb8;
	[tilespmem:$0x1D000] =	vst v63  }
0x1b1: {  	_ =	swait.ge [sflag:s13], $0x4000  }
0x1b2: {  	[sflag:s13] =	ssyncset.done $0x0  }
0x1b3: {  	[sflag:s13] =	ssyncadd.s32 $0xFFFFC000  }
0x1b4: {  	[tilespmem:s12], [sflag:$0x1] =	stream.indirect.gather [hbm4b:s1+s15], $0x80, s20, s15, $0xb8;
	[tilespmem:$0x1D000] =	vst v63  }
0x1b5: {  	_ = 	snop  }
0x1b6: {  	[tilespmem:s16], [sflag:$0x1] =	stream.indirect.gather [hbm4b:s1+s15], $0x80, s21, s15, $0xb8;
	[tilespmem:$0x1D000] =	vst v63  }
0x1b7: {  	_ =	swait.ge [sflag:s17], $0x4000  }
0x1b8: {  	[sflag:s17] =	ssyncset.done $0x0  }
0x1b9: {  	[sflag:s17] =	ssyncadd.s32 $0xFFFFC000  }
0x1ba: {  	_ =	swait.ge [sflag:s17], $0x4000  }
0x1bb: {  	[sflag:s17] =	ssyncset.done $0x0  }
0x1bc: {  	[sflag:s17] =	ssyncadd.s32 $0xFFFFC000  }
0x1bd: {  	[spmem:s3] =	stream.indirect.scatter.add.f32 [tilespmem:s12], [sflag:$0x2], $0x80, s22, s15, $0xb8;
	[tilespmem:$0x1D000] =	vst v63  }
0x1be: {  	_ =	swait.ge [sflag:s13], $0x4000  }
0x1bf: {  	[sflag:s13] =	ssyncset.done $0x0  }
0x1c0: {  	[sflag:s13] =	ssyncadd.s32 $0xFFFFC000  }
0x1c1: {  	[spmem:s3] =	stream.indirect.scatter.add.f32 [tilespmem:s16], [sflag:$0x2], $0x80, s23, s15, $0xb8;
	[tilespmem:$0x1D000] =	vst v63  }
0x1c2: {  	_ =	swait.ge [sflag:s13], $0x4000  }
0x1c3: {  	[sflag:s13] =	ssyncset.done $0x0  }
0x1c4: {  	[sflag:s13] =	ssyncadd.s32 $0xFFFFC000  }
0x1c5: {  	[tilespmem:s12], [sflag:$0x1] =	stream.indirect.gather [hbm4b:s1+s15], $0x80, s24, s15, $0xb8;
	[tilespmem:$0x1D000] =	vst v63  }
0x1c6: {  	_ = 	snop  }
0x1c7: {  	[tilespmem:s16], [sflag:$0x1] =	stream.indirect.gather [hbm4b:s1+s15], $0x80, s25, s15, $0xb8;
	[tilespmem:$0x1D000] =	vst v63  }
0x1c8: {  	_ =	swait.ge [sflag:s17], $0x4000  }
0x1c9: {  	[sflag:s17] =	ssyncset.done $0x0  }
0x1ca: {  	[sflag:s17] =	ssyncadd.s32 $0xFFFFC000  }
0x1cb: {  	_ =	swait.ge [sflag:s17], $0x4000  }
0x1cc: {  	[sflag:s17] =	ssyncset.done $0x0  }
0x1cd: {  	[sflag:s17] =	ssyncadd.s32 $0xFFFFC000  }
0x1ce: {  	[spmem:s3] =	stream.indirect.scatter.add.f32 [tilespmem:s12], [sflag:$0x2], $0x80, s26, s15, $0xb8;
	[tilespmem:$0x1D000] =	vst v63  }
0x1cf: {  	_ =	swait.ge [sflag:s13], $0x4000  }
0x1d0: {  	[sflag:s13] =	ssyncset.done $0x0  }
0x1d1: {  	[sflag:s13] =	ssyncadd.s32 $0xFFFFC000  }
0x1d2: {  	[spmem:s3] =	stream.indirect.scatter.add.f32 [tilespmem:s16], [sflag:$0x2], $0x80, s28, s15, $0xb8;
	[tilespmem:$0x1D000] =	vst v63  }
0x1d3: {  	_ =	swait.ge [sflag:s13], $0x4000  }
0x1d4: {  	[sflag:s13] =	ssyncset.done $0x0  }
0x1d5: {  	[sflag:s13] =	ssyncadd.s32 $0xFFFFC000  }
0x1d6: {  	[tilespmem:s12], [sflag:$0x1] =	stream.indirect.gather [hbm4b:s1+s15], $0x80, s29, s15, $0xb8;
	[tilespmem:$0x1D000] =	vst v63  }
0x1d7: {  	_ = 	snop  }
0x1d8: {  	[tilespmem:s16], [sflag:$0x1] =	stream.indirect.gather [hbm4b:s1+s15], $0x80, s30, s15, $0xb8;
	[tilespmem:$0x1D000] =	vst v63  }
0x1d9: {  	_ =	swait.ge [sflag:s17], $0x4000  }
0x1da: {  	[sflag:s17] =	ssyncset.done $0x0  }
0x1db: {  	[sflag:s17] =	ssyncadd.s32 $0xFFFFC000  }
0x1dc: {  	_ =	swait.ge [sflag:s17], $0x4000  }
0x1dd: {  	[sflag:s17] =	ssyncset.done $0x0  }
0x1de: {  	[sflag:s17] =	ssyncadd.s32 $0xFFFFC000  }
0x1df: {  	[spmem:s3] =	stream.indirect.scatter.add.f32 [tilespmem:s12], [sflag:$0x2], $0x80, s31, s15, $0xb8;
	[tilespmem:$0x1D000] =	vst v63  }
0x1e0: {  	_ =	swait.ge [sflag:s13], $0x4000  }
0x1e1: {  	[sflag:s13] =	ssyncset.done $0x0  }
0x1e2: {  	[sflag:s13] =	ssyncadd.s32 $0xFFFFC000  }
0x1e3: {  	[spmem:s3] =	stream.indirect.scatter.add.f32 [tilespmem:s16], [sflag:$0x2], $0x80, s0, s15, $0xb8;
	[tilespmem:$0x1D000] =	vst v63  }
0x1e4: {  	_ =	swait.ge [sflag:s13], $0x4000  }
0x1e5: {  	[sflag:s13] =	ssyncset.done $0x0  }
0x1e6: {  	[sflag:s13] =	ssyncadd.s32 $0xFFFFC000  }
0x1e7: {  	[tilespmem:s12], [sflag:$0x1] =	stream.indirect.gather [hbm4b:s1+s15], $0x80, s2, s15, $0xb8;
	[tilespmem:$0x1D000] =	vst v63  }
0x1e8: {  	_ = 	snop  }
0x1e9: {  	[tilespmem:s16], [sflag:$0x1] =	stream.indirect.gather [hbm4b:s1+s15], $0x80, s6, s15, $0xb8;
	[tilespmem:$0x1D000] =	vst v63  }
0x1ea: {  	_ =	swait.ge [sflag:s17], $0x4000  }
0x1eb: {  	[sflag:s17] =	ssyncset.done $0x0  }
0x1ec: {  	[sflag:s17] =	ssyncadd.s32 $0xFFFFC000  }
0x1ed: {  	_ =	swait.ge [sflag:s17], $0x4000  }
0x1ee: {  	[sflag:s17] =	ssyncset.done $0x0  }
0x1ef: {  	[sflag:s17] =	ssyncadd.s32 $0xFFFFC000  }
0x1f0: {  	[spmem:s3] =	stream.indirect.scatter.add.f32 [tilespmem:s12], [sflag:$0x2], $0x80, s7, s15, $0xb8;
	[tilespmem:$0x1D000] =	vst v63  }
0x1f1: {  	_ =	swait.ge [sflag:s13], $0x4000  }
0x1f2: {  	[sflag:s13] =	ssyncset.done $0x0  }
0x1f3: {  	[sflag:s13] =	ssyncadd.s32 $0xFFFFC000  }
0x1f4: {  	[spmem:s3] =	stream.indirect.scatter.add.f32 [tilespmem:s16], [sflag:$0x2], $0x80, s8, s15, $0xb8;
	[tilespmem:$0x1D000] =	vst v63  }
0x1f5: {  	_ =	swait.ge [sflag:s13], $0x4000  }
0x1f6: {  	[sflag:s13] =	ssyncset.done $0x0  }
0x1f7: {  	[sflag:s13] =	ssyncadd.s32 $0xFFFFC000  }
0x1f8: {  	s9 =	stileid.u32;
	[bflag:$0x0] =	sbarrier.arrive $0xFFFF  }
0x1f9: {  	s5 =	sshll.u32 s9, $0x6;
	s10 =	rddreg [dreg:$0x11]  }
0x1fa: {  	s5 =	sor.u32 $0x1C02, s5;
	s11 =	rddreg [dreg:$0x16];
	s9 =	sshrl.u32 s10, $0x3  }
0x1fb: {  	[hbm:s11], [sflag:s5] =	dma.local [spmem:s9], $0x2800  }
0x1fc: {  	_ =	swait.ge [sflag:s13], $0x2800  }
0x1fd: {  	s10 =	rddreg [dreg:$0x18]  }
0x1fe: {  	s11 =	rddreg [dreg:$0x17];
	s9 =	sadd.s32 $0x1, s10  }
0x1ff: {  	p0 =	sne.s32 s9, s11  }
.Ltmp2:
0x200: {  	_ = 	snop;
	(pc) =	sbr.rel @p0 .LBB2_1-.Ltmp2, $3  }
0x201: {  	_ =	sdelay $0x1  }
0x202: {  	[sflag:s13] =	ssyncset.done $0x0  }
0x203: {  	[sflag:s13] =	ssyncadd.s32 $0xFFFFD800  }
0x204: {  	_ =	sfence.sel $0x180000  }
0x205: {  	[bflag:$0x0] =	sbarrier.arrive $0xFFFF  }
0x206: {  	_ =	strace $0x9000004A  }
0x207: {  	s0 =	stileid.u32;
	[bflag:$0x2] =	sbarrier.arrive $0xFFFF  }
0x208: {  	p0 =	sne.s32 s0, $0x0;
	s0 =	rddreg [dreg:$0x3]  }
0x209: {  	s0 =	sadd.s32 @!p0 $0x100000, s0  }
0x20a: {  	[sflag:s0] =	ssyncadd.tile.s32 @!p0 $0x1;
	_ =	shalt  }
.Lfunc_end2:
_tile_overlayer_lowered:
.L_overlay_start_2:
0x20b: {  	(tag) =	ssettag $0x2  }
0x20c: {  	s0 =	rddreg [dreg:$0x0];
	s2 =	stileid.u32  }
0x20d: {  	s1 =	rddreg [dreg:$0x1];
	p0 =	sne.s32 s2, $0x0  }
0x20e: {  	s3 =	rddreg [dreg:$0x2];
	[bflag:$0x3] =	sbarrier.arrive $0xFFFF;
	s2 =	simm.s32 @!p0 $0x1C02  }
0x20f: {  	[timem:s3], [sflag:s2] =	dma.local @!p0 [hbm:s0], s1  }
0x210: {  	s0 =	simm.s32 @!p0 $0x2  }
0x211: {  	_ =	swait.ge @!p0 [sflag:s0], s1  }
0x212: {  	s1 =	ssub.s32 @!p0 $0x0, s1;
	[sflag:s0] =	ssyncset.done @!p0 $0x0  }
0x213: {  	[sflag:s0] =	ssyncadd.s32 @!p0 s1  }
0x214: {  	[bflag:$0x3] =	sbarrier.arrive $0xFFFF  }
0x215: {  	_ =	shalt  }

// kernel: kernel.14.cloned.1.call-start
scs
__scs_entry_jumppad:
0x0: {  	(pc) =	sbr.rel $0x88, $3  }
0x1: {  	(tag) =	ssettag $0x0;
	lr =	simm.s32 $0x1  }
0x2: {  	[smem:$0x3F9B] =	sst lr;
	_ =	strace $0xD0000000  }
0x3: {  	_ = 	snop  }
0x4: {  	_ = 	snop  }
0x5: {  	_ = 	snop  }
0x6: {  	_ = 	snop  }
0x7: {  	_ = 	snop  }
__scs_overlays_trampoline_lowered:
0x8: {  	[smem:$0x3FAA] =	sst s0  }
0x9: {  	[smem:$0x3FAB] =	sst s1  }
0xa: {  	[smem:$0x3FAC] =	sst s2  }
0xb: {  	[smem:$0x3FAD] =	sst s3  }
0xc: {  	[smem:$0x3FAE] =	sst s4  }
0xd: {  	[smem:$0x3FAF] =	sst s5  }
0xe: {  	[smem:$0x3FB0] =	sst s6  }
0xf: {  	[smem:$0x3FB1] =	sst s7  }
0x10: {  	[smem:$0x3FB2] =	sst s8  }
0x11: {  	[smem:$0x3FB3] =	sst s9;
	s0 =	simm.s32 @!p0 $0x0  }
0x12: {  	s1 =	sld [smem:$0x3F99];
	s0 =	simm.s32 @p0 $0x1  }
0x13: {  	[smem:$0x3FB4] =	sst s0;
	s0 =	simm.s32 @!p1 $0x0  }
0x14: {  	s2 =	sld [smem:$0x3F98];
	s0 =	simm.s32 @p1 $0x1  }
0x15: {  	[smem:$0x3FB5] =	sst s0;
	s0 =	simm.s32 @!p2 $0x0  }
0x16: {  	s3 =	sld [smem:$0x3FDB];
	s0 =	simm.s32 @p2 $0x1  }
0x17: {  	s4 =	simm.s32 $0x1BF5;
	[smem:$0x3FB7] =	sst s0  }
0x18: {  	s0 =	sld [smem:$0x3F9A];
	_ =	swait.ge [sflag:s4], $0x0  }
0x19: {  	s7 =	sld [smem:$0x3F9B]  }
0x1a: {  	s8 =	sadd.s32 $0xFFFFE003, lr  }
0x1b: {  	s9 =	sadd.s32 $0xFFFFFEF7, lr;
	s5 =	simm.s32 $0xFFFFFFFF;
	p2 =	slt.u32 s8, $0xFFFFF086  }
0x1c: {  	p1 =	slt.u32 s9, $0xF7A;
	s5 =	simm.s32 @!p2 $0x0  }
0x1d: {  	s5 =	simm.s32 @p1 $0x1;
	p0 =	seq.s32 s7, s2  }
0x1e: {  	s7 =	smul.u32 @!p0 $0xF7A, s2;
	p2 =	seq.s32 @!p0 s5, $0x0  }
0x1f: {  	s9 =	smul.u32 $0xF7A, s1;
	s8 =	simm.s32 @!p0 $0x1BF5;
	p2 =	por !p2, p0  }
0x20: {  	[sflag:s8] =	ssyncset.s32 @!p0 $0xFFFFF086;
	s6 =	sadd.s32 @!p0 s3, s7;
	s7 =	simm.s32 @!p0 $0x108  }
0x21: {  	s3 =	sadd.s32 s3, s9;
	s6 =	sadd.s32 @!p0 $0x88, s6;
	s7 =	simm.s32 @p2 $0x1082  }
0x22: {  	[simem:s7], [sflag:s8] =	dma.local @!p0 [hbm:s6], $0xF7A  }
0x23: {  	s9 =	sor.u32 $0xD0000000, s2;
	s6 =	simm.s32 $0x108;
	_ =	swait.ge @!p0 [sflag:s8], $0x0  }
0x24: {  	s3 =	sadd.s32 $0x88, s3;
	s6 =	simm.s32 @!p1 $0x1082;
	[sflag:s4] =	ssyncset.s32 $0xFFFFF086  }
0x25: {  	[simem:s6], [sflag:s4] =	dma.local [hbm:s3], $0xF7A  }
0x26: {  	[smem:$0x3F9B] =	sst s1;
	(tag) =	ssettag s2;
	_ =	strace s9  }
0x27: {  	s1 =	sld [smem:$0x3FAB]  }
0x28: {  	s2 =	sld [smem:$0x3FAC]  }
0x29: {  	s4 =	sld [smem:$0x3FAE]  }
0x2a: {  	p0 =	seq.s32 s5, $0x0;
	s5 =	sld [smem:$0x3FAF]  }
0x2b: {  	s6 =	sld [smem:$0x3FB0]  }
0x2c: {  	s7 =	sld [smem:$0x3FB1]  }
0x2d: {  	s3 =	simm.s32 $0x108;
	s8 =	sld [smem:$0x3FB2]  }
0x2e: {  	s3 =	simm.s32 @!p0 $0x1082;
	s9 =	sld [smem:$0x3FB3]  }
0x2f: {  	lr =	sadd.s32 s0, s3;
	s0 =	sld [smem:$0x3FAA]  }
0x30: {  	s3 =	sld [smem:$0x3FAD]  }
0x31: {  	[smem:$0x3FB6] =	sst s10  }
0x32: {  	s10 =	sld [smem:$0x3FB4];
	_ =	sdelay $0x3  }
0x33: {  	p0 =	seq.s32 s10, $0x1;
	s10 =	sld [smem:$0x3FB6];
	_ =	sdelay $0x3  }
0x34: {  	[smem:$0x3FB6] =	sst s10  }
0x35: {  	s10 =	sld [smem:$0x3FB5];
	_ =	sdelay $0x3  }
0x36: {  	p1 =	seq.s32 s10, $0x1;
	s10 =	sld [smem:$0x3FB6];
	_ =	sdelay $0x3  }
0x37: {  	[smem:$0x3FB6] =	sst s10  }
0x38: {  	s10 =	sld [smem:$0x3FB7]  }
0x39: {  	_ = 	snop;
	(pc) =	sbr.ind lr, $3  }
0x3a: {  	_ = 	snop  }
0x3b: {  	_ = 	snop  }
0x3c: {  	p2 =	seq.s32 s10, $0x1;
	s10 =	sld [smem:$0x3FB6]  }
0x3d: {  	_ =	shalt  }
0x3e: {  	_ =	shalt  }
0x3f: {  	_ =	shalt  }
0x40: {  	_ =	shalt  }
0x41: {  	_ =	shalt  }
0x42: {  	_ =	shalt  }
0x43: {  	_ =	shalt  }
0x44: {  	_ =	shalt  }
0x45: {  	_ =	shalt  }
0x46: {  	_ =	shalt  }
0x47: {  	_ =	shalt  }
0x48: {  	_ =	shalt  }
0x49: {  	_ =	shalt  }
0x4a: {  	_ =	shalt  }
0x4b: {  	_ =	shalt  }
0x4c: {  	_ =	shalt  }
0x4d: {  	_ =	shalt  }
0x4e: {  	_ =	shalt  }
0x4f: {  	_ =	shalt  }
0x50: {  	_ =	shalt  }
0x51: {  	_ =	shalt  }
0x52: {  	_ =	shalt  }
0x53: {  	_ =	shalt  }
0x54: {  	_ =	shalt  }
0x55: {  	_ =	shalt  }
0x56: {  	_ =	shalt  }
0x57: {  	_ =	shalt  }
0x58: {  	_ =	shalt  }
0x59: {  	_ =	shalt  }
0x5a: {  	_ =	shalt  }
0x5b: {  	_ =	shalt  }
0x5c: {  	_ =	shalt  }
0x5d: {  	_ =	shalt  }
0x5e: {  	_ =	shalt  }
0x5f: {  	_ =	shalt  }
0x60: {  	_ =	shalt  }
0x61: {  	_ =	shalt  }
0x62: {  	_ =	shalt  }
0x63: {  	_ =	shalt  }
0x64: {  	_ =	shalt  }
0x65: {  	_ =	shalt  }
0x66: {  	_ =	shalt  }
0x67: {  	_ =	shalt  }
0x68: {  	_ =	shalt  }
0x69: {  	_ =	shalt  }
0x6a: {  	_ =	shalt  }
0x6b: {  	_ =	shalt  }
0x6c: {  	_ =	shalt  }
0x6d: {  	_ =	shalt  }
0x6e: {  	_ =	shalt  }
0x6f: {  	_ =	shalt  }
0x70: {  	_ =	shalt  }
0x71: {  	_ =	shalt  }
0x72: {  	_ =	shalt  }
0x73: {  	_ =	shalt  }
0x74: {  	_ =	shalt  }
0x75: {  	_ =	shalt  }
0x76: {  	_ =	shalt  }
0x77: {  	_ =	shalt  }
0x78: {  	_ =	shalt  }
0x79: {  	_ =	shalt  }
0x7a: {  	_ =	shalt  }
0x7b: {  	_ =	shalt  }
0x7c: {  	_ =	shalt  }
0x7d: {  	_ =	shalt  }
0x7e: {  	_ =	shalt  }
0x7f: {  	_ =	shalt  }
0x80: {  	_ =	shalt  }
0x81: {  	_ =	shalt  }
0x82: {  	_ =	shalt  }
0x83: {  	_ =	shalt  }
0x84: {  	_ =	shalt  }
0x85: {  	_ =	shalt  }
0x86: {  	_ =	shalt  }
0x87: {  	_ =	shalt  }
.Lfunc_end0:
.L_simem_size_0:
called_computation.2_lowered:
.L_overlay_start_0:
0x88: {  	s2 =	sld [smem:$0x3FD9]  }
0x89: {  	s3 =	sld [smem:$0x3FFE];
	_ =	sdelay $0x1  }
0x8a: {  	s1 =	srdreg.scid  }
0x8b: {  	s0 =	sand.u32 $0x1, s1  }
0x8c: {  	s17 =	sshll.u32 s0, $0xA;
	s2 =	sadd.s32 s3, s2  }
0x8d: {  	s2 =	sadd.s32 s2, s17  }
0x8e: {  	[smem:$0x3FC2] =	sst s2  }
0x8f: {  	_ = 	snop  }
0x90: {  	s2 =	sld [smem:$0x3FD0];
	(tm) =	ssettm $0x1  }
0x91: {  	s18 =	sld [smem:$0x3FFB];
	_ =	sdelay $0x3  }
0x92: {  	_ =	strace s18  }
0x93: {  	s3 =	sld [smem:$0x3FFC];
	_ =	sdelay $0x3  }
0x94: {  	_ =	strace s3  }
0x95: {  	s3 =	sld [smem:$0x3FFD];
	_ =	sdelay $0x3  }
0x96: {  	_ =	strace s3  }
0x97: {  	_ =	strace $0x8FFFFFFF  }
0x98: {  	s19 =	sld [smem:$0x3FDB];
	_ =	sdelay $0x1  }
0x99: {  	s4 =	simm.s32 $_scs_section_size  }
0x9a: {  	s5 =	simm.s32 $_size__tile_overlayer_lowered;
	s6 =	simm.s32 $_tile_overlayer_lowered  }
0x9b: {  	s22 =	simm.s32 $0x1BFF;
	s21 =	sshll.u32 s6, $0x1;
	s3 =	sadd.s32 s4, s19  }
0x9c: {  	s7 =	simm.s32 $0x0;
	s20 =	sshll.u32 s5, $0x1;
	s5 =	sadd.s32 s21, s3  }
0x9d: {  	[timem:s7], [sflag:s22] =	dma.local [hbm:s5], s20  }
0x9e: {  	_ =	swait.ge [sflag:s22], s20  }
0x9f: {  	s4 =	ssub.s32 $0x0, s20;
	[sflag:s22] =	ssyncset.done $0x0  }
0xa0: {  	[sflag:s22] =	ssyncadd.s32 s4;
	_ =	sdelay $0x1  }
0xa1: {  	s23 =	simm.s32 $0x1B8B  }
0xa2: {  	_ =	swait.ge [sflag:s23], $0x1  }
0xa3: {  	[sflag:s23] =	ssyncset.done $0x0  }
0xa4: {  	s25 =	simm.s32 $0x1B8E;
	s24 =	sld [smem:$0x3FFE];
	[sflag:s23] =	ssyncadd.s32 $0xFFFFFFFF  }
0xa5: {  	s26 =	simm.s32 $execute0_lowered;
	[smem:$0x3FD2] =	sst s25  }
0xa6: {  	s5 =	sshll.u32 s26, $0x1;
	_ =	strace $0x8000004C;
	[dreg:$0x1] =	wrdreg $0xFFFFFFFF  }
0xa7: {  	s28 =	simm.s32 $_size_execute0_lowered;
	s3 =	sadd.s32 s3, s5;
	[dreg:$0x0] =	wrdreg $0x0  }
0xa8: {  	s5 =	sshll.u32 s28, $0x1;
	[dreg:$0x2] =	wrdreg s3  }
0xa9: {  	[dreg:$0x3] =	wrdreg s5  }
0xaa: {  	[dreg:$0x4] =	wrdreg $0xC0  }
0xab: {  	_ =	task [dreg:s7], $0x5FFFF  }
0xac: {  	[dreg:$0x1] =	wrdreg $0xFFFFFFFF  }
0xad: {  	[dreg:$0x0] =	wrdreg $0x60  }
0xae: {  	[dreg:$0x2] =	wrdreg s2  }
0xaf: {  	[dreg:$0x3] =	wrdreg s24  }
0xb0: {  	[dreg:$0x4] =	wrdreg $0x90000  }
0xb1: {  	[dreg:$0x5] =	wrdreg $0x9  }
0xb2: {  	_ =	task.clear_ibuf [dreg:s7], $0x6FFFF;
	_ =	strace $0x9000004C  }
0xb3: {  	s29 =	simm.s32 $0x9;
	_ =	strace $0x8000004E  }
0xb4: {  	_ =	swait.ge [sflag:s29], $0x1  }
0xb5: {  	[sflag:s29] =	ssyncadd.s32 $0xFFFFFFFF  }
0xb6: {  	_ =	strace $0x9000004E  }
0xb7: {  	_ =	sfence  }
0xb8: {  	s30 =	sld [smem:$0x0];
	_ =	sdelay $0x2  }
0xb9: {  	s31 =	sshll.u32 s1, $0xD;
	s1 =	sshrl.u32 s1, $0x2  }
0xba: {  	s3 =	sand.u32 $0x4000, s31;
	s1 =	sadd.s32 s1, s30  }
0xbb: {  	s0 =	sor.u32 s3, s0;
	s1 =	sshll.u32 s1, $0x11  }
0xbc: {  	s0 =	sor.u32 s1, s0  }
0xbd: {  	s0 =	sadd.s32 $0x8F2B, s0  }
0xbe: {  	[sflag:s0] =	ssyncadd.remote.s32 $0x1  }
0xbf: {  	_ =	sfence.sel $0xFFFF  }
0xc0: {  	[dreg:$0x0] =	wrdreg $0xFFFFFFFF;
	(pc) =	sbr.abs _section_cstart, $3  }
0xc1: {  	[dreg:$0x1] =	wrdreg $0xFFFFFFFF  }
0xc2: {  	_ =	task.clear_ibuf [dreg:s7], $0x2FFFF;
	_ =	strace $0x9FFFFFFF  }
0xc3: {  	(tm) =	ssettm $0x7FFFFFFF  }
tec
execute0_lowered:
.L_overlay_start_1:
0x0: {  	(tag) =	ssettag $0x1  }
0x1: {  	s1 =	rddreg [dreg:$0x0]  }
0x2: {  	s0 =	rddreg [dreg:$0x1]  }
0x3: {  	s3 =	rddreg [dreg:$0x2];
	s2 =	srdreg.scid  }
0x4: {  	s8 =	stileid.u32;
	s4 =	simm.s32 $0x0;
	s13 =	simm.s32 $0x880  }
0x5: {  	s15 =	simm.s32 $0x100;
	s17 =	simm.s32 $0x180;
	s19 =	simm.s32 $0x900  }
0x6: {  	s20 =	simm.s32 $0x980;
	s21 =	simm.s32 $0x200;
	[smem:$0x7FF] =	sst s4  }
0x7: {  	s22 =	simm.s32 $0x280;
	_ =	strace $0x8000004D;
	[dreg:$0x6] =	wrdreg s13  }
0x8: {  	s23 =	simm.s32 $0xA00;
	s24 =	simm.s32 $0xA80;
	[dreg:$0x7] =	wrdreg s15  }
0x9: {  	s28 =	simm.s32 $0xD80;
	s29 =	simm.s32 $0x600;
	[dreg:$0x8] =	wrdreg s17  }
0xa: {  	s30 =	simm.s32 $0x680;
	s31 =	simm.s32 $0xE00;
	[dreg:$0x9] =	wrdreg s19  }
0xb: {  	s2 =	sand.u32 $0x1, s2;
	s7 =	smul.u32 $0x14000, s8;
	[dreg:$0xa] =	wrdreg s20  }
0xc: {  	s6 =	sshll.u32 s8, $0x1;
	s25 =	smul.u32 $0x50000, s8;
	[dreg:$0xb] =	wrdreg s21  }
0xd: {  	s5 =	smul.u32 $0x140000, s2;
	s6 =	sor.u32 s2, s6;
	[dreg:$0xc] =	wrdreg s22  }
0xe: {  	s2 =	ssub.s32 $0x2, s2;
	s13 =	simm.s32 $0x2;
	[dreg:$0xd] =	wrdreg s23  }
0xf: {  	s15 =	simm.s32 $0x80;
	[dreg:$0xe] =	wrdreg s24;
	s17 =	simm.s32 $0x1  }
0x10: {  	s19 =	simm.s32 $0xB80;
	s20 =	simm.s32 $0x400;
	s21 =	simm.s32 $0x480  }
0x11: {  	s22 =	simm.s32 $0xC00;
	s23 =	simm.s32 $0xC80;
	s24 =	simm.s32 $0x500  }
0x12: {  	s6 =	smul.u32 $0x500, s6;
	s26 =	sshrl.u32 s2, $0x1;
	s8 =	sshrl.u32 s25, $0x2  }
0x13: {  	s25 =	simm.s32 $0x300;
	s5 =	sadd.s32 s7, s5;
	s2 =	ssub.s32 s2, s26  }
0x14: {  	s10 =	sadd.s32 s8, s3;
	[dreg:$0xf] =	wrdreg s25;
	s26 =	simm.s32 $0x380  }
0x15: {  	s25 =	simm.s32 $0x580;
	s7 =	simm.s32 $0xF00;
	[dreg:$0x11] =	wrdreg s10  }
0x16: {  	s8 =	simm.s32 $0xF80;
	s12 =	sadd.s32 $0x4000, s10;
	[dreg:$0x10] =	wrdreg s26  }
0x17: {  	s5 =	sshrl.u32 s5, $0x3;
	s14 =	sadd.s32 $0x8000, s10;
	[dreg:$0x12] =	wrdreg s12  }
0x18: {  	s6 =	sadd.s32 s6, s0;
	s16 =	sadd.s32 $0xC000, s10;
	[dreg:$0x13] =	wrdreg s14  }
0x19: {  	s18 =	sadd.s32 $0x10000, s10;
	s2 =	smax.u32 s2, $0x1;
	[dreg:$0x14] =	wrdreg s16  }
0x1a: {  	s26 =	simm.s32 $0xD00;
	s0 =	sadd.s32 s5, s0;
	[dreg:$0x15] =	wrdreg s18  }
0x1b: {  	s9 =	sadd.s32 $0x3C00, s6;
	s11 =	sadd.s32 $0xDC00, s6;
	[dreg:$0x17] =	wrdreg s2  }
0x1c: {  	s12 =	simm.s32 $0x1000;
	s14 =	simm.s32 $0x800;
	s16 =	simm.s32 $0x5000  }
0x1d: {  	s18 =	simm.s32 $0xB00;
	s2 =	simm.s32 $0x700;
	[dreg:$0x4] =	wrdreg s9  }
0x1e: {  	s6 =	simm.s32 $0x780;
	[dreg:$0x5] =	wrdreg s11;
	s0 =	sadd.s32 $0x17C00, s0  }
0x1f: {  	v0 =	vimm.f32 $0.0e+00;
	s9 =	simm.s32 $0x0;
	[dreg:$0x16] =	wrdreg s0;
	s0 =	simm.s32 $0xE80  }
.LBB2_1:
0x20: {  	s10 =	simm.s32 $0x0;
	s11 =	simm.s32 $0x200  }
.LBB2_2:
0x21: {  	p0 =	sne.s32 s11, $0xFE00;
	[tilespmem:s10+$0x1070] =	vst v0  }
0x22: {  	[tilespmem:s10+$0x1000] =	vst v0  }
0x23: {  	[tilespmem:s10+$0x1010] =	vst v0  }
.Ltmp0:
0x24: {  	[tilespmem:s10+$0x1020] =	vst v0;
	(pc) =	sbr.rel @p0 .LBB2_2-.Ltmp0, $4  }
0x25: {  	[tilespmem:s10+$0x1030] =	vst v0  }
0x26: {  	[tilespmem:s10+$0x1040] =	vst v0  }
0x27: {  	[tilespmem:s10+$0x1050] =	vst v0  }
0x28: {  	[tilespmem:s10+$0x1060] =	vst v0;
	s10 =	sshra.s32 s11, $0x2;
	s11 =	sadd.s32 $0x200, s11  }
0x29: {  	[tilespmem:s10+$0x1070] =	vst v0  }
0x2a: {  	[tilespmem:s10+$0x1000] =	vst v0  }
0x2b: {  	[tilespmem:s10+$0x1010] =	vst v0  }
0x2c: {  	[tilespmem:s10+$0x1020] =	vst v0  }
0x2d: {  	[tilespmem:s10+$0x1030] =	vst v0  }
0x2e: {  	[tilespmem:s10+$0x1040] =	vst v0  }
0x2f: {  	[dreg:$0x18] =	wrdreg s9;
	[tilespmem:s10+$0x1050] =	vst v0  }
0x30: {  	[tilespmem:s10+$0x1060] =	vst v0;
	s5 =	rddreg [dreg:$0x11]  }
0x31: {  	[spmem:s5] =	stream.linear.scatter [tilespmem:s12], [sflag:$0x2], $0x4000, $0x38;
	[tilespmem:$0x1D000] =	vst v63  }
0x32: {  	_ =	swait.ge [sflag:s13], $0x4000  }
0x33: {  	[sflag:s13] =	ssyncset.done $0x0  }
0x34: {  	s9 =	rddreg [dreg:$0x12];
	[sflag:s13] =	ssyncadd.s32 $0xFFFFC000  }
0x35: {  	[spmem:s9] =	stream.linear.scatter [tilespmem:s12], [sflag:$0x2], $0x4000, $0x38;
	[tilespmem:$0x1D000] =	vst v63  }
0x36: {  	_ =	swait.ge [sflag:s13], $0x4000  }
0x37: {  	[sflag:s13] =	ssyncset.done $0x0  }
0x38: {  	s10 =	rddreg [dreg:$0x13];
	[sflag:s13] =	ssyncadd.s32 $0xFFFFC000  }
0x39: {  	[spmem:s10] =	stream.linear.scatter [tilespmem:s12], [sflag:$0x2], $0x4000, $0x38;
	[tilespmem:$0x1D000] =	vst v63  }
0x3a: {  	_ =	swait.ge [sflag:s13], $0x4000  }
0x3b: {  	[sflag:s13] =	ssyncset.done $0x0  }
0x3c: {  	s11 =	rddreg [dreg:$0x14];
	[sflag:s13] =	ssyncadd.s32 $0xFFFFC000  }
0x3d: {  	[spmem:s11] =	stream.linear.scatter [tilespmem:s12], [sflag:$0x2], $0x4000, $0x38;
	[tilespmem:$0x1D000] =	vst v63  }
0x3e: {  	_ =	swait.ge [sflag:s13], $0x4000  }
0x3f: {  	[sflag:s13] =	ssyncset.done $0x0  }
0x40: {  	s9 =	rddreg [dreg:$0x15];
	[sflag:s13] =	ssyncadd.s32 $0xFFFFC000  }
0x41: {  	[spmem:s9] =	stream.linear.scatter [tilespmem:s12], [sflag:$0x2], $0x4000, $0x38;
	[tilespmem:$0x1D000] =	vst v63  }
0x42: {  	_ =	swait.ge [sflag:s13], $0x4000  }
0x43: {  	[sflag:s13] =	ssyncset.done $0x0  }
0x44: {  	[sflag:s13] =	ssyncadd.s32 $0xFFFFC000  }
0x45: {  	[bflag:$0x0] =	sbarrier.arrive $0xFFFF  }
0x46: {  	s10 =	rddreg [dreg:$0x4]  }
0x47: {  	s5 =	sadd.s32 $0x0, s10  }
0x48: {  	[tilespmem:s4], [sflag:$0x2] =	stream.linear.gather [hbm4b:s5+s4], $0x800, $0x38;
	[tilespmem:$0x1D000] =	vst v63  }
0x49: {  	_ =	swait.ge [sflag:s13], $0x800  }
0x4a: {  	s11 =	rddreg [dreg:$0x5];
	[sflag:s13] =	ssyncset.done $0x0  }
0x4b: {  	[sflag:s13] =	ssyncadd.s32 $0xFFFFF800;
	s5 =	sadd.s32 $0x0, s11  }
0x4c: {  	[tilespmem:s14], [sflag:$0x2] =	stream.linear.gather [hbm4b:s5+s4], $0x800, $0x38;
	[tilespmem:$0x1D000] =	vst v63  }
0x4d: {  	_ =	swait.ge [sflag:s13], $0x800  }
0x4e: {  	[sflag:s13] =	ssyncset.done $0x0  }
0x4f: {  	[sflag:s13] =	ssyncadd.s32 $0xFFFFF800  }
0x50: {  	[tilespmem:s12], [sflag:$0x1] =	stream.indirect.gather [hbm4b:s1+s15], $0x80, s4, s15, $0xb8;
	[tilespmem:$0x1D000] =	vst v63  }
0x51: {  	_ = 	snop  }
0x52: {  	[tilespmem:s16], [sflag:$0x1] =	stream.indirect.gather [hbm4b:s1+s15], $0x80, s15, s15, $0xb8;
	[tilespmem:$0x1D000] =	vst v63  }
0x53: {  	_ =	swait.ge [sflag:s17], $0x4000  }
0x54: {  	[sflag:s17] =	ssyncset.done $0x0  }
0x55: {  	[sflag:s17] =	ssyncadd.s32 $0xFFFFC000  }
0x56: {  	_ =	swait.ge [sflag:s17], $0x4000  }
0x57: {  	[sflag:s17] =	ssyncset.done $0x0  }
0x58: {  	[sflag:s17] =	ssyncadd.s32 $0xFFFFC000  }
0x59: {  	[spmem:s3] =	stream.indirect.scatter.add.f32 [tilespmem:s12], [sflag:$0x2], $0x80, s14, s15, $0xb8;
	[tilespmem:$0x1D000] =	vst v63  }
0x5a: {  	_ =	swait.ge [sflag:s13], $0x4000  }
0x5b: {  	[sflag:s13] =	ssyncset.done $0x0  }
0x5c: {  	s9 =	rddreg [dreg:$0x6];
	[sflag:s13] =	ssyncadd.s32 $0xFFFFC000  }
0x5d: {  	[spmem:s3] =	stream.indirect.scatter.add.f32 [tilespmem:s16], [sflag:$0x2], $0x80, s9, s15, $0xb8;
	[tilespmem:$0x1D000] =	vst v63  }
0x5e: {  	_ =	swait.ge [sflag:s13], $0x4000  }
0x5f: {  	[sflag:s13] =	ssyncset.done $0x0  }
0x60: {  	s10 =	rddreg [dreg:$0x7];
	[sflag:s13] =	ssyncadd.s32 $0xFFFFC000  }
0x61: {  	[tilespmem:s12], [sflag:$0x1] =	stream.indirect.gather [hbm4b:s1+s15], $0x80, s10, s15, $0xb8;
	[tilespmem:$0x1D000] =	vst v63  }
0x62: {  	s11 =	rddreg [dreg:$0x8]  }
0x63: {  	[tilespmem:s16], [sflag:$0x1] =	stream.indirect.gather [hbm4b:s1+s15], $0x80, s11, s15, $0xb8;
	[tilespmem:$0x1D000] =	vst v63  }
0x64: {  	_ =	swait.ge [sflag:s17], $0x4000  }
0x65: {  	[sflag:s17] =	ssyncset.done $0x0  }
0x66: {  	[sflag:s17] =	ssyncadd.s32 $0xFFFFC000  }
0x67: {  	_ =	swait.ge [sflag:s17], $0x4000  }
0x68: {  	[sflag:s17] =	ssyncset.done $0x0  }
0x69: {  	s9 =	rddreg [dreg:$0x9];
	[sflag:s17] =	ssyncadd.s32 $0xFFFFC000  }
0x6a: {  	[spmem:s3] =	stream.indirect.scatter.add.f32 [tilespmem:s12], [sflag:$0x2], $0x80, s9, s15, $0xb8;
	[tilespmem:$0x1D000] =	vst v63  }
0x6b: {  	_ =	swait.ge [sflag:s13], $0x4000  }
0x6c: {  	[sflag:s13] =	ssyncset.done $0x0  }
0x6d: {  	s10 =	rddreg [dreg:$0xa];
	[sflag:s13] =	ssyncadd.s32 $0xFFFFC000  }
0x6e: {  	[spmem:s3] =	stream.indirect.scatter.add.f32 [tilespmem:s16], [sflag:$0x2], $0x80, s10, s15, $0xb8;
	[tilespmem:$0x1D000] =	vst v63  }
0x6f: {  	_ =	swait.ge [sflag:s13], $0x4000  }
0x70: {  	[sflag:s13] =	ssyncset.done $0x0  }
0x71: {  	s11 =	rddreg [dreg:$0xb];
	[sflag:s13] =	ssyncadd.s32 $0xFFFFC000  }
0x72: {  	[tilespmem:s12], [sflag:$0x1] =	stream.indirect.gather [hbm4b:s1+s15], $0x80, s11, s15, $0xb8;
	[tilespmem:$0x1D000] =	vst v63  }
0x73: {  	s9 =	rddreg [dreg:$0xc]  }
0x74: {  	[tilespmem:s16], [sflag:$0x1] =	stream.indirect.gather [hbm4b:s1+s15], $0x80, s9, s15, $0xb8;
	[tilespmem:$0x1D000] =	vst v63  }
0x75: {  	_ =	swait.ge [sflag:s17], $0x4000  }
0x76: {  	[sflag:s17] =	ssyncset.done $0x0  }
0x77: {  	[sflag:s17] =	ssyncadd.s32 $0xFFFFC000  }
0x78: {  	_ =	swait.ge [sflag:s17], $0x4000  }
0x79: {  	[sflag:s17] =	ssyncset.done $0x0  }
0x7a: {  	s11 =	rddreg [dreg:$0xd];
	[sflag:s17] =	ssyncadd.s32 $0xFFFFC000  }
0x7b: {  	[spmem:s3] =	stream.indirect.scatter.add.f32 [tilespmem:s12], [sflag:$0x2], $0x80, s11, s15, $0xb8;
	[tilespmem:$0x1D000] =	vst v63  }
0x7c: {  	_ =	swait.ge [sflag:s13], $0x4000  }
0x7d: {  	[sflag:s13] =	ssyncset.done $0x0  }
0x7e: {  	s9 =	rddreg [dreg:$0xe];
	[sflag:s13] =	ssyncadd.s32 $0xFFFFC000  }
0x7f: {  	[spmem:s3] =	stream.indirect.scatter.add.f32 [tilespmem:s16], [sflag:$0x2], $0x80, s9, s15, $0xb8;
	[tilespmem:$0x1D000] =	vst v63  }
0x80: {  	_ =	swait.ge [sflag:s13], $0x4000  }
0x81: {  	[sflag:s13] =	ssyncset.done $0x0  }
0x82: {  	s10 =	rddreg [dreg:$0xf];
	[sflag:s13] =	ssyncadd.s32 $0xFFFFC000  }
0x83: {  	[tilespmem:s12], [sflag:$0x1] =	stream.indirect.gather [hbm4b:s1+s15], $0x80, s10, s15, $0xb8;
	[tilespmem:$0x1D000] =	vst v63  }
0x84: {  	s11 =	rddreg [dreg:$0x10]  }
0x85: {  	[tilespmem:s16], [sflag:$0x1] =	stream.indirect.gather [hbm4b:s1+s15], $0x80, s11, s15, $0xb8;
	[tilespmem:$0x1D000] =	vst v63  }
0x86: {  	_ =	swait.ge [sflag:s17], $0x4000  }
0x87: {  	[sflag:s17] =	ssyncset.done $0x0  }
0x88: {  	[sflag:s17] =	ssyncadd.s32 $0xFFFFC000  }
0x89: {  	_ =	swait.ge [sflag:s17], $0x4000  }
0x8a: {  	[sflag:s17] =	ssyncset.done $0x0  }
0x8b: {  	[sflag:s17] =	ssyncadd.s32 $0xFFFFC000  }
0x8c: {  	[spmem:s3] =	stream.indirect.scatter.add.f32 [tilespmem:s12], [sflag:$0x2], $0x80, s18, s15, $0xb8;
	[tilespmem:$0x1D000] =	vst v63  }
0x8d: {  	_ =	swait.ge [sflag:s13], $0x4000  }
0x8e: {  	[sflag:s13] =	ssyncset.done $0x0  }
0x8f: {  	[sflag:s13] =	ssyncadd.s32 $0xFFFFC000  }
0x90: {  	[spmem:s3] =	stream.indirect.scatter.add.f32 [tilespmem:s16], [sflag:$0x2], $0x80, s19, s15, $0xb8;
	[tilespmem:$0x1D000] =	vst v63  }
0x91: {  	_ =	swait.ge [sflag:s13], $0x4000  }
0x92: {  	[sflag:s13] =	ssyncset.done $0x0  }
0x93: {  	[sflag:s13] =	ssyncadd.s32 $0xFFFFC000  }
0x94: {  	[tilespmem:s12], [sflag:$0x1] =	stream.indirect.gather [hbm4b:s1+s15], $0x80, s20, s15, $0xb8;
	[tilespmem:$0x1D000] =	vst v63  }
0x95: {  	_ = 	snop  }
0x96: {  	[tilespmem:s16], [sflag:$0x1] =	stream.indirect.gather [hbm4b:s1+s15], $0x80, s21, s15, $0xb8;
	[tilespmem:$0x1D000] =	vst v63  }
0x97: {  	_ =	swait.ge [sflag:s17], $0x4000  }
0x98: {  	[sflag:s17] =	ssyncset.done $0x0  }
0x99: {  	[sflag:s17] =	ssyncadd.s32 $0xFFFFC000  }
0x9a: {  	_ =	swait.ge [sflag:s17], $0x4000  }
0x9b: {  	[sflag:s17] =	ssyncset.done $0x0  }
0x9c: {  	[sflag:s17] =	ssyncadd.s32 $0xFFFFC000  }
0x9d: {  	[spmem:s3] =	stream.indirect.scatter.add.f32 [tilespmem:s12], [sflag:$0x2], $0x80, s22, s15, $0xb8;
	[tilespmem:$0x1D000] =	vst v63  }
0x9e: {  	_ =	swait.ge [sflag:s13], $0x4000  }
0x9f: {  	[sflag:s13] =	ssyncset.done $0x0  }
0xa0: {  	[sflag:s13] =	ssyncadd.s32 $0xFFFFC000  }
0xa1: {  	[spmem:s3] =	stream.indirect.scatter.add.f32 [tilespmem:s16], [sflag:$0x2], $0x80, s23, s15, $0xb8;
	[tilespmem:$0x1D000] =	vst v63  }
0xa2: {  	_ =	swait.ge [sflag:s13], $0x4000  }
0xa3: {  	[sflag:s13] =	ssyncset.done $0x0  }
0xa4: {  	[sflag:s13] =	ssyncadd.s32 $0xFFFFC000  }
0xa5: {  	[tilespmem:s12], [sflag:$0x1] =	stream.indirect.gather [hbm4b:s1+s15], $0x80, s24, s15, $0xb8;
	[tilespmem:$0x1D000] =	vst v63  }
0xa6: {  	_ = 	snop  }
0xa7: {  	[tilespmem:s16], [sflag:$0x1] =	stream.indirect.gather [hbm4b:s1+s15], $0x80, s25, s15, $0xb8;
	[tilespmem:$0x1D000] =	vst v63  }
0xa8: {  	_ =	swait.ge [sflag:s17], $0x4000  }
0xa9: {  	[sflag:s17] =	ssyncset.done $0x0  }
0xaa: {  	[sflag:s17] =	ssyncadd.s32 $0xFFFFC000  }
0xab: {  	_ =	swait.ge [sflag:s17], $0x4000  }
0xac: {  	[sflag:s17] =	ssyncset.done $0x0  }
0xad: {  	[sflag:s17] =	ssyncadd.s32 $0xFFFFC000  }
0xae: {  	[spmem:s3] =	stream.indirect.scatter.add.f32 [tilespmem:s12], [sflag:$0x2], $0x80, s26, s15, $0xb8;
	[tilespmem:$0x1D000] =	vst v63  }
0xaf: {  	_ =	swait.ge [sflag:s13], $0x4000  }
0xb0: {  	[sflag:s13] =	ssyncset.done $0x0  }
0xb1: {  	[sflag:s13] =	ssyncadd.s32 $0xFFFFC000  }
0xb2: {  	[spmem:s3] =	stream.indirect.scatter.add.f32 [tilespmem:s16], [sflag:$0x2], $0x80, s28, s15, $0xb8;
	[tilespmem:$0x1D000] =	vst v63  }
0xb3: {  	_ =	swait.ge [sflag:s13], $0x4000  }
0xb4: {  	[sflag:s13] =	ssyncset.done $0x0  }
0xb5: {  	[sflag:s13] =	ssyncadd.s32 $0xFFFFC000  }
0xb6: {  	[tilespmem:s12], [sflag:$0x1] =	stream.indirect.gather [hbm4b:s1+s15], $0x80, s29, s15, $0xb8;
	[tilespmem:$0x1D000] =	vst v63  }
0xb7: {  	_ = 	snop  }
0xb8: {  	[tilespmem:s16], [sflag:$0x1] =	stream.indirect.gather [hbm4b:s1+s15], $0x80, s30, s15, $0xb8;
	[tilespmem:$0x1D000] =	vst v63  }
0xb9: {  	_ =	swait.ge [sflag:s17], $0x4000  }
0xba: {  	[sflag:s17] =	ssyncset.done $0x0  }
0xbb: {  	[sflag:s17] =	ssyncadd.s32 $0xFFFFC000  }
0xbc: {  	_ =	swait.ge [sflag:s17], $0x4000  }
0xbd: {  	[sflag:s17] =	ssyncset.done $0x0  }
0xbe: {  	[sflag:s17] =	ssyncadd.s32 $0xFFFFC000  }
0xbf: {  	[spmem:s3] =	stream.indirect.scatter.add.f32 [tilespmem:s12], [sflag:$0x2], $0x80, s31, s15, $0xb8;
	[tilespmem:$0x1D000] =	vst v63  }
0xc0: {  	_ =	swait.ge [sflag:s13], $0x4000  }
0xc1: {  	[sflag:s13] =	ssyncset.done $0x0  }
0xc2: {  	[sflag:s13] =	ssyncadd.s32 $0xFFFFC000  }
0xc3: {  	[spmem:s3] =	stream.indirect.scatter.add.f32 [tilespmem:s16], [sflag:$0x2], $0x80, s0, s15, $0xb8;
	[tilespmem:$0x1D000] =	vst v63  }
0xc4: {  	_ =	swait.ge [sflag:s13], $0x4000  }
0xc5: {  	[sflag:s13] =	ssyncset.done $0x0  }
0xc6: {  	[sflag:s13] =	ssyncadd.s32 $0xFFFFC000  }
0xc7: {  	[tilespmem:s12], [sflag:$0x1] =	stream.indirect.gather [hbm4b:s1+s15], $0x80, s2, s15, $0xb8;
	[tilespmem:$0x1D000] =	vst v63  }
0xc8: {  	_ = 	snop  }
0xc9: {  	[tilespmem:s16], [sflag:$0x1] =	stream.indirect.gather [hbm4b:s1+s15], $0x80, s6, s15, $0xb8;
	[tilespmem:$0x1D000] =	vst v63  }
0xca: {  	_ =	swait.ge [sflag:s17], $0x4000  }
0xcb: {  	[sflag:s17] =	ssyncset.done $0x0  }
0xcc: {  	[sflag:s17] =	ssyncadd.s32 $0xFFFFC000  }
0xcd: {  	_ =	swait.ge [sflag:s17], $0x4000  }
0xce: {  	[sflag:s17] =	ssyncset.done $0x0  }
0xcf: {  	[sflag:s17] =	ssyncadd.s32 $0xFFFFC000  }
0xd0: {  	[spmem:s3] =	stream.indirect.scatter.add.f32 [tilespmem:s12], [sflag:$0x2], $0x80, s7, s15, $0xb8;
	[tilespmem:$0x1D000] =	vst v63  }
0xd1: {  	_ =	swait.ge [sflag:s13], $0x4000  }
0xd2: {  	[sflag:s13] =	ssyncset.done $0x0  }
0xd3: {  	[sflag:s13] =	ssyncadd.s32 $0xFFFFC000  }
0xd4: {  	[spmem:s3] =	stream.indirect.scatter.add.f32 [tilespmem:s16], [sflag:$0x2], $0x80, s8, s15, $0xb8;
	[tilespmem:$0x1D000] =	vst v63  }
0xd5: {  	s10 =	simm.s32 $0x100;
	_ =	swait.ge [sflag:s13], $0x4000  }
0xd6: {  	s11 =	simm.s32 $0x200;
	s5 =	rddreg [dreg:$0x4];
	[sflag:s13] =	ssyncset.done $0x0  }
.LBB2_4:
0xd7: {  	[sflag:s13] =	ssyncadd.s32 $0xFFFFC000;
	s5 =	sadd.s32 s10, s5  }
0xd8: {  	[tilespmem:s4], [sflag:$0x2] =	stream.linear.gather [hbm4b:s5+s4], $0x800, $0x38;
	[tilespmem:$0x1D000] =	vst v63  }
0xd9: {  	_ =	swait.ge [sflag:s13], $0x800  }
0xda: {  	s5 =	rddreg [dreg:$0x5];
	[sflag:s13] =	ssyncset.done $0x0  }
0xdb: {  	[sflag:s13] =	ssyncadd.s32 $0xFFFFF800;
	s5 =	sadd.s32 s10, s5  }
0xdc: {  	[tilespmem:s14], [sflag:$0x2] =	stream.linear.gather [hbm4b:s5+s4], $0x800, $0x38;
	[tilespmem:$0x1D000] =	vst v63  }
0xdd: {  	_ =	swait.ge [sflag:s13], $0x800  }
0xde: {  	[sflag:s13] =	ssyncset.done $0x0  }
0xdf: {  	[sflag:s13] =	ssyncadd.s32 $0xFFFFF800  }
0xe0: {  	[tilespmem:s12], [sflag:$0x1] =	stream.indirect.gather [hbm4b:s1+s15], $0x80, s4, s15, $0xb8;
	[tilespmem:$0x1D000] =	vst v63  }
0xe1: {  	_ = 	snop  }
0xe2: {  	[tilespmem:s16], [sflag:$0x1] =	stream.indirect.gather [hbm4b:s1+s15], $0x80, s15, s15, $0xb8;
	[tilespmem:$0x1D000] =	vst v63  }
0xe3: {  	_ =	swait.ge [sflag:s17], $0x4000  }
0xe4: {  	[sflag:s17] =	ssyncset.done $0x0  }
0xe5: {  	[sflag:s17] =	ssyncadd.s32 $0xFFFFC000  }
0xe6: {  	_ =	swait.ge [sflag:s17], $0x4000  }
0xe7: {  	[sflag:s17] =	ssyncset.done $0x0  }
0xe8: {  	[sflag:s17] =	ssyncadd.s32 $0xFFFFC000  }
0xe9: {  	[spmem:s3] =	stream.indirect.scatter.add.f32 [tilespmem:s12], [sflag:$0x2], $0x80, s14, s15, $0xb8;
	[tilespmem:$0x1D000] =	vst v63  }
0xea: {  	_ =	swait.ge [sflag:s13], $0x4000  }
0xeb: {  	s9 =	smov.u32 s11;
	[sflag:s13] =	ssyncset.done $0x0  }
0xec: {  	s10 =	smov.u32 s9;
	s9 =	rddreg [dreg:$0x6];
	[sflag:s13] =	ssyncadd.s32 $0xFFFFC000  }
0xed: {  	[spmem:s3] =	stream.indirect.scatter.add.f32 [tilespmem:s16], [sflag:$0x2], $0x80, s9, s15, $0xb8;
	[tilespmem:$0x1D000] =	vst v63  }
0xee: {  	_ =	swait.ge [sflag:s13], $0x4000  }
0xef: {  	[sflag:s13] =	ssyncset.done $0x0  }
0xf0: {  	s5 =	rddreg [dreg:$0x7];
	[sflag:s13] =	ssyncadd.s32 $0xFFFFC000  }
0xf1: {  	[tilespmem:s12], [sflag:$0x1] =	stream.indirect.gather [hbm4b:s1+s15], $0x80, s5, s15, $0xb8;
	[tilespmem:$0x1D000] =	vst v63  }
0xf2: {  	s9 =	rddreg [dreg:$0x8]  }
0xf3: {  	[tilespmem:s16], [sflag:$0x1] =	stream.indirect.gather [hbm4b:s1+s15], $0x80, s9, s15, $0xb8;
	[tilespmem:$0x1D000] =	vst v63  }
0xf4: {  	_ =	swait.ge [sflag:s17], $0x4000  }
0xf5: {  	[sflag:s17] =	ssyncset.done $0x0  }
0xf6: {  	[sflag:s17] =	ssyncadd.s32 $0xFFFFC000  }
0xf7: {  	_ =	swait.ge [sflag:s17], $0x4000  }
0xf8: {  	[sflag:s17] =	ssyncset.done $0x0  }
0xf9: {  	s9 =	rddreg [dreg:$0x9];
	[sflag:s17] =	ssyncadd.s32 $0xFFFFC000  }
0xfa: {  	[spmem:s3] =	stream.indirect.scatter.add.f32 [tilespmem:s12], [sflag:$0x2], $0x80, s9, s15, $0xb8;
	[tilespmem:$0x1D000] =	vst v63  }
0xfb: {  	_ =	swait.ge [sflag:s13], $0x4000  }
0xfc: {  	[sflag:s13] =	ssyncset.done $0x0  }
0xfd: {  	s9 =	rddreg [dreg:$0xa];
	[sflag:s13] =	ssyncadd.s32 $0xFFFFC000  }
0xfe: {  	[spmem:s3] =	stream.indirect.scatter.add.f32 [tilespmem:s16], [sflag:$0x2], $0x80, s9, s15, $0xb8;
	[tilespmem:$0x1D000] =	vst v63  }
0xff: {  	_ =	swait.ge [sflag:s13], $0x4000  }
0x100: {  	[sflag:s13] =	ssyncset.done $0x0  }
0x101: {  	s5 =	rddreg [dreg:$0xb];
	[sflag:s13] =	ssyncadd.s32 $0xFFFFC000  }
0x102: {  	[tilespmem:s12], [sflag:$0x1] =	stream.indirect.gather [hbm4b:s1+s15], $0x80, s5, s15, $0xb8;
	[tilespmem:$0x1D000] =	vst v63  }
0x103: {  	s9 =	rddreg [dreg:$0xc]  }
0x104: {  	[tilespmem:s16], [sflag:$0x1] =	stream.indirect.gather [hbm4b:s1+s15], $0x80, s9, s15, $0xb8;
	[tilespmem:$0x1D000] =	vst v63  }
0x105: {  	_ =	swait.ge [sflag:s17], $0x4000  }
0x106: {  	[sflag:s17] =	ssyncset.done $0x0  }
0x107: {  	[sflag:s17] =	ssyncadd.s32 $0xFFFFC000  }
0x108: {  	_ =	swait.ge [sflag:s17], $0x4000  }
0x109: {  	[sflag:s17] =	ssyncset.done $0x0  }
0x10a: {  	s9 =	rddreg [dreg:$0xd];
	[sflag:s17] =	ssyncadd.s32 $0xFFFFC000  }
0x10b: {  	[spmem:s3] =	stream.indirect.scatter.add.f32 [tilespmem:s12], [sflag:$0x2], $0x80, s9, s15, $0xb8;
	[tilespmem:$0x1D000] =	vst v63  }
0x10c: {  	_ =	swait.ge [sflag:s13], $0x4000  }
0x10d: {  	[sflag:s13] =	ssyncset.done $0x0  }
0x10e: {  	s9 =	rddreg [dreg:$0xe];
	[sflag:s13] =	ssyncadd.s32 $0xFFFFC000  }
0x10f: {  	[spmem:s3] =	stream.indirect.scatter.add.f32 [tilespmem:s16], [sflag:$0x2], $0x80, s9, s15, $0xb8;
	[tilespmem:$0x1D000] =	vst v63  }
0x110: {  	_ =	swait.ge [sflag:s13], $0x4000  }
0x111: {  	[sflag:s13] =	ssyncset.done $0x0  }
0x112: {  	s5 =	rddreg [dreg:$0xf];
	[sflag:s13] =	ssyncadd.s32 $0xFFFFC000  }
0x113: {  	[tilespmem:s12], [sflag:$0x1] =	stream.indirect.gather [hbm4b:s1+s15], $0x80, s5, s15, $0xb8;
	[tilespmem:$0x1D000] =	vst v63  }
0x114: {  	s9 =	rddreg [dreg:$0x10]  }
0x115: {  	[tilespmem:s16], [sflag:$0x1] =	stream.indirect.gather [hbm4b:s1+s15], $0x80, s9, s15, $0xb8;
	[tilespmem:$0x1D000] =	vst v63  }
0x116: {  	_ =	swait.ge [sflag:s17], $0x4000  }
0x117: {  	[sflag:s17] =	ssyncset.done $0x0  }
0x118: {  	[sflag:s17] =	ssyncadd.s32 $0xFFFFC000  }
0x119: {  	_ =	swait.ge [sflag:s17], $0x4000  }
0x11a: {  	[sflag:s17] =	ssyncset.done $0x0  }
0x11b: {  	[sflag:s17] =	ssyncadd.s32 $0xFFFFC000  }
0x11c: {  	[spmem:s3] =	stream.indirect.scatter.add.f32 [tilespmem:s12], [sflag:$0x2], $0x80, s18, s15, $0xb8;
	[tilespmem:$0x1D000] =	vst v63  }
0x11d: {  	_ =	swait.ge [sflag:s13], $0x4000  }
0x11e: {  	[sflag:s13] =	ssyncset.done $0x0  }
0x11f: {  	[sflag:s13] =	ssyncadd.s32 $0xFFFFC000  }
0x120: {  	[spmem:s3] =	stream.indirect.scatter.add.f32 [tilespmem:s16], [sflag:$0x2], $0x80, s19, s15, $0xb8;
	[tilespmem:$0x1D000] =	vst v63  }
0x121: {  	_ =	swait.ge [sflag:s13], $0x4000  }
0x122: {  	[sflag:s13] =	ssyncset.done $0x0  }
0x123: {  	[sflag:s13] =	ssyncadd.s32 $0xFFFFC000  }
0x124: {  	[tilespmem:s12], [sflag:$0x1] =	stream.indirect.gather [hbm4b:s1+s15], $0x80, s20, s15, $0xb8;
	[tilespmem:$0x1D000] =	vst v63  }
0x125: {  	_ = 	snop  }
0x126: {  	[tilespmem:s16], [sflag:$0x1] =	stream.indirect.gather [hbm4b:s1+s15], $0x80, s21, s15, $0xb8;
	[tilespmem:$0x1D000] =	vst v63  }
0x127: {  	_ =	swait.ge [sflag:s17], $0x4000  }
0x128: {  	[sflag:s17] =	ssyncset.done $0x0  }
0x129: {  	[sflag:s17] =	ssyncadd.s32 $0xFFFFC000  }
0x12a: {  	_ =	swait.ge [sflag:s17], $0x4000  }
0x12b: {  	[sflag:s17] =	ssyncset.done $0x0  }
0x12c: {  	[sflag:s17] =	ssyncadd.s32 $0xFFFFC000  }
0x12d: {  	[spmem:s3] =	stream.indirect.scatter.add.f32 [tilespmem:s12], [sflag:$0x2], $0x80, s22, s15, $0xb8;
	[tilespmem:$0x1D000] =	vst v63  }
0x12e: {  	_ =	swait.ge [sflag:s13], $0x4000  }
0x12f: {  	[sflag:s13] =	ssyncset.done $0x0  }
0x130: {  	[sflag:s13] =	ssyncadd.s32 $0xFFFFC000  }
0x131: {  	[spmem:s3] =	stream.indirect.scatter.add.f32 [tilespmem:s16], [sflag:$0x2], $0x80, s23, s15, $0xb8;
	[tilespmem:$0x1D000] =	vst v63  }
0x132: {  	_ =	swait.ge [sflag:s13], $0x4000  }
0x133: {  	[sflag:s13] =	ssyncset.done $0x0  }
0x134: {  	[sflag:s13] =	ssyncadd.s32 $0xFFFFC000  }
0x135: {  	[tilespmem:s12], [sflag:$0x1] =	stream.indirect.gather [hbm4b:s1+s15], $0x80, s24, s15, $0xb8;
	[tilespmem:$0x1D000] =	vst v63  }
0x136: {  	_ = 	snop  }
0x137: {  	[tilespmem:s16], [sflag:$0x1] =	stream.indirect.gather [hbm4b:s1+s15], $0x80, s25, s15, $0xb8;
	[tilespmem:$0x1D000] =	vst v63  }
0x138: {  	_ =	swait.ge [sflag:s17], $0x4000  }
0x139: {  	[sflag:s17] =	ssyncset.done $0x0  }
0x13a: {  	[sflag:s17] =	ssyncadd.s32 $0xFFFFC000  }
0x13b: {  	_ =	swait.ge [sflag:s17], $0x4000  }
0x13c: {  	[sflag:s17] =	ssyncset.done $0x0  }
0x13d: {  	[sflag:s17] =	ssyncadd.s32 $0xFFFFC000  }
0x13e: {  	[spmem:s3] =	stream.indirect.scatter.add.f32 [tilespmem:s12], [sflag:$0x2], $0x80, s26, s15, $0xb8;
	[tilespmem:$0x1D000] =	vst v63  }
0x13f: {  	_ =	swait.ge [sflag:s13], $0x4000  }
0x140: {  	[sflag:s13] =	ssyncset.done $0x0  }
0x141: {  	[sflag:s13] =	ssyncadd.s32 $0xFFFFC000  }
0x142: {  	[spmem:s3] =	stream.indirect.scatter.add.f32 [tilespmem:s16], [sflag:$0x2], $0x80, s28, s15, $0xb8;
	[tilespmem:$0x1D000] =	vst v63  }
0x143: {  	_ =	swait.ge [sflag:s13], $0x4000  }
0x144: {  	[sflag:s13] =	ssyncset.done $0x0  }
0x145: {  	[sflag:s13] =	ssyncadd.s32 $0xFFFFC000  }
0x146: {  	[tilespmem:s12], [sflag:$0x1] =	stream.indirect.gather [hbm4b:s1+s15], $0x80, s29, s15, $0xb8;
	[tilespmem:$0x1D000] =	vst v63  }
0x147: {  	_ = 	snop  }
0x148: {  	[tilespmem:s16], [sflag:$0x1] =	stream.indirect.gather [hbm4b:s1+s15], $0x80, s30, s15, $0xb8;
	[tilespmem:$0x1D000] =	vst v63  }
0x149: {  	_ =	swait.ge [sflag:s17], $0x4000  }
0x14a: {  	[sflag:s17] =	ssyncset.done $0x0  }
0x14b: {  	[sflag:s17] =	ssyncadd.s32 $0xFFFFC000  }
0x14c: {  	_ =	swait.ge [sflag:s17], $0x4000  }
0x14d: {  	[sflag:s17] =	ssyncset.done $0x0  }
0x14e: {  	[sflag:s17] =	ssyncadd.s32 $0xFFFFC000  }
0x14f: {  	[spmem:s3] =	stream.indirect.scatter.add.f32 [tilespmem:s12], [sflag:$0x2], $0x80, s31, s15, $0xb8;
	[tilespmem:$0x1D000] =	vst v63  }
0x150: {  	_ =	swait.ge [sflag:s13], $0x4000  }
0x151: {  	[sflag:s13] =	ssyncset.done $0x0  }
0x152: {  	[sflag:s13] =	ssyncadd.s32 $0xFFFFC000  }
0x153: {  	[spmem:s3] =	stream.indirect.scatter.add.f32 [tilespmem:s16], [sflag:$0x2], $0x80, s0, s15, $0xb8;
	[tilespmem:$0x1D000] =	vst v63  }
0x154: {  	_ =	swait.ge [sflag:s13], $0x4000  }
0x155: {  	[sflag:s13] =	ssyncset.done $0x0  }
0x156: {  	[sflag:s13] =	ssyncadd.s32 $0xFFFFC000  }
0x157: {  	[tilespmem:s12], [sflag:$0x1] =	stream.indirect.gather [hbm4b:s1+s15], $0x80, s2, s15, $0xb8;
	[tilespmem:$0x1D000] =	vst v63  }
0x158: {  	_ = 	snop  }
0x159: {  	[tilespmem:s16], [sflag:$0x1] =	stream.indirect.gather [hbm4b:s1+s15], $0x80, s6, s15, $0xb8;
	[tilespmem:$0x1D000] =	vst v63  }
0x15a: {  	_ =	swait.ge [sflag:s17], $0x4000  }
0x15b: {  	[sflag:s17] =	ssyncset.done $0x0  }
0x15c: {  	[sflag:s17] =	ssyncadd.s32 $0xFFFFC000  }
0x15d: {  	_ =	swait.ge [sflag:s17], $0x4000  }
0x15e: {  	[sflag:s17] =	ssyncset.done $0x0  }
0x15f: {  	[sflag:s17] =	ssyncadd.s32 $0xFFFFC000  }
0x160: {  	[spmem:s3] =	stream.indirect.scatter.add.f32 [tilespmem:s12], [sflag:$0x2], $0x80, s7, s15, $0xb8;
	[tilespmem:$0x1D000] =	vst v63  }
0x161: {  	p0 =	sne.s32 s11, $0x400;
	_ =	swait.ge [sflag:s13], $0x4000  }
.Ltmp1:
0x162: {  	[sflag:s13] =	ssyncset.done $0x0;
	(pc) =	sbr.rel @p0 .LBB2_4-.Ltmp1, $4  }
0x163: {  	[sflag:s13] =	ssyncadd.s32 $0xFFFFC000  }
0x164: {  	[spmem:s3] =	stream.indirect.scatter.add.f32 [tilespmem:s16], [sflag:$0x2], $0x80, s8, s15, $0xb8;
	[tilespmem:$0x1D000] =	vst v63  }
0x165: {  	_ =	swait.ge [sflag:s13], $0x4000  }
0x166: {  	s11 =	sadd.s32 $0x100, s11;
	s5 =	rddreg [dreg:$0x4];
	[sflag:s13] =	ssyncset.done $0x0  }
0x167: {  	[sflag:s13] =	ssyncadd.s32 $0xFFFFC000;
	s5 =	sadd.s32 s10, s5  }
0x168: {  	[tilespmem:s4], [sflag:$0x2] =	stream.linear.gather [hbm4b:s5+s4], $0x800, $0x38;
	[tilespmem:$0x1D000] =	vst v63  }
0x169: {  	_ =	swait.ge [sflag:s13], $0x800  }
0x16a: {  	s9 =	rddreg [dreg:$0x5];
	[sflag:s13] =	ssyncset.done $0x0  }
0x16b: {  	[sflag:s13] =	ssyncadd.s32 $0xFFFFF800;
	s5 =	sadd.s32 s10, s9  }
0x16c: {  	[tilespmem:s14], [sflag:$0x2] =	stream.linear.gather [hbm4b:s5+s4], $0x800, $0x38;
	[tilespmem:$0x1D000] =	vst v63  }
0x16d: {  	_ =	swait.ge [sflag:s13], $0x800  }
0x16e: {  	[sflag:s13] =	ssyncset.done $0x0  }
0x16f: {  	[sflag:s13] =	ssyncadd.s32 $0xFFFFF800  }
0x170: {  	[tilespmem:s12], [sflag:$0x1] =	stream.indirect.gather [hbm4b:s1+s15], $0x80, s4, s15, $0xb8;
	[tilespmem:$0x1D000] =	vst v63  }
0x171: {  	_ = 	snop  }
0x172: {  	[tilespmem:s16], [sflag:$0x1] =	stream.indirect.gather [hbm4b:s1+s15], $0x80, s15, s15, $0xb8;
	[tilespmem:$0x1D000] =	vst v63  }
0x173: {  	_ =	swait.ge [sflag:s17], $0x4000  }
0x174: {  	[sflag:s17] =	ssyncset.done $0x0  }
0x175: {  	[sflag:s17] =	ssyncadd.s32 $0xFFFFC000  }
0x176: {  	_ =	swait.ge [sflag:s17], $0x4000  }
0x177: {  	[sflag:s17] =	ssyncset.done $0x0  }
0x178: {  	[sflag:s17] =	ssyncadd.s32 $0xFFFFC000  }
0x179: {  	[spmem:s3] =	stream.indirect.scatter.add.f32 [tilespmem:s12], [sflag:$0x2], $0x80, s14, s15, $0xb8;
	[tilespmem:$0x1D000] =	vst v63  }
0x17a: {  	_ =	swait.ge [sflag:s13], $0x4000  }
0x17b: {  	[sflag:s13] =	ssyncset.done $0x0  }
0x17c: {  	s10 =	rddreg [dreg:$0x6];
	[sflag:s13] =	ssyncadd.s32 $0xFFFFC000  }
0x17d: {  	[spmem:s3] =	stream.indirect.scatter.add.f32 [tilespmem:s16], [sflag:$0x2], $0x80, s10, s15, $0xb8;
	[tilespmem:$0x1D000] =	vst v63  }
0x17e: {  	_ =	swait.ge [sflag:s13], $0x4000  }
0x17f: {  	[sflag:s13] =	ssyncset.done $0x0  }
0x180: {  	s11 =	rddreg [dreg:$0x7];
	[sflag:s13] =	ssyncadd.s32 $0xFFFFC000  }
0x181: {  	[tilespmem:s12], [sflag:$0x1] =	stream.indirect.gather [hbm4b:s1+s15], $0x80, s11, s15, $0xb8;
	[tilespmem:$0x1D000] =	vst v63  }
0x182: {  	s9 =	rddreg [dreg:$0x8]  }
0x183: {  	[tilespmem:s16], [sflag:$0x1] =	stream.indirect.gather [hbm4b:s1+s15], $0x80, s9, s15, $0xb8;
	[tilespmem:$0x1D000] =	vst v63  }
0x184: {  	_ =	swait.ge [sflag:s17], $0x4000  }
0x185: {  	[sflag:s17] =	ssyncset.done $0x0  }
0x186: {  	[sflag:s17] =	ssyncadd.s32 $0xFFFFC000  }
0x187: {  	_ =	swait.ge [sflag:s17], $0x4000  }
0x188: {  	[sflag:s17] =	ssyncset.done $0x0  }
0x189: {  	s10 =	rddreg [dreg:$0x9];
	[sflag:s17] =	ssyncadd.s32 $0xFFFFC000  }
0x18a: {  	[spmem:s3] =	stream.indirect.scatter.add.f32 [tilespmem:s12], [sflag:$0x2], $0x80, s10, s15, $0xb8;
	[tilespmem:$0x1D000] =	vst v63  }
0x18b: {  	_ =	swait.ge [sflag:s13], $0x4000  }
0x18c: {  	[sflag:s13] =	ssyncset.done $0x0  }
0x18d: {  	s11 =	rddreg [dreg:$0xa];
	[sflag:s13] =	ssyncadd.s32 $0xFFFFC000  }
0x18e: {  	[spmem:s3] =	stream.indirect.scatter.add.f32 [tilespmem:s16], [sflag:$0x2], $0x80, s11, s15, $0xb8;
	[tilespmem:$0x1D000] =	vst v63  }
0x18f: {  	_ =	swait.ge [sflag:s13], $0x4000  }
0x190: {  	[sflag:s13] =	ssyncset.done $0x0  }
0x191: {  	s9 =	rddreg [dreg:$0xb];
	[sflag:s13] =	ssyncadd.s32 $0xFFFFC000  }
0x192: {  	[tilespmem:s12], [sflag:$0x1] =	stream.indirect.gather [hbm4b:s1+s15], $0x80, s9, s15, $0xb8;
	[tilespmem:$0x1D000] =	vst v63  }
0x193: {  	s10 =	rddreg [dreg:$0xc]  }
0x194: {  	[tilespmem:s16], [sflag:$0x1] =	stream.indirect.gather [hbm4b:s1+s15], $0x80, s10, s15, $0xb8;
	[tilespmem:$0x1D000] =	vst v63  }
0x195: {  	_ =	swait.ge [sflag:s17], $0x4000  }
0x196: {  	[sflag:s17] =	ssyncset.done $0x0  }
0x197: {  	[sflag:s17] =	ssyncadd.s32 $0xFFFFC000  }
0x198: {  	_ =	swait.ge [sflag:s17], $0x4000  }
0x199: {  	[sflag:s17] =	ssyncset.done $0x0  }
0x19a: {  	s11 =	rddreg [dreg:$0xd];
	[sflag:s17] =	ssyncadd.s32 $0xFFFFC000  }
0x19b: {  	[spmem:s3] =	stream.indirect.scatter.add.f32 [tilespmem:s12], [sflag:$0x2], $0x80, s11, s15, $0xb8;
	[tilespmem:$0x1D000] =	vst v63  }
0x19c: {  	_ =	swait.ge [sflag:s13], $0x4000  }
0x19d: {  	[sflag:s13] =	ssyncset.done $0x0  }
0x19e: {  	s9 =	rddreg [dreg:$0xe];
	[sflag:s13] =	ssyncadd.s32 $0xFFFFC000  }
0x19f: {  	[spmem:s3] =	stream.indirect.scatter.add.f32 [tilespmem:s16], [sflag:$0x2], $0x80, s9, s15, $0xb8;
	[tilespmem:$0x1D000] =	vst v63  }
0x1a0: {  	_ =	swait.ge [sflag:s13], $0x4000  }
0x1a1: {  	[sflag:s13] =	ssyncset.done $0x0  }
0x1a2: {  	s10 =	rddreg [dreg:$0xf];
	[sflag:s13] =	ssyncadd.s32 $0xFFFFC000  }
0x1a3: {  	[tilespmem:s12], [sflag:$0x1] =	stream.indirect.gather [hbm4b:s1+s15], $0x80, s10, s15, $0xb8;
	[tilespmem:$0x1D000] =	vst v63  }
0x1a4: {  	s11 =	rddreg [dreg:$0x10]  }
0x1a5: {  	[tilespmem:s16], [sflag:$0x1] =	stream.indirect.gather [hbm4b:s1+s15], $0x80, s11, s15, $0xb8;
	[tilespmem:$0x1D000] =	vst v63  }
0x1a6: {  	_ =	swait.ge [sflag:s17], $0x4000  }
0x1a7: {  	[sflag:s17] =	ssyncset.done $0x0  }
0x1a8: {  	[sflag:s17] =	ssyncadd.s32 $0xFFFFC000  }
0x1a9: {  	_ =	swait.ge [sflag:s17], $0x4000  }
0x1aa: {  	[sflag:s17] =	ssyncset.done $0x0  }
0x1ab: {  	[sflag:s17] =	ssyncadd.s32 $0xFFFFC000  }
0x1ac: {  	[spmem:s3] =	stream.indirect.scatter.add.f32 [tilespmem:s12], [sflag:$0x2], $0x80, s18, s15, $0xb8;
	[tilespmem:$0x1D000] =	vst v63  }
0x1ad: {  	_ =	swait.ge [sflag:s13], $0x4000  }
0x1ae: {  	[sflag:s13] =	ssyncset.done $0x0  }
0x1af: {  	[sflag:s13] =	ssyncadd.s32 $0xFFFFC000  }
0x1b0: {  	[spmem:s3] =	stream.indirect.scatter.add.f32 [tilespmem:s16], [sflag:$0x2], $0x80, s19, s15, $0xb8;
	[tilespmem:$0x1D000] =	vst v63  }
0x1b1: {  	_ =	swait.ge [sflag:s13], $0x4000  }
0x1b2: {  	[sflag:s13] =	ssyncset.done $0x0  }
0x1b3: {  	[sflag:s13] =	ssyncadd.s32 $0xFFFFC000  }
0x1b4: {  	[tilespmem:s12], [sflag:$0x1] =	stream.indirect.gather [hbm4b:s1+s15], $0x80, s20, s15, $0xb8;
	[tilespmem:$0x1D000] =	vst v63  }
0x1b5: {  	_ = 	snop  }
0x1b6: {  	[tilespmem:s16], [sflag:$0x1] =	stream.indirect.gather [hbm4b:s1+s15], $0x80, s21, s15, $0xb8;
	[tilespmem:$0x1D000] =	vst v63  }
0x1b7: {  	_ =	swait.ge [sflag:s17], $0x4000  }
0x1b8: {  	[sflag:s17] =	ssyncset.done $0x0  }
0x1b9: {  	[sflag:s17] =	ssyncadd.s32 $0xFFFFC000  }
0x1ba: {  	_ =	swait.ge [sflag:s17], $0x4000  }
0x1bb: {  	[sflag:s17] =	ssyncset.done $0x0  }
0x1bc: {  	[sflag:s17] =	ssyncadd.s32 $0xFFFFC000  }
0x1bd: {  	[spmem:s3] =	stream.indirect.scatter.add.f32 [tilespmem:s12], [sflag:$0x2], $0x80, s22, s15, $0xb8;
	[tilespmem:$0x1D000] =	vst v63  }
0x1be: {  	_ =	swait.ge [sflag:s13], $0x4000  }
0x1bf: {  	[sflag:s13] =	ssyncset.done $0x0  }
0x1c0: {  	[sflag:s13] =	ssyncadd.s32 $0xFFFFC000  }
0x1c1: {  	[spmem:s3] =	stream.indirect.scatter.add.f32 [tilespmem:s16], [sflag:$0x2], $0x80, s23, s15, $0xb8;
	[tilespmem:$0x1D000] =	vst v63  }
0x1c2: {  	_ =	swait.ge [sflag:s13], $0x4000  }
0x1c3: {  	[sflag:s13] =	ssyncset.done $0x0  }
0x1c4: {  	[sflag:s13] =	ssyncadd.s32 $0xFFFFC000  }
0x1c5: {  	[tilespmem:s12], [sflag:$0x1] =	stream.indirect.gather [hbm4b:s1+s15], $0x80, s24, s15, $0xb8;
	[tilespmem:$0x1D000] =	vst v63  }
0x1c6: {  	_ = 	snop  }
0x1c7: {  	[tilespmem:s16], [sflag:$0x1] =	stream.indirect.gather [hbm4b:s1+s15], $0x80, s25, s15, $0xb8;
	[tilespmem:$0x1D000] =	vst v63  }
0x1c8: {  	_ =	swait.ge [sflag:s17], $0x4000  }
0x1c9: {  	[sflag:s17] =	ssyncset.done $0x0  }
0x1ca: {  	[sflag:s17] =	ssyncadd.s32 $0xFFFFC000  }
0x1cb: {  	_ =	swait.ge [sflag:s17], $0x4000  }
0x1cc: {  	[sflag:s17] =	ssyncset.done $0x0  }
0x1cd: {  	[sflag:s17] =	ssyncadd.s32 $0xFFFFC000  }
0x1ce: {  	[spmem:s3] =	stream.indirect.scatter.add.f32 [tilespmem:s12], [sflag:$0x2], $0x80, s26, s15, $0xb8;
	[tilespmem:$0x1D000] =	vst v63  }
0x1cf: {  	_ =	swait.ge [sflag:s13], $0x4000  }
0x1d0: {  	[sflag:s13] =	ssyncset.done $0x0  }
0x1d1: {  	[sflag:s13] =	ssyncadd.s32 $0xFFFFC000  }
0x1d2: {  	[spmem:s3] =	stream.indirect.scatter.add.f32 [tilespmem:s16], [sflag:$0x2], $0x80, s28, s15, $0xb8;
	[tilespmem:$0x1D000] =	vst v63  }
0x1d3: {  	_ =	swait.ge [sflag:s13], $0x4000  }
0x1d4: {  	[sflag:s13] =	ssyncset.done $0x0  }
0x1d5: {  	[sflag:s13] =	ssyncadd.s32 $0xFFFFC000  }
0x1d6: {  	[tilespmem:s12], [sflag:$0x1] =	stream.indirect.gather [hbm4b:s1+s15], $0x80, s29, s15, $0xb8;
	[tilespmem:$0x1D000] =	vst v63  }
0x1d7: {  	_ = 	snop  }
0x1d8: {  	[tilespmem:s16], [sflag:$0x1] =	stream.indirect.gather [hbm4b:s1+s15], $0x80, s30, s15, $0xb8;
	[tilespmem:$0x1D000] =	vst v63  }
0x1d9: {  	_ =	swait.ge [sflag:s17], $0x4000  }
0x1da: {  	[sflag:s17] =	ssyncset.done $0x0  }
0x1db: {  	[sflag:s17] =	ssyncadd.s32 $0xFFFFC000  }
0x1dc: {  	_ =	swait.ge [sflag:s17], $0x4000  }
0x1dd: {  	[sflag:s17] =	ssyncset.done $0x0  }
0x1de: {  	[sflag:s17] =	ssyncadd.s32 $0xFFFFC000  }
0x1df: {  	[spmem:s3] =	stream.indirect.scatter.add.f32 [tilespmem:s12], [sflag:$0x2], $0x80, s31, s15, $0xb8;
	[tilespmem:$0x1D000] =	vst v63  }
0x1e0: {  	_ =	swait.ge [sflag:s13], $0x4000  }
0x1e1: {  	[sflag:s13] =	ssyncset.done $0x0  }
0x1e2: {  	[sflag:s13] =	ssyncadd.s32 $0xFFFFC000  }
0x1e3: {  	[spmem:s3] =	stream.indirect.scatter.add.f32 [tilespmem:s16], [sflag:$0x2], $0x80, s0, s15, $0xb8;
	[tilespmem:$0x1D000] =	vst v63  }
0x1e4: {  	_ =	swait.ge [sflag:s13], $0x4000  }
0x1e5: {  	[sflag:s13] =	ssyncset.done $0x0  }
0x1e6: {  	[sflag:s13] =	ssyncadd.s32 $0xFFFFC000  }
0x1e7: {  	[tilespmem:s12], [sflag:$0x1] =	stream.indirect.gather [hbm4b:s1+s15], $0x80, s2, s15, $0xb8;
	[tilespmem:$0x1D000] =	vst v63  }
0x1e8: {  	_ = 	snop  }
0x1e9: {  	[tilespmem:s16], [sflag:$0x1] =	stream.indirect.gather [hbm4b:s1+s15], $0x80, s6, s15, $0xb8;
	[tilespmem:$0x1D000] =	vst v63  }
0x1ea: {  	_ =	swait.ge [sflag:s17], $0x4000  }
0x1eb: {  	[sflag:s17] =	ssyncset.done $0x0  }
0x1ec: {  	[sflag:s17] =	ssyncadd.s32 $0xFFFFC000  }
0x1ed: {  	_ =	swait.ge [sflag:s17], $0x4000  }
0x1ee: {  	[sflag:s17] =	ssyncset.done $0x0  }
0x1ef: {  	[sflag:s17] =	ssyncadd.s32 $0xFFFFC000  }
0x1f0: {  	[spmem:s3] =	stream.indirect.scatter.add.f32 [tilespmem:s12], [sflag:$0x2], $0x80, s7, s15, $0xb8;
	[tilespmem:$0x1D000] =	vst v63  }
0x1f1: {  	_ =	swait.ge [sflag:s13], $0x4000  }
0x1f2: {  	[sflag:s13] =	ssyncset.done $0x0  }
0x1f3: {  	[sflag:s13] =	ssyncadd.s32 $0xFFFFC000  }
0x1f4: {  	[spmem:s3] =	stream.indirect.scatter.add.f32 [tilespmem:s16], [sflag:$0x2], $0x80, s8, s15, $0xb8;
	[tilespmem:$0x1D000] =	vst v63  }
0x1f5: {  	_ =	swait.ge [sflag:s13], $0x4000  }
0x1f6: {  	[sflag:s13] =	ssyncset.done $0x0  }
0x1f7: {  	[sflag:s13] =	ssyncadd.s32 $0xFFFFC000  }
0x1f8: {  	s9 =	stileid.u32;
	[bflag:$0x0] =	sbarrier.arrive $0xFFFF  }
0x1f9: {  	s5 =	sshll.u32 s9, $0x6;
	s10 =	rddreg [dreg:$0x11]  }
0x1fa: {  	s5 =	sor.u32 $0x1C02, s5;
	s11 =	rddreg [dreg:$0x16];
	s9 =	sshrl.u32 s10, $0x3  }
0x1fb: {  	[hbm:s11], [sflag:s5] =	dma.local [spmem:s9], $0x2800  }
0x1fc: {  	_ =	swait.ge [sflag:s13], $0x2800  }
0x1fd: {  	s10 =	rddreg [dreg:$0x18]  }
0x1fe: {  	s11 =	rddreg [dreg:$0x17];
	s9 =	sadd.s32 $0x1, s10  }
0x1ff: {  	p0 =	sne.s32 s9, s11  }
.Ltmp2:
0x200: {  	_ = 	snop;
	(pc) =	sbr.rel @p0 .LBB2_1-.Ltmp2, $3  }
0x201: {  	_ =	sdelay $0x1  }
0x202: {  	[sflag:s13] =	ssyncset.done $0x0  }
0x203: {  	[sflag:s13] =	ssyncadd.s32 $0xFFFFD800  }
0x204: {  	_ =	sfence.sel $0x180000  }
0x205: {  	[bflag:$0x0] =	sbarrier.arrive $0xFFFF  }
0x206: {  	_ =	strace $0x9000004D  }
0x207: {  	s0 =	stileid.u32;
	[bflag:$0x2] =	sbarrier.arrive $0xFFFF  }
0x208: {  	p0 =	sne.s32 s0, $0x0;
	s0 =	rddreg [dreg:$0x3]  }
0x209: {  	s0 =	sadd.s32 @!p0 $0x100000, s0  }
0x20a: {  	[sflag:s0] =	ssyncadd.tile.s32 @!p0 $0x1;
	_ =	shalt  }
.Lfunc_end2:
_tile_overlayer_lowered:
.L_overlay_start_2:
0x20b: {  	(tag) =	ssettag $0x2  }
0x20c: {  	s0 =	rddreg [dreg:$0x0];
	s2 =	stileid.u32  }
0x20d: {  	s1 =	rddreg [dreg:$0x1];
	p0 =	sne.s32 s2, $0x0  }
0x20e: {  	s3 =	rddreg [dreg:$0x2];
	[bflag:$0x3] =	sbarrier.arrive $0xFFFF;
	s2 =	simm.s32 @!p0 $0x1C02  }
0x20f: {  	[timem:s3], [sflag:s2] =	dma.local @!p0 [hbm:s0], s1  }
0x210: {  	s0 =	simm.s32 @!p0 $0x2  }
0x211: {  	_ =	swait.ge @!p0 [sflag:s0], s1  }
0x212: {  	s1 =	ssub.s32 @!p0 $0x0, s1;
	[sflag:s0] =	ssyncset.done @!p0 $0x0  }
0x213: {  	[sflag:s0] =	ssyncadd.s32 @!p0 s1  }
0x214: {  	[bflag:$0x3] =	sbarrier.arrive $0xFFFF  }
0x215: {  	_ =	shalt  }

// kernel: kernel.8.cloned.1.call-start
scs
__scs_entry_jumppad:
0x0: {  	(pc) =	sbr.rel $0x88, $3  }
0x1: {  	(tag) =	ssettag $0x0;
	lr =	simm.s32 $0x1  }
0x2: {  	[smem:$0x3F9B] =	sst lr;
	_ =	strace $0xD0000000  }
0x3: {  	_ = 	snop  }
0x4: {  	_ = 	snop  }
0x5: {  	_ = 	snop  }
0x6: {  	_ = 	snop  }
0x7: {  	_ = 	snop  }
__scs_overlays_trampoline_lowered:
0x8: {  	[smem:$0x3FAA] =	sst s0  }
0x9: {  	[smem:$0x3FAB] =	sst s1  }
0xa: {  	[smem:$0x3FAC] =	sst s2  }
0xb: {  	[smem:$0x3FAD] =	sst s3  }
0xc: {  	[smem:$0x3FAE] =	sst s4  }
0xd: {  	[smem:$0x3FAF] =	sst s5  }
0xe: {  	[smem:$0x3FB0] =	sst s6  }
0xf: {  	[smem:$0x3FB1] =	sst s7  }
0x10: {  	[smem:$0x3FB2] =	sst s8  }
0x11: {  	[smem:$0x3FB3] =	sst s9;
	s0 =	simm.s32 @!p0 $0x0  }
0x12: {  	s1 =	sld [smem:$0x3F99];
	s0 =	simm.s32 @p0 $0x1  }
0x13: {  	[smem:$0x3FB4] =	sst s0;
	s0 =	simm.s32 @!p1 $0x0  }
0x14: {  	s2 =	sld [smem:$0x3F98];
	s0 =	simm.s32 @p1 $0x1  }
0x15: {  	[smem:$0x3FB5] =	sst s0;
	s0 =	simm.s32 @!p2 $0x0  }
0x16: {  	s3 =	sld [smem:$0x3FDB];
	s0 =	simm.s32 @p2 $0x1  }
0x17: {  	s4 =	simm.s32 $0x1BF5;
	[smem:$0x3FB7] =	sst s0  }
0x18: {  	s0 =	sld [smem:$0x3F9A];
	_ =	swait.ge [sflag:s4], $0x0  }
0x19: {  	s7 =	sld [smem:$0x3F9B]  }
0x1a: {  	s8 =	sadd.s32 $0xFFFFE003, lr  }
0x1b: {  	s9 =	sadd.s32 $0xFFFFFEF7, lr;
	s5 =	simm.s32 $0xFFFFFFFF;
	p2 =	slt.u32 s8, $0xFFFFF086  }
0x1c: {  	p1 =	slt.u32 s9, $0xF7A;
	s5 =	simm.s32 @!p2 $0x0  }
0x1d: {  	s5 =	simm.s32 @p1 $0x1;
	p0 =	seq.s32 s7, s2  }
0x1e: {  	s7 =	smul.u32 @!p0 $0xF7A, s2;
	p2 =	seq.s32 @!p0 s5, $0x0  }
0x1f: {  	s9 =	smul.u32 $0xF7A, s1;
	s8 =	simm.s32 @!p0 $0x1BF5;
	p2 =	por !p2, p0  }
0x20: {  	[sflag:s8] =	ssyncset.s32 @!p0 $0xFFFFF086;
	s6 =	sadd.s32 @!p0 s3, s7;
	s7 =	simm.s32 @!p0 $0x108  }
0x21: {  	s3 =	sadd.s32 s3, s9;
	s6 =	sadd.s32 @!p0 $0x88, s6;
	s7 =	simm.s32 @p2 $0x1082  }
0x22: {  	[simem:s7], [sflag:s8] =	dma.local @!p0 [hbm:s6], $0xF7A  }
0x23: {  	s9 =	sor.u32 $0xD0000000, s2;
	s6 =	simm.s32 $0x108;
	_ =	swait.ge @!p0 [sflag:s8], $0x0  }
0x24: {  	s3 =	sadd.s32 $0x88, s3;
	s6 =	simm.s32 @!p1 $0x1082;
	[sflag:s4] =	ssyncset.s32 $0xFFFFF086  }
0x25: {  	[simem:s6], [sflag:s4] =	dma.local [hbm:s3], $0xF7A  }
0x26: {  	[smem:$0x3F9B] =	sst s1;
	(tag) =	ssettag s2;
	_ =	strace s9  }
0x27: {  	s1 =	sld [smem:$0x3FAB]  }
0x28: {  	s2 =	sld [smem:$0x3FAC]  }
0x29: {  	s4 =	sld [smem:$0x3FAE]  }
0x2a: {  	p0 =	seq.s32 s5, $0x0;
	s5 =	sld [smem:$0x3FAF]  }
0x2b: {  	s6 =	sld [smem:$0x3FB0]  }
0x2c: {  	s7 =	sld [smem:$0x3FB1]  }
0x2d: {  	s3 =	simm.s32 $0x108;
	s8 =	sld [smem:$0x3FB2]  }
0x2e: {  	s3 =	simm.s32 @!p0 $0x1082;
	s9 =	sld [smem:$0x3FB3]  }
0x2f: {  	lr =	sadd.s32 s0, s3;
	s0 =	sld [smem:$0x3FAA]  }
0x30: {  	s3 =	sld [smem:$0x3FAD]  }
0x31: {  	[smem:$0x3FB6] =	sst s10  }
0x32: {  	s10 =	sld [smem:$0x3FB4];
	_ =	sdelay $0x3  }
0x33: {  	p0 =	seq.s32 s10, $0x1;
	s10 =	sld [smem:$0x3FB6];
	_ =	sdelay $0x3  }
0x34: {  	[smem:$0x3FB6] =	sst s10  }
0x35: {  	s10 =	sld [smem:$0x3FB5];
	_ =	sdelay $0x3  }
0x36: {  	p1 =	seq.s32 s10, $0x1;
	s10 =	sld [smem:$0x3FB6];
	_ =	sdelay $0x3  }
0x37: {  	[smem:$0x3FB6] =	sst s10  }
0x38: {  	s10 =	sld [smem:$0x3FB7]  }
0x39: {  	_ = 	snop;
	(pc) =	sbr.ind lr, $3  }
0x3a: {  	_ = 	snop  }
0x3b: {  	_ = 	snop  }
0x3c: {  	p2 =	seq.s32 s10, $0x1;
	s10 =	sld [smem:$0x3FB6]  }
0x3d: {  	_ =	shalt  }
0x3e: {  	_ =	shalt  }
0x3f: {  	_ =	shalt  }
0x40: {  	_ =	shalt  }
0x41: {  	_ =	shalt  }
0x42: {  	_ =	shalt  }
0x43: {  	_ =	shalt  }
0x44: {  	_ =	shalt  }
0x45: {  	_ =	shalt  }
0x46: {  	_ =	shalt  }
0x47: {  	_ =	shalt  }
0x48: {  	_ =	shalt  }
0x49: {  	_ =	shalt  }
0x4a: {  	_ =	shalt  }
0x4b: {  	_ =	shalt  }
0x4c: {  	_ =	shalt  }
0x4d: {  	_ =	shalt  }
0x4e: {  	_ =	shalt  }
0x4f: {  	_ =	shalt  }
0x50: {  	_ =	shalt  }
0x51: {  	_ =	shalt  }
0x52: {  	_ =	shalt  }
0x53: {  	_ =	shalt  }
0x54: {  	_ =	shalt  }
0x55: {  	_ =	shalt  }
0x56: {  	_ =	shalt  }
0x57: {  	_ =	shalt  }
0x58: {  	_ =	shalt  }
0x59: {  	_ =	shalt  }
0x5a: {  	_ =	shalt  }
0x5b: {  	_ =	shalt  }
0x5c: {  	_ =	shalt  }
0x5d: {  	_ =	shalt  }
0x5e: {  	_ =	shalt  }
0x5f: {  	_ =	shalt  }
0x60: {  	_ =	shalt  }
0x61: {  	_ =	shalt  }
0x62: {  	_ =	shalt  }
0x63: {  	_ =	shalt  }
0x64: {  	_ =	shalt  }
0x65: {  	_ =	shalt  }
0x66: {  	_ =	shalt  }
0x67: {  	_ =	shalt  }
0x68: {  	_ =	shalt  }
0x69: {  	_ =	shalt  }
0x6a: {  	_ =	shalt  }
0x6b: {  	_ =	shalt  }
0x6c: {  	_ =	shalt  }
0x6d: {  	_ =	shalt  }
0x6e: {  	_ =	shalt  }
0x6f: {  	_ =	shalt  }
0x70: {  	_ =	shalt  }
0x71: {  	_ =	shalt  }
0x72: {  	_ =	shalt  }
0x73: {  	_ =	shalt  }
0x74: {  	_ =	shalt  }
0x75: {  	_ =	shalt  }
0x76: {  	_ =	shalt  }
0x77: {  	_ =	shalt  }
0x78: {  	_ =	shalt  }
0x79: {  	_ =	shalt  }
0x7a: {  	_ =	shalt  }
0x7b: {  	_ =	shalt  }
0x7c: {  	_ =	shalt  }
0x7d: {  	_ =	shalt  }
0x7e: {  	_ =	shalt  }
0x7f: {  	_ =	shalt  }
0x80: {  	_ =	shalt  }
0x81: {  	_ =	shalt  }
0x82: {  	_ =	shalt  }
0x83: {  	_ =	shalt  }
0x84: {  	_ =	shalt  }
0x85: {  	_ =	shalt  }
0x86: {  	_ =	shalt  }
0x87: {  	_ =	shalt  }
.Lfunc_end0:
.L_simem_size_0:
called_computation_lowered:
.L_overlay_start_0:
0x88: {  	s2 =	sld [smem:$0x3FD9]  }
0x89: {  	s3 =	sld [smem:$0x3FFE];
	_ =	sdelay $0x1  }
0x8a: {  	s1 =	srdreg.scid  }
0x8b: {  	s0 =	sand.u32 $0x1, s1  }
0x8c: {  	s17 =	sshll.u32 s0, $0xA;
	s2 =	sadd.s32 s3, s2  }
0x8d: {  	s2 =	sadd.s32 s2, s17  }
0x8e: {  	[smem:$0x3FC2] =	sst s2  }
0x8f: {  	_ = 	snop  }
0x90: {  	s2 =	sld [smem:$0x3FD0];
	(tm) =	ssettm $0x1  }
0x91: {  	s18 =	sld [smem:$0x3FFB];
	_ =	sdelay $0x3  }
0x92: {  	_ =	strace s18  }
0x93: {  	s3 =	sld [smem:$0x3FFC];
	_ =	sdelay $0x3  }
0x94: {  	_ =	strace s3  }
0x95: {  	s3 =	sld [smem:$0x3FFD];
	_ =	sdelay $0x3  }
0x96: {  	_ =	strace s3  }
0x97: {  	_ =	strace $0x8FFFFFFF  }
0x98: {  	s19 =	sld [smem:$0x3FDB];
	_ =	sdelay $0x1  }
0x99: {  	s4 =	simm.s32 $_scs_section_size  }
0x9a: {  	s5 =	simm.s32 $_size__tile_overlayer_lowered;
	s6 =	simm.s32 $_tile_overlayer_lowered  }
0x9b: {  	s22 =	simm.s32 $0x1BFF;
	s21 =	sshll.u32 s6, $0x1;
	s3 =	sadd.s32 s4, s19  }
0x9c: {  	s7 =	simm.s32 $0x0;
	s20 =	sshll.u32 s5, $0x1;
	s5 =	sadd.s32 s21, s3  }
0x9d: {  	[timem:s7], [sflag:s22] =	dma.local [hbm:s5], s20  }
0x9e: {  	_ =	swait.ge [sflag:s22], s20  }
0x9f: {  	s4 =	ssub.s32 $0x0, s20;
	[sflag:s22] =	ssyncset.done $0x0  }
0xa0: {  	[sflag:s22] =	ssyncadd.s32 s4;
	_ =	sdelay $0x1  }
0xa1: {  	s23 =	simm.s32 $0x1B8B  }
0xa2: {  	_ =	swait.ge [sflag:s23], $0x1  }
0xa3: {  	[sflag:s23] =	ssyncset.done $0x0  }
0xa4: {  	s25 =	simm.s32 $0x1B8E;
	s24 =	sld [smem:$0x3FFE];
	[sflag:s23] =	ssyncadd.s32 $0xFFFFFFFF  }
0xa5: {  	s26 =	simm.s32 $execute0_lowered;
	[smem:$0x3FD2] =	sst s25  }
0xa6: {  	s5 =	sshll.u32 s26, $0x1;
	_ =	strace $0x80000046;
	[dreg:$0x1] =	wrdreg $0xFFFFFFFF  }
0xa7: {  	s28 =	simm.s32 $_size_execute0_lowered;
	s3 =	sadd.s32 s3, s5;
	[dreg:$0x0] =	wrdreg $0x0  }
0xa8: {  	s5 =	sshll.u32 s28, $0x1;
	[dreg:$0x2] =	wrdreg s3  }
0xa9: {  	[dreg:$0x3] =	wrdreg s5  }
0xaa: {  	[dreg:$0x4] =	wrdreg $0xC0  }
0xab: {  	_ =	task [dreg:s7], $0x5FFFF  }
0xac: {  	[dreg:$0x1] =	wrdreg $0xFFFFFFFF  }
0xad: {  	[dreg:$0x0] =	wrdreg $0x60  }
0xae: {  	[dreg:$0x2] =	wrdreg s2  }
0xaf: {  	[dreg:$0x3] =	wrdreg s24  }
0xb0: {  	[dreg:$0x4] =	wrdreg $0x158000  }
0xb1: {  	[dreg:$0x5] =	wrdreg $0x9  }
0xb2: {  	_ =	task.clear_ibuf [dreg:s7], $0x6FFFF;
	_ =	strace $0x90000046  }
0xb3: {  	s29 =	simm.s32 $0x9;
	_ =	strace $0x80000048  }
0xb4: {  	_ =	swait.ge [sflag:s29], $0x1  }
0xb5: {  	[sflag:s29] =	ssyncadd.s32 $0xFFFFFFFF  }
0xb6: {  	_ =	strace $0x90000048  }
0xb7: {  	_ =	sfence  }
0xb8: {  	s30 =	sld [smem:$0x0];
	_ =	sdelay $0x2  }
0xb9: {  	s31 =	sshll.u32 s1, $0xD;
	s1 =	sshrl.u32 s1, $0x2  }
0xba: {  	s3 =	sand.u32 $0x4000, s31;
	s1 =	sadd.s32 s1, s30  }
0xbb: {  	s0 =	sor.u32 s3, s0;
	s1 =	sshll.u32 s1, $0x11  }
0xbc: {  	s0 =	sor.u32 s1, s0  }
0xbd: {  	s0 =	sadd.s32 $0x8F2B, s0  }
0xbe: {  	[sflag:s0] =	ssyncadd.remote.s32 $0x1  }
0xbf: {  	_ =	sfence.sel $0xFFFF  }
0xc0: {  	[dreg:$0x0] =	wrdreg $0xFFFFFFFF;
	(pc) =	sbr.abs _section_cstart, $3  }
0xc1: {  	[dreg:$0x1] =	wrdreg $0xFFFFFFFF  }
0xc2: {  	_ =	task.clear_ibuf [dreg:s7], $0x2FFFF;
	_ =	strace $0x9FFFFFFF  }
0xc3: {  	(tm) =	ssettm $0x7FFFFFFF  }
tec
execute0_lowered:
.L_overlay_start_1:
0x0: {  	(tag) =	ssettag $0x1  }
0x1: {  	s0 =	rddreg [dreg:$0x0]  }
0x2: {  	s1 =	rddreg [dreg:$0x1]  }
0x3: {  	s2 =	rddreg [dreg:$0x2];
	s3 =	srdreg.scid  }
0x4: {  	s4 =	simm.s32 $0x0;
	s8 =	stileid.u32;
	s23 =	simm.s32 $0x1  }
0x5: {  	s24 =	simm.s32 $0x5000;
	s29 =	simm.s32 $0x13000;
	s30 =	simm.s32 $0x13800  }
0x6: {  	s31 =	simm.s32 $0x14000;
	s3 =	sand.u32 $0x1, s3;
	[smem:$0x7FF] =	sst s4  }
0x7: {  	s25 =	sshll.u32 s8, $0xB;
	s6 =	sshll.u32 s8, $0x1;
	s28 =	sshll.u32 s8, $0xF  }
0x8: {  	s5 =	sshll.u32 s3, $0xF;
	_ =	strace $0x80000047;
	s7 =	ssub.s32 $0x2, s3  }
0x9: {  	s3 =	sor.u32 s3, s6;
	s5 =	sor.u32 s25, s5;
	s26 =	sshrl.u32 s7, $0x1  }
0xa: {  	s6 =	smul.u32 $0xA00, s3;
	s3 =	sadd.s32 s25, s2;
	s5 =	sshrl.u32 s5, $0x3  }
0xb: {  	s22 =	ssub.s32 s7, s26;
	s7 =	sadd.s32 $0x10000, s3;
	s8 =	sadd.s32 $0x18000, s3  }
0xc: {  	s9 =	sadd.s32 $0x20000, s3;
	s10 =	sadd.s32 $0x28000, s3;
	s11 =	sadd.s32 $0x30000, s3  }
0xd: {  	s12 =	sadd.s32 $0x38000, s3;
	s13 =	sadd.s32 $0x40000, s3;
	s14 =	sadd.s32 $0x48000, s3  }
0xe: {  	s15 =	sadd.s32 $0x50000, s3;
	s16 =	sadd.s32 $0x58000, s3;
	s17 =	sadd.s32 $0x60000, s3  }
0xf: {  	s18 =	sadd.s32 $0x68000, s3;
	s19 =	sadd.s32 $0x70000, s3;
	s20 =	sadd.s32 $0x78000, s3  }
0x10: {  	s1 =	sadd.s32 s5, s1;
	s4 =	sadd.s32 s0, s6;
	s5 =	sadd.s32 s28, s2  }
0x11: {  	s6 =	sadd.s32 $0x8000, s3;
	s22 =	smax.u32 s22, $0x1;
	s0 =	simm.s32 $0x14800  }
0x12: {  	v0 =	vimm.f32 $0.0e+00;
	v1 =	vimm.f32 $1.000000000e+00;
	s2 =	simm.s32 $0x0;
	s21 =	sadd.s32 $0x1C00, s1;
	s1 =	simm.s32 $0x15000  }
.LBB2_1:
0x13: {  	s25 =	simm.s32 $0x0;
	s26 =	simm.s32 $0x200  }
.LBB2_2:
0x14: {  	p0 =	sne.s32 s26, $0x1FE00;
	[tilespmem:s25+$0x5070] =	vst v0  }
0x15: {  	[tilespmem:s25+$0x5000] =	vst v0  }
0x16: {  	[tilespmem:s25+$0x5010] =	vst v0  }
.Ltmp0:
0x17: {  	[tilespmem:s25+$0x5020] =	vst v0;
	(pc) =	sbr.rel @p0 .LBB2_2-.Ltmp0, $4  }
0x18: {  	[tilespmem:s25+$0x5030] =	vst v0  }
0x19: {  	[tilespmem:s25+$0x5040] =	vst v0  }
0x1a: {  	[tilespmem:s25+$0x5050] =	vst v0  }
0x1b: {  	[tilespmem:s25+$0x5060] =	vst v0;
	s25 =	sshra.s32 s26, $0x2;
	s26 =	sadd.s32 $0x200, s26  }
0x1c: {  	[tilespmem:s25+$0x5070] =	vst v0  }
0x1d: {  	[tilespmem:s25+$0x5000] =	vst v0  }
0x1e: {  	[tilespmem:s25+$0x5010] =	vst v0  }
0x1f: {  	[tilespmem:s25+$0x5020] =	vst v0  }
0x20: {  	[tilespmem:s25+$0x5030] =	vst v0  }
0x21: {  	[tilespmem:s25+$0x5040] =	vst v0  }
0x22: {  	[tilespmem:s25+$0x5050] =	vst v0  }
0x23: {  	[tilespmem:s25+$0x5060] =	vst v0;
	s25 =	simm.s32 $0x0  }
0x24: {  	[tilespmem:s25], [sflag:$0x1] =	stream.linear.gather [hbm4b:s4+s25], $0x5000, $0x38;
	[tilespmem:$0x1D800] =	vst v63  }
0x25: {  	_ =	swait.ge [sflag:s23], $0x5000  }
0x26: {  	[sflag:s23] =	ssyncset.done $0x0  }
0x27: {  	[sflag:s23] =	ssyncadd.s32 $0xFFFFB000  }
.LBB2_4:
0x28: {  	s26 =	sshra.s32 s25, $0x2  }
0x29: {  	v2 =	vld [tilespmem:s26+$0x0];
	_ =	sdelay $0x7  }
0x2a: {  	[tilespmem:v2+s24+$0x0] =	vst.idx.add.f32.msk $0xffff, v1  }
0x2b: {  	v2 =	vld [tilespmem:s26+$0x10];
	_ =	sdelay $0x7  }
0x2c: {  	[tilespmem:v2+s24+$0x0] =	vst.idx.add.f32.msk $0xffff, v1  }
0x2d: {  	v2 =	vld [tilespmem:s26+$0x20];
	_ =	sdelay $0x7  }
0x2e: {  	[tilespmem:v2+s24+$0x0] =	vst.idx.add.f32.msk $0xffff, v1  }
0x2f: {  	v2 =	vld [tilespmem:s26+$0x30];
	_ =	sdelay $0x7  }
0x30: {  	[tilespmem:v2+s24+$0x0] =	vst.idx.add.f32.msk $0xffff, v1  }
0x31: {  	v2 =	vld [tilespmem:s26+$0x40];
	_ =	sdelay $0x7  }
0x32: {  	[tilespmem:v2+s24+$0x0] =	vst.idx.add.f32.msk $0xffff, v1  }
0x33: {  	v2 =	vld [tilespmem:s26+$0x50];
	_ =	sdelay $0x7  }
0x34: {  	[tilespmem:v2+s24+$0x0] =	vst.idx.add.f32.msk $0xffff, v1  }
0x35: {  	v2 =	vld [tilespmem:s26+$0x60];
	_ =	sdelay $0x7  }
0x36: {  	[tilespmem:v2+s24+$0x0] =	vst.idx.add.f32.msk $0xffff, v1  }
0x37: {  	v2 =	vld [tilespmem:s26+$0x70];
	_ =	sdelay $0x2  }
0x38: {  	p0 =	sne.s32 s25, $0x13E00  }
.Ltmp1:
0x39: {  	_ = 	snop;
	(pc) =	sbr.rel @p0 .LBB2_4-.Ltmp1, $2  }
0x3a: {  	_ =	sdelay $0x2  }
0x3b: {  	s25 =	sadd.s32 $0x200, s25;
	[tilespmem:v2+s24+$0x0] =	vst.idx.add.f32.msk $0xffff, v1  }
0x3c: {  	[spmem:s5] =	stream.linear.scatter [tilespmem:s24], [sflag:$0x1], $0x8000, $0x38;
	[tilespmem:$0x1D800] =	vst v63  }
0x3d: {  	_ =	swait.ge [sflag:s23], $0x8000  }
0x3e: {  	[sflag:s23] =	ssyncset.done $0x0  }
0x3f: {  	[sflag:s23] =	ssyncadd.s32 $0xFFFF8000  }
0x40: {  	s25 =	simm.s32 $0xD000;
	[bflag:$0x0] =	sbarrier.arrive $0xFFFF  }
0x41: {  	[tilespmem:s25], [sflag:$0x1] =	stream.linear.gather [spmem:s3], $0x800, $0x38;
	[tilespmem:$0x1D800] =	vst v63  }
0x42: {  	_ =	swait.ge [sflag:s23], $0x800  }
0x43: {  	[sflag:s23] =	ssyncset.done $0x0  }
0x44: {  	s26 =	simm.s32 $0xD800;
	[sflag:s23] =	ssyncadd.s32 $0xFFFFF800  }
0x45: {  	[tilespmem:s26], [sflag:$0x1] =	stream.linear.gather [spmem:s6], $0x800, $0x38;
	[tilespmem:$0x1D800] =	vst v63  }
0x46: {  	_ =	swait.ge [sflag:s23], $0x800  }
0x47: {  	[sflag:s23] =	ssyncset.done $0x0  }
0x48: {  	s26 =	simm.s32 $0xE000;
	[sflag:s23] =	ssyncadd.s32 $0xFFFFF800  }
0x49: {  	[tilespmem:s26], [sflag:$0x1] =	stream.linear.gather [spmem:s7], $0x800, $0x38;
	[tilespmem:$0x1D800] =	vst v63  }
0x4a: {  	_ =	swait.ge [sflag:s23], $0x800  }
0x4b: {  	[sflag:s23] =	ssyncset.done $0x0  }
0x4c: {  	s26 =	simm.s32 $0xE800;
	[sflag:s23] =	ssyncadd.s32 $0xFFFFF800  }
0x4d: {  	[tilespmem:s26], [sflag:$0x1] =	stream.linear.gather [spmem:s8], $0x800, $0x38;
	[tilespmem:$0x1D800] =	vst v63  }
0x4e: {  	_ =	swait.ge [sflag:s23], $0x800  }
0x4f: {  	[sflag:s23] =	ssyncset.done $0x0  }
0x50: {  	s26 =	simm.s32 $0xF000;
	[sflag:s23] =	ssyncadd.s32 $0xFFFFF800  }
0x51: {  	[tilespmem:s26], [sflag:$0x1] =	stream.linear.gather [spmem:s9], $0x800, $0x38;
	[tilespmem:$0x1D800] =	vst v63  }
0x52: {  	_ =	swait.ge [sflag:s23], $0x800  }
0x53: {  	[sflag:s23] =	ssyncset.done $0x0  }
0x54: {  	s26 =	simm.s32 $0xF800;
	[sflag:s23] =	ssyncadd.s32 $0xFFFFF800  }
0x55: {  	[tilespmem:s26], [sflag:$0x1] =	stream.linear.gather [spmem:s10], $0x800, $0x38;
	[tilespmem:$0x1D800] =	vst v63  }
0x56: {  	_ =	swait.ge [sflag:s23], $0x800  }
0x57: {  	[sflag:s23] =	ssyncset.done $0x0  }
0x58: {  	s26 =	simm.s32 $0x10000;
	[sflag:s23] =	ssyncadd.s32 $0xFFFFF800  }
0x59: {  	[tilespmem:s26], [sflag:$0x1] =	stream.linear.gather [spmem:s11], $0x800, $0x38;
	[tilespmem:$0x1D800] =	vst v63  }
0x5a: {  	_ =	swait.ge [sflag:s23], $0x800  }
0x5b: {  	[sflag:s23] =	ssyncset.done $0x0  }
0x5c: {  	s26 =	simm.s32 $0x10800;
	[sflag:s23] =	ssyncadd.s32 $0xFFFFF800  }
0x5d: {  	[tilespmem:s26], [sflag:$0x1] =	stream.linear.gather [spmem:s12], $0x800, $0x38;
	[tilespmem:$0x1D800] =	vst v63  }
0x5e: {  	_ =	swait.ge [sflag:s23], $0x800  }
0x5f: {  	[sflag:s23] =	ssyncset.done $0x0  }
0x60: {  	s26 =	simm.s32 $0x11000;
	[sflag:s23] =	ssyncadd.s32 $0xFFFFF800  }
0x61: {  	[tilespmem:s26], [sflag:$0x1] =	stream.linear.gather [spmem:s13], $0x800, $0x38;
	[tilespmem:$0x1D800] =	vst v63  }
0x62: {  	_ =	swait.ge [sflag:s23], $0x800  }
0x63: {  	[sflag:s23] =	ssyncset.done $0x0  }
0x64: {  	s26 =	simm.s32 $0x11800;
	[sflag:s23] =	ssyncadd.s32 $0xFFFFF800  }
0x65: {  	[tilespmem:s26], [sflag:$0x1] =	stream.linear.gather [spmem:s14], $0x800, $0x38;
	[tilespmem:$0x1D800] =	vst v63  }
0x66: {  	_ =	swait.ge [sflag:s23], $0x800  }
0x67: {  	[sflag:s23] =	ssyncset.done $0x0  }
0x68: {  	s26 =	simm.s32 $0x12000;
	[sflag:s23] =	ssyncadd.s32 $0xFFFFF800  }
0x69: {  	[tilespmem:s26], [sflag:$0x1] =	stream.linear.gather [spmem:s15], $0x800, $0x38;
	[tilespmem:$0x1D800] =	vst v63  }
0x6a: {  	_ =	swait.ge [sflag:s23], $0x800  }
0x6b: {  	[sflag:s23] =	ssyncset.done $0x0  }
0x6c: {  	s26 =	simm.s32 $0x12800;
	[sflag:s23] =	ssyncadd.s32 $0xFFFFF800  }
0x6d: {  	[tilespmem:s26], [sflag:$0x1] =	stream.linear.gather [spmem:s16], $0x800, $0x38;
	[tilespmem:$0x1D800] =	vst v63  }
0x6e: {  	_ =	swait.ge [sflag:s23], $0x800  }
0x6f: {  	[sflag:s23] =	ssyncset.done $0x0  }
0x70: {  	[sflag:s23] =	ssyncadd.s32 $0xFFFFF800  }
0x71: {  	[tilespmem:s29], [sflag:$0x1] =	stream.linear.gather [spmem:s17], $0x800, $0x38;
	[tilespmem:$0x1D800] =	vst v63  }
0x72: {  	_ =	swait.ge [sflag:s23], $0x800  }
0x73: {  	[sflag:s23] =	ssyncset.done $0x0  }
0x74: {  	[sflag:s23] =	ssyncadd.s32 $0xFFFFF800  }
0x75: {  	[tilespmem:s30], [sflag:$0x1] =	stream.linear.gather [spmem:s18], $0x800, $0x38;
	[tilespmem:$0x1D800] =	vst v63  }
0x76: {  	_ =	swait.ge [sflag:s23], $0x800  }
0x77: {  	[sflag:s23] =	ssyncset.done $0x0  }
0x78: {  	[sflag:s23] =	ssyncadd.s32 $0xFFFFF800  }
0x79: {  	[tilespmem:s31], [sflag:$0x1] =	stream.linear.gather [spmem:s19], $0x800, $0x38;
	[tilespmem:$0x1D800] =	vst v63  }
0x7a: {  	_ =	swait.ge [sflag:s23], $0x800  }
0x7b: {  	[sflag:s23] =	ssyncset.done $0x0  }
0x7c: {  	[sflag:s23] =	ssyncadd.s32 $0xFFFFF800  }
0x7d: {  	[tilespmem:s0], [sflag:$0x1] =	stream.linear.gather [spmem:s20], $0x800, $0x38;
	[tilespmem:$0x1D800] =	vst v63  }
0x7e: {  	_ =	swait.ge [sflag:s23], $0x800  }
0x7f: {  	[sflag:s23] =	ssyncset.done $0x0  }
0x80: {  	s25 =	simm.s32 $0x0;
	[sflag:s23] =	ssyncadd.s32 $0xFFFFF800  }
0x81: {  	v2 =	vld [tilespmem:s25+$0xD070]  }
0x82: {  	v3 =	vld [tilespmem:s25+$0xD870]  }
0x83: {  	v4 =	vld [tilespmem:s25+$0xD000]  }
0x84: {  	v5 =	vld [tilespmem:s25+$0xE070]  }
0x85: {  	v6 =	vld [tilespmem:s25+$0xD800]  }
0x86: {  	v7 =	vld [tilespmem:s25+$0xE870]  }
0x87: {  	v8 =	vld [tilespmem:s25+$0xD010]  }
0x88: {  	v11 =	vld [tilespmem:s25+$0xD820]  }
0x89: {  	v12 =	vld [tilespmem:s25+$0xD030]  }
0x8a: {  	v13 =	vld [tilespmem:s25+$0xD830]  }
0x8b: {  	v14 =	vld [tilespmem:s25+$0xD040]  }
0x8c: {  	v15 =	vld [tilespmem:s25+$0xD840]  }
0x8d: {  	v16 =	vld [tilespmem:s25+$0xD050]  }
0x8e: {  	v17 =	vld [tilespmem:s25+$0xD850]  }
0x8f: {  	v18 =	vld [tilespmem:s25+$0xD060]  }
0x90: {  	v19 =	vld [tilespmem:s25+$0xD860]  }
0x91: {  	v20 =	vld [tilespmem:s25+$0xE000]  }
0x92: {  	v21 =	vld [tilespmem:s25+$0xE020]  }
0x93: {  	v22 =	vld [tilespmem:s25+$0xE040]  }
0x94: {  	v23 =	vld [tilespmem:s25+$0xE060]  }
0x95: {  	v24 =	vld [tilespmem:s25+$0xE810]  }
0x96: {  	v25 =	vld [tilespmem:s25+$0xE820]  }
0x97: {  	v26 =	vld [tilespmem:s25+$0xE830]  }
0x98: {  	v27 =	vld [tilespmem:s25+$0xE840]  }
0x99: {  	v28 =	vld [tilespmem:s25+$0xE850]  }
0x9a: {  	v29 =	vld [tilespmem:s25+$0xE860]  }
0x9b: {  	v30 =	vld [tilespmem:s25+$0xF000]  }
0x9c: {  	v31 =	vld [tilespmem:s25+$0xF010]  }
0x9d: {  	v32 =	vld [tilespmem:s25+$0xF020]  }
0x9e: {  	v33 =	vld [tilespmem:s25+$0xF030]  }
0x9f: {  	v34 =	vld [tilespmem:s25+$0xF040]  }
0xa0: {  	v35 =	vld [tilespmem:s25+$0xF050]  }
0xa1: {  	v36 =	vld [tilespmem:s25+$0xF060]  }
0xa2: {  	v37 =	vld [tilespmem:s25+$0xF800]  }
0xa3: {  	v38 =	vld [tilespmem:s25+$0xF810]  }
0xa4: {  	v39 =	vld [tilespmem:s25+$0xF820]  }
0xa5: {  	v40 =	vld [tilespmem:s25+$0xF830]  }
0xa6: {  	v41 =	vld [tilespmem:s25+$0xF840]  }
0xa7: {  	v42 =	vld [tilespmem:s25+$0xF850]  }
0xa8: {  	v43 =	vld [tilespmem:s25+$0xF860]  }
0xa9: {  	v44 =	vld [tilespmem:s25+$0x10000]  }
0xaa: {  	v45 =	vld [tilespmem:s25+$0x10010]  }
0xab: {  	v46 =	vld [tilespmem:s25+$0x10020]  }
0xac: {  	v47 =	vld [tilespmem:s25+$0x10030]  }
0xad: {  	v48 =	vld [tilespmem:s25+$0x10040]  }
0xae: {  	v49 =	vld [tilespmem:s25+$0x10050]  }
0xaf: {  	v50 =	vld [tilespmem:s25+$0x10060]  }
0xb0: {  	v51 =	vld [tilespmem:s25+$0x10800]  }
0xb1: {  	v52 =	vld [tilespmem:s25+$0x10810]  }
0xb2: {  	v53 =	vld [tilespmem:s25+$0x10820]  }
0xb3: {  	v54 =	vld [tilespmem:s25+$0x10830]  }
0xb4: {  	v55 =	vld [tilespmem:s25+$0x10840]  }
0xb5: {  	v56 =	vld [tilespmem:s25+$0x10850]  }
0xb6: {  	v57 =	vld [tilespmem:s25+$0x10860]  }
0xb7: {  	v58 =	vld [tilespmem:s25+$0x11000]  }
0xb8: {  	v59 =	vld [tilespmem:s25+$0x11010]  }
0xb9: {  	v60 =	vld [tilespmem:s25+$0x11020]  }
0xba: {  	v61 =	vld [tilespmem:s25+$0x11030]  }
0xbb: {  	v62 =	vld [tilespmem:s25+$0x11040]  }
0xbc: {  	v63 =	vld [tilespmem:s25+$0x11050]  }
0xbd: {  	v2 =	vadd.f32 v3, v2;
	v3 =	vld [tilespmem:s25+$0xF070]  }
0xbe: {  	[tilespmem:$0x1FFD0] =	vst v8;
	v8 =	vld [tilespmem:s25+$0xD810]  }
0xbf: {  	v6 =	vadd.f32 v6, v4;
	v4 =	vld [tilespmem:s25+$0x11800]  }
0xc0: {  	v12 =	vadd.f32 v13, v12;
	v13 =	vadd.f32 v15, v14;
	v14 =	vld [tilespmem:s25+$0x11820]  }
0xc1: {  	v15 =	vadd.f32 v17, v16;
	v17 =	vld [tilespmem:s25+$0x11830]  }
0xc2: {  	v16 =	vadd.f32 v19, v18;
	v18 =	vld [tilespmem:s25+$0x12010]  }
0xc3: {  	v19 =	vld [tilespmem:s25+$0x12020]  }
0xc4: {  	v9 =	vld [tilespmem:$0x1FFD0];
	v2 =	vadd.f32 v5, v2  }
0xc5: {  	v5 =	vld [tilespmem:s25+$0xF870]  }
0xc6: {  	v2 =	vadd.f32 v7, v2;
	v7 =	vld [tilespmem:s25+$0x10070]  }
0xc7: {  	[tilespmem:$0x1FFE0] =	vst v8;
	v8 =	vld [tilespmem:s25+$0xD020]  }
0xc8: {  	v2 =	vadd.f32 v3, v2;
	v10 =	vld [tilespmem:$0x1FFE0]  }
0xc9: {  	v3 =	vld [tilespmem:s25+$0x10870]  }
0xca: {  	v6 =	vadd.f32 v20, v6;
	v20 =	vld [tilespmem:s25+$0x12030];
	v2 =	vadd.f32 v5, v2  }
0xcb: {  	v13 =	vadd.f32 v22, v13;
	v5 =	vld [tilespmem:s25+$0x11070]  }
0xcc: {  	v16 =	vadd.f32 v23, v16;
	[tilespmem:$0x1FFF0] =	vst v8;
	v2 =	vadd.f32 v7, v2;
	v7 =	vld [tilespmem:s25+$0x11870]  }
0xcd: {  	v13 =	vadd.f32 v27, v13;
	v9 =	vadd.f32 v10, v9;
	v10 =	vld [tilespmem:$0x1FFF0]  }
0xce: {  	v22 =	vld [tilespmem:s25+$0x12050];
	v2 =	vadd.f32 v3, v2  }
0xcf: {  	v16 =	vadd.f32 v29, v16;
	v13 =	vadd.f32 v34, v13;
	v3 =	vld [tilespmem:s25+$0x12070]  }
0xd0: {  	v23 =	vld [tilespmem:s25+$0x12060];
	v2 =	vadd.f32 v5, v2  }
0xd1: {  	v16 =	vadd.f32 v36, v16;
	v13 =	vadd.f32 v41, v13;
	v5 =	vld [tilespmem:s25+$0x12870]  }
0xd2: {  	v41 =	vld [tilespmem:s25+$0x12820];
	v2 =	vadd.f32 v7, v2;
	v10 =	vadd.f32 v11, v10  }
0xd3: {  	v16 =	vadd.f32 v43, v16;
	v7 =	vld [tilespmem:s25+$0x13070]  }
0xd4: {  	v43 =	vld [tilespmem:s25+$0x12830];
	v2 =	vadd.f32 v3, v2;
	v10 =	vadd.f32 v21, v10  }
0xd5: {  	v3 =	vld [tilespmem:s25+$0x13870]  }
0xd6: {  	v8 =	vld [tilespmem:s25+$0x11060];
	v2 =	vadd.f32 v5, v2;
	v10 =	vadd.f32 v25, v10  }
0xd7: {  	v13 =	vadd.f32 v48, v13;
	v5 =	vld [tilespmem:s25+$0x14070]  }
0xd8: {  	v48 =	vld [tilespmem:s25+$0x13010];
	v2 =	vadd.f32 v7, v2;
	v10 =	vadd.f32 v32, v10  }
0xd9: {  	v7 =	vld [tilespmem:s25+$0x14870]  }
0xda: {  	v2 =	vadd.f32 v3, v2;
	v3 =	vld [tilespmem:s25+$0xE010];
	v10 =	vadd.f32 v39, v10  }
0xdb: {  	v16 =	vadd.f32 v50, v16;
	v50 =	vld [tilespmem:s25+$0x13030]  }
0xdc: {  	v2 =	vadd.f32 v5, v2;
	v5 =	vld [tilespmem:s25+$0xE030];
	v10 =	vadd.f32 v46, v10  }
0xdd: {  	v13 =	vadd.f32 v55, v13;
	v55 =	vld [tilespmem:s25+$0x14010]  }
0xde: {  	v2 =	vadd.f32 v7, v2;
	v7 =	vld [tilespmem:s25+$0xE050];
	v10 =	vadd.f32 v53, v10  }
0xdf: {  	v16 =	vadd.f32 v57, v16;
	v3 =	vadd.f32 v3, v9;
	v9 =	vld [tilespmem:s25+$0x11840]  }
0xe0: {  	v13 =	vadd.f32 v62, v13;
	[tilespmem:s25+$0x15070] =	vst v2;
	v2 =	vld [tilespmem:s25+$0xE800];
	v10 =	vadd.f32 v60, v10  }
0xe1: {  	v57 =	vld [tilespmem:s25+$0x14030];
	v8 =	vadd.f32 v8, v16;
	v5 =	vadd.f32 v5, v12  }
0xe2: {  	v21 =	vld [tilespmem:s25+$0x12040];
	v3 =	vadd.f32 v24, v3;
	v10 =	vadd.f32 v14, v10  }
0xe3: {  	v11 =	vld [tilespmem:s25+$0x11810];
	v7 =	vadd.f32 v7, v15;
	v5 =	vadd.f32 v26, v5  }
0xe4: {  	v25 =	vld [tilespmem:s25+$0x12810];
	v3 =	vadd.f32 v31, v3;
	v9 =	vadd.f32 v9, v13  }
0xe5: {  	v15 =	vld [tilespmem:s25+$0x11860];
	v10 =	vadd.f32 v19, v10;
	v2 =	vadd.f32 v2, v6  }
0xe6: {  	v46 =	vld [tilespmem:s25+$0x12860];
	v7 =	vadd.f32 v28, v7;
	v5 =	vadd.f32 v33, v5  }
0xe7: {  	v53 =	vld [tilespmem:s25+$0x13060];
	v3 =	vadd.f32 v38, v3;
	v9 =	vadd.f32 v21, v9  }
0xe8: {  	v60 =	vld [tilespmem:s25+$0x14060];
	v10 =	vadd.f32 v41, v10;
	v2 =	vadd.f32 v30, v2  }
0xe9: {  	v12 =	vld [tilespmem:s25+$0x11850];
	v7 =	vadd.f32 v35, v7;
	v5 =	vadd.f32 v40, v5  }
0xea: {  	v24 =	vld [tilespmem:s25+$0x12800];
	v3 =	vadd.f32 v45, v3;
	v8 =	vadd.f32 v15, v8  }
0xeb: {  	v14 =	vld [tilespmem:s25+$0x13850];
	v2 =	vadd.f32 v37, v2;
	v7 =	vadd.f32 v42, v7  }
0xec: {  	v13 =	vld [tilespmem:s25+$0x13820];
	v5 =	vadd.f32 v47, v5;
	v3 =	vadd.f32 v52, v3  }
0xed: {  	v6 =	vld [tilespmem:s25+$0x12000];
	v8 =	vadd.f32 v23, v8;
	v2 =	vadd.f32 v44, v2  }
0xee: {  	v45 =	vld [tilespmem:s25+$0x12850];
	v7 =	vadd.f32 v49, v7;
	v5 =	vadd.f32 v54, v5  }
0xef: {  	v44 =	vld [tilespmem:s25+$0x12840];
	v3 =	vadd.f32 v59, v3;
	v8 =	vadd.f32 v46, v8  }
0xf0: {  	v49 =	vld [tilespmem:s25+$0x13020];
	v2 =	vadd.f32 v51, v2;
	v7 =	vadd.f32 v56, v7  }
0xf1: {  	v15 =	vld [tilespmem:s25+$0x13860];
	v5 =	vadd.f32 v61, v5;
	v3 =	vadd.f32 v11, v3  }
0xf2: {  	v47 =	vld [tilespmem:s25+$0x13000];
	v8 =	vadd.f32 v53, v8;
	v2 =	vadd.f32 v58, v2  }
0xf3: {  	v51 =	vld [tilespmem:s25+$0x13040];
	v7 =	vadd.f32 v63, v7;
	v5 =	vadd.f32 v17, v5  }
0xf4: {  	v52 =	vld [tilespmem:s25+$0x13050];
	v3 =	vadd.f32 v18, v3;
	v9 =	vadd.f32 v44, v9  }
0xf5: {  	v54 =	vld [tilespmem:s25+$0x14000];
	v10 =	vadd.f32 v49, v10;
	v2 =	vadd.f32 v4, v2  }
0xf6: {  	v11 =	vld [tilespmem:s25+$0x13810];
	v7 =	vadd.f32 v12, v7;
	v5 =	vadd.f32 v20, v5  }
0xf7: {  	v4 =	vld [tilespmem:s25+$0x13800];
	v3 =	vadd.f32 v25, v3;
	v2 =	vadd.f32 v6, v2  }
0xf8: {  	v12 =	vld [tilespmem:s25+$0x13830];
	v9 =	vadd.f32 v51, v9;
	v7 =	vadd.f32 v22, v7  }
0xf9: {  	v6 =	vld [tilespmem:s25+$0x13840];
	v5 =	vadd.f32 v43, v5;
	v2 =	vadd.f32 v24, v2  }
0xfa: {  	v59 =	vld [tilespmem:s25+$0x14050];
	v3 =	vadd.f32 v48, v3;
	v7 =	vadd.f32 v45, v7  }
0xfb: {  	v56 =	vld [tilespmem:s25+$0x14020];
	v5 =	vadd.f32 v50, v5;
	v2 =	vadd.f32 v47, v2  }
0xfc: {  	v61 =	vld [tilespmem:s25+$0x14800];
	v3 =	vadd.f32 v11, v3;
	v7 =	vadd.f32 v52, v7  }
0xfd: {  	v58 =	vld [tilespmem:s25+$0x14040];
	v5 =	vadd.f32 v12, v5;
	v2 =	vadd.f32 v4, v2  }
0xfe: {  	v11 =	vld [tilespmem:s25+$0x14810];
	v4 =	vadd.f32 v13, v10;
	v10 =	vadd.f32 v6, v9  }
0xff: {  	v12 =	vld [tilespmem:s25+$0x14820];
	v13 =	vadd.f32 v14, v7;
	v14 =	vadd.f32 v15, v8  }
0x100: {  	v9 =	vld [tilespmem:s25+$0x14830];
	v15 =	vadd.f32 v55, v3;
	v2 =	vadd.f32 v54, v2  }
0x101: {  	v6 =	vld [tilespmem:s25+$0x14840];
	v8 =	vadd.f32 v57, v5;
	v62 =	vadd.f32 v56, v4  }
0x102: {  	v7 =	vld [tilespmem:s25+$0x14850];
	v4 =	vadd.f32 v58, v10;
	v63 =	vadd.f32 v61, v2  }
0x103: {  	s28 =	simm.s32 $0x80;
	v10 =	vld [tilespmem:s25+$0x14860];
	v5 =	vadd.f32 v59, v13;
	v11 =	vadd.f32 v11, v15  }
0x104: {  	s26 =	simm.s32 $0x400;
	v3 =	vld [tilespmem:s28+$0xD070];
	v2 =	vadd.f32 v60, v14;
	v12 =	vadd.f32 v12, v62;
	[tilespmem:s25+$0x15000] =	vst v63  }
.LBB2_6:
0x105: {  	p0 =	sne.s32 s26, $0x1E00;
	v13 =	vld [tilespmem:s28+$0xD870];
	[tilespmem:s25+$0x15010] =	vst v11;
	v8 =	vadd.f32 v9, v8  }
0x106: {  	v9 =	vld [tilespmem:s28+$0xD000];
	[tilespmem:s25+$0x15020] =	vst v12;
	v4 =	vadd.f32 v6, v4  }
0x107: {  	v6 =	vld [tilespmem:s28+$0xE070];
	[tilespmem:s25+$0x15030] =	vst v8;
	v5 =	vadd.f32 v7, v5  }
0x108: {  	v7 =	vld [tilespmem:s28+$0xD800];
	[tilespmem:s25+$0x15040] =	vst v4;
	v2 =	vadd.f32 v10, v2  }
0x109: {  	v4 =	vld [tilespmem:s28+$0xE870];
	[tilespmem:s25+$0x15050] =	vst v5  }
0x10a: {  	v5 =	vld [tilespmem:s28+$0xD010];
	v3 =	vadd.f32 v13, v3;
	[tilespmem:s25+$0x15060] =	vst v2;
	s25 =	smov.u32 s28  }
0x10b: {  	v2 =	vld [tilespmem:s25+$0xF070]  }
0x10c: {  	v8 =	vld [tilespmem:s25+$0xD810];
	v3 =	vadd.f32 v6, v3  }
0x10d: {  	v6 =	vadd.f32 v7, v9;
	v7 =	vld [tilespmem:s25+$0xF870]  }
0x10e: {  	v9 =	vld [tilespmem:s25+$0xD020];
	v3 =	vadd.f32 v4, v3  }
0x10f: {  	v4 =	vld [tilespmem:s25+$0x10070]  }
0x110: {  	v10 =	vld [tilespmem:s25+$0xD820];
	v2 =	vadd.f32 v2, v3  }
0x111: {  	v3 =	vadd.f32 v8, v5;
	v5 =	vld [tilespmem:s25+$0x10870]  }
0x112: {  	v8 =	vld [tilespmem:s25+$0xD030];
	v2 =	vadd.f32 v7, v2  }
0x113: {  	v7 =	vld [tilespmem:s25+$0x11070]  }
0x114: {  	v11 =	vld [tilespmem:s25+$0xD830];
	v2 =	vadd.f32 v4, v2  }
0x115: {  	v4 =	vadd.f32 v10, v9;
	v9 =	vld [tilespmem:s25+$0x11870]  }
0x116: {  	v10 =	vld [tilespmem:s25+$0xD040];
	v2 =	vadd.f32 v5, v2  }
0x117: {  	v5 =	vld [tilespmem:s25+$0x12070]  }
0x118: {  	v12 =	vld [tilespmem:s25+$0xD840];
	v2 =	vadd.f32 v7, v2  }
0x119: {  	v7 =	vadd.f32 v11, v8;
	v8 =	vld [tilespmem:s25+$0x12870]  }
0x11a: {  	v11 =	vld [tilespmem:s25+$0xD050];
	v2 =	vadd.f32 v9, v2  }
0x11b: {  	v9 =	vld [tilespmem:s25+$0x13070]  }
0x11c: {  	v13 =	vld [tilespmem:s25+$0xD850];
	v2 =	vadd.f32 v5, v2  }
0x11d: {  	v5 =	vadd.f32 v12, v10;
	v10 =	vld [tilespmem:s25+$0x13870]  }
0x11e: {  	v12 =	vld [tilespmem:s25+$0xD060];
	v2 =	vadd.f32 v8, v2  }
0x11f: {  	v8 =	vld [tilespmem:s25+$0x14070]  }
0x120: {  	v14 =	vld [tilespmem:s25+$0xD860];
	v2 =	vadd.f32 v9, v2  }
0x121: {  	v9 =	vadd.f32 v13, v11;
	v11 =	vld [tilespmem:s25+$0x14870]  }
0x122: {  	v13 =	vld [tilespmem:s25+$0xE000];
	v2 =	vadd.f32 v10, v2  }
0x123: {  	v10 =	vld [tilespmem:s25+$0xE010]  }
0x124: {  	v15 =	vld [tilespmem:s25+$0xE020];
	v2 =	vadd.f32 v8, v2  }
0x125: {  	v8 =	vld [tilespmem:s25+$0xE030];
	v12 =	vadd.f32 v14, v12  }
0x126: {  	v14 =	vld [tilespmem:s25+$0xE040];
	v2 =	vadd.f32 v11, v2  }
0x127: {  	v6 =	vadd.f32 v13, v6;
	v11 =	vld [tilespmem:s25+$0xE050]  }
0x128: {  	v3 =	vadd.f32 v10, v3;
	v10 =	vld [tilespmem:s25+$0xE060];
	[tilespmem:s25+$0x15070] =	vst v2  }
0x129: {  	v2 =	vld [tilespmem:s25+$0xE800];
	v4 =	vadd.f32 v15, v4  }
0x12a: {  	v13 =	vld [tilespmem:s25+$0xE810];
	v7 =	vadd.f32 v8, v7  }
0x12b: {  	v8 =	vld [tilespmem:s25+$0xE820];
	v5 =	vadd.f32 v14, v5  }
0x12c: {  	v14 =	vld [tilespmem:s25+$0xE830];
	v9 =	vadd.f32 v11, v9  }
0x12d: {  	v11 =	vld [tilespmem:s25+$0xE840];
	v10 =	vadd.f32 v10, v12  }
0x12e: {  	v2 =	vadd.f32 v2, v6;
	v6 =	vld [tilespmem:s25+$0xE850]  }
0x12f: {  	v3 =	vadd.f32 v13, v3;
	v12 =	vld [tilespmem:s25+$0xE860]  }
0x130: {  	v13 =	vld [tilespmem:s25+$0xF000];
	v4 =	vadd.f32 v8, v4  }
0x131: {  	v8 =	vld [tilespmem:s25+$0xF010];
	v7 =	vadd.f32 v14, v7  }
0x132: {  	v14 =	vld [tilespmem:s25+$0xF020];
	v5 =	vadd.f32 v11, v5  }
0x133: {  	v11 =	vld [tilespmem:s25+$0xF030];
	v6 =	vadd.f32 v6, v9  }
0x134: {  	v9 =	vld [tilespmem:s25+$0xF040];
	v10 =	vadd.f32 v12, v10  }
0x135: {  	v2 =	vadd.f32 v13, v2;
	v12 =	vld [tilespmem:s25+$0xF050]  }
0x136: {  	v3 =	vadd.f32 v8, v3;
	v8 =	vld [tilespmem:s25+$0xF060]  }
0x137: {  	v13 =	vld [tilespmem:s25+$0xF800];
	v4 =	vadd.f32 v14, v4  }
0x138: {  	v14 =	vld [tilespmem:s25+$0xF810];
	v7 =	vadd.f32 v11, v7  }
0x139: {  	v11 =	vld [tilespmem:s25+$0xF820];
	v5 =	vadd.f32 v9, v5  }
0x13a: {  	v9 =	vld [tilespmem:s25+$0xF830];
	v6 =	vadd.f32 v12, v6  }
0x13b: {  	v12 =	vld [tilespmem:s25+$0xF840];
	v8 =	vadd.f32 v8, v10  }
0x13c: {  	v2 =	vadd.f32 v13, v2;
	v10 =	vld [tilespmem:s25+$0xF850]  }
0x13d: {  	v3 =	vadd.f32 v14, v3;
	v13 =	vld [tilespmem:s25+$0xF860]  }
0x13e: {  	v14 =	vld [tilespmem:s25+$0x10000];
	v4 =	vadd.f32 v11, v4  }
0x13f: {  	v11 =	vld [tilespmem:s25+$0x10010];
	v7 =	vadd.f32 v9, v7  }
0x140: {  	v9 =	vld [tilespmem:s25+$0x10020];
	v5 =	vadd.f32 v12, v5  }
0x141: {  	v12 =	vld [tilespmem:s25+$0x10030];
	v6 =	vadd.f32 v10, v6  }
0x142: {  	v10 =	vld [tilespmem:s25+$0x10040];
	v8 =	vadd.f32 v13, v8  }
0x143: {  	v2 =	vadd.f32 v14, v2;
	v13 =	vld [tilespmem:s25+$0x10050]  }
0x144: {  	v3 =	vadd.f32 v11, v3;
	v11 =	vld [tilespmem:s25+$0x10060]  }
0x145: {  	v14 =	vld [tilespmem:s25+$0x10800];
	v4 =	vadd.f32 v9, v4  }
0x146: {  	v9 =	vld [tilespmem:s25+$0x10810];
	v7 =	vadd.f32 v12, v7  }
0x147: {  	v12 =	vld [tilespmem:s25+$0x10820];
	v5 =	vadd.f32 v10, v5  }
0x148: {  	v10 =	vld [tilespmem:s25+$0x10830];
	v6 =	vadd.f32 v13, v6  }
0x149: {  	v13 =	vld [tilespmem:s25+$0x10840];
	v8 =	vadd.f32 v11, v8  }
0x14a: {  	v2 =	vadd.f32 v14, v2;
	v11 =	vld [tilespmem:s25+$0x10850]  }
0x14b: {  	v3 =	vadd.f32 v9, v3;
	v9 =	vld [tilespmem:s25+$0x10860]  }
0x14c: {  	v14 =	vld [tilespmem:s25+$0x11000];
	v4 =	vadd.f32 v12, v4  }
0x14d: {  	v12 =	vld [tilespmem:s25+$0x11010];
	v7 =	vadd.f32 v10, v7  }
0x14e: {  	v10 =	vld [tilespmem:s25+$0x11020];
	v5 =	vadd.f32 v13, v5  }
0x14f: {  	v13 =	vld [tilespmem:s25+$0x11030];
	v6 =	vadd.f32 v11, v6  }
0x150: {  	v11 =	vld [tilespmem:s25+$0x11040];
	v8 =	vadd.f32 v9, v8  }
0x151: {  	v2 =	vadd.f32 v14, v2;
	v9 =	vld [tilespmem:s25+$0x11050]  }
0x152: {  	v3 =	vadd.f32 v12, v3;
	v12 =	vld [tilespmem:s25+$0x11060]  }
0x153: {  	v14 =	vld [tilespmem:s25+$0x11800];
	v4 =	vadd.f32 v10, v4  }
0x154: {  	v10 =	vld [tilespmem:s25+$0x11810];
	v7 =	vadd.f32 v13, v7  }
0x155: {  	v13 =	vld [tilespmem:s25+$0x11820];
	v5 =	vadd.f32 v11, v5  }
0x156: {  	v11 =	vld [tilespmem:s25+$0x11830];
	v6 =	vadd.f32 v9, v6  }
0x157: {  	v9 =	vld [tilespmem:s25+$0x11840];
	v8 =	vadd.f32 v12, v8  }
0x158: {  	v2 =	vadd.f32 v14, v2;
	v12 =	vld [tilespmem:s25+$0x11850]  }
0x159: {  	v3 =	vadd.f32 v10, v3;
	v10 =	vld [tilespmem:s25+$0x11860]  }
0x15a: {  	v14 =	vld [tilespmem:s25+$0x12000];
	v4 =	vadd.f32 v13, v4  }
0x15b: {  	v13 =	vld [tilespmem:s25+$0x12010];
	v7 =	vadd.f32 v11, v7  }
0x15c: {  	v11 =	vld [tilespmem:s25+$0x12020];
	v5 =	vadd.f32 v9, v5  }
0x15d: {  	v9 =	vld [tilespmem:s25+$0x12030];
	v6 =	vadd.f32 v12, v6  }
0x15e: {  	v12 =	vld [tilespmem:s25+$0x12040];
	v8 =	vadd.f32 v10, v8  }
0x15f: {  	v2 =	vadd.f32 v14, v2;
	v10 =	vld [tilespmem:s25+$0x12050]  }
0x160: {  	v3 =	vadd.f32 v13, v3;
	v13 =	vld [tilespmem:s25+$0x12060]  }
0x161: {  	v14 =	vld [tilespmem:s25+$0x12800];
	v4 =	vadd.f32 v11, v4  }
0x162: {  	v11 =	vld [tilespmem:s25+$0x12810];
	v7 =	vadd.f32 v9, v7  }
0x163: {  	v9 =	vld [tilespmem:s25+$0x12820];
	v5 =	vadd.f32 v12, v5  }
0x164: {  	v12 =	vld [tilespmem:s25+$0x12830];
	v6 =	vadd.f32 v10, v6  }
0x165: {  	v10 =	vld [tilespmem:s25+$0x12840];
	v8 =	vadd.f32 v13, v8  }
0x166: {  	v2 =	vadd.f32 v14, v2;
	v13 =	vld [tilespmem:s25+$0x12850]  }
0x167: {  	v3 =	vadd.f32 v11, v3;
	v11 =	vld [tilespmem:s25+$0x12860]  }
0x168: {  	v14 =	vld [tilespmem:s25+$0x13000];
	v4 =	vadd.f32 v9, v4  }
0x169: {  	v9 =	vld [tilespmem:s25+$0x13010];
	v7 =	vadd.f32 v12, v7  }
0x16a: {  	v12 =	vld [tilespmem:s25+$0x13020];
	v5 =	vadd.f32 v10, v5  }
0x16b: {  	v10 =	vld [tilespmem:s25+$0x13030];
	v6 =	vadd.f32 v13, v6  }
0x16c: {  	v13 =	vld [tilespmem:s25+$0x13040];
	v8 =	vadd.f32 v11, v8  }
0x16d: {  	v2 =	vadd.f32 v14, v2;
	v11 =	vld [tilespmem:s25+$0x13050]  }
0x16e: {  	v3 =	vadd.f32 v9, v3;
	v9 =	vld [tilespmem:s25+$0x13060]  }
0x16f: {  	v14 =	vld [tilespmem:s25+$0x13800];
	v4 =	vadd.f32 v12, v4  }
0x170: {  	v12 =	vld [tilespmem:s25+$0x13810];
	v7 =	vadd.f32 v10, v7  }
0x171: {  	v10 =	vld [tilespmem:s25+$0x13820];
	v5 =	vadd.f32 v13, v5  }
0x172: {  	v13 =	vld [tilespmem:s25+$0x13830];
	v6 =	vadd.f32 v11, v6  }
0x173: {  	v11 =	vld [tilespmem:s25+$0x13840];
	v8 =	vadd.f32 v9, v8  }
0x174: {  	v2 =	vadd.f32 v14, v2;
	v9 =	vld [tilespmem:s25+$0x13850]  }
0x175: {  	v3 =	vadd.f32 v12, v3;
	v12 =	vld [tilespmem:s25+$0x13860]  }
0x176: {  	v14 =	vld [tilespmem:s25+$0x14000];
	v4 =	vadd.f32 v10, v4  }
0x177: {  	v10 =	vld [tilespmem:s25+$0x14010];
	v7 =	vadd.f32 v13, v7  }
0x178: {  	v13 =	vld [tilespmem:s25+$0x14020];
	v5 =	vadd.f32 v11, v5  }
0x179: {  	v11 =	vld [tilespmem:s25+$0x14030];
	v6 =	vadd.f32 v9, v6  }
0x17a: {  	v9 =	vld [tilespmem:s25+$0x14040];
	v12 =	vadd.f32 v12, v8  }
0x17b: {  	v14 =	vadd.f32 v14, v2;
	v2 =	vld [tilespmem:s25+$0x14050]  }
0x17c: {  	v3 =	vadd.f32 v10, v3;
	v10 =	vld [tilespmem:s25+$0x14060]  }
0x17d: {  	v15 =	vld [tilespmem:s25+$0x14800];
	v13 =	vadd.f32 v13, v4  }
0x17e: {  	v16 =	vld [tilespmem:s25+$0x14810];
	v8 =	vadd.f32 v11, v7  }
0x17f: {  	v17 =	vld [tilespmem:s25+$0x14820];
	v4 =	vadd.f32 v9, v5  }
.Ltmp2:
0x180: {  	v9 =	vld [tilespmem:s25+$0x14830];
	v5 =	vadd.f32 v2, v6;
	(pc) =	sbr.rel @p0 .LBB2_6-.Ltmp2, $4  }
0x181: {  	v6 =	vld [tilespmem:s25+$0x14840];
	v2 =	vadd.f32 v10, v12  }
0x182: {  	v12 =	vadd.f32 v15, v14;
	v7 =	vld [tilespmem:s25+$0x14850]  }
0x183: {  	s28 =	sshra.s32 s26, $0x2;
	v11 =	vadd.f32 v16, v3;
	v10 =	vld [tilespmem:s25+$0x14860]  }
0x184: {  	s26 =	sadd.s32 $0x200, s26;
	v3 =	vld [tilespmem:s28+$0xD070];
	[tilespmem:s25+$0x15000] =	vst v12;
	v12 =	vadd.f32 v17, v13  }
0x185: {  	v13 =	vld [tilespmem:s28+$0xD870];
	[tilespmem:s25+$0x15010] =	vst v11  }
0x186: {  	v11 =	vld [tilespmem:s28+$0xD000];
	_ =	sdelay $0x1  }
0x187: {  	v8 =	vadd.f32 v9, v8  }
0x188: {  	[tilespmem:s25+$0x15020] =	vst v12  }
0x189: {  	v4 =	vadd.f32 v6, v4;
	v54 =	vld [tilespmem:s28+$0xE070];
	[tilespmem:s25+$0x15030] =	vst v8  }
0x18a: {  	[tilespmem:$0x1FF90] =	vst v11  }
0x18b: {  	v5 =	vadd.f32 v7, v5;
	v11 =	vld [tilespmem:s28+$0xD800];
	[tilespmem:s25+$0x15040] =	vst v4  }
0x18c: {  	v2 =	vadd.f32 v10, v2;
	v4 =	vld [tilespmem:s28+$0xE870]  }
0x18d: {  	[tilespmem:s25+$0x15050] =	vst v5;
	v9 =	vld [tilespmem:$0x1FF90]  }
0x18e: {  	v5 =	vld [tilespmem:s28+$0xD010];
	[tilespmem:s25+$0x15060] =	vst v2  }
0x18f: {  	v2 =	vadd.f32 v13, v3;
	v3 =	vld [tilespmem:s28+$0xF070]  }
0x190: {  	v55 =	vld [tilespmem:s28+$0xD810]  }
0x191: {  	v8 =	vld [tilespmem:s28+$0xF870]  }
0x192: {  	v56 =	vld [tilespmem:s28+$0xD020]  }
0x193: {  	v57 =	vld [tilespmem:s28+$0x10070]  }
0x194: {  	v10 =	vld [tilespmem:s28+$0xD820]  }
0x195: {  	v12 =	vld [tilespmem:s28+$0xD030]  }
0x196: {  	v58 =	vld [tilespmem:s28+$0x11070]  }
0x197: {  	v13 =	vld [tilespmem:s28+$0xD830]  }
0x198: {  	v59 =	vld [tilespmem:s28+$0x11870]  }
0x199: {  	v14 =	vld [tilespmem:s28+$0xD040]  }
0x19a: {  	v15 =	vld [tilespmem:s28+$0xD840]  }
0x19b: {  	v60 =	vld [tilespmem:s28+$0x12870]  }
0x19c: {  	v16 =	vld [tilespmem:s28+$0xD050]  }
0x19d: {  	v61 =	vld [tilespmem:s28+$0x13070]  }
0x19e: {  	v17 =	vld [tilespmem:s28+$0xD850]  }
0x19f: {  	v18 =	vld [tilespmem:s28+$0xD060]  }
0x1a0: {  	v62 =	vld [tilespmem:s28+$0x14070]  }
0x1a1: {  	v19 =	vld [tilespmem:s28+$0xD860]  }
0x1a2: {  	v63 =	vld [tilespmem:s28+$0x14870]  }
0x1a3: {  	v20 =	vld [tilespmem:s28+$0xE000]  }
0x1a4: {  	v21 =	vld [tilespmem:s28+$0xE020]  }
0x1a5: {  	v22 =	vld [tilespmem:s28+$0xE040]  }
0x1a6: {  	v23 =	vld [tilespmem:s28+$0xE060]  }
0x1a7: {  	v24 =	vld [tilespmem:s28+$0xE810]  }
0x1a8: {  	v25 =	vld [tilespmem:s28+$0xE820]  }
0x1a9: {  	v26 =	vld [tilespmem:s28+$0xE830]  }
0x1aa: {  	v27 =	vld [tilespmem:s28+$0xE840]  }
0x1ab: {  	v28 =	vld [tilespmem:s28+$0xE850]  }
0x1ac: {  	v29 =	vld [tilespmem:s28+$0xE860]  }
0x1ad: {  	v30 =	vld [tilespmem:s28+$0xF000]  }
0x1ae: {  	v31 =	vld [tilespmem:s28+$0xF010]  }
0x1af: {  	v32 =	vld [tilespmem:s28+$0xF020]  }
0x1b0: {  	v33 =	vld [tilespmem:s28+$0xF030]  }
0x1b1: {  	v34 =	vld [tilespmem:s28+$0xF040]  }
0x1b2: {  	v35 =	vld [tilespmem:s28+$0xF050]  }
0x1b3: {  	v36 =	vld [tilespmem:s28+$0xF060]  }
0x1b4: {  	v37 =	vld [tilespmem:s28+$0xF800]  }
0x1b5: {  	v38 =	vld [tilespmem:s28+$0xF810]  }
0x1b6: {  	v39 =	vld [tilespmem:s28+$0xF820]  }
0x1b7: {  	v40 =	vld [tilespmem:s28+$0xF830]  }
0x1b8: {  	v41 =	vld [tilespmem:s28+$0xF840]  }
0x1b9: {  	v42 =	vld [tilespmem:s28+$0xF850]  }
0x1ba: {  	v43 =	vld [tilespmem:s28+$0xF860]  }
0x1bb: {  	v44 =	vld [tilespmem:s28+$0x10000]  }
0x1bc: {  	v45 =	vld [tilespmem:s28+$0x10010]  }
0x1bd: {  	v46 =	vld [tilespmem:s28+$0x10020]  }
0x1be: {  	v47 =	vld [tilespmem:s28+$0x10030]  }
0x1bf: {  	v48 =	vld [tilespmem:s28+$0x10040]  }
0x1c0: {  	v49 =	vld [tilespmem:s28+$0x10050]  }
0x1c1: {  	v50 =	vld [tilespmem:s28+$0x10060]  }
0x1c2: {  	v51 =	vld [tilespmem:s28+$0x10800]  }
0x1c3: {  	v52 =	vld [tilespmem:s28+$0x10810]  }
0x1c4: {  	v53 =	vld [tilespmem:s28+$0x10820]  }
0x1c5: {  	v6 =	vld [tilespmem:s28+$0x11060];
	v2 =	vadd.f32 v54, v2  }
0x1c6: {  	v54 =	vld [tilespmem:s28+$0x10830]  }
0x1c7: {  	v2 =	vadd.f32 v4, v2;
	v4 =	vld [tilespmem:s28+$0xE050]  }
0x1c8: {  	[tilespmem:$0x1FFA0] =	vst v5;
	v5 =	vld [tilespmem:s28+$0x11800]  }
0x1c9: {  	v2 =	vadd.f32 v3, v2;
	v3 =	vld [tilespmem:s28+$0x10870]  }
0x1ca: {  	[tilespmem:$0x1FFB0] =	vst v55;
	v55 =	vld [tilespmem:s28+$0x10840]  }
0x1cb: {  	[tilespmem:$0x1FFC0] =	vst v56;
	v56 =	vld [tilespmem:s28+$0x10850]  }
0x1cc: {  	v7 =	vld [tilespmem:$0x1FFA0]  }
0x1cd: {  	v12 =	vadd.f32 v13, v12;
	v13 =	vadd.f32 v15, v14;
	v14 =	vld [tilespmem:s28+$0x11820]  }
0x1ce: {  	v15 =	vadd.f32 v17, v16;
	v17 =	vld [tilespmem:s28+$0x11830]  }
0x1cf: {  	v11 =	vadd.f32 v11, v9;
	v16 =	vadd.f32 v19, v18;
	v18 =	vld [tilespmem:s28+$0x12010]  }
0x1d0: {  	v19 =	vld [tilespmem:s28+$0x12020]  }
0x1d1: {  	v11 =	vadd.f32 v20, v11;
	v20 =	vld [tilespmem:s28+$0x12030]  }
0x1d2: {  	v9 =	vld [tilespmem:$0x1FFB0]  }
0x1d3: {  	v2 =	vadd.f32 v8, v2;
	v8 =	vld [tilespmem:s28+$0xE030]  }
0x1d4: {  	v13 =	vadd.f32 v22, v13;
	v22 =	vld [tilespmem:s28+$0x12050]  }
0x1d5: {  	v16 =	vadd.f32 v23, v16;
	v23 =	vld [tilespmem:s28+$0x12060]  }
0x1d6: {  	v4 =	vadd.f32 v4, v15;
	v15 =	vld [tilespmem:s28+$0x11860]  }
0x1d7: {  	v2 =	vadd.f32 v57, v2;
	v57 =	vld [tilespmem:s28+$0x10860]  }
0x1d8: {  	v13 =	vadd.f32 v27, v13;
	v27 =	vld [tilespmem:s28+$0x12830]  }
0x1d9: {  	v16 =	vadd.f32 v29, v16;
	v29 =	vld [tilespmem:s28+$0x12850]  }
0x1da: {  	v4 =	vadd.f32 v28, v4;
	v28 =	vld [tilespmem:s28+$0x12840];
	v2 =	vadd.f32 v3, v2  }
0x1db: {  	v3 =	vld [tilespmem:s28+$0x12070]  }
0x1dc: {  	v7 =	vadd.f32 v9, v7;
	v9 =	vld [tilespmem:$0x1FFC0];
	v2 =	vadd.f32 v58, v2  }
0x1dd: {  	v13 =	vadd.f32 v34, v13;
	v8 =	vadd.f32 v8, v12;
	v12 =	vld [tilespmem:s28+$0x11850]  }
0x1de: {  	v16 =	vadd.f32 v36, v16;
	v58 =	vld [tilespmem:s28+$0x11000];
	v2 =	vadd.f32 v59, v2  }
0x1df: {  	v4 =	vadd.f32 v35, v4;
	v13 =	vadd.f32 v41, v13;
	v41 =	vld [tilespmem:s28+$0x13050]  }
0x1e0: {  	v16 =	vadd.f32 v43, v16;
	v43 =	vld [tilespmem:s28+$0x13800];
	v2 =	vadd.f32 v3, v2  }
0x1e1: {  	v8 =	vadd.f32 v26, v8;
	v3 =	vld [tilespmem:s28+$0x13870]  }
0x1e2: {  	v26 =	vld [tilespmem:s28+$0x12820];
	v4 =	vadd.f32 v42, v4;
	v2 =	vadd.f32 v60, v2  }
0x1e3: {  	v42 =	vld [tilespmem:s28+$0x13060];
	v13 =	vadd.f32 v48, v13;
	v9 =	vadd.f32 v10, v9  }
0x1e4: {  	v59 =	vld [tilespmem:s28+$0x11010];
	v16 =	vadd.f32 v50, v16;
	v2 =	vadd.f32 v61, v2  }
0x1e5: {  	v48 =	vld [tilespmem:s28+$0x13850];
	v8 =	vadd.f32 v33, v8;
	v9 =	vadd.f32 v21, v9  }
0x1e6: {  	v50 =	vld [tilespmem:s28+$0x14000];
	v4 =	vadd.f32 v49, v4;
	v2 =	vadd.f32 v3, v2  }
0x1e7: {  	v10 =	vld [tilespmem:s28+$0x11810];
	v13 =	vadd.f32 v55, v13;
	v9 =	vadd.f32 v25, v9  }
0x1e8: {  	v8 =	vadd.f32 v40, v8;
	v61 =	vld [tilespmem:s28+$0x11030];
	v2 =	vadd.f32 v62, v2  }
0x1e9: {  	v16 =	vadd.f32 v57, v16;
	v9 =	vadd.f32 v32, v9;
	v3 =	vld [tilespmem:s28+$0xE010]  }
0x1ea: {  	v49 =	vld [tilespmem:s28+$0x13860];
	v8 =	vadd.f32 v47, v8;
	v2 =	vadd.f32 v63, v2  }
0x1eb: {  	v60 =	vld [tilespmem:s28+$0x11020];
	v6 =	vadd.f32 v6, v16;
	v9 =	vadd.f32 v39, v9  }
0x1ec: {  	v4 =	vadd.f32 v56, v4;
	v8 =	vadd.f32 v54, v8;
	[tilespmem:s28+$0x15070] =	vst v2;
	v2 =	vld [tilespmem:s28+$0xE800]  }
0x1ed: {  	v6 =	vadd.f32 v15, v6;
	v62 =	vld [tilespmem:s28+$0x11040];
	v9 =	vadd.f32 v46, v9  }
0x1ee: {  	v55 =	vld [tilespmem:s28+$0x13020];
	v8 =	vadd.f32 v61, v8;
	v3 =	vadd.f32 v3, v7  }
0x1ef: {  	v6 =	vadd.f32 v23, v6;
	v63 =	vld [tilespmem:s28+$0x11050];
	v9 =	vadd.f32 v53, v9  }
0x1f0: {  	v57 =	vld [tilespmem:s28+$0x13030];
	v8 =	vadd.f32 v17, v8;
	v3 =	vadd.f32 v24, v3  }
0x1f1: {  	v7 =	vld [tilespmem:s28+$0x11840];
	v9 =	vadd.f32 v60, v9;
	v2 =	vadd.f32 v2, v11  }
0x1f2: {  	v21 =	vld [tilespmem:s28+$0x12040];
	v13 =	vadd.f32 v62, v13;
	v8 =	vadd.f32 v20, v8  }
0x1f3: {  	v40 =	vld [tilespmem:s28+$0x13040];
	v3 =	vadd.f32 v31, v3;
	v2 =	vadd.f32 v30, v2  }
0x1f4: {  	v56 =	vld [tilespmem:s28+$0x14060];
	v4 =	vadd.f32 v63, v4;
	v9 =	vadd.f32 v14, v9  }
0x1f5: {  	v25 =	vld [tilespmem:s28+$0x12810];
	v8 =	vadd.f32 v27, v8;
	v2 =	vadd.f32 v37, v2  }
0x1f6: {  	v47 =	vld [tilespmem:s28+$0x13840];
	v7 =	vadd.f32 v7, v13;
	v3 =	vadd.f32 v38, v3  }
0x1f7: {  	v32 =	vld [tilespmem:s28+$0x13010];
	v4 =	vadd.f32 v12, v4;
	v2 =	vadd.f32 v44, v2  }
0x1f8: {  	v46 =	vld [tilespmem:s28+$0x13830];
	v9 =	vadd.f32 v19, v9;
	v3 =	vadd.f32 v45, v3  }
0x1f9: {  	v54 =	vld [tilespmem:s28+$0x14040];
	v8 =	vadd.f32 v57, v8;
	v2 =	vadd.f32 v51, v2  }
0x1fa: {  	v11 =	vld [tilespmem:s28+$0x12000];
	v7 =	vadd.f32 v21, v7;
	v3 =	vadd.f32 v52, v3  }
0x1fb: {  	v53 =	vld [tilespmem:s28+$0x14030];
	v4 =	vadd.f32 v22, v4;
	v2 =	vadd.f32 v58, v2  }
0x1fc: {  	v24 =	vld [tilespmem:s28+$0x12800];
	v9 =	vadd.f32 v26, v9;
	v3 =	vadd.f32 v59, v3  }
0x1fd: {  	v60 =	vld [tilespmem:s28+$0x14830];
	v8 =	vadd.f32 v46, v8;
	v2 =	vadd.f32 v5, v2  }
0x1fe: {  	v31 =	vld [tilespmem:s28+$0x13000];
	v7 =	vadd.f32 v28, v7;
	v3 =	vadd.f32 v10, v3  }
0x1ff: {  	v30 =	vld [tilespmem:s28+$0x12860];
	v4 =	vadd.f32 v29, v4;
	v2 =	vadd.f32 v11, v2  }
0x200: {  	v45 =	vld [tilespmem:s28+$0x13820];
	v9 =	vadd.f32 v55, v9;
	v3 =	vadd.f32 v18, v3  }
0x201: {  	v8 =	vadd.f32 v53, v8;
	v44 =	vld [tilespmem:s28+$0x13810];
	v2 =	vadd.f32 v24, v2  }
0x202: {  	v57 =	vld [tilespmem:s28+$0x14800];
	v7 =	vadd.f32 v40, v7;
	v3 =	vadd.f32 v25, v3  }
0x203: {  	v4 =	vadd.f32 v41, v4;
	v51 =	vld [tilespmem:s28+$0x14010];
	v2 =	vadd.f32 v31, v2  }
0x204: {  	v52 =	vld [tilespmem:s28+$0x14020];
	v6 =	vadd.f32 v30, v6;
	v3 =	vadd.f32 v32, v3  }
0x205: {  	v9 =	vadd.f32 v45, v9;
	v58 =	vld [tilespmem:s28+$0x14810];
	v2 =	vadd.f32 v43, v2  }
0x206: {  	v59 =	vld [tilespmem:s28+$0x14820];
	v7 =	vadd.f32 v47, v7;
	v3 =	vadd.f32 v44, v3  }
0x207: {  	v55 =	vld [tilespmem:s28+$0x14050];
	v4 =	vadd.f32 v48, v4;
	v2 =	vadd.f32 v50, v2  }
0x208: {  	v61 =	vld [tilespmem:s28+$0x14840];
	v6 =	vadd.f32 v42, v6;
	v3 =	vadd.f32 v51, v3  }
0x209: {  	v62 =	vld [tilespmem:s28+$0x14850];
	v9 =	vadd.f32 v52, v9;
	v2 =	vadd.f32 v57, v2  }
0x20a: {  	v63 =	vld [tilespmem:s28+$0x14860];
	v7 =	vadd.f32 v54, v7;
	v3 =	vadd.f32 v58, v3  }
0x20b: {  	v6 =	vadd.f32 v49, v6;
	[tilespmem:s28+$0x15000] =	vst v2;
	v2 =	vadd.f32 v59, v9  }
0x20c: {  	v4 =	vadd.f32 v55, v4;
	[tilespmem:s28+$0x15010] =	vst v3;
	v3 =	vadd.f32 v60, v8  }
0x20d: {  	v6 =	vadd.f32 v56, v6;
	[tilespmem:s28+$0x15020] =	vst v2;
	v2 =	vadd.f32 v61, v7  }
0x20e: {  	[tilespmem:s28+$0x15030] =	vst v3;
	v3 =	vadd.f32 v62, v4  }
0x20f: {  	s2 =	sadd.s32 $0x1, s2;
	[tilespmem:s28+$0x15040] =	vst v2;
	v2 =	vadd.f32 v63, v6  }
0x210: {  	p0 =	sne.s32 s2, s22;
	[tilespmem:s28+$0x15050] =	vst v3  }
.Ltmp3:
0x211: {  	[tilespmem:s28+$0x15060] =	vst v2;
	s28 =	simm.s32 $0x0;
	(pc) =	sbr.rel @p0 .LBB2_1-.Ltmp3, $4  }
0x212: {  	[hbm4b:s21+s28] =	stream.linear.scatter [tilespmem:s1], [sflag:$0x1], $0x800, $0x38;
	[tilespmem:$0x1D800] =	vst v63  }
0x213: {  	_ =	swait.ge [sflag:s23], $0x800  }
0x214: {  	[sflag:s23] =	ssyncset.done $0x0  }
0x215: {  	[sflag:s23] =	ssyncadd.s32 $0xFFFFF800  }
0x216: {  	_ =	sfence.sel $0x180000  }
0x217: {  	[bflag:$0x0] =	sbarrier.arrive $0xFFFF  }
0x218: {  	_ =	strace $0x90000047  }
0x219: {  	s0 =	stileid.u32;
	[bflag:$0x2] =	sbarrier.arrive $0xFFFF  }
0x21a: {  	p0 =	sne.s32 s0, $0x0;
	s0 =	rddreg [dreg:$0x3]  }
0x21b: {  	s0 =	sadd.s32 @!p0 $0x100000, s0  }
0x21c: {  	[sflag:s0] =	ssyncadd.tile.s32 @!p0 $0x1;
	_ =	shalt  }
.Lfunc_end2:
_tile_overlayer_lowered:
.L_overlay_start_2:
0x21d: {  	(tag) =	ssettag $0x2  }
0x21e: {  	s0 =	rddreg [dreg:$0x0];
	s2 =	stileid.u32  }
0x21f: {  	s1 =	rddreg [dreg:$0x1];
	p0 =	sne.s32 s2, $0x0  }
0x220: {  	s3 =	rddreg [dreg:$0x2];
	[bflag:$0x3] =	sbarrier.arrive $0xFFFF;
	s2 =	simm.s32 @!p0 $0x1C01  }
0x221: {  	[timem:s3], [sflag:s2] =	dma.local @!p0 [hbm:s0], s1  }
0x222: {  	s0 =	simm.s32 @!p0 $0x1  }
0x223: {  	_ =	swait.ge @!p0 [sflag:s0], s1  }
0x224: {  	s1 =	ssub.s32 @!p0 $0x0, s1;
	[sflag:s0] =	ssyncset.done @!p0 $0x0  }
0x225: {  	[sflag:s0] =	ssyncadd.s32 @!p0 s1  }
0x226: {  	[bflag:$0x3] =	sbarrier.arrive $0xFFFF  }
0x227: {  	_ =	shalt  }

</sc_bundles>
